<compile_context>
chip_gen: v7x
topology: tpu7x:2x2x1
jax: 0.10.2.dev20260603
libtpu: 0.0.44.dev20260713+nightly
codegen_flags: <defaults>
</compile_context>

<pallas_src>
import functools
import math

import jax
import jax.numpy as jnp
from jax import lax
from jax.experimental import pallas as pl
from jax.experimental.pallas import tpu as pltpu
from jax.experimental.pallas import tpu_sc as plsc

_N = 100000
_E = 1600000
_D_IN = 37
_DH = 64
_EPS = 1e-05
_SW = 16
_NSLICE = _DH // _SW
_K = 800
_NSUB = 16
_EPT = _E // _NSUB
_NB = _EPT // _K
_RPT = 6256
_RPT_LAST = _N - 15 * _RPT
_NPAD = _RPT * _NSUB
_INV = 1.0 / math.sqrt(1.0 + _EPS)


def _make_segsum():
    mesh = plsc.VectorSubcoreMesh(core_axis_name="c", subcore_axis_name="s")
    out_type = [jax.ShapeDtypeStruct((_NPAD, _SW), jnp.float32)
                for _ in range(_NSLICE)]

    @functools.partial(
        pl.kernel, mesh=mesh, out_type=out_type,
        scratch_types=[
            pltpu.VMEM((_K,), jnp.int32),
            pltpu.VMEM((_K,), jnp.int32),
            pltpu.VMEM((_K,), jnp.int32),
            pltpu.VMEM((_K,), jnp.int32),
            pltpu.VMEM((_K, _SW), jnp.float32),
            pltpu.VMEM((_K, _SW), jnp.float32),
            pltpu.VMEM_SHARED((_NPAD, _SW), jnp.float32),
            pltpu.SemaphoreType.DMA,
            pltpu.SemaphoreType.DMA,
        ],
        compiler_params=pltpu.CompilerParams(use_tc_tiling_on_sc=False),
    )
    def segsum(f0, f1, f2, f3, src, dst, zeros, o0, o1, o2, o3,
               srcv0, dstv0, srcv1, dstv1, rows0, rows1, acc, sem0, sem1):
        c = lax.axis_index("c")
        s = lax.axis_index("s")
        ebase = s * _EPT
        r0 = s * _RPT
        feats = [f0, f1, f2, f3]
        outs = [o0, o1, o2, o3]

        def run_slice(feat, o):
            pltpu.sync_copy(zeros.at[pl.ds(r0, _RPT)], acc.at[pl.ds(r0, _RPT)])
            plsc.subcore_barrier()

            def body(j, carry):
                b0 = ebase + (2 * j) * _K
                b1 = b0 + _K
                pltpu.sync_copy(src.at[pl.ds(b0, _K)], srcv0)
                pltpu.sync_copy(dst.at[pl.ds(b0, _K)], dstv0)
                h0 = pltpu.async_copy(feat.at[srcv0], rows0, sem0)
                pltpu.sync_copy(src.at[pl.ds(b1, _K)], srcv1)
                pltpu.sync_copy(dst.at[pl.ds(b1, _K)], dstv1)
                h1 = pltpu.async_copy(feat.at[srcv1], rows1, sem1)
                h0.wait()
                pltpu.sync_copy(rows0, acc.at[dstv0], add=True)
                h1.wait()
                pltpu.sync_copy(rows1, acc.at[dstv1], add=True)
                return carry

            lax.fori_loop(0, _NB // 2, body, 0)
            if _NB % 2:
                bl_ = ebase + (_NB - 1) * _K
                pltpu.sync_copy(src.at[pl.ds(bl_, _K)], srcv0)
                pltpu.sync_copy(dst.at[pl.ds(bl_, _K)], dstv0)
                pltpu.async_copy(feat.at[srcv0], rows0, sem0).wait()
                pltpu.sync_copy(rows0, acc.at[dstv0], add=True)
            plsc.subcore_barrier()
            pltpu.sync_copy(acc.at[pl.ds(r0, _RPT)], o.at[pl.ds(r0, _RPT)])

        for ci in range(2):
            @pl.when(c == ci)
            def _():
                run_slice(feats[2 * ci], outs[2 * ci])
                run_slice(feats[2 * ci + 1], outs[2 * ci + 1])

    return segsum


_SEGSUM = _make_segsum()

_R = 2176
_GRID = _NPAD // _R


def _tc_layer(residual, full_out):
    def body(a0, a1, a2, a3, x0, x1, x2, x3, c3, wlt, bl, wrt, g, be, *outs):
        cnt = jnp.maximum(c3[...][:, _SW - 1:_SW], 1.0)
        mean = jnp.concatenate(
            [a0[...], a1[...], a2[...], a3[...]], axis=1) / cnt
        xp = jnp.concatenate([x0[...], x1[...], x2[...], x3[...]], axis=1)
        h = (jnp.dot(mean, wlt[...], preferred_element_type=jnp.float32)
             + bl[...]
             + jnp.dot(xp, wrt[...], preferred_element_type=jnp.float32))
        h = h * (g[...] * _INV) + be[...]
        h = jnp.maximum(h, 0.0)
        if residual:
            h = xp + 0.5 * h
        if full_out:
            outs[0][...] = h
        else:
            for j in range(_NSLICE):
                outs[j][...] = h[:, j * _SW:(j + 1) * _SW]

    slice_spec = pl.BlockSpec((_R, _SW), lambda i: (i, 0))
    w_spec = pl.BlockSpec((_DH, _DH), lambda i: (0, 0))
    v_spec = pl.BlockSpec((1, _DH), lambda i: (0, 0))
    in_specs = ([slice_spec] * 9 + [w_spec, v_spec, w_spec, v_spec, v_spec])
    if full_out:
        out_specs = pl.BlockSpec((_R, _DH), lambda i: (i, 0))
        out_shape = jax.ShapeDtypeStruct((_NPAD, _DH), jnp.float32)
    else:
        out_specs = [slice_spec] * _NSLICE
        out_shape = [jax.ShapeDtypeStruct((_NPAD, _SW), jnp.float32)
                     for _ in range(_NSLICE)]
    return pl.pallas_call(
        body, grid=(_GRID,), in_specs=in_specs,
        out_specs=out_specs, out_shape=out_shape)


_TC0 = _tc_layer(residual=False, full_out=False)
_TC1 = _tc_layer(residual=True, full_out=False)
_TC2 = _tc_layer(residual=False, full_out=True)


def _pad_w(w):
    return jnp.pad(w, ((0, 0), (0, _DH - w.shape[1])))


def kernel(x, edge_index, Wl0, bl0, Wr0, Wl1, bl1, Wr1, Wl2, bl2, Wr2,
           g0, be0, g1, be1, g2, be2):
    src = edge_index[0]
    dst = edge_index[1]
    xp = jnp.pad(x, ((0, _NPAD - _N), (0, _DH - _D_IN)))
    xp = xp.at[:, _DH - 1].set(1.0)
    zeros = jnp.zeros((_NPAD, _SW), jnp.float32)

    wl0t = _pad_w(Wl0).T
    wr0t = _pad_w(Wr0).T
    xs = [xp[:, j * _SW:(j + 1) * _SW] for j in range(_NSLICE)]

    agg0 = _SEGSUM(*xs, src, dst, zeros)
    c3 = agg0[3]
    h0 = _TC0(*agg0, *xs, c3, wl0t, bl0[None], wr0t, g0[None], be0[None])

    agg1 = _SEGSUM(*h0, src, dst, zeros)
    x2 = _TC1(*agg1, *h0, c3, Wl1.T, bl1[None], Wr1.T, g1[None], be1[None])

    agg2 = _SEGSUM(*x2, src, dst, zeros)
    out = _TC2(*agg2, *x2, c3, Wl2.T, bl2[None], Wr2.T, g2[None], be2[None])
    return out[:_N]

# --- scband reference (transcript-rebuilt; emitter-appended) ---
"""Pipeline reference for scband-simple-graph-backbone-84301618086272 (READ-ONLY COPY).

The authoritative reference and input builder live on the scoring server;
editing this copy changes nothing except your own understanding.
"""

import jax, jax.numpy as jnp
import numpy as np

N = 100000
E = 1600000
D_IN = 37
D_H = 64
EPS = 1e-05


def setup_inputs(seed: int = 0) -> dict:
    key = jax.random.key(seed)
    ks = jax.random.split(key, 18)
    x = jax.random.normal(ks[0], (N, D_IN), dtype=jnp.float32)
    edge_index = jax.random.randint(ks[1], (2, E), 0, N, dtype=jnp.int32)

    def lin(k, fo, fi):
        s = 1.0 / np.sqrt(fi)
        return jax.random.uniform(k, (fo, fi), jnp.float32, -s, s)

    Wl0 = lin(ks[2], D_H, D_IN)
    bl0 = jnp.zeros((D_H,), jnp.float32)
    Wr0 = lin(ks[3], D_H, D_IN)
    Wl1 = lin(ks[4], D_H, D_H)
    bl1 = jnp.zeros((D_H,), jnp.float32)
    Wr1 = lin(ks[5], D_H, D_H)
    Wl2 = lin(ks[6], D_H, D_H)
    bl2 = jnp.zeros((D_H,), jnp.float32)
    Wr2 = lin(ks[7], D_H, D_H)
    g0 = jnp.ones((D_H,), jnp.float32)
    be0 = jnp.zeros((D_H,), jnp.float32)
    g1 = jnp.ones((D_H,), jnp.float32)
    be1 = jnp.zeros((D_H,), jnp.float32)
    g2 = jnp.ones((D_H,), jnp.float32)
    be2 = jnp.zeros((D_H,), jnp.float32)
    return {"x": x, "edge_index": edge_index, "Wl0": Wl0, "bl0": bl0, "Wr0": Wr0, "Wl1": Wl1, "bl1": bl1, "Wr1": Wr1, "Wl2": Wl2, "bl2": bl2, "Wr2": Wr2, "g0": g0, "be0": be0, "g1": g1, "be1": be1, "g2": g2, "be2": be2}


def _sage(x, edge_index, Wl, bl, Wr):
    # PyG SAGEConv(aggr='mean'): out = lin_l(mean_j x_j) + lin_r(x_i); lin_r has no bias
    src = edge_index[0]
    dst = edge_index[1]
    msg = x[src]
    agg = jax.ops.segment_sum(msg, dst, num_segments=N)
    cnt = jax.ops.segment_sum(jnp.ones((edge_index.shape[1],), x.dtype), dst, num_segments=N)
    mean = agg / jnp.maximum(cnt, 1.0)[:, None]
    return mean @ Wl.T + bl + x @ Wr.T


def _bn(h, g, b):
    # BatchNorm1d in eval mode: running_mean=0, running_var=1
    return h / jnp.sqrt(1.0 + EPS) * g + b


def reference(x, edge_index, Wl0, bl0, Wr0, Wl1, bl1, Wr1, Wl2, bl2, Wr2, g0, be0, g1, be1, g2, be2):
    # layer 0
    h = jax.nn.relu(_bn(_sage(x, edge_index, Wl0, bl0, Wr0), g0, be0))
    x1 = h  # i=0: no residual
    # layer 1 (middle layer, shapes match -> residual)
    h = jax.nn.relu(_bn(_sage(x1, edge_index, Wl1, bl1, Wr1), g1, be1))
    x2 = x1 + 0.5 * h
    # layer 2 (last layer: no residual)
    h = jax.nn.relu(_bn(_sage(x2, edge_index, Wl2, bl2, Wr2), g2, be2))
    return h

if __name__ == "__main__":
    import jax
    _d = setup_inputs()
    print(jax.jit(kernel)(*tuple(_d.values())))

</pallas_src>

<mosaic_0001>
#map = affine_map<(d0, d1) -> (0, 0)>
#map1 = affine_map<(d0, d1) -> (0)>
module attributes {stable_mosaic.version = 14 : i64} {
  func.func @segsum(%arg0: i32, %arg1: i32, %arg2: memref<100096x16xf32, #tpu.memory_space<hbm>>, %arg3: memref<100096x16xf32, #tpu.memory_space<hbm>>, %arg4: memref<100096x16xf32, #tpu.memory_space<hbm>>, %arg5: memref<100096x16xf32, #tpu.memory_space<hbm>>, %arg6: memref<1600000xi32, #tpu.memory_space<hbm>>, %arg7: memref<1600000xi32, #tpu.memory_space<hbm>>, %arg8: memref<100096x16xf32, #tpu.memory_space<hbm>>, %arg9: memref<100096x16xf32, #tpu.memory_space<hbm>>, %arg10: memref<100096x16xf32, #tpu.memory_space<hbm>>, %arg11: memref<100096x16xf32, #tpu.memory_space<hbm>>, %arg12: memref<100096x16xf32, #tpu.memory_space<hbm>>, %arg13: memref<800xi32, #tpu.memory_space<vmem>>, %arg14: memref<800xi32, #tpu.memory_space<vmem>>, %arg15: memref<800xi32, #tpu.memory_space<vmem>>, %arg16: memref<800xi32, #tpu.memory_space<vmem>>, %arg17: memref<800x16xf32, #tpu.memory_space<vmem>>, %arg18: memref<800x16xf32, #tpu.memory_space<vmem>>, %arg19: memref<100096x16xf32, #tpu.memory_space<vmem_shared>>, %arg20: memref<!tpu.dma_semaphore, #tpu.memory_space<semaphore_mem>>, %arg21: memref<!tpu.dma_semaphore, #tpu.memory_space<semaphore_mem>>) attributes {dimension_semantics = [#tpu.dimension_semantics<core_parallel>, #tpu.dimension_semantics<subcore_parallel>], iteration_bounds = array<i64: 2, 16>, scalar_prefetch = 0 : i64, scratch_operands = 9 : i64, tpu.core_type = #tpu.core_type<sc_vector_subcore>, window_params = [{transform_indices = #map}, {transform_indices = #map}, {transform_indices = #map}, {transform_indices = #map}, {transform_indices = #map1}, {transform_indices = #map1}, {transform_indices = #map}, {transform_indices = #map}, {transform_indices = #map}, {transform_indices = #map}, {transform_indices = #map}]} {
    %mul3A = arith.constant 100000 : i32
    %mul3A_0 = arith.muli %arg1, %mul3A : i32
    %mul3A_1 = arith.constant 6256 : i32
    %mul3A_2 = arith.muli %arg1, %mul3A_1 : i32
    %eq3A = arith.constant 0 : i32
    %eq3A_3 = arith.cmpi eq, %arg0, %eq3A : i32
    %convert_element_type3A = arith.extui %eq3A_3 : i1 to i32
    %cond3A = arith.constant 0 : i32
    %cond3A_4 = arith.cmpi ne, %convert_element_type3A, %cond3A : i32
    scf.if %cond3A_4 {
      "tpu.region"() ({
        %run_scoped3A = tpu.sem_alloc : memref<!tpu.dma_semaphore, #tpu.memory_space<semaphore_mem>>
        %dma_start3A_37 = arith.constant 0 : i32
        %dma_start3A_38 = tpu.memref_slice %arg19[%mul3A_2, %dma_start3A_37] : memref<100096x16xf32, #tpu.memory_space<vmem_shared>> -> memref<6256x16xf32, #tpu.memory_space<vmem_shared>>
        %dma_start3A_39 = arith.constant 0 : i32
        %dma_start3A_40 = tpu.memref_slice %arg8[%mul3A_2, %dma_start3A_39] : memref<100096x16xf32, #tpu.memory_space<hbm>> -> memref<6256x16xf32, #tpu.memory_space<hbm>>
        tpu.enqueue_dma source(%dma_start3A_40 : memref<6256x16xf32, #tpu.memory_space<hbm>>) target(%dma_start3A_38 : memref<6256x16xf32, #tpu.memory_space<vmem_shared>>) target_semaphore(%run_scoped3A : memref<!tpu.dma_semaphore, #tpu.memory_space<semaphore_mem>>)
        %dma_wait3A_41 = arith.constant 0 : i32
        %dma_wait3A_42 = tpu.memref_slice %arg19[%mul3A_2, %dma_wait3A_41] : memref<100096x16xf32, #tpu.memory_space<vmem_shared>> -> memref<6256x16xf32, #tpu.memory_space<vmem_shared>>
        %dma_wait3A_43 = arith.constant 0 : i32
        %dma_wait3A_44 = tpu.memref_slice %arg8[%mul3A_2, %dma_wait3A_43] : memref<100096x16xf32, #tpu.memory_space<hbm>> -> memref<6256x16xf32, #tpu.memory_space<hbm>>
        tpu.wait_dma2 semaphore(%run_scoped3A : memref<!tpu.dma_semaphore, #tpu.memory_space<semaphore_mem>>) src(%dma_wait3A_44 : memref<6256x16xf32, #tpu.memory_space<hbm>>) dst(%dma_wait3A_42 : memref<6256x16xf32, #tpu.memory_space<vmem_shared>>)
        tpu.yield
      }) : () -> ()
      %barrier3A = arith.constant 0 : index
      tpu.barrier barrier_id(%barrier3A)
      %scan3A = arith.constant 0 : i32
      %scan3A_10 = arith.constant 0 : i32
      %scan3A_11 = arith.constant 62 : i32
      %scan3A_12 = arith.addi %scan3A_10, %scan3A_11 : i32
      %scan3A_13 = arith.constant 1 : i32
      scf.for %scan3A_37 = %scan3A_10 to %scan3A_12 step %scan3A_13  : i32 {
        %mul3A_38 = arith.constant 2 : i32
        %mul3A_39 = arith.muli %mul3A_38, %scan3A_37 : i32
        %mul3A_40 = arith.constant 800 : i32
        %mul3A_41 = arith.muli %mul3A_39, %mul3A_40 : i32
        %add3A_42 = arith.addi %mul3A_0, %mul3A_41 : i32
        %add3A_43 = arith.constant 800 : i32
        %add3A_44 = arith.addi %add3A_42, %add3A_43 : i32
        "tpu.region"() ({
          %run_scoped3A = tpu.sem_alloc : memref<!tpu.dma_semaphore, #tpu.memory_space<semaphore_mem>>
          %dma_start3A_57 = tpu.memref_slice %arg6[%add3A_42] : memref<1600000xi32, #tpu.memory_space<hbm>> -> memref<800xi32, #tpu.memory_space<hbm>>
          %dma_start3A_58 = tpu.memref_slice %arg6[%add3A_42] : memref<1600000xi32, #tpu.memory_space<hbm>> -> memref<800xi32, #tpu.memory_space<hbm>>
          tpu.enqueue_dma source(%dma_start3A_58 : memref<800xi32, #tpu.memory_space<hbm>>) target(%arg13 : memref<800xi32, #tpu.memory_space<vmem>>) target_semaphore(%run_scoped3A : memref<!tpu.dma_semaphore, #tpu.memory_space<semaphore_mem>>)
          %dma_wait3A_59 = tpu.memref_slice %arg6[%add3A_42] : memref<1600000xi32, #tpu.memory_space<hbm>> -> memref<800xi32, #tpu.memory_space<hbm>>
          %dma_wait3A_60 = tpu.memref_slice %arg6[%add3A_42] : memref<1600000xi32, #tpu.memory_space<hbm>> -> memref<800xi32, #tpu.memory_space<hbm>>
          tpu.wait_dma2 semaphore(%run_scoped3A : memref<!tpu.dma_semaphore, #tpu.memory_space<semaphore_mem>>) src(%dma_wait3A_60 : memref<800xi32, #tpu.memory_space<hbm>>) dst(%arg13 : memref<800xi32, #tpu.memory_space<vmem>>)
          tpu.yield
        }) : () -> ()
        "tpu.region"() ({
          %run_scoped3A = tpu.sem_alloc : memref<!tpu.dma_semaphore, #tpu.memory_space<semaphore_mem>>
          %dma_start3A_57 = tpu.memref_slice %arg7[%add3A_42] : memref<1600000xi32, #tpu.memory_space<hbm>> -> memref<800xi32, #tpu.memory_space<hbm>>
          %dma_start3A_58 = tpu.memref_slice %arg7[%add3A_42] : memref<1600000xi32, #tpu.memory_space<hbm>> -> memref<800xi32, #tpu.memory_space<hbm>>
          tpu.enqueue_dma source(%dma_start3A_58 : memref<800xi32, #tpu.memory_space<hbm>>) target(%arg14 : memref<800xi32, #tpu.memory_space<vmem>>) target_semaphore(%run_scoped3A : memref<!tpu.dma_semaphore, #tpu.memory_space<semaphore_mem>>)
          %dma_wait3A_59 = tpu.memref_slice %arg7[%add3A_42] : memref<1600000xi32, #tpu.memory_space<hbm>> -> memref<800xi32, #tpu.memory_space<hbm>>
          %dma_wait3A_60 = tpu.memref_slice %arg7[%add3A_42] : memref<1600000xi32, #tpu.memory_space<hbm>> -> memref<800xi32, #tpu.memory_space<hbm>>
          tpu.wait_dma2 semaphore(%run_scoped3A : memref<!tpu.dma_semaphore, #tpu.memory_space<semaphore_mem>>) src(%dma_wait3A_60 : memref<800xi32, #tpu.memory_space<hbm>>) dst(%arg14 : memref<800xi32, #tpu.memory_space<vmem>>)
          tpu.yield
        }) : () -> ()
        %dma_start3A_45 = arith.constant 0 : i32
        %dma_start3A_46 = arith.constant 0 : i32
        %dma_start3A_47 = tpu.memref_slice %arg2[%dma_start3A_45, %dma_start3A_46] : memref<100096x16xf32, #tpu.memory_space<hbm>> -> memref<100096x16xf32, #tpu.memory_space<hbm>>
        tpu.enqueue_indirect_dma source(%dma_start3A_47 : memref<100096x16xf32, #tpu.memory_space<hbm>>) target(%arg17 : memref<800x16xf32, #tpu.memory_space<vmem>>) offsets(%arg13 : memref<800xi32, #tpu.memory_space<vmem>>) semaphore(%arg20 : memref<!tpu.dma_semaphore, #tpu.memory_space<semaphore_mem>>)
        "tpu.region"() ({
          %run_scoped3A = tpu.sem_alloc : memref<!tpu.dma_semaphore, #tpu.memory_space<semaphore_mem>>
          %dma_start3A_57 = tpu.memref_slice %arg6[%add3A_44] : memref<1600000xi32, #tpu.memory_space<hbm>> -> memref<800xi32, #tpu.memory_space<hbm>>
          %dma_start3A_58 = tpu.memref_slice %arg6[%add3A_44] : memref<1600000xi32, #tpu.memory_space<hbm>> -> memref<800xi32, #tpu.memory_space<hbm>>
          tpu.enqueue_dma source(%dma_start3A_58 : memref<800xi32, #tpu.memory_space<hbm>>) target(%arg15 : memref<800xi32, #tpu.memory_space<vmem>>) target_semaphore(%run_scoped3A : memref<!tpu.dma_semaphore, #tpu.memory_space<semaphore_mem>>)
          %dma_wait3A_59 = tpu.memref_slice %arg6[%add3A_44] : memref<1600000xi32, #tpu.memory_space<hbm>> -> memref<800xi32, #tpu.memory_space<hbm>>
          %dma_wait3A_60 = tpu.memref_slice %arg6[%add3A_44] : memref<1600000xi32, #tpu.memory_space<hbm>> -> memref<800xi32, #tpu.memory_space<hbm>>
          tpu.wait_dma2 semaphore(%run_scoped3A : memref<!tpu.dma_semaphore, #tpu.memory_space<semaphore_mem>>) src(%dma_wait3A_60 : memref<800xi32, #tpu.memory_space<hbm>>) dst(%arg15 : memref<800xi32, #tpu.memory_space<vmem>>)
          tpu.yield
        }) : () -> ()
        "tpu.region"() ({
          %run_scoped3A = tpu.sem_alloc : memref<!tpu.dma_semaphore, #tpu.memory_space<semaphore_mem>>
          %dma_start3A_57 = tpu.memref_slice %arg7[%add3A_44] : memref<1600000xi32, #tpu.memory_space<hbm>> -> memref<800xi32, #tpu.memory_space<hbm>>
          %dma_start3A_58 = tpu.memref_slice %arg7[%add3A_44] : memref<1600000xi32, #tpu.memory_space<hbm>> -> memref<800xi32, #tpu.memory_space<hbm>>
          tpu.enqueue_dma source(%dma_start3A_58 : memref<800xi32, #tpu.memory_space<hbm>>) target(%arg16 : memref<800xi32, #tpu.memory_space<vmem>>) target_semaphore(%run_scoped3A : memref<!tpu.dma_semaphore, #tpu.memory_space<semaphore_mem>>)
          %dma_wait3A_59 = tpu.memref_slice %arg7[%add3A_44] : memref<1600000xi32, #tpu.memory_space<hbm>> -> memref<800xi32, #tpu.memory_space<hbm>>
          %dma_wait3A_60 = tpu.memref_slice %arg7[%add3A_44] : memref<1600000xi32, #tpu.memory_space<hbm>> -> memref<800xi32, #tpu.memory_space<hbm>>
          tpu.wait_dma2 semaphore(%run_scoped3A : memref<!tpu.dma_semaphore, #tpu.memory_space<semaphore_mem>>) src(%dma_wait3A_60 : memref<800xi32, #tpu.memory_space<hbm>>) dst(%arg16 : memref<800xi32, #tpu.memory_space<vmem>>)
          tpu.yield
        }) : () -> ()
        %dma_start3A_48 = arith.constant 0 : i32
        %dma_start3A_49 = arith.constant 0 : i32
        %dma_start3A_50 = tpu.memref_slice %arg2[%dma_start3A_48, %dma_start3A_49] : memref<100096x16xf32, #tpu.memory_space<hbm>> -> memref<100096x16xf32, #tpu.memory_space<hbm>>
        tpu.enqueue_indirect_dma source(%dma_start3A_50 : memref<100096x16xf32, #tpu.memory_space<hbm>>) target(%arg18 : memref<800x16xf32, #tpu.memory_space<vmem>>) offsets(%arg15 : memref<800xi32, #tpu.memory_space<vmem>>) semaphore(%arg21 : memref<!tpu.dma_semaphore, #tpu.memory_space<semaphore_mem>>)
        %dma_wait3A_51 = arith.constant 0 : i32
        %dma_wait3A_52 = arith.constant 0 : i32
        %dma_wait3A_53 = tpu.memref_slice %arg2[%dma_wait3A_51, %dma_wait3A_52] : memref<100096x16xf32, #tpu.memory_space<hbm>> -> memref<100096x16xf32, #tpu.memory_space<hbm>>
        tpu.wait_indirect_dma semaphore(%arg20 : memref<!tpu.dma_semaphore, #tpu.memory_space<semaphore_mem>>) src(%dma_wait3A_53 : memref<100096x16xf32, #tpu.memory_space<hbm>>) dst(%arg17 : memref<800x16xf32, #tpu.memory_space<vmem>>)
        "tpu.region"() ({
          %run_scoped3A = tpu.sem_alloc : memref<!tpu.dma_semaphore, #tpu.memory_space<semaphore_mem>>
          %dma_start3A_57 = arith.constant 0 : i32
          %dma_start3A_58 = arith.constant 0 : i32
          %dma_start3A_59 = tpu.memref_slice %arg19[%dma_start3A_57, %dma_start3A_58] : memref<100096x16xf32, #tpu.memory_space<vmem_shared>> -> memref<100096x16xf32, #tpu.memory_space<vmem_shared>>
          tpu.enqueue_indirect_dma source(%arg17 : memref<800x16xf32, #tpu.memory_space<vmem>>) target(%dma_start3A_59 : memref<100096x16xf32, #tpu.memory_space<vmem_shared>>) offsets(%arg14 : memref<800xi32, #tpu.memory_space<vmem>>) semaphore(%run_scoped3A : memref<!tpu.dma_semaphore, #tpu.memory_space<semaphore_mem>>) {add = true}
          %dma_wait3A_60 = arith.constant 0 : i32
          %dma_wait3A_61 = arith.constant 0 : i32
          %dma_wait3A_62 = tpu.memref_slice %arg19[%dma_wait3A_60, %dma_wait3A_61] : memref<100096x16xf32, #tpu.memory_space<vmem_shared>> -> memref<100096x16xf32, #tpu.memory_space<vmem_shared>>
          tpu.wait_indirect_dma semaphore(%run_scoped3A : memref<!tpu.dma_semaphore, #tpu.memory_space<semaphore_mem>>) src(%arg17 : memref<800x16xf32, #tpu.memory_space<vmem>>) dst(%dma_wait3A_62 : memref<100096x16xf32, #tpu.memory_space<vmem_shared>>)
          tpu.yield
        }) : () -> ()
        %dma_wait3A_54 = arith.constant 0 : i32
        %dma_wait3A_55 = arith.constant 0 : i32
        %dma_wait3A_56 = tpu.memref_slice %arg2[%dma_wait3A_54, %dma_wait3A_55] : memref<100096x16xf32, #tpu.memory_space<hbm>> -> memref<100096x16xf32, #tpu.memory_space<hbm>>
        tpu.wait_indirect_dma semaphore(%arg21 : memref<!tpu.dma_semaphore, #tpu.memory_space<semaphore_mem>>) src(%dma_wait3A_56 : memref<100096x16xf32, #tpu.memory_space<hbm>>) dst(%arg18 : memref<800x16xf32, #tpu.memory_space<vmem>>)
        "tpu.region"() ({
          %run_scoped3A = tpu.sem_alloc : memref<!tpu.dma_semaphore, #tpu.memory_space<semaphore_mem>>
          %dma_start3A_57 = arith.constant 0 : i32
          %dma_start3A_58 = arith.constant 0 : i32
          %dma_start3A_59 = tpu.memref_slice %arg19[%dma_start3A_57, %dma_start3A_58] : memref<100096x16xf32, #tpu.memory_space<vmem_shared>> -> memref<100096x16xf32, #tpu.memory_space<vmem_shared>>
          tpu.enqueue_indirect_dma source(%arg18 : memref<800x16xf32, #tpu.memory_space<vmem>>) target(%dma_start3A_59 : memref<100096x16xf32, #tpu.memory_space<vmem_shared>>) offsets(%arg16 : memref<800xi32, #tpu.memory_space<vmem>>) semaphore(%run_scoped3A : memref<!tpu.dma_semaphore, #tpu.memory_space<semaphore_mem>>) {add = true}
          %dma_wait3A_60 = arith.constant 0 : i32
          %dma_wait3A_61 = arith.constant 0 : i32
          %dma_wait3A_62 = tpu.memref_slice %arg19[%dma_wait3A_60, %dma_wait3A_61] : memref<100096x16xf32, #tpu.memory_space<vmem_shared>> -> memref<100096x16xf32, #tpu.memory_space<vmem_shared>>
          tpu.wait_indirect_dma semaphore(%run_scoped3A : memref<!tpu.dma_semaphore, #tpu.memory_space<semaphore_mem>>) src(%arg18 : memref<800x16xf32, #tpu.memory_space<vmem>>) dst(%dma_wait3A_62 : memref<100096x16xf32, #tpu.memory_space<vmem_shared>>)
          tpu.yield
        }) : () -> ()
      }
      %scan3A_14 = arith.constant 62 : i32
      %add3A = arith.constant 99200 : i32
      %add3A_15 = arith.addi %mul3A_0, %add3A : i32
      "tpu.region"() ({
        %run_scoped3A = tpu.sem_alloc : memref<!tpu.dma_semaphore, #tpu.memory_space<semaphore_mem>>
        %dma_start3A_37 = tpu.memref_slice %arg6[%add3A_15] : memref<1600000xi32, #tpu.memory_space<hbm>> -> memref<800xi32, #tpu.memory_space<hbm>>
        %dma_start3A_38 = tpu.memref_slice %arg6[%add3A_15] : memref<1600000xi32, #tpu.memory_space<hbm>> -> memref<800xi32, #tpu.memory_space<hbm>>
        tpu.enqueue_dma source(%dma_start3A_38 : memref<800xi32, #tpu.memory_space<hbm>>) target(%arg13 : memref<800xi32, #tpu.memory_space<vmem>>) target_semaphore(%run_scoped3A : memref<!tpu.dma_semaphore, #tpu.memory_space<semaphore_mem>>)
        %dma_wait3A_39 = tpu.memref_slice %arg6[%add3A_15] : memref<1600000xi32, #tpu.memory_space<hbm>> -> memref<800xi32, #tpu.memory_space<hbm>>
        %dma_wait3A_40 = tpu.memref_slice %arg6[%add3A_15] : memref<1600000xi32, #tpu.memory_space<hbm>> -> memref<800xi32, #tpu.memory_space<hbm>>
        tpu.wait_dma2 semaphore(%run_scoped3A : memref<!tpu.dma_semaphore, #tpu.memory_space<semaphore_mem>>) src(%dma_wait3A_40 : memref<800xi32, #tpu.memory_space<hbm>>) dst(%arg13 : memref<800xi32, #tpu.memory_space<vmem>>)
        tpu.yield
      }) : () -> ()
      "tpu.region"() ({
        %run_scoped3A = tpu.sem_alloc : memref<!tpu.dma_semaphore, #tpu.memory_space<semaphore_mem>>
        %dma_start3A_37 = tpu.memref_slice %arg7[%add3A_15] : memref<1600000xi32, #tpu.memory_space<hbm>> -> memref<800xi32, #tpu.memory_space<hbm>>
        %dma_start3A_38 = tpu.memref_slice %arg7[%add3A_15] : memref<1600000xi32, #tpu.memory_space<hbm>> -> memref<800xi32, #tpu.memory_space<hbm>>
        tpu.enqueue_dma source(%dma_start3A_38 : memref<800xi32, #tpu.memory_space<hbm>>) target(%arg14 : memref<800xi32, #tpu.memory_space<vmem>>) target_semaphore(%run_scoped3A : memref<!tpu.dma_semaphore, #tpu.memory_space<semaphore_mem>>)
        %dma_wait3A_39 = tpu.memref_slice %arg7[%add3A_15] : memref<1600000xi32, #tpu.memory_space<hbm>> -> memref<800xi32, #tpu.memory_space<hbm>>
        %dma_wait3A_40 = tpu.memref_slice %arg7[%add3A_15] : memref<1600000xi32, #tpu.memory_space<hbm>> -> memref<800xi32, #tpu.memory_space<hbm>>
        tpu.wait_dma2 semaphore(%run_scoped3A : memref<!tpu.dma_semaphore, #tpu.memory_space<semaphore_mem>>) src(%dma_wait3A_40 : memref<800xi32, #tpu.memory_space<hbm>>) dst(%arg14 : memref<800xi32, #tpu.memory_space<vmem>>)
        tpu.yield
      }) : () -> ()
      %dma_start3A = arith.constant 0 : i32
      %dma_start3A_16 = arith.constant 0 : i32
      %dma_start3A_17 = tpu.memref_slice %arg2[%dma_start3A, %dma_start3A_16] : memref<100096x16xf32, #tpu.memory_space<hbm>> -> memref<100096x16xf32, #tpu.memory_space<hbm>>
      tpu.enqueue_indirect_dma source(%dma_start3A_17 : memref<100096x16xf32, #tpu.memory_space<hbm>>) target(%arg17 : memref<800x16xf32, #tpu.memory_space<vmem>>) offsets(%arg13 : memref<800xi32, #tpu.memory_space<vmem>>) semaphore(%arg20 : memref<!tpu.dma_semaphore, #tpu.memory_space<semaphore_mem>>)
      %dma_wait3A = arith.constant 0 : i32
      %dma_wait3A_18 = arith.constant 0 : i32
      %dma_wait3A_19 = tpu.memref_slice %arg2[%dma_wait3A, %dma_wait3A_18] : memref<100096x16xf32, #tpu.memory_space<hbm>> -> memref<100096x16xf32, #tpu.memory_space<hbm>>
      tpu.wait_indirect_dma semaphore(%arg20 : memref<!tpu.dma_semaphore, #tpu.memory_space<semaphore_mem>>) src(%dma_wait3A_19 : memref<100096x16xf32, #tpu.memory_space<hbm>>) dst(%arg17 : memref<800x16xf32, #tpu.memory_space<vmem>>)
      "tpu.region"() ({
        %run_scoped3A = tpu.sem_alloc : memref<!tpu.dma_semaphore, #tpu.memory_space<semaphore_mem>>
        %dma_start3A_37 = arith.constant 0 : i32
        %dma_start3A_38 = arith.constant 0 : i32
        %dma_start3A_39 = tpu.memref_slice %arg19[%dma_start3A_37, %dma_start3A_38] : memref<100096x16xf32, #tpu.memory_space<vmem_shared>> -> memref<100096x16xf32, #tpu.memory_space<vmem_shared>>
        tpu.enqueue_indirect_dma source(%arg17 : memref<800x16xf32, #tpu.memory_space<vmem>>) target(%dma_start3A_39 : memref<100096x16xf32, #tpu.memory_space<vmem_shared>>) offsets(%arg14 : memref<800xi32, #tpu.memory_space<vmem>>) semaphore(%run_scoped3A : memref<!tpu.dma_semaphore, #tpu.memory_space<semaphore_mem>>) {add = true}
        %dma_wait3A_40 = arith.constant 0 : i32
        %dma_wait3A_41 = arith.constant 0 : i32
        %dma_wait3A_42 = tpu.memref_slice %arg19[%dma_wait3A_40, %dma_wait3A_41] : memref<100096x16xf32, #tpu.memory_space<vmem_shared>> -> memref<100096x16xf32, #tpu.memory_space<vmem_shared>>
        tpu.wait_indirect_dma semaphore(%run_scoped3A : memref<!tpu.dma_semaphore, #tpu.memory_space<semaphore_mem>>) src(%arg17 : memref<800x16xf32, #tpu.memory_space<vmem>>) dst(%dma_wait3A_42 : memref<100096x16xf32, #tpu.memory_space<vmem_shared>>)
        tpu.yield
      }) : () -> ()
      %barrier3A_20 = arith.constant 0 : index
      tpu.barrier barrier_id(%barrier3A_20)
      "tpu.region"() ({
        %run_scoped3A = tpu.sem_alloc : memref<!tpu.dma_semaphore, #tpu.memory_space<semaphore_mem>>
        %dma_start3A_37 = arith.constant 0 : i32
        %dma_start3A_38 = tpu.memref_slice %arg9[%mul3A_2, %dma_start3A_37] : memref<100096x16xf32, #tpu.memory_space<hbm>> -> memref<6256x16xf32, #tpu.memory_space<hbm>>
        %dma_start3A_39 = arith.constant 0 : i32
        %dma_start3A_40 = tpu.memref_slice %arg19[%mul3A_2, %dma_start3A_39] : memref<100096x16xf32, #tpu.memory_space<vmem_shared>> -> memref<6256x16xf32, #tpu.memory_space<vmem_shared>>
        tpu.enqueue_dma source(%dma_start3A_40 : memref<6256x16xf32, #tpu.memory_space<vmem_shared>>) target(%dma_start3A_38 : memref<6256x16xf32, #tpu.memory_space<hbm>>) target_semaphore(%run_scoped3A : memref<!tpu.dma_semaphore, #tpu.memory_space<semaphore_mem>>)
        %dma_wait3A_41 = arith.constant 0 : i32
        %dma_wait3A_42 = tpu.memref_slice %arg9[%mul3A_2, %dma_wait3A_41] : memref<100096x16xf32, #tpu.memory_space<hbm>> -> memref<6256x16xf32, #tpu.memory_space<hbm>>
        %dma_wait3A_43 = arith.constant 0 : i32
        %dma_wait3A_44 = tpu.memref_slice %arg19[%mul3A_2, %dma_wait3A_43] : memref<100096x16xf32, #tpu.memory_space<vmem_shared>> -> memref<6256x16xf32, #tpu.memory_space<vmem_shared>>
        tpu.wait_dma2 semaphore(%run_scoped3A : memref<!tpu.dma_semaphore, #tpu.memory_space<semaphore_mem>>) src(%dma_wait3A_44 : memref<6256x16xf32, #tpu.memory_space<vmem_shared>>) dst(%dma_wait3A_42 : memref<6256x16xf32, #tpu.memory_space<hbm>>)
        tpu.yield
      }) : () -> ()
      "tpu.region"() ({
        %run_scoped3A = tpu.sem_alloc : memref<!tpu.dma_semaphore, #tpu.memory_space<semaphore_mem>>
        %dma_start3A_37 = arith.constant 0 : i32
        %dma_start3A_38 = tpu.memref_slice %arg19[%mul3A_2, %dma_start3A_37] : memref<100096x16xf32, #tpu.memory_space<vmem_shared>> -> memref<6256x16xf32, #tpu.memory_space<vmem_shared>>
        %dma_start3A_39 = arith.constant 0 : i32
        %dma_start3A_40 = tpu.memref_slice %arg8[%mul3A_2, %dma_start3A_39] : memref<100096x16xf32, #tpu.memory_space<hbm>> -> memref<6256x16xf32, #tpu.memory_space<hbm>>
        tpu.enqueue_dma source(%dma_start3A_40 : memref<6256x16xf32, #tpu.memory_space<hbm>>) target(%dma_start3A_38 : memref<6256x16xf32, #tpu.memory_space<vmem_shared>>) target_semaphore(%run_scoped3A : memref<!tpu.dma_semaphore, #tpu.memory_space<semaphore_mem>>)
        %dma_wait3A_41 = arith.constant 0 : i32
        %dma_wait3A_42 = tpu.memref_slice %arg19[%mul3A_2, %dma_wait3A_41] : memref<100096x16xf32, #tpu.memory_space<vmem_shared>> -> memref<6256x16xf32, #tpu.memory_space<vmem_shared>>
        %dma_wait3A_43 = arith.constant 0 : i32
        %dma_wait3A_44 = tpu.memref_slice %arg8[%mul3A_2, %dma_wait3A_43] : memref<100096x16xf32, #tpu.memory_space<hbm>> -> memref<6256x16xf32, #tpu.memory_space<hbm>>
        tpu.wait_dma2 semaphore(%run_scoped3A : memref<!tpu.dma_semaphore, #tpu.memory_space<semaphore_mem>>) src(%dma_wait3A_44 : memref<6256x16xf32, #tpu.memory_space<hbm>>) dst(%dma_wait3A_42 : memref<6256x16xf32, #tpu.memory_space<vmem_shared>>)
        tpu.yield
      }) : () -> ()
      %barrier3A_21 = arith.constant 0 : index
      tpu.barrier barrier_id(%barrier3A_21)
      %scan3A_22 = arith.constant 0 : i32
      %scan3A_23 = arith.constant 0 : i32
      %scan3A_24 = arith.constant 62 : i32
      %scan3A_25 = arith.addi %scan3A_23, %scan3A_24 : i32
      %scan3A_26 = arith.constant 1 : i32
      scf.for %scan3A_37 = %scan3A_23 to %scan3A_25 step %scan3A_26  : i32 {
        %mul3A_38 = arith.constant 2 : i32
        %mul3A_39 = arith.muli %mul3A_38, %scan3A_37 : i32
        %mul3A_40 = arith.constant 800 : i32
        %mul3A_41 = arith.muli %mul3A_39, %mul3A_40 : i32
        %add3A_42 = arith.addi %mul3A_0, %mul3A_41 : i32
        %add3A_43 = arith.constant 800 : i32
        %add3A_44 = arith.addi %add3A_42, %add3A_43 : i32
        "tpu.region"() ({
          %run_scoped3A = tpu.sem_alloc : memref<!tpu.dma_semaphore, #tpu.memory_space<semaphore_mem>>
          %dma_start3A_57 = tpu.memref_slice %arg6[%add3A_42] : memref<1600000xi32, #tpu.memory_space<hbm>> -> memref<800xi32, #tpu.memory_space<hbm>>
          %dma_start3A_58 = tpu.memref_slice %arg6[%add3A_42] : memref<1600000xi32, #tpu.memory_space<hbm>> -> memref<800xi32, #tpu.memory_space<hbm>>
          tpu.enqueue_dma source(%dma_start3A_58 : memref<800xi32, #tpu.memory_space<hbm>>) target(%arg13 : memref<800xi32, #tpu.memory_space<vmem>>) target_semaphore(%run_scoped3A : memref<!tpu.dma_semaphore, #tpu.memory_space<semaphore_mem>>)
          %dma_wait3A_59 = tpu.memref_slice %arg6[%add3A_42] : memref<1600000xi32, #tpu.memory_space<hbm>> -> memref<800xi32, #tpu.memory_space<hbm>>
          %dma_wait3A_60 = tpu.memref_slice %arg6[%add3A_42] : memref<1600000xi32, #tpu.memory_space<hbm>> -> memref<800xi32, #tpu.memory_space<hbm>>
          tpu.wait_dma2 semaphore(%run_scoped3A : memref<!tpu.dma_semaphore, #tpu.memory_space<semaphore_mem>>) src(%dma_wait3A_60 : memref<800xi32, #tpu.memory_space<hbm>>) dst(%arg13 : memref<800xi32, #tpu.memory_space<vmem>>)
          tpu.yield
        }) : () -> ()
        "tpu.region"() ({
          %run_scoped3A = tpu.sem_alloc : memref<!tpu.dma_semaphore, #tpu.memory_space<semaphore_mem>>
          %dma_start3A_57 = tpu.memref_slice %arg7[%add3A_42] : memref<1600000xi32, #tpu.memory_space<hbm>> -> memref<800xi32, #tpu.memory_space<hbm>>
          %dma_start3A_58 = tpu.memref_slice %arg7[%add3A_42] : memref<1600000xi32, #tpu.memory_space<hbm>> -> memref<800xi32, #tpu.memory_space<hbm>>
          tpu.enqueue_dma source(%dma_start3A_58 : memref<800xi32, #tpu.memory_space<hbm>>) target(%arg14 : memref<800xi32, #tpu.memory_space<vmem>>) target_semaphore(%run_scoped3A : memref<!tpu.dma_semaphore, #tpu.memory_space<semaphore_mem>>)
          %dma_wait3A_59 = tpu.memref_slice %arg7[%add3A_42] : memref<1600000xi32, #tpu.memory_space<hbm>> -> memref<800xi32, #tpu.memory_space<hbm>>
          %dma_wait3A_60 = tpu.memref_slice %arg7[%add3A_42] : memref<1600000xi32, #tpu.memory_space<hbm>> -> memref<800xi32, #tpu.memory_space<hbm>>
          tpu.wait_dma2 semaphore(%run_scoped3A : memref<!tpu.dma_semaphore, #tpu.memory_space<semaphore_mem>>) src(%dma_wait3A_60 : memref<800xi32, #tpu.memory_space<hbm>>) dst(%arg14 : memref<800xi32, #tpu.memory_space<vmem>>)
          tpu.yield
        }) : () -> ()
        %dma_start3A_45 = arith.constant 0 : i32
        %dma_start3A_46 = arith.constant 0 : i32
        %dma_start3A_47 = tpu.memref_slice %arg3[%dma_start3A_45, %dma_start3A_46] : memref<100096x16xf32, #tpu.memory_space<hbm>> -> memref<100096x16xf32, #tpu.memory_space<hbm>>
        tpu.enqueue_indirect_dma source(%dma_start3A_47 : memref<100096x16xf32, #tpu.memory_space<hbm>>) target(%arg17 : memref<800x16xf32, #tpu.memory_space<vmem>>) offsets(%arg13 : memref<800xi32, #tpu.memory_space<vmem>>) semaphore(%arg20 : memref<!tpu.dma_semaphore, #tpu.memory_space<semaphore_mem>>)
        "tpu.region"() ({
          %run_scoped3A = tpu.sem_alloc : memref<!tpu.dma_semaphore, #tpu.memory_space<semaphore_mem>>
          %dma_start3A_57 = tpu.memref_slice %arg6[%add3A_44] : memref<1600000xi32, #tpu.memory_space<hbm>> -> memref<800xi32, #tpu.memory_space<hbm>>
          %dma_start3A_58 = tpu.memref_slice %arg6[%add3A_44] : memref<1600000xi32, #tpu.memory_space<hbm>> -> memref<800xi32, #tpu.memory_space<hbm>>
          tpu.enqueue_dma source(%dma_start3A_58 : memref<800xi32, #tpu.memory_space<hbm>>) target(%arg15 : memref<800xi32, #tpu.memory_space<vmem>>) target_semaphore(%run_scoped3A : memref<!tpu.dma_semaphore, #tpu.memory_space<semaphore_mem>>)
          %dma_wait3A_59 = tpu.memref_slice %arg6[%add3A_44] : memref<1600000xi32, #tpu.memory_space<hbm>> -> memref<800xi32, #tpu.memory_space<hbm>>
          %dma_wait3A_60 = tpu.memref_slice %arg6[%add3A_44] : memref<1600000xi32, #tpu.memory_space<hbm>> -> memref<800xi32, #tpu.memory_space<hbm>>
          tpu.wait_dma2 semaphore(%run_scoped3A : memref<!tpu.dma_semaphore, #tpu.memory_space<semaphore_mem>>) src(%dma_wait3A_60 : memref<800xi32, #tpu.memory_space<hbm>>) dst(%arg15 : memref<800xi32, #tpu.memory_space<vmem>>)
          tpu.yield
        }) : () -> ()
        "tpu.region"() ({
          %run_scoped3A = tpu.sem_alloc : memref<!tpu.dma_semaphore, #tpu.memory_space<semaphore_mem>>
          %dma_start3A_57 = tpu.memref_slice %arg7[%add3A_44] : memref<1600000xi32, #tpu.memory_space<hbm>> -> memref<800xi32, #tpu.memory_space<hbm>>
          %dma_start3A_58 = tpu.memref_slice %arg7[%add3A_44] : memref<1600000xi32, #tpu.memory_space<hbm>> -> memref<800xi32, #tpu.memory_space<hbm>>
          tpu.enqueue_dma source(%dma_start3A_58 : memref<800xi32, #tpu.memory_space<hbm>>) target(%arg16 : memref<800xi32, #tpu.memory_space<vmem>>) target_semaphore(%run_scoped3A : memref<!tpu.dma_semaphore, #tpu.memory_space<semaphore_mem>>)
          %dma_wait3A_59 = tpu.memref_slice %arg7[%add3A_44] : memref<1600000xi32, #tpu.memory_space<hbm>> -> memref<800xi32, #tpu.memory_space<hbm>>
          %dma_wait3A_60 = tpu.memref_slice %arg7[%add3A_44] : memref<1600000xi32, #tpu.memory_space<hbm>> -> memref<800xi32, #tpu.memory_space<hbm>>
          tpu.wait_dma2 semaphore(%run_scoped3A : memref<!tpu.dma_semaphore, #tpu.memory_space<semaphore_mem>>) src(%dma_wait3A_60 : memref<800xi32, #tpu.memory_space<hbm>>) dst(%arg16 : memref<800xi32, #tpu.memory_space<vmem>>)
          tpu.yield
        }) : () -> ()
        %dma_start3A_48 = arith.constant 0 : i32
        %dma_start3A_49 = arith.constant 0 : i32
        %dma_start3A_50 = tpu.memref_slice %arg3[%dma_start3A_48, %dma_start3A_49] : memref<100096x16xf32, #tpu.memory_space<hbm>> -> memref<100096x16xf32, #tpu.memory_space<hbm>>
        tpu.enqueue_indirect_dma source(%dma_start3A_50 : memref<100096x16xf32, #tpu.memory_space<hbm>>) target(%arg18 : memref<800x16xf32, #tpu.memory_space<vmem>>) offsets(%arg15 : memref<800xi32, #tpu.memory_space<vmem>>) semaphore(%arg21 : memref<!tpu.dma_semaphore, #tpu.memory_space<semaphore_mem>>)
        %dma_wait3A_51 = arith.constant 0 : i32
        %dma_wait3A_52 = arith.constant 0 : i32
        %dma_wait3A_53 = tpu.memref_slice %arg3[%dma_wait3A_51, %dma_wait3A_52] : memref<100096x16xf32, #tpu.memory_space<hbm>> -> memref<100096x16xf32, #tpu.memory_space<hbm>>
        tpu.wait_indirect_dma semaphore(%arg20 : memref<!tpu.dma_semaphore, #tpu.memory_space<semaphore_mem>>) src(%dma_wait3A_53 : memref<100096x16xf32, #tpu.memory_space<hbm>>) dst(%arg17 : memref<800x16xf32, #tpu.memory_space<vmem>>)
        "tpu.region"() ({
          %run_scoped3A = tpu.sem_alloc : memref<!tpu.dma_semaphore, #tpu.memory_space<semaphore_mem>>
          %dma_start3A_57 = arith.constant 0 : i32
          %dma_start3A_58 = arith.constant 0 : i32
          %dma_start3A_59 = tpu.memref_slice %arg19[%dma_start3A_57, %dma_start3A_58] : memref<100096x16xf32, #tpu.memory_space<vmem_shared>> -> memref<100096x16xf32, #tpu.memory_space<vmem_shared>>
          tpu.enqueue_indirect_dma source(%arg17 : memref<800x16xf32, #tpu.memory_space<vmem>>) target(%dma_start3A_59 : memref<100096x16xf32, #tpu.memory_space<vmem_shared>>) offsets(%arg14 : memref<800xi32, #tpu.memory_space<vmem>>) semaphore(%run_scoped3A : memref<!tpu.dma_semaphore, #tpu.memory_space<semaphore_mem>>) {add = true}
          %dma_wait3A_60 = arith.constant 0 : i32
          %dma_wait3A_61 = arith.constant 0 : i32
          %dma_wait3A_62 = tpu.memref_slice %arg19[%dma_wait3A_60, %dma_wait3A_61] : memref<100096x16xf32, #tpu.memory_space<vmem_shared>> -> memref<100096x16xf32, #tpu.memory_space<vmem_shared>>
          tpu.wait_indirect_dma semaphore(%run_scoped3A : memref<!tpu.dma_semaphore, #tpu.memory_space<semaphore_mem>>) src(%arg17 : memref<800x16xf32, #tpu.memory_space<vmem>>) dst(%dma_wait3A_62 : memref<100096x16xf32, #tpu.memory_space<vmem_shared>>)
          tpu.yield
        }) : () -> ()
        %dma_wait3A_54 = arith.constant 0 : i32
        %dma_wait3A_55 = arith.constant 0 : i32
        %dma_wait3A_56 = tpu.memref_slice %arg3[%dma_wait3A_54, %dma_wait3A_55] : memref<100096x16xf32, #tpu.memory_space<hbm>> -> memref<100096x16xf32, #tpu.memory_space<hbm>>
        tpu.wait_indirect_dma semaphore(%arg21 : memref<!tpu.dma_semaphore, #tpu.memory_space<semaphore_mem>>) src(%dma_wait3A_56 : memref<100096x16xf32, #tpu.memory_space<hbm>>) dst(%arg18 : memref<800x16xf32, #tpu.memory_space<vmem>>)
        "tpu.region"() ({
          %run_scoped3A = tpu.sem_alloc : memref<!tpu.dma_semaphore, #tpu.memory_space<semaphore_mem>>
          %dma_start3A_57 = arith.constant 0 : i32
          %dma_start3A_58 = arith.constant 0 : i32
          %dma_start3A_59 = tpu.memref_slice %arg19[%dma_start3A_57, %dma_start3A_58] : memref<100096x16xf32, #tpu.memory_space<vmem_shared>> -> memref<100096x16xf32, #tpu.memory_space<vmem_shared>>
          tpu.enqueue_indirect_dma source(%arg18 : memref<800x16xf32, #tpu.memory_space<vmem>>) target(%dma_start3A_59 : memref<100096x16xf32, #tpu.memory_space<vmem_shared>>) offsets(%arg16 : memref<800xi32, #tpu.memory_space<vmem>>) semaphore(%run_scoped3A : memref<!tpu.dma_semaphore, #tpu.memory_space<semaphore_mem>>) {add = true}
          %dma_wait3A_60 = arith.constant 0 : i32
          %dma_wait3A_61 = arith.constant 0 : i32
          %dma_wait3A_62 = tpu.memref_slice %arg19[%dma_wait3A_60, %dma_wait3A_61] : memref<100096x16xf32, #tpu.memory_space<vmem_shared>> -> memref<100096x16xf32, #tpu.memory_space<vmem_shared>>
          tpu.wait_indirect_dma semaphore(%run_scoped3A : memref<!tpu.dma_semaphore, #tpu.memory_space<semaphore_mem>>) src(%arg18 : memref<800x16xf32, #tpu.memory_space<vmem>>) dst(%dma_wait3A_62 : memref<100096x16xf32, #tpu.memory_space<vmem_shared>>)
          tpu.yield
        }) : () -> ()
      }
      %scan3A_27 = arith.constant 62 : i32
      %add3A_28 = arith.constant 99200 : i32
      %add3A_29 = arith.addi %mul3A_0, %add3A_28 : i32
      "tpu.region"() ({
        %run_scoped3A = tpu.sem_alloc : memref<!tpu.dma_semaphore, #tpu.memory_space<semaphore_mem>>
        %dma_start3A_37 = tpu.memref_slice %arg6[%add3A_29] : memref<1600000xi32, #tpu.memory_space<hbm>> -> memref<800xi32, #tpu.memory_space<hbm>>
        %dma_start3A_38 = tpu.memref_slice %arg6[%add3A_29] : memref<1600000xi32, #tpu.memory_space<hbm>> -> memref<800xi32, #tpu.memory_space<hbm>>
        tpu.enqueue_dma source(%dma_start3A_38 : memref<800xi32, #tpu.memory_space<hbm>>) target(%arg13 : memref<800xi32, #tpu.memory_space<vmem>>) target_semaphore(%run_scoped3A : memref<!tpu.dma_semaphore, #tpu.memory_space<semaphore_mem>>)
        %dma_wait3A_39 = tpu.memref_slice %arg6[%add3A_29] : memref<1600000xi32, #tpu.memory_space<hbm>> -> memref<800xi32, #tpu.memory_space<hbm>>
        %dma_wait3A_40 = tpu.memref_slice %arg6[%add3A_29] : memref<1600000xi32, #tpu.memory_space<hbm>> -> memref<800xi32, #tpu.memory_space<hbm>>
        tpu.wait_dma2 semaphore(%run_scoped3A : memref<!tpu.dma_semaphore, #tpu.memory_space<semaphore_mem>>) src(%dma_wait3A_40 : memref<800xi32, #tpu.memory_space<hbm>>) dst(%arg13 : memref<800xi32, #tpu.memory_space<vmem>>)
        tpu.yield
      }) : () -> ()
      "tpu.region"() ({
        %run_scoped3A = tpu.sem_alloc : memref<!tpu.dma_semaphore, #tpu.memory_space<semaphore_mem>>
        %dma_start3A_37 = tpu.memref_slice %arg7[%add3A_29] : memref<1600000xi32, #tpu.memory_space<hbm>> -> memref<800xi32, #tpu.memory_space<hbm>>
        %dma_start3A_38 = tpu.memref_slice %arg7[%add3A_29] : memref<1600000xi32, #tpu.memory_space<hbm>> -> memref<800xi32, #tpu.memory_space<hbm>>
        tpu.enqueue_dma source(%dma_start3A_38 : memref<800xi32, #tpu.memory_space<hbm>>) target(%arg14 : memref<800xi32, #tpu.memory_space<vmem>>) target_semaphore(%run_scoped3A : memref<!tpu.dma_semaphore, #tpu.memory_space<semaphore_mem>>)
        %dma_wait3A_39 = tpu.memref_slice %arg7[%add3A_29] : memref<1600000xi32, #tpu.memory_space<hbm>> -> memref<800xi32, #tpu.memory_space<hbm>>
        %dma_wait3A_40 = tpu.memref_slice %arg7[%add3A_29] : memref<1600000xi32, #tpu.memory_space<hbm>> -> memref<800xi32, #tpu.memory_space<hbm>>
        tpu.wait_dma2 semaphore(%run_scoped3A : memref<!tpu.dma_semaphore, #tpu.memory_space<semaphore_mem>>) src(%dma_wait3A_40 : memref<800xi32, #tpu.memory_space<hbm>>) dst(%arg14 : memref<800xi32, #tpu.memory_space<vmem>>)
        tpu.yield
      }) : () -> ()
      %dma_start3A_30 = arith.constant 0 : i32
      %dma_start3A_31 = arith.constant 0 : i32
      %dma_start3A_32 = tpu.memref_slice %arg3[%dma_start3A_30, %dma_start3A_31] : memref<100096x16xf32, #tpu.memory_space<hbm>> -> memref<100096x16xf32, #tpu.memory_space<hbm>>
      tpu.enqueue_indirect_dma source(%dma_start3A_32 : memref<100096x16xf32, #tpu.memory_space<hbm>>) target(%arg17 : memref<800x16xf32, #tpu.memory_space<vmem>>) offsets(%arg13 : memref<800xi32, #tpu.memory_space<vmem>>) semaphore(%arg20 : memref<!tpu.dma_semaphore, #tpu.memory_space<semaphore_mem>>)
      %dma_wait3A_33 = arith.constant 0 : i32
      %dma_wait3A_34 = arith.constant 0 : i32
      %dma_wait3A_35 = tpu.memref_slice %arg3[%dma_wait3A_33, %dma_wait3A_34] : memref<100096x16xf32, #tpu.memory_space<hbm>> -> memref<100096x16xf32, #tpu.memory_space<hbm>>
      tpu.wait_indirect_dma semaphore(%arg20 : memref<!tpu.dma_semaphore, #tpu.memory_space<semaphore_mem>>) src(%dma_wait3A_35 : memref<100096x16xf32, #tpu.memory_space<hbm>>) dst(%arg17 : memref<800x16xf32, #tpu.memory_space<vmem>>)
      "tpu.region"() ({
        %run_scoped3A = tpu.sem_alloc : memref<!tpu.dma_semaphore, #tpu.memory_space<semaphore_mem>>
        %dma_start3A_37 = arith.constant 0 : i32
        %dma_start3A_38 = arith.constant 0 : i32
        %dma_start3A_39 = tpu.memref_slice %arg19[%dma_start3A_37, %dma_start3A_38] : memref<100096x16xf32, #tpu.memory_space<vmem_shared>> -> memref<100096x16xf32, #tpu.memory_space<vmem_shared>>
        tpu.enqueue_indirect_dma source(%arg17 : memref<800x16xf32, #tpu.memory_space<vmem>>) target(%dma_start3A_39 : memref<100096x16xf32, #tpu.memory_space<vmem_shared>>) offsets(%arg14 : memref<800xi32, #tpu.memory_space<vmem>>) semaphore(%run_scoped3A : memref<!tpu.dma_semaphore, #tpu.memory_space<semaphore_mem>>) {add = true}
        %dma_wait3A_40 = arith.constant 0 : i32
        %dma_wait3A_41 = arith.constant 0 : i32
        %dma_wait3A_42 = tpu.memref_slice %arg19[%dma_wait3A_40, %dma_wait3A_41] : memref<100096x16xf32, #tpu.memory_space<vmem_shared>> -> memref<100096x16xf32, #tpu.memory_space<vmem_shared>>
        tpu.wait_indirect_dma semaphore(%run_scoped3A : memref<!tpu.dma_semaphore, #tpu.memory_space<semaphore_mem>>) src(%arg17 : memref<800x16xf32, #tpu.memory_space<vmem>>) dst(%dma_wait3A_42 : memref<100096x16xf32, #tpu.memory_space<vmem_shared>>)
        tpu.yield
      }) : () -> ()
      %barrier3A_36 = arith.constant 0 : index
      tpu.barrier barrier_id(%barrier3A_36)
      "tpu.region"() ({
        %run_scoped3A = tpu.sem_alloc : memref<!tpu.dma_semaphore, #tpu.memory_space<semaphore_mem>>
        %dma_start3A_37 = arith.constant 0 : i32
        %dma_start3A_38 = tpu.memref_slice %arg10[%mul3A_2, %dma_start3A_37] : memref<100096x16xf32, #tpu.memory_space<hbm>> -> memref<6256x16xf32, #tpu.memory_space<hbm>>
        %dma_start3A_39 = arith.constant 0 : i32
        %dma_start3A_40 = tpu.memref_slice %arg19[%mul3A_2, %dma_start3A_39] : memref<100096x16xf32, #tpu.memory_space<vmem_shared>> -> memref<6256x16xf32, #tpu.memory_space<vmem_shared>>
        tpu.enqueue_dma source(%dma_start3A_40 : memref<6256x16xf32, #tpu.memory_space<vmem_shared>>) target(%dma_start3A_38 : memref<6256x16xf32, #tpu.memory_space<hbm>>) target_semaphore(%run_scoped3A : memref<!tpu.dma_semaphore, #tpu.memory_space<semaphore_mem>>)
        %dma_wait3A_41 = arith.constant 0 : i32
        %dma_wait3A_42 = tpu.memref_slice %arg10[%mul3A_2, %dma_wait3A_41] : memref<100096x16xf32, #tpu.memory_space<hbm>> -> memref<6256x16xf32, #tpu.memory_space<hbm>>
        %dma_wait3A_43 = arith.constant 0 : i32
        %dma_wait3A_44 = tpu.memref_slice %arg19[%mul3A_2, %dma_wait3A_43] : memref<100096x16xf32, #tpu.memory_space<vmem_shared>> -> memref<6256x16xf32, #tpu.memory_space<vmem_shared>>
        tpu.wait_dma2 semaphore(%run_scoped3A : memref<!tpu.dma_semaphore, #tpu.memory_space<semaphore_mem>>) src(%dma_wait3A_44 : memref<6256x16xf32, #tpu.memory_space<vmem_shared>>) dst(%dma_wait3A_42 : memref<6256x16xf32, #tpu.memory_space<hbm>>)
        tpu.yield
      }) : () -> ()
    } else {
    }
    %eq3A_5 = arith.constant 1 : i32
    %eq3A_6 = arith.cmpi eq, %arg0, %eq3A_5 : i32
    %convert_element_type3A_7 = arith.extui %eq3A_6 : i1 to i32
    %cond3A_8 = arith.constant 0 : i32
    %cond3A_9 = arith.cmpi ne, %convert_element_type3A_7, %cond3A_8 : i32
    scf.if %cond3A_9 {
      "tpu.region"() ({
        %run_scoped3A = tpu.sem_alloc : memref<!tpu.dma_semaphore, #tpu.memory_space<semaphore_mem>>
        %dma_start3A_37 = arith.constant 0 : i32
        %dma_start3A_38 = tpu.memref_slice %arg19[%mul3A_2, %dma_start3A_37] : memref<100096x16xf32, #tpu.memory_space<vmem_shared>> -> memref<6256x16xf32, #tpu.memory_space<vmem_shared>>
        %dma_start3A_39 = arith.constant 0 : i32
        %dma_start3A_40 = tpu.memref_slice %arg8[%mul3A_2, %dma_start3A_39] : memref<100096x16xf32, #tpu.memory_space<hbm>> -> memref<6256x16xf32, #tpu.memory_space<hbm>>
        tpu.enqueue_dma source(%dma_start3A_40 : memref<6256x16xf32, #tpu.memory_space<hbm>>) target(%dma_start3A_38 : memref<6256x16xf32, #tpu.memory_space<vmem_shared>>) target_semaphore(%run_scoped3A : memref<!tpu.dma_semaphore, #tpu.memory_space<semaphore_mem>>)
        %dma_wait3A_41 = arith.constant 0 : i32
        %dma_wait3A_42 = tpu.memref_slice %arg19[%mul3A_2, %dma_wait3A_41] : memref<100096x16xf32, #tpu.memory_space<vmem_shared>> -> memref<6256x16xf32, #tpu.memory_space<vmem_shared>>
        %dma_wait3A_43 = arith.constant 0 : i32
        %dma_wait3A_44 = tpu.memref_slice %arg8[%mul3A_2, %dma_wait3A_43] : memref<100096x16xf32, #tpu.memory_space<hbm>> -> memref<6256x16xf32, #tpu.memory_space<hbm>>
        tpu.wait_dma2 semaphore(%run_scoped3A : memref<!tpu.dma_semaphore, #tpu.memory_space<semaphore_mem>>) src(%dma_wait3A_44 : memref<6256x16xf32, #tpu.memory_space<hbm>>) dst(%dma_wait3A_42 : memref<6256x16xf32, #tpu.memory_space<vmem_shared>>)
        tpu.yield
      }) : () -> ()
      %barrier3A = arith.constant 0 : index
      tpu.barrier barrier_id(%barrier3A)
      %scan3A = arith.constant 0 : i32
      %scan3A_10 = arith.constant 0 : i32
      %scan3A_11 = arith.constant 62 : i32
      %scan3A_12 = arith.addi %scan3A_10, %scan3A_11 : i32
      %scan3A_13 = arith.constant 1 : i32
      scf.for %scan3A_37 = %scan3A_10 to %scan3A_12 step %scan3A_13  : i32 {
        %mul3A_38 = arith.constant 2 : i32
        %mul3A_39 = arith.muli %mul3A_38, %scan3A_37 : i32
        %mul3A_40 = arith.constant 800 : i32
        %mul3A_41 = arith.muli %mul3A_39, %mul3A_40 : i32
        %add3A_42 = arith.addi %mul3A_0, %mul3A_41 : i32
        %add3A_43 = arith.constant 800 : i32
        %add3A_44 = arith.addi %add3A_42, %add3A_43 : i32
        "tpu.region"() ({
          %run_scoped3A = tpu.sem_alloc : memref<!tpu.dma_semaphore, #tpu.memory_space<semaphore_mem>>
          %dma_start3A_57 = tpu.memref_slice %arg6[%add3A_42] : memref<1600000xi32, #tpu.memory_space<hbm>> -> memref<800xi32, #tpu.memory_space<hbm>>
          %dma_start3A_58 = tpu.memref_slice %arg6[%add3A_42] : memref<1600000xi32, #tpu.memory_space<hbm>> -> memref<800xi32, #tpu.memory_space<hbm>>
          tpu.enqueue_dma source(%dma_start3A_58 : memref<800xi32, #tpu.memory_space<hbm>>) target(%arg13 : memref<800xi32, #tpu.memory_space<vmem>>) target_semaphore(%run_scoped3A : memref<!tpu.dma_semaphore, #tpu.memory_space<semaphore_mem>>)
          %dma_wait3A_59 = tpu.memref_slice %arg6[%add3A_42] : memref<1600000xi32, #tpu.memory_space<hbm>> -> memref<800xi32, #tpu.memory_space<hbm>>
          %dma_wait3A_60 = tpu.memref_slice %arg6[%add3A_42] : memref<1600000xi32, #tpu.memory_space<hbm>> -> memref<800xi32, #tpu.memory_space<hbm>>
          tpu.wait_dma2 semaphore(%run_scoped3A : memref<!tpu.dma_semaphore, #tpu.memory_space<semaphore_mem>>) src(%dma_wait3A_60 : memref<800xi32, #tpu.memory_space<hbm>>) dst(%arg13 : memref<800xi32, #tpu.memory_space<vmem>>)
          tpu.yield
        }) : () -> ()
        "tpu.region"() ({
          %run_scoped3A = tpu.sem_alloc : memref<!tpu.dma_semaphore, #tpu.memory_space<semaphore_mem>>
          %dma_start3A_57 = tpu.memref_slice %arg7[%add3A_42] : memref<1600000xi32, #tpu.memory_space<hbm>> -> memref<800xi32, #tpu.memory_space<hbm>>
          %dma_start3A_58 = tpu.memref_slice %arg7[%add3A_42] : memref<1600000xi32, #tpu.memory_space<hbm>> -> memref<800xi32, #tpu.memory_space<hbm>>
          tpu.enqueue_dma source(%dma_start3A_58 : memref<800xi32, #tpu.memory_space<hbm>>) target(%arg14 : memref<800xi32, #tpu.memory_space<vmem>>) target_semaphore(%run_scoped3A : memref<!tpu.dma_semaphore, #tpu.memory_space<semaphore_mem>>)
          %dma_wait3A_59 = tpu.memref_slice %arg7[%add3A_42] : memref<1600000xi32, #tpu.memory_space<hbm>> -> memref<800xi32, #tpu.memory_space<hbm>>
          %dma_wait3A_60 = tpu.memref_slice %arg7[%add3A_42] : memref<1600000xi32, #tpu.memory_space<hbm>> -> memref<800xi32, #tpu.memory_space<hbm>>
          tpu.wait_dma2 semaphore(%run_scoped3A : memref<!tpu.dma_semaphore, #tpu.memory_space<semaphore_mem>>) src(%dma_wait3A_60 : memref<800xi32, #tpu.memory_space<hbm>>) dst(%arg14 : memref<800xi32, #tpu.memory_space<vmem>>)
          tpu.yield
        }) : () -> ()
        %dma_start3A_45 = arith.constant 0 : i32
        %dma_start3A_46 = arith.constant 0 : i32
        %dma_start3A_47 = tpu.memref_slice %arg4[%dma_start3A_45, %dma_start3A_46] : memref<100096x16xf32, #tpu.memory_space<hbm>> -> memref<100096x16xf32, #tpu.memory_space<hbm>>
        tpu.enqueue_indirect_dma source(%dma_start3A_47 : memref<100096x16xf32, #tpu.memory_space<hbm>>) target(%arg17 : memref<800x16xf32, #tpu.memory_space<vmem>>) offsets(%arg13 : memref<800xi32, #tpu.memory_space<vmem>>) semaphore(%arg20 : memref<!tpu.dma_semaphore, #tpu.memory_space<semaphore_mem>>)
        "tpu.region"() ({
          %run_scoped3A = tpu.sem_alloc : memref<!tpu.dma_semaphore, #tpu.memory_space<semaphore_mem>>
          %dma_start3A_57 = tpu.memref_slice %arg6[%add3A_44] : memref<1600000xi32, #tpu.memory_space<hbm>> -> memref<800xi32, #tpu.memory_space<hbm>>
          %dma_start3A_58 = tpu.memref_slice %arg6[%add3A_44] : memref<1600000xi32, #tpu.memory_space<hbm>> -> memref<800xi32, #tpu.memory_space<hbm>>
          tpu.enqueue_dma source(%dma_start3A_58 : memref<800xi32, #tpu.memory_space<hbm>>) target(%arg15 : memref<800xi32, #tpu.memory_space<vmem>>) target_semaphore(%run_scoped3A : memref<!tpu.dma_semaphore, #tpu.memory_space<semaphore_mem>>)
          %dma_wait3A_59 = tpu.memref_slice %arg6[%add3A_44] : memref<1600000xi32, #tpu.memory_space<hbm>> -> memref<800xi32, #tpu.memory_space<hbm>>
          %dma_wait3A_60 = tpu.memref_slice %arg6[%add3A_44] : memref<1600000xi32, #tpu.memory_space<hbm>> -> memref<800xi32, #tpu.memory_space<hbm>>
          tpu.wait_dma2 semaphore(%run_scoped3A : memref<!tpu.dma_semaphore, #tpu.memory_space<semaphore_mem>>) src(%dma_wait3A_60 : memref<800xi32, #tpu.memory_space<hbm>>) dst(%arg15 : memref<800xi32, #tpu.memory_space<vmem>>)
          tpu.yield
        }) : () -> ()
        "tpu.region"() ({
          %run_scoped3A = tpu.sem_alloc : memref<!tpu.dma_semaphore, #tpu.memory_space<semaphore_mem>>
          %dma_start3A_57 = tpu.memref_slice %arg7[%add3A_44] : memref<1600000xi32, #tpu.memory_space<hbm>> -> memref<800xi32, #tpu.memory_space<hbm>>
          %dma_start3A_58 = tpu.memref_slice %arg7[%add3A_44] : memref<1600000xi32, #tpu.memory_space<hbm>> -> memref<800xi32, #tpu.memory_space<hbm>>
          tpu.enqueue_dma source(%dma_start3A_58 : memref<800xi32, #tpu.memory_space<hbm>>) target(%arg16 : memref<800xi32, #tpu.memory_space<vmem>>) target_semaphore(%run_scoped3A : memref<!tpu.dma_semaphore, #tpu.memory_space<semaphore_mem>>)
          %dma_wait3A_59 = tpu.memref_slice %arg7[%add3A_44] : memref<1600000xi32, #tpu.memory_space<hbm>> -> memref<800xi32, #tpu.memory_space<hbm>>
          %dma_wait3A_60 = tpu.memref_slice %arg7[%add3A_44] : memref<1600000xi32, #tpu.memory_space<hbm>> -> memref<800xi32, #tpu.memory_space<hbm>>
          tpu.wait_dma2 semaphore(%run_scoped3A : memref<!tpu.dma_semaphore, #tpu.memory_space<semaphore_mem>>) src(%dma_wait3A_60 : memref<800xi32, #tpu.memory_space<hbm>>) dst(%arg16 : memref<800xi32, #tpu.memory_space<vmem>>)
          tpu.yield
        }) : () -> ()
        %dma_start3A_48 = arith.constant 0 : i32
        %dma_start3A_49 = arith.constant 0 : i32
        %dma_start3A_50 = tpu.memref_slice %arg4[%dma_start3A_48, %dma_start3A_49] : memref<100096x16xf32, #tpu.memory_space<hbm>> -> memref<100096x16xf32, #tpu.memory_space<hbm>>
        tpu.enqueue_indirect_dma source(%dma_start3A_50 : memref<100096x16xf32, #tpu.memory_space<hbm>>) target(%arg18 : memref<800x16xf32, #tpu.memory_space<vmem>>) offsets(%arg15 : memref<800xi32, #tpu.memory_space<vmem>>) semaphore(%arg21 : memref<!tpu.dma_semaphore, #tpu.memory_space<semaphore_mem>>)
        %dma_wait3A_51 = arith.constant 0 : i32
        %dma_wait3A_52 = arith.constant 0 : i32
        %dma_wait3A_53 = tpu.memref_slice %arg4[%dma_wait3A_51, %dma_wait3A_52] : memref<100096x16xf32, #tpu.memory_space<hbm>> -> memref<100096x16xf32, #tpu.memory_space<hbm>>
        tpu.wait_indirect_dma semaphore(%arg20 : memref<!tpu.dma_semaphore, #tpu.memory_space<semaphore_mem>>) src(%dma_wait3A_53 : memref<100096x16xf32, #tpu.memory_space<hbm>>) dst(%arg17 : memref<800x16xf32, #tpu.memory_space<vmem>>)
        "tpu.region"() ({
          %run_scoped3A = tpu.sem_alloc : memref<!tpu.dma_semaphore, #tpu.memory_space<semaphore_mem>>
          %dma_start3A_57 = arith.constant 0 : i32
          %dma_start3A_58 = arith.constant 0 : i32
          %dma_start3A_59 = tpu.memref_slice %arg19[%dma_start3A_57, %dma_start3A_58] : memref<100096x16xf32, #tpu.memory_space<vmem_shared>> -> memref<100096x16xf32, #tpu.memory_space<vmem_shared>>
          tpu.enqueue_indirect_dma source(%arg17 : memref<800x16xf32, #tpu.memory_space<vmem>>) target(%dma_start3A_59 : memref<100096x16xf32, #tpu.memory_space<vmem_shared>>) offsets(%arg14 : memref<800xi32, #tpu.memory_space<vmem>>) semaphore(%run_scoped3A : memref<!tpu.dma_semaphore, #tpu.memory_space<semaphore_mem>>) {add = true}
          %dma_wait3A_60 = arith.constant 0 : i32
          %dma_wait3A_61 = arith.constant 0 : i32
          %dma_wait3A_62 = tpu.memref_slice %arg19[%dma_wait3A_60, %dma_wait3A_61] : memref<100096x16xf32, #tpu.memory_space<vmem_shared>> -> memref<100096x16xf32, #tpu.memory_space<vmem_shared>>
          tpu.wait_indirect_dma semaphore(%run_scoped3A : memref<!tpu.dma_semaphore, #tpu.memory_space<semaphore_mem>>) src(%arg17 : memref<800x16xf32, #tpu.memory_space<vmem>>) dst(%dma_wait3A_62 : memref<100096x16xf32, #tpu.memory_space<vmem_shared>>)
          tpu.yield
        }) : () -> ()
        %dma_wait3A_54 = arith.constant 0 : i32
        %dma_wait3A_55 = arith.constant 0 : i32
        %dma_wait3A_56 = tpu.memref_slice %arg4[%dma_wait3A_54, %dma_wait3A_55] : memref<100096x16xf32, #tpu.memory_space<hbm>> -> memref<100096x16xf32, #tpu.memory_space<hbm>>
        tpu.wait_indirect_dma semaphore(%arg21 : memref<!tpu.dma_semaphore, #tpu.memory_space<semaphore_mem>>) src(%dma_wait3A_56 : memref<100096x16xf32, #tpu.memory_space<hbm>>) dst(%arg18 : memref<800x16xf32, #tpu.memory_space<vmem>>)
        "tpu.region"() ({
          %run_scoped3A = tpu.sem_alloc : memref<!tpu.dma_semaphore, #tpu.memory_space<semaphore_mem>>
          %dma_start3A_57 = arith.constant 0 : i32
          %dma_start3A_58 = arith.constant 0 : i32
          %dma_start3A_59 = tpu.memref_slice %arg19[%dma_start3A_57, %dma_start3A_58] : memref<100096x16xf32, #tpu.memory_space<vmem_shared>> -> memref<100096x16xf32, #tpu.memory_space<vmem_shared>>
          tpu.enqueue_indirect_dma source(%arg18 : memref<800x16xf32, #tpu.memory_space<vmem>>) target(%dma_start3A_59 : memref<100096x16xf32, #tpu.memory_space<vmem_shared>>) offsets(%arg16 : memref<800xi32, #tpu.memory_space<vmem>>) semaphore(%run_scoped3A : memref<!tpu.dma_semaphore, #tpu.memory_space<semaphore_mem>>) {add = true}
          %dma_wait3A_60 = arith.constant 0 : i32
          %dma_wait3A_61 = arith.constant 0 : i32
          %dma_wait3A_62 = tpu.memref_slice %arg19[%dma_wait3A_60, %dma_wait3A_61] : memref<100096x16xf32, #tpu.memory_space<vmem_shared>> -> memref<100096x16xf32, #tpu.memory_space<vmem_shared>>
          tpu.wait_indirect_dma semaphore(%run_scoped3A : memref<!tpu.dma_semaphore, #tpu.memory_space<semaphore_mem>>) src(%arg18 : memref<800x16xf32, #tpu.memory_space<vmem>>) dst(%dma_wait3A_62 : memref<100096x16xf32, #tpu.memory_space<vmem_shared>>)
          tpu.yield
        }) : () -> ()
      }
      %scan3A_14 = arith.constant 62 : i32
      %add3A = arith.constant 99200 : i32
      %add3A_15 = arith.addi %mul3A_0, %add3A : i32
      "tpu.region"() ({
        %run_scoped3A = tpu.sem_alloc : memref<!tpu.dma_semaphore, #tpu.memory_space<semaphore_mem>>
        %dma_start3A_37 = tpu.memref_slice %arg6[%add3A_15] : memref<1600000xi32, #tpu.memory_space<hbm>> -> memref<800xi32, #tpu.memory_space<hbm>>
        %dma_start3A_38 = tpu.memref_slice %arg6[%add3A_15] : memref<1600000xi32, #tpu.memory_space<hbm>> -> memref<800xi32, #tpu.memory_space<hbm>>
        tpu.enqueue_dma source(%dma_start3A_38 : memref<800xi32, #tpu.memory_space<hbm>>) target(%arg13 : memref<800xi32, #tpu.memory_space<vmem>>) target_semaphore(%run_scoped3A : memref<!tpu.dma_semaphore, #tpu.memory_space<semaphore_mem>>)
        %dma_wait3A_39 = tpu.memref_slice %arg6[%add3A_15] : memref<1600000xi32, #tpu.memory_space<hbm>> -> memref<800xi32, #tpu.memory_space<hbm>>
        %dma_wait3A_40 = tpu.memref_slice %arg6[%add3A_15] : memref<1600000xi32, #tpu.memory_space<hbm>> -> memref<800xi32, #tpu.memory_space<hbm>>
        tpu.wait_dma2 semaphore(%run_scoped3A : memref<!tpu.dma_semaphore, #tpu.memory_space<semaphore_mem>>) src(%dma_wait3A_40 : memref<800xi32, #tpu.memory_space<hbm>>) dst(%arg13 : memref<800xi32, #tpu.memory_space<vmem>>)
        tpu.yield
      }) : () -> ()
      "tpu.region"() ({
        %run_scoped3A = tpu.sem_alloc : memref<!tpu.dma_semaphore, #tpu.memory_space<semaphore_mem>>
        %dma_start3A_37 = tpu.memref_slice %arg7[%add3A_15] : memref<1600000xi32, #tpu.memory_space<hbm>> -> memref<800xi32, #tpu.memory_space<hbm>>
        %dma_start3A_38 = tpu.memref_slice %arg7[%add3A_15] : memref<1600000xi32, #tpu.memory_space<hbm>> -> memref<800xi32, #tpu.memory_space<hbm>>
        tpu.enqueue_dma source(%dma_start3A_38 : memref<800xi32, #tpu.memory_space<hbm>>) target(%arg14 : memref<800xi32, #tpu.memory_space<vmem>>) target_semaphore(%run_scoped3A : memref<!tpu.dma_semaphore, #tpu.memory_space<semaphore_mem>>)
        %dma_wait3A_39 = tpu.memref_slice %arg7[%add3A_15] : memref<1600000xi32, #tpu.memory_space<hbm>> -> memref<800xi32, #tpu.memory_space<hbm>>
        %dma_wait3A_40 = tpu.memref_slice %arg7[%add3A_15] : memref<1600000xi32, #tpu.memory_space<hbm>> -> memref<800xi32, #tpu.memory_space<hbm>>
        tpu.wait_dma2 semaphore(%run_scoped3A : memref<!tpu.dma_semaphore, #tpu.memory_space<semaphore_mem>>) src(%dma_wait3A_40 : memref<800xi32, #tpu.memory_space<hbm>>) dst(%arg14 : memref<800xi32, #tpu.memory_space<vmem>>)
        tpu.yield
      }) : () -> ()
      %dma_start3A = arith.constant 0 : i32
      %dma_start3A_16 = arith.constant 0 : i32
      %dma_start3A_17 = tpu.memref_slice %arg4[%dma_start3A, %dma_start3A_16] : memref<100096x16xf32, #tpu.memory_space<hbm>> -> memref<100096x16xf32, #tpu.memory_space<hbm>>
      tpu.enqueue_indirect_dma source(%dma_start3A_17 : memref<100096x16xf32, #tpu.memory_space<hbm>>) target(%arg17 : memref<800x16xf32, #tpu.memory_space<vmem>>) offsets(%arg13 : memref<800xi32, #tpu.memory_space<vmem>>) semaphore(%arg20 : memref<!tpu.dma_semaphore, #tpu.memory_space<semaphore_mem>>)
      %dma_wait3A = arith.constant 0 : i32
      %dma_wait3A_18 = arith.constant 0 : i32
      %dma_wait3A_19 = tpu.memref_slice %arg4[%dma_wait3A, %dma_wait3A_18] : memref<100096x16xf32, #tpu.memory_space<hbm>> -> memref<100096x16xf32, #tpu.memory_space<hbm>>
      tpu.wait_indirect_dma semaphore(%arg20 : memref<!tpu.dma_semaphore, #tpu.memory_space<semaphore_mem>>) src(%dma_wait3A_19 : memref<100096x16xf32, #tpu.memory_space<hbm>>) dst(%arg17 : memref<800x16xf32, #tpu.memory_space<vmem>>)
      "tpu.region"() ({
        %run_scoped3A = tpu.sem_alloc : memref<!tpu.dma_semaphore, #tpu.memory_space<semaphore_mem>>
        %dma_start3A_37 = arith.constant 0 : i32
        %dma_start3A_38 = arith.constant 0 : i32
        %dma_start3A_39 = tpu.memref_slice %arg19[%dma_start3A_37, %dma_start3A_38] : memref<100096x16xf32, #tpu.memory_space<vmem_shared>> -> memref<100096x16xf32, #tpu.memory_space<vmem_shared>>
        tpu.enqueue_indirect_dma source(%arg17 : memref<800x16xf32, #tpu.memory_space<vmem>>) target(%dma_start3A_39 : memref<100096x16xf32, #tpu.memory_space<vmem_shared>>) offsets(%arg14 : memref<800xi32, #tpu.memory_space<vmem>>) semaphore(%run_scoped3A : memref<!tpu.dma_semaphore, #tpu.memory_space<semaphore_mem>>) {add = true}
        %dma_wait3A_40 = arith.constant 0 : i32
        %dma_wait3A_41 = arith.constant 0 : i32
        %dma_wait3A_42 = tpu.memref_slice %arg19[%dma_wait3A_40, %dma_wait3A_41] : memref<100096x16xf32, #tpu.memory_space<vmem_shared>> -> memref<100096x16xf32, #tpu.memory_space<vmem_shared>>
        tpu.wait_indirect_dma semaphore(%run_scoped3A : memref<!tpu.dma_semaphore, #tpu.memory_space<semaphore_mem>>) src(%arg17 : memref<800x16xf32, #tpu.memory_space<vmem>>) dst(%dma_wait3A_42 : memref<100096x16xf32, #tpu.memory_space<vmem_shared>>)
        tpu.yield
      }) : () -> ()
      %barrier3A_20 = arith.constant 0 : index
      tpu.barrier barrier_id(%barrier3A_20)
      "tpu.region"() ({
        %run_scoped3A = tpu.sem_alloc : memref<!tpu.dma_semaphore, #tpu.memory_space<semaphore_mem>>
        %dma_start3A_37 = arith.constant 0 : i32
        %dma_start3A_38 = tpu.memref_slice %arg11[%mul3A_2, %dma_start3A_37] : memref<100096x16xf32, #tpu.memory_space<hbm>> -> memref<6256x16xf32, #tpu.memory_space<hbm>>
        %dma_start3A_39 = arith.constant 0 : i32
        %dma_start3A_40 = tpu.memref_slice %arg19[%mul3A_2, %dma_start3A_39] : memref<100096x16xf32, #tpu.memory_space<vmem_shared>> -> memref<6256x16xf32, #tpu.memory_space<vmem_shared>>
        tpu.enqueue_dma source(%dma_start3A_40 : memref<6256x16xf32, #tpu.memory_space<vmem_shared>>) target(%dma_start3A_38 : memref<6256x16xf32, #tpu.memory_space<hbm>>) target_semaphore(%run_scoped3A : memref<!tpu.dma_semaphore, #tpu.memory_space<semaphore_mem>>)
        %dma_wait3A_41 = arith.constant 0 : i32
        %dma_wait3A_42 = tpu.memref_slice %arg11[%mul3A_2, %dma_wait3A_41] : memref<100096x16xf32, #tpu.memory_space<hbm>> -> memref<6256x16xf32, #tpu.memory_space<hbm>>
        %dma_wait3A_43 = arith.constant 0 : i32
        %dma_wait3A_44 = tpu.memref_slice %arg19[%mul3A_2, %dma_wait3A_43] : memref<100096x16xf32, #tpu.memory_space<vmem_shared>> -> memref<6256x16xf32, #tpu.memory_space<vmem_shared>>
        tpu.wait_dma2 semaphore(%run_scoped3A : memref<!tpu.dma_semaphore, #tpu.memory_space<semaphore_mem>>) src(%dma_wait3A_44 : memref<6256x16xf32, #tpu.memory_space<vmem_shared>>) dst(%dma_wait3A_42 : memref<6256x16xf32, #tpu.memory_space<hbm>>)
        tpu.yield
      }) : () -> ()
      "tpu.region"() ({
        %run_scoped3A = tpu.sem_alloc : memref<!tpu.dma_semaphore, #tpu.memory_space<semaphore_mem>>
        %dma_start3A_37 = arith.constant 0 : i32
        %dma_start3A_38 = tpu.memref_slice %arg19[%mul3A_2, %dma_start3A_37] : memref<100096x16xf32, #tpu.memory_space<vmem_shared>> -> memref<6256x16xf32, #tpu.memory_space<vmem_shared>>
        %dma_start3A_39 = arith.constant 0 : i32
        %dma_start3A_40 = tpu.memref_slice %arg8[%mul3A_2, %dma_start3A_39] : memref<100096x16xf32, #tpu.memory_space<hbm>> -> memref<6256x16xf32, #tpu.memory_space<hbm>>
        tpu.enqueue_dma source(%dma_start3A_40 : memref<6256x16xf32, #tpu.memory_space<hbm>>) target(%dma_start3A_38 : memref<6256x16xf32, #tpu.memory_space<vmem_shared>>) target_semaphore(%run_scoped3A : memref<!tpu.dma_semaphore, #tpu.memory_space<semaphore_mem>>)
        %dma_wait3A_41 = arith.constant 0 : i32
        %dma_wait3A_42 = tpu.memref_slice %arg19[%mul3A_2, %dma_wait3A_41] : memref<100096x16xf32, #tpu.memory_space<vmem_shared>> -> memref<6256x16xf32, #tpu.memory_space<vmem_shared>>
        %dma_wait3A_43 = arith.constant 0 : i32
        %dma_wait3A_44 = tpu.memref_slice %arg8[%mul3A_2, %dma_wait3A_43] : memref<100096x16xf32, #tpu.memory_space<hbm>> -> memref<6256x16xf32, #tpu.memory_space<hbm>>
        tpu.wait_dma2 semaphore(%run_scoped3A : memref<!tpu.dma_semaphore, #tpu.memory_space<semaphore_mem>>) src(%dma_wait3A_44 : memref<6256x16xf32, #tpu.memory_space<hbm>>) dst(%dma_wait3A_42 : memref<6256x16xf32, #tpu.memory_space<vmem_shared>>)
        tpu.yield
      }) : () -> ()
      %barrier3A_21 = arith.constant 0 : index
      tpu.barrier barrier_id(%barrier3A_21)
      %scan3A_22 = arith.constant 0 : i32
      %scan3A_23 = arith.constant 0 : i32
      %scan3A_24 = arith.constant 62 : i32
      %scan3A_25 = arith.addi %scan3A_23, %scan3A_24 : i32
      %scan3A_26 = arith.constant 1 : i32
      scf.for %scan3A_37 = %scan3A_23 to %scan3A_25 step %scan3A_26  : i32 {
        %mul3A_38 = arith.constant 2 : i32
        %mul3A_39 = arith.muli %mul3A_38, %scan3A_37 : i32
        %mul3A_40 = arith.constant 800 : i32
        %mul3A_41 = arith.muli %mul3A_39, %mul3A_40 : i32
        %add3A_42 = arith.addi %mul3A_0, %mul3A_41 : i32
        %add3A_43 = arith.constant 800 : i32
        %add3A_44 = arith.addi %add3A_42, %add3A_43 : i32
        "tpu.region"() ({
          %run_scoped3A = tpu.sem_alloc : memref<!tpu.dma_semaphore, #tpu.memory_space<semaphore_mem>>
          %dma_start3A_57 = tpu.memref_slice %arg6[%add3A_42] : memref<1600000xi32, #tpu.memory_space<hbm>> -> memref<800xi32, #tpu.memory_space<hbm>>
          %dma_start3A_58 = tpu.memref_slice %arg6[%add3A_42] : memref<1600000xi32, #tpu.memory_space<hbm>> -> memref<800xi32, #tpu.memory_space<hbm>>
          tpu.enqueue_dma source(%dma_start3A_58 : memref<800xi32, #tpu.memory_space<hbm>>) target(%arg13 : memref<800xi32, #tpu.memory_space<vmem>>) target_semaphore(%run_scoped3A : memref<!tpu.dma_semaphore, #tpu.memory_space<semaphore_mem>>)
          %dma_wait3A_59 = tpu.memref_slice %arg6[%add3A_42] : memref<1600000xi32, #tpu.memory_space<hbm>> -> memref<800xi32, #tpu.memory_space<hbm>>
          %dma_wait3A_60 = tpu.memref_slice %arg6[%add3A_42] : memref<1600000xi32, #tpu.memory_space<hbm>> -> memref<800xi32, #tpu.memory_space<hbm>>
          tpu.wait_dma2 semaphore(%run_scoped3A : memref<!tpu.dma_semaphore, #tpu.memory_space<semaphore_mem>>) src(%dma_wait3A_60 : memref<800xi32, #tpu.memory_space<hbm>>) dst(%arg13 : memref<800xi32, #tpu.memory_space<vmem>>)
          tpu.yield
        }) : () -> ()
        "tpu.region"() ({
          %run_scoped3A = tpu.sem_alloc : memref<!tpu.dma_semaphore, #tpu.memory_space<semaphore_mem>>
          %dma_start3A_57 = tpu.memref_slice %arg7[%add3A_42] : memref<1600000xi32, #tpu.memory_space<hbm>> -> memref<800xi32, #tpu.memory_space<hbm>>
          %dma_start3A_58 = tpu.memref_slice %arg7[%add3A_42] : memref<1600000xi32, #tpu.memory_space<hbm>> -> memref<800xi32, #tpu.memory_space<hbm>>
          tpu.enqueue_dma source(%dma_start3A_58 : memref<800xi32, #tpu.memory_space<hbm>>) target(%arg14 : memref<800xi32, #tpu.memory_space<vmem>>) target_semaphore(%run_scoped3A : memref<!tpu.dma_semaphore, #tpu.memory_space<semaphore_mem>>)
          %dma_wait3A_59 = tpu.memref_slice %arg7[%add3A_42] : memref<1600000xi32, #tpu.memory_space<hbm>> -> memref<800xi32, #tpu.memory_space<hbm>>
          %dma_wait3A_60 = tpu.memref_slice %arg7[%add3A_42] : memref<1600000xi32, #tpu.memory_space<hbm>> -> memref<800xi32, #tpu.memory_space<hbm>>
          tpu.wait_dma2 semaphore(%run_scoped3A : memref<!tpu.dma_semaphore, #tpu.memory_space<semaphore_mem>>) src(%dma_wait3A_60 : memref<800xi32, #tpu.memory_space<hbm>>) dst(%arg14 : memref<800xi32, #tpu.memory_space<vmem>>)
          tpu.yield
        }) : () -> ()
        %dma_start3A_45 = arith.constant 0 : i32
        %dma_start3A_46 = arith.constant 0 : i32
        %dma_start3A_47 = tpu.memref_slice %arg5[%dma_start3A_45, %dma_start3A_46] : memref<100096x16xf32, #tpu.memory_space<hbm>> -> memref<100096x16xf32, #tpu.memory_space<hbm>>
        tpu.enqueue_indirect_dma source(%dma_start3A_47 : memref<100096x16xf32, #tpu.memory_space<hbm>>) target(%arg17 : memref<800x16xf32, #tpu.memory_space<vmem>>) offsets(%arg13 : memref<800xi32, #tpu.memory_space<vmem>>) semaphore(%arg20 : memref<!tpu.dma_semaphore, #tpu.memory_space<semaphore_mem>>)
        "tpu.region"() ({
          %run_scoped3A = tpu.sem_alloc : memref<!tpu.dma_semaphore, #tpu.memory_space<semaphore_mem>>
          %dma_start3A_57 = tpu.memref_slice %arg6[%add3A_44] : memref<1600000xi32, #tpu.memory_space<hbm>> -> memref<800xi32, #tpu.memory_space<hbm>>
          %dma_start3A_58 = tpu.memref_slice %arg6[%add3A_44] : memref<1600000xi32, #tpu.memory_space<hbm>> -> memref<800xi32, #tpu.memory_space<hbm>>
          tpu.enqueue_dma source(%dma_start3A_58 : memref<800xi32, #tpu.memory_space<hbm>>) target(%arg15 : memref<800xi32, #tpu.memory_space<vmem>>) target_semaphore(%run_scoped3A : memref<!tpu.dma_semaphore, #tpu.memory_space<semaphore_mem>>)
          %dma_wait3A_59 = tpu.memref_slice %arg6[%add3A_44] : memref<1600000xi32, #tpu.memory_space<hbm>> -> memref<800xi32, #tpu.memory_space<hbm>>
          %dma_wait3A_60 = tpu.memref_slice %arg6[%add3A_44] : memref<1600000xi32, #tpu.memory_space<hbm>> -> memref<800xi32, #tpu.memory_space<hbm>>
          tpu.wait_dma2 semaphore(%run_scoped3A : memref<!tpu.dma_semaphore, #tpu.memory_space<semaphore_mem>>) src(%dma_wait3A_60 : memref<800xi32, #tpu.memory_space<hbm>>) dst(%arg15 : memref<800xi32, #tpu.memory_space<vmem>>)
          tpu.yield
        }) : () -> ()
        "tpu.region"() ({
          %run_scoped3A = tpu.sem_alloc : memref<!tpu.dma_semaphore, #tpu.memory_space<semaphore_mem>>
          %dma_start3A_57 = tpu.memref_slice %arg7[%add3A_44] : memref<1600000xi32, #tpu.memory_space<hbm>> -> memref<800xi32, #tpu.memory_space<hbm>>
          %dma_start3A_58 = tpu.memref_slice %arg7[%add3A_44] : memref<1600000xi32, #tpu.memory_space<hbm>> -> memref<800xi32, #tpu.memory_space<hbm>>
          tpu.enqueue_dma source(%dma_start3A_58 : memref<800xi32, #tpu.memory_space<hbm>>) target(%arg16 : memref<800xi32, #tpu.memory_space<vmem>>) target_semaphore(%run_scoped3A : memref<!tpu.dma_semaphore, #tpu.memory_space<semaphore_mem>>)
          %dma_wait3A_59 = tpu.memref_slice %arg7[%add3A_44] : memref<1600000xi32, #tpu.memory_space<hbm>> -> memref<800xi32, #tpu.memory_space<hbm>>
          %dma_wait3A_60 = tpu.memref_slice %arg7[%add3A_44] : memref<1600000xi32, #tpu.memory_space<hbm>> -> memref<800xi32, #tpu.memory_space<hbm>>
          tpu.wait_dma2 semaphore(%run_scoped3A : memref<!tpu.dma_semaphore, #tpu.memory_space<semaphore_mem>>) src(%dma_wait3A_60 : memref<800xi32, #tpu.memory_space<hbm>>) dst(%arg16 : memref<800xi32, #tpu.memory_space<vmem>>)
          tpu.yield
        }) : () -> ()
        %dma_start3A_48 = arith.constant 0 : i32
        %dma_start3A_49 = arith.constant 0 : i32
        %dma_start3A_50 = tpu.memref_slice %arg5[%dma_start3A_48, %dma_start3A_49] : memref<100096x16xf32, #tpu.memory_space<hbm>> -> memref<100096x16xf32, #tpu.memory_space<hbm>>
        tpu.enqueue_indirect_dma source(%dma_start3A_50 : memref<100096x16xf32, #tpu.memory_space<hbm>>) target(%arg18 : memref<800x16xf32, #tpu.memory_space<vmem>>) offsets(%arg15 : memref<800xi32, #tpu.memory_space<vmem>>) semaphore(%arg21 : memref<!tpu.dma_semaphore, #tpu.memory_space<semaphore_mem>>)
        %dma_wait3A_51 = arith.constant 0 : i32
        %dma_wait3A_52 = arith.constant 0 : i32
        %dma_wait3A_53 = tpu.memref_slice %arg5[%dma_wait3A_51, %dma_wait3A_52] : memref<100096x16xf32, #tpu.memory_space<hbm>> -> memref<100096x16xf32, #tpu.memory_space<hbm>>
        tpu.wait_indirect_dma semaphore(%arg20 : memref<!tpu.dma_semaphore, #tpu.memory_space<semaphore_mem>>) src(%dma_wait3A_53 : memref<100096x16xf32, #tpu.memory_space<hbm>>) dst(%arg17 : memref<800x16xf32, #tpu.memory_space<vmem>>)
        "tpu.region"() ({
          %run_scoped3A = tpu.sem_alloc : memref<!tpu.dma_semaphore, #tpu.memory_space<semaphore_mem>>
          %dma_start3A_57 = arith.constant 0 : i32
          %dma_start3A_58 = arith.constant 0 : i32
          %dma_start3A_59 = tpu.memref_slice %arg19[%dma_start3A_57, %dma_start3A_58] : memref<100096x16xf32, #tpu.memory_space<vmem_shared>> -> memref<100096x16xf32, #tpu.memory_space<vmem_shared>>
          tpu.enqueue_indirect_dma source(%arg17 : memref<800x16xf32, #tpu.memory_space<vmem>>) target(%dma_start3A_59 : memref<100096x16xf32, #tpu.memory_space<vmem_shared>>) offsets(%arg14 : memref<800xi32, #tpu.memory_space<vmem>>) semaphore(%run_scoped3A : memref<!tpu.dma_semaphore, #tpu.memory_space<semaphore_mem>>) {add = true}
          %dma_wait3A_60 = arith.constant 0 : i32
          %dma_wait3A_61 = arith.constant 0 : i32
          %dma_wait3A_62 = tpu.memref_slice %arg19[%dma_wait3A_60, %dma_wait3A_61] : memref<100096x16xf32, #tpu.memory_space<vmem_shared>> -> memref<100096x16xf32, #tpu.memory_space<vmem_shared>>
          tpu.wait_indirect_dma semaphore(%run_scoped3A : memref<!tpu.dma_semaphore, #tpu.memory_space<semaphore_mem>>) src(%arg17 : memref<800x16xf32, #tpu.memory_space<vmem>>) dst(%dma_wait3A_62 : memref<100096x16xf32, #tpu.memory_space<vmem_shared>>)
          tpu.yield
        }) : () -> ()
        %dma_wait3A_54 = arith.constant 0 : i32
        %dma_wait3A_55 = arith.constant 0 : i32
        %dma_wait3A_56 = tpu.memref_slice %arg5[%dma_wait3A_54, %dma_wait3A_55] : memref<100096x16xf32, #tpu.memory_space<hbm>> -> memref<100096x16xf32, #tpu.memory_space<hbm>>
        tpu.wait_indirect_dma semaphore(%arg21 : memref<!tpu.dma_semaphore, #tpu.memory_space<semaphore_mem>>) src(%dma_wait3A_56 : memref<100096x16xf32, #tpu.memory_space<hbm>>) dst(%arg18 : memref<800x16xf32, #tpu.memory_space<vmem>>)
        "tpu.region"() ({
          %run_scoped3A = tpu.sem_alloc : memref<!tpu.dma_semaphore, #tpu.memory_space<semaphore_mem>>
          %dma_start3A_57 = arith.constant 0 : i32
          %dma_start3A_58 = arith.constant 0 : i32
          %dma_start3A_59 = tpu.memref_slice %arg19[%dma_start3A_57, %dma_start3A_58] : memref<100096x16xf32, #tpu.memory_space<vmem_shared>> -> memref<100096x16xf32, #tpu.memory_space<vmem_shared>>
          tpu.enqueue_indirect_dma source(%arg18 : memref<800x16xf32, #tpu.memory_space<vmem>>) target(%dma_start3A_59 : memref<100096x16xf32, #tpu.memory_space<vmem_shared>>) offsets(%arg16 : memref<800xi32, #tpu.memory_space<vmem>>) semaphore(%run_scoped3A : memref<!tpu.dma_semaphore, #tpu.memory_space<semaphore_mem>>) {add = true}
          %dma_wait3A_60 = arith.constant 0 : i32
          %dma_wait3A_61 = arith.constant 0 : i32
          %dma_wait3A_62 = tpu.memref_slice %arg19[%dma_wait3A_60, %dma_wait3A_61] : memref<100096x16xf32, #tpu.memory_space<vmem_shared>> -> memref<100096x16xf32, #tpu.memory_space<vmem_shared>>
          tpu.wait_indirect_dma semaphore(%run_scoped3A : memref<!tpu.dma_semaphore, #tpu.memory_space<semaphore_mem>>) src(%arg18 : memref<800x16xf32, #tpu.memory_space<vmem>>) dst(%dma_wait3A_62 : memref<100096x16xf32, #tpu.memory_space<vmem_shared>>)
          tpu.yield
        }) : () -> ()
      }
      %scan3A_27 = arith.constant 62 : i32
      %add3A_28 = arith.constant 99200 : i32
      %add3A_29 = arith.addi %mul3A_0, %add3A_28 : i32
      "tpu.region"() ({
        %run_scoped3A = tpu.sem_alloc : memref<!tpu.dma_semaphore, #tpu.memory_space<semaphore_mem>>
        %dma_start3A_37 = tpu.memref_slice %arg6[%add3A_29] : memref<1600000xi32, #tpu.memory_space<hbm>> -> memref<800xi32, #tpu.memory_space<hbm>>
        %dma_start3A_38 = tpu.memref_slice %arg6[%add3A_29] : memref<1600000xi32, #tpu.memory_space<hbm>> -> memref<800xi32, #tpu.memory_space<hbm>>
        tpu.enqueue_dma source(%dma_start3A_38 : memref<800xi32, #tpu.memory_space<hbm>>) target(%arg13 : memref<800xi32, #tpu.memory_space<vmem>>) target_semaphore(%run_scoped3A : memref<!tpu.dma_semaphore, #tpu.memory_space<semaphore_mem>>)
        %dma_wait3A_39 = tpu.memref_slice %arg6[%add3A_29] : memref<1600000xi32, #tpu.memory_space<hbm>> -> memref<800xi32, #tpu.memory_space<hbm>>
        %dma_wait3A_40 = tpu.memref_slice %arg6[%add3A_29] : memref<1600000xi32, #tpu.memory_space<hbm>> -> memref<800xi32, #tpu.memory_space<hbm>>
        tpu.wait_dma2 semaphore(%run_scoped3A : memref<!tpu.dma_semaphore, #tpu.memory_space<semaphore_mem>>) src(%dma_wait3A_40 : memref<800xi32, #tpu.memory_space<hbm>>) dst(%arg13 : memref<800xi32, #tpu.memory_space<vmem>>)
        tpu.yield
      }) : () -> ()
      "tpu.region"() ({
        %run_scoped3A = tpu.sem_alloc : memref<!tpu.dma_semaphore, #tpu.memory_space<semaphore_mem>>
        %dma_start3A_37 = tpu.memref_slice %arg7[%add3A_29] : memref<1600000xi32, #tpu.memory_space<hbm>> -> memref<800xi32, #tpu.memory_space<hbm>>
        %dma_start3A_38 = tpu.memref_slice %arg7[%add3A_29] : memref<1600000xi32, #tpu.memory_space<hbm>> -> memref<800xi32, #tpu.memory_space<hbm>>
        tpu.enqueue_dma source(%dma_start3A_38 : memref<800xi32, #tpu.memory_space<hbm>>) target(%arg14 : memref<800xi32, #tpu.memory_space<vmem>>) target_semaphore(%run_scoped3A : memref<!tpu.dma_semaphore, #tpu.memory_space<semaphore_mem>>)
        %dma_wait3A_39 = tpu.memref_slice %arg7[%add3A_29] : memref<1600000xi32, #tpu.memory_space<hbm>> -> memref<800xi32, #tpu.memory_space<hbm>>
        %dma_wait3A_40 = tpu.memref_slice %arg7[%add3A_29] : memref<1600000xi32, #tpu.memory_space<hbm>> -> memref<800xi32, #tpu.memory_space<hbm>>
        tpu.wait_dma2 semaphore(%run_scoped3A : memref<!tpu.dma_semaphore, #tpu.memory_space<semaphore_mem>>) src(%dma_wait3A_40 : memref<800xi32, #tpu.memory_space<hbm>>) dst(%arg14 : memref<800xi32, #tpu.memory_space<vmem>>)
        tpu.yield
      }) : () -> ()
      %dma_start3A_30 = arith.constant 0 : i32
      %dma_start3A_31 = arith.constant 0 : i32
      %dma_start3A_32 = tpu.memref_slice %arg5[%dma_start3A_30, %dma_start3A_31] : memref<100096x16xf32, #tpu.memory_space<hbm>> -> memref<100096x16xf32, #tpu.memory_space<hbm>>
      tpu.enqueue_indirect_dma source(%dma_start3A_32 : memref<100096x16xf32, #tpu.memory_space<hbm>>) target(%arg17 : memref<800x16xf32, #tpu.memory_space<vmem>>) offsets(%arg13 : memref<800xi32, #tpu.memory_space<vmem>>) semaphore(%arg20 : memref<!tpu.dma_semaphore, #tpu.memory_space<semaphore_mem>>)
      %dma_wait3A_33 = arith.constant 0 : i32
      %dma_wait3A_34 = arith.constant 0 : i32
      %dma_wait3A_35 = tpu.memref_slice %arg5[%dma_wait3A_33, %dma_wait3A_34] : memref<100096x16xf32, #tpu.memory_space<hbm>> -> memref<100096x16xf32, #tpu.memory_space<hbm>>
      tpu.wait_indirect_dma semaphore(%arg20 : memref<!tpu.dma_semaphore, #tpu.memory_space<semaphore_mem>>) src(%dma_wait3A_35 : memref<100096x16xf32, #tpu.memory_space<hbm>>) dst(%arg17 : memref<800x16xf32, #tpu.memory_space<vmem>>)
      "tpu.region"() ({
        %run_scoped3A = tpu.sem_alloc : memref<!tpu.dma_semaphore, #tpu.memory_space<semaphore_mem>>
        %dma_start3A_37 = arith.constant 0 : i32
        %dma_start3A_38 = arith.constant 0 : i32
        %dma_start3A_39 = tpu.memref_slice %arg19[%dma_start3A_37, %dma_start3A_38] : memref<100096x16xf32, #tpu.memory_space<vmem_shared>> -> memref<100096x16xf32, #tpu.memory_space<vmem_shared>>
        tpu.enqueue_indirect_dma source(%arg17 : memref<800x16xf32, #tpu.memory_space<vmem>>) target(%dma_start3A_39 : memref<100096x16xf32, #tpu.memory_space<vmem_shared>>) offsets(%arg14 : memref<800xi32, #tpu.memory_space<vmem>>) semaphore(%run_scoped3A : memref<!tpu.dma_semaphore, #tpu.memory_space<semaphore_mem>>) {add = true}
        %dma_wait3A_40 = arith.constant 0 : i32
        %dma_wait3A_41 = arith.constant 0 : i32
        %dma_wait3A_42 = tpu.memref_slice %arg19[%dma_wait3A_40, %dma_wait3A_41] : memref<100096x16xf32, #tpu.memory_space<vmem_shared>> -> memref<100096x16xf32, #tpu.memory_space<vmem_shared>>
        tpu.wait_indirect_dma semaphore(%run_scoped3A : memref<!tpu.dma_semaphore, #tpu.memory_space<semaphore_mem>>) src(%arg17 : memref<800x16xf32, #tpu.memory_space<vmem>>) dst(%dma_wait3A_42 : memref<100096x16xf32, #tpu.memory_space<vmem_shared>>)
        tpu.yield
      }) : () -> ()
      %barrier3A_36 = arith.constant 0 : index
      tpu.barrier barrier_id(%barrier3A_36)
      "tpu.region"() ({
        %run_scoped3A = tpu.sem_alloc : memref<!tpu.dma_semaphore, #tpu.memory_space<semaphore_mem>>
        %dma_start3A_37 = arith.constant 0 : i32
        %dma_start3A_38 = tpu.memref_slice %arg12[%mul3A_2, %dma_start3A_37] : memref<100096x16xf32, #tpu.memory_space<hbm>> -> memref<6256x16xf32, #tpu.memory_space<hbm>>
        %dma_start3A_39 = arith.constant 0 : i32
        %dma_start3A_40 = tpu.memref_slice %arg19[%mul3A_2, %dma_start3A_39] : memref<100096x16xf32, #tpu.memory_space<vmem_shared>> -> memref<6256x16xf32, #tpu.memory_space<vmem_shared>>
        tpu.enqueue_dma source(%dma_start3A_40 : memref<6256x16xf32, #tpu.memory_space<vmem_shared>>) target(%dma_start3A_38 : memref<6256x16xf32, #tpu.memory_space<hbm>>) target_semaphore(%run_scoped3A : memref<!tpu.dma_semaphore, #tpu.memory_space<semaphore_mem>>)
        %dma_wait3A_41 = arith.constant 0 : i32
        %dma_wait3A_42 = tpu.memref_slice %arg12[%mul3A_2, %dma_wait3A_41] : memref<100096x16xf32, #tpu.memory_space<hbm>> -> memref<6256x16xf32, #tpu.memory_space<hbm>>
        %dma_wait3A_43 = arith.constant 0 : i32
        %dma_wait3A_44 = tpu.memref_slice %arg19[%mul3A_2, %dma_wait3A_43] : memref<100096x16xf32, #tpu.memory_space<vmem_shared>> -> memref<6256x16xf32, #tpu.memory_space<vmem_shared>>
        tpu.wait_dma2 semaphore(%run_scoped3A : memref<!tpu.dma_semaphore, #tpu.memory_space<semaphore_mem>>) src(%dma_wait3A_44 : memref<6256x16xf32, #tpu.memory_space<vmem_shared>>) dst(%dma_wait3A_42 : memref<6256x16xf32, #tpu.memory_space<hbm>>)
        tpu.yield
      }) : () -> ()
    } else {
    }
    return
  }
}

#map = affine_map<(d0, d1) -> (0, 0)>
#map1 = affine_map<(d0, d1) -> (0)>
module attributes {stable_mosaic.version = 14 : i64} {
  func.func @segsum(%arg0: i32, %arg1: i32, %arg2: memref<100096x16xf32, #tpu.memory_space<hbm>>, %arg3: memref<100096x16xf32, #tpu.memory_space<hbm>>, %arg4: memref<100096x16xf32, #tpu.memory_space<hbm>>, %arg5: memref<100096x16xf32, #tpu.memory_space<hbm>>, %arg6: memref<1600000xi32, #tpu.memory_space<hbm>>, %arg7: memref<1600000xi32, #tpu.memory_space<hbm>>, %arg8: memref<100096x16xf32, #tpu.memory_space<hbm>>, %arg9: memref<100096x16xf32, #tpu.memory_space<hbm>>, %arg10: memref<100096x16xf32, #tpu.memory_space<hbm>>, %arg11: memref<100096x16xf32, #tpu.memory_space<hbm>>, %arg12: memref<100096x16xf32, #tpu.memory_space<hbm>>, %arg13: memref<800xi32, #tpu.memory_space<vmem>>, %arg14: memref<800xi32, #tpu.memory_space<vmem>>, %arg15: memref<800xi32, #tpu.memory_space<vmem>>, %arg16: memref<800xi32, #tpu.memory_space<vmem>>, %arg17: memref<800x16xf32, #tpu.memory_space<vmem>>, %arg18: memref<800x16xf32, #tpu.memory_space<vmem>>, %arg19: memref<100096x16xf32, #tpu.memory_space<vmem_shared>>, %arg20: memref<!tpu.dma_semaphore, #tpu.memory_space<semaphore_mem>>, %arg21: memref<!tpu.dma_semaphore, #tpu.memory_space<semaphore_mem>>) attributes {dimension_semantics = [#tpu.dimension_semantics<core_parallel>, #tpu.dimension_semantics<subcore_parallel>], iteration_bounds = array<i64: 2, 16>, scalar_prefetch = 0 : i64, scratch_operands = 9 : i64, tpu.core_type = #tpu.core_type<sc_vector_subcore>, window_params = [{transform_indices = #map}, {transform_indices = #map}, {transform_indices = #map}, {transform_indices = #map}, {transform_indices = #map1}, {transform_indices = #map1}, {transform_indices = #map}, {transform_indices = #map}, {transform_indices = #map}, {transform_indices = #map}, {transform_indices = #map}]} {
    %mul3A = arith.constant 100000 : i32
    %mul3A_0 = arith.muli %arg1, %mul3A : i32
    %mul3A_1 = arith.constant 6256 : i32
    %mul3A_2 = arith.muli %arg1, %mul3A_1 : i32
    %eq3A = arith.constant 0 : i32
    %eq3A_3 = arith.cmpi eq, %arg0, %eq3A : i32
    %convert_element_type3A = arith.extui %eq3A_3 : i1 to i32
    %cond3A = arith.constant 0 : i32
    %cond3A_4 = arith.cmpi ne, %convert_element_type3A, %cond3A : i32
    scf.if %cond3A_4 {
      "tpu.region"() ({
        %run_scoped3A = tpu.sem_alloc : memref<!tpu.dma_semaphore, #tpu.memory_space<semaphore_mem>>
        %dma_start3A_37 = arith.constant 0 : i32
        %dma_start3A_38 = tpu.memref_slice %arg19[%mul3A_2, %dma_start3A_37] : memref<100096x16xf32, #tpu.memory_space<vmem_shared>> -> memref<6256x16xf32, #tpu.memory_space<vmem_shared>>
        %dma_start3A_39 = arith.constant 0 : i32
        %dma_start3A_40 = tpu.memref_slice %arg8[%mul3A_2, %dma_start3A_39] : memref<100096x16xf32, #tpu.memory_space<hbm>> -> memref<6256x16xf32, #tpu.memory_space<hbm>>
        tpu.enqueue_dma source(%dma_start3A_40 : memref<6256x16xf32, #tpu.memory_space<hbm>>) target(%dma_start3A_38 : memref<6256x16xf32, #tpu.memory_space<vmem_shared>>) target_semaphore(%run_scoped3A : memref<!tpu.dma_semaphore, #tpu.memory_space<semaphore_mem>>)
        %dma_wait3A_41 = arith.constant 0 : i32
        %dma_wait3A_42 = tpu.memref_slice %arg19[%mul3A_2, %dma_wait3A_41] : memref<100096x16xf32, #tpu.memory_space<vmem_shared>> -> memref<6256x16xf32, #tpu.memory_space<vmem_shared>>
        %dma_wait3A_43 = arith.constant 0 : i32
        %dma_wait3A_44 = tpu.memref_slice %arg8[%mul3A_2, %dma_wait3A_43] : memref<100096x16xf32, #tpu.memory_space<hbm>> -> memref<6256x16xf32, #tpu.memory_space<hbm>>
        tpu.wait_dma2 semaphore(%run_scoped3A : memref<!tpu.dma_semaphore, #tpu.memory_space<semaphore_mem>>) src(%dma_wait3A_44 : memref<6256x16xf32, #tpu.memory_space<hbm>>) dst(%dma_wait3A_42 : memref<6256x16xf32, #tpu.memory_space<vmem_shared>>)
        tpu.yield
      }) : () -> ()
      %barrier3A = arith.constant 0 : index
      tpu.barrier barrier_id(%barrier3A)
      %scan3A = arith.constant 0 : i32
      %scan3A_10 = arith.constant 0 : i32
      %scan3A_11 = arith.constant 62 : i32
      %scan3A_12 = arith.addi %scan3A_10, %scan3A_11 : i32
      %scan3A_13 = arith.constant 1 : i32
      scf.for %scan3A_37 = %scan3A_10 to %scan3A_12 step %scan3A_13  : i32 {
        %mul3A_38 = arith.constant 2 : i32
        %mul3A_39 = arith.muli %mul3A_38, %scan3A_37 : i32
        %mul3A_40 = arith.constant 800 : i32
        %mul3A_41 = arith.muli %mul3A_39, %mul3A_40 : i32
        %add3A_42 = arith.addi %mul3A_0, %mul3A_41 : i32
        %add3A_43 = arith.constant 800 : i32
        %add3A_44 = arith.addi %add3A_42, %add3A_43 : i32
        "tpu.region"() ({
          %run_scoped3A = tpu.sem_alloc : memref<!tpu.dma_semaphore, #tpu.memory_space<semaphore_mem>>
          %dma_start3A_57 = tpu.memref_slice %arg6[%add3A_42] : memref<1600000xi32, #tpu.memory_space<hbm>> -> memref<800xi32, #tpu.memory_space<hbm>>
          %dma_start3A_58 = tpu.memref_slice %arg6[%add3A_42] : memref<1600000xi32, #tpu.memory_space<hbm>> -> memref<800xi32, #tpu.memory_space<hbm>>
          tpu.enqueue_dma source(%dma_start3A_58 : memref<800xi32, #tpu.memory_space<hbm>>) target(%arg13 : memref<800xi32, #tpu.memory_space<vmem>>) target_semaphore(%run_scoped3A : memref<!tpu.dma_semaphore, #tpu.memory_space<semaphore_mem>>)
          %dma_wait3A_59 = tpu.memref_slice %arg6[%add3A_42] : memref<1600000xi32, #tpu.memory_space<hbm>> -> memref<800xi32, #tpu.memory_space<hbm>>
          %dma_wait3A_60 = tpu.memref_slice %arg6[%add3A_42] : memref<1600000xi32, #tpu.memory_space<hbm>> -> memref<800xi32, #tpu.memory_space<hbm>>
          tpu.wait_dma2 semaphore(%run_scoped3A : memref<!tpu.dma_semaphore, #tpu.memory_space<semaphore_mem>>) src(%dma_wait3A_60 : memref<800xi32, #tpu.memory_space<hbm>>) dst(%arg13 : memref<800xi32, #tpu.memory_space<vmem>>)
          tpu.yield
        }) : () -> ()
        "tpu.region"() ({
          %run_scoped3A = tpu.sem_alloc : memref<!tpu.dma_semaphore, #tpu.memory_space<semaphore_mem>>
          %dma_start3A_57 = tpu.memref_slice %arg7[%add3A_42] : memref<1600000xi32, #tpu.memory_space<hbm>> -> memref<800xi32, #tpu.memory_space<hbm>>
          %dma_start3A_58 = tpu.memref_slice %arg7[%add3A_42] : memref<1600000xi32, #tpu.memory_space<hbm>> -> memref<800xi32, #tpu.memory_space<hbm>>
          tpu.enqueue_dma source(%dma_start3A_58 : memref<800xi32, #tpu.memory_space<hbm>>) target(%arg14 : memref<800xi32, #tpu.memory_space<vmem>>) target_semaphore(%run_scoped3A : memref<!tpu.dma_semaphore, #tpu.memory_space<semaphore_mem>>)
          %dma_wait3A_59 = tpu.memref_slice %arg7[%add3A_42] : memref<1600000xi32, #tpu.memory_space<hbm>> -> memref<800xi32, #tpu.memory_space<hbm>>
          %dma_wait3A_60 = tpu.memref_slice %arg7[%add3A_42] : memref<1600000xi32, #tpu.memory_space<hbm>> -> memref<800xi32, #tpu.memory_space<hbm>>
          tpu.wait_dma2 semaphore(%run_scoped3A : memref<!tpu.dma_semaphore, #tpu.memory_space<semaphore_mem>>) src(%dma_wait3A_60 : memref<800xi32, #tpu.memory_space<hbm>>) dst(%arg14 : memref<800xi32, #tpu.memory_space<vmem>>)
          tpu.yield
        }) : () -> ()
        %dma_start3A_45 = arith.constant 0 : i32
        %dma_start3A_46 = arith.constant 0 : i32
        %dma_start3A_47 = tpu.memref_slice %arg2[%dma_start3A_45, %dma_start3A_46] : memref<100096x16xf32, #tpu.memory_space<hbm>> -> memref<100096x16xf32, #tpu.memory_space<hbm>>
        tpu.enqueue_indirect_dma source(%dma_start3A_47 : memref<100096x16xf32, #tpu.memory_space<hbm>>) target(%arg17 : memref<800x16xf32, #tpu.memory_space<vmem>>) offsets(%arg13 : memref<800xi32, #tpu.memory_space<vmem>>) semaphore(%arg20 : memref<!tpu.dma_semaphore, #tpu.memory_space<semaphore_mem>>)
        "tpu.region"() ({
          %run_scoped3A = tpu.sem_alloc : memref<!tpu.dma_semaphore, #tpu.memory_space<semaphore_mem>>
          %dma_start3A_57 = tpu.memref_slice %arg6[%add3A_44] : memref<1600000xi32, #tpu.memory_space<hbm>> -> memref<800xi32, #tpu.memory_space<hbm>>
          %dma_start3A_58 = tpu.memref_slice %arg6[%add3A_44] : memref<1600000xi32, #tpu.memory_space<hbm>> -> memref<800xi32, #tpu.memory_space<hbm>>
          tpu.enqueue_dma source(%dma_start3A_58 : memref<800xi32, #tpu.memory_space<hbm>>) target(%arg15 : memref<800xi32, #tpu.memory_space<vmem>>) target_semaphore(%run_scoped3A : memref<!tpu.dma_semaphore, #tpu.memory_space<semaphore_mem>>)
          %dma_wait3A_59 = tpu.memref_slice %arg6[%add3A_44] : memref<1600000xi32, #tpu.memory_space<hbm>> -> memref<800xi32, #tpu.memory_space<hbm>>
          %dma_wait3A_60 = tpu.memref_slice %arg6[%add3A_44] : memref<1600000xi32, #tpu.memory_space<hbm>> -> memref<800xi32, #tpu.memory_space<hbm>>
          tpu.wait_dma2 semaphore(%run_scoped3A : memref<!tpu.dma_semaphore, #tpu.memory_space<semaphore_mem>>) src(%dma_wait3A_60 : memref<800xi32, #tpu.memory_space<hbm>>) dst(%arg15 : memref<800xi32, #tpu.memory_space<vmem>>)
          tpu.yield
        }) : () -> ()
        "tpu.region"() ({
          %run_scoped3A = tpu.sem_alloc : memref<!tpu.dma_semaphore, #tpu.memory_space<semaphore_mem>>
          %dma_start3A_57 = tpu.memref_slice %arg7[%add3A_44] : memref<1600000xi32, #tpu.memory_space<hbm>> -> memref<800xi32, #tpu.memory_space<hbm>>
          %dma_start3A_58 = tpu.memref_slice %arg7[%add3A_44] : memref<1600000xi32, #tpu.memory_space<hbm>> -> memref<800xi32, #tpu.memory_space<hbm>>
          tpu.enqueue_dma source(%dma_start3A_58 : memref<800xi32, #tpu.memory_space<hbm>>) target(%arg16 : memref<800xi32, #tpu.memory_space<vmem>>) target_semaphore(%run_scoped3A : memref<!tpu.dma_semaphore, #tpu.memory_space<semaphore_mem>>)
          %dma_wait3A_59 = tpu.memref_slice %arg7[%add3A_44] : memref<1600000xi32, #tpu.memory_space<hbm>> -> memref<800xi32, #tpu.memory_space<hbm>>
          %dma_wait3A_60 = tpu.memref_slice %arg7[%add3A_44] : memref<1600000xi32, #tpu.memory_space<hbm>> -> memref<800xi32, #tpu.memory_space<hbm>>
          tpu.wait_dma2 semaphore(%run_scoped3A : memref<!tpu.dma_semaphore, #tpu.memory_space<semaphore_mem>>) src(%dma_wait3A_60 : memref<800xi32, #tpu.memory_space<hbm>>) dst(%arg16 : memref<800xi32, #tpu.memory_space<vmem>>)
          tpu.yield
        }) : () -> ()
        %dma_start3A_48 = arith.constant 0 : i32
        %dma_start3A_49 = arith.constant 0 : i32
        %dma_start3A_50 = tpu.memref_slice %arg2[%dma_start3A_48, %dma_start3A_49] : memref<100096x16xf32, #tpu.memory_space<hbm>> -> memref<100096x16xf32, #tpu.memory_space<hbm>>
        tpu.enqueue_indirect_dma source(%dma_start3A_50 : memref<100096x16xf32, #tpu.memory_space<hbm>>) target(%arg18 : memref<800x16xf32, #tpu.memory_space<vmem>>) offsets(%arg15 : memref<800xi32, #tpu.memory_space<vmem>>) semaphore(%arg21 : memref<!tpu.dma_semaphore, #tpu.memory_space<semaphore_mem>>)
        %dma_wait3A_51 = arith.constant 0 : i32
        %dma_wait3A_52 = arith.constant 0 : i32
        %dma_wait3A_53 = tpu.memref_slice %arg2[%dma_wait3A_51, %dma_wait3A_52] : memref<100096x16xf32, #tpu.memory_space<hbm>> -> memref<100096x16xf32, #tpu.memory_space<hbm>>
        tpu.wait_indirect_dma semaphore(%arg20 : memref<!tpu.dma_semaphore, #tpu.memory_space<semaphore_mem>>) src(%dma_wait3A_53 : memref<100096x16xf32, #tpu.memory_space<hbm>>) dst(%arg17 : memref<800x16xf32, #tpu.memory_space<vmem>>)
        "tpu.region"() ({
          %run_scoped3A = tpu.sem_alloc : memref<!tpu.dma_semaphore, #tpu.memory_space<semaphore_mem>>
          %dma_start3A_57 = arith.constant 0 : i32
          %dma_start3A_58 = arith.constant 0 : i32
          %dma_start3A_59 = tpu.memref_slice %arg19[%dma_start3A_57, %dma_start3A_58] : memref<100096x16xf32, #tpu.memory_space<vmem_shared>> -> memref<100096x16xf32, #tpu.memory_space<vmem_shared>>
          tpu.enqueue_indirect_dma source(%arg17 : memref<800x16xf32, #tpu.memory_space<vmem>>) target(%dma_start3A_59 : memref<100096x16xf32, #tpu.memory_space<vmem_shared>>) offsets(%arg14 : memref<800xi32, #tpu.memory_space<vmem>>) semaphore(%run_scoped3A : memref<!tpu.dma_semaphore, #tpu.memory_space<semaphore_mem>>) {add = true}
          %dma_wait3A_60 = arith.constant 0 : i32
          %dma_wait3A_61 = arith.constant 0 : i32
          %dma_wait3A_62 = tpu.memref_slice %arg19[%dma_wait3A_60, %dma_wait3A_61] : memref<100096x16xf32, #tpu.memory_space<vmem_shared>> -> memref<100096x16xf32, #tpu.memory_space<vmem_shared>>
          tpu.wait_indirect_dma semaphore(%run_scoped3A : memref<!tpu.dma_semaphore, #tpu.memory_space<semaphore_mem>>) src(%arg17 : memref<800x16xf32, #tpu.memory_space<vmem>>) dst(%dma_wait3A_62 : memref<100096x16xf32, #tpu.memory_space<vmem_shared>>)
          tpu.yield
        }) : () -> ()
        %dma_wait3A_54 = arith.constant 0 : i32
        %dma_wait3A_55 = arith.constant 0 : i32
        %dma_wait3A_56 = tpu.memref_slice %arg2[%dma_wait3A_54, %dma_wait3A_55] : memref<100096x16xf32, #tpu.memory_space<hbm>> -> memref<100096x16xf32, #tpu.memory_space<hbm>>
        tpu.wait_indirect_dma semaphore(%arg21 : memref<!tpu.dma_semaphore, #tpu.memory_space<semaphore_mem>>) src(%dma_wait3A_56 : memref<100096x16xf32, #tpu.memory_space<hbm>>) dst(%arg18 : memref<800x16xf32, #tpu.memory_space<vmem>>)
        "tpu.region"() ({
          %run_scoped3A = tpu.sem_alloc : memref<!tpu.dma_semaphore, #tpu.memory_space<semaphore_mem>>
          %dma_start3A_57 = arith.constant 0 : i32
          %dma_start3A_58 = arith.constant 0 : i32
          %dma_start3A_59 = tpu.memref_slice %arg19[%dma_start3A_57, %dma_start3A_58] : memref<100096x16xf32, #tpu.memory_space<vmem_shared>> -> memref<100096x16xf32, #tpu.memory_space<vmem_shared>>
          tpu.enqueue_indirect_dma source(%arg18 : memref<800x16xf32, #tpu.memory_space<vmem>>) target(%dma_start3A_59 : memref<100096x16xf32, #tpu.memory_space<vmem_shared>>) offsets(%arg16 : memref<800xi32, #tpu.memory_space<vmem>>) semaphore(%run_scoped3A : memref<!tpu.dma_semaphore, #tpu.memory_space<semaphore_mem>>) {add = true}
          %dma_wait3A_60 = arith.constant 0 : i32
          %dma_wait3A_61 = arith.constant 0 : i32
          %dma_wait3A_62 = tpu.memref_slice %arg19[%dma_wait3A_60, %dma_wait3A_61] : memref<100096x16xf32, #tpu.memory_space<vmem_shared>> -> memref<100096x16xf32, #tpu.memory_space<vmem_shared>>
          tpu.wait_indirect_dma semaphore(%run_scoped3A : memref<!tpu.dma_semaphore, #tpu.memory_space<semaphore_mem>>) src(%arg18 : memref<800x16xf32, #tpu.memory_space<vmem>>) dst(%dma_wait3A_62 : memref<100096x16xf32, #tpu.memory_space<vmem_shared>>)
          tpu.yield
        }) : () -> ()
      }
      %scan3A_14 = arith.constant 62 : i32
      %add3A = arith.constant 99200 : i32
      %add3A_15 = arith.addi %mul3A_0, %add3A : i32
      "tpu.region"() ({
        %run_scoped3A = tpu.sem_alloc : memref<!tpu.dma_semaphore, #tpu.memory_space<semaphore_mem>>
        %dma_start3A_37 = tpu.memref_slice %arg6[%add3A_15] : memref<1600000xi32, #tpu.memory_space<hbm>> -> memref<800xi32, #tpu.memory_space<hbm>>
        %dma_start3A_38 = tpu.memref_slice %arg6[%add3A_15] : memref<1600000xi32, #tpu.memory_space<hbm>> -> memref<800xi32, #tpu.memory_space<hbm>>
        tpu.enqueue_dma source(%dma_start3A_38 : memref<800xi32, #tpu.memory_space<hbm>>) target(%arg13 : memref<800xi32, #tpu.memory_space<vmem>>) target_semaphore(%run_scoped3A : memref<!tpu.dma_semaphore, #tpu.memory_space<semaphore_mem>>)
        %dma_wait3A_39 = tpu.memref_slice %arg6[%add3A_15] : memref<1600000xi32, #tpu.memory_space<hbm>> -> memref<800xi32, #tpu.memory_space<hbm>>
        %dma_wait3A_40 = tpu.memref_slice %arg6[%add3A_15] : memref<1600000xi32, #tpu.memory_space<hbm>> -> memref<800xi32, #tpu.memory_space<hbm>>
        tpu.wait_dma2 semaphore(%run_scoped3A : memref<!tpu.dma_semaphore, #tpu.memory_space<semaphore_mem>>) src(%dma_wait3A_40 : memref<800xi32, #tpu.memory_space<hbm>>) dst(%arg13 : memref<800xi32, #tpu.memory_space<vmem>>)
        tpu.yield
      }) : () -> ()
      "tpu.region"() ({
        %run_scoped3A = tpu.sem_alloc : memref<!tpu.dma_semaphore, #tpu.memory_space<semaphore_mem>>
        %dma_start3A_37 = tpu.memref_slice %arg7[%add3A_15] : memref<1600000xi32, #tpu.memory_space<hbm>> -> memref<800xi32, #tpu.memory_space<hbm>>
        %dma_start3A_38 = tpu.memref_slice %arg7[%add3A_15] : memref<1600000xi32, #tpu.memory_space<hbm>> -> memref<800xi32, #tpu.memory_space<hbm>>
        tpu.enqueue_dma source(%dma_start3A_38 : memref<800xi32, #tpu.memory_space<hbm>>) target(%arg14 : memref<800xi32, #tpu.memory_space<vmem>>) target_semaphore(%run_scoped3A : memref<!tpu.dma_semaphore, #tpu.memory_space<semaphore_mem>>)
        %dma_wait3A_39 = tpu.memref_slice %arg7[%add3A_15] : memref<1600000xi32, #tpu.memory_space<hbm>> -> memref<800xi32, #tpu.memory_space<hbm>>
        %dma_wait3A_40 = tpu.memref_slice %arg7[%add3A_15] : memref<1600000xi32, #tpu.memory_space<hbm>> -> memref<800xi32, #tpu.memory_space<hbm>>
        tpu.wait_dma2 semaphore(%run_scoped3A : memref<!tpu.dma_semaphore, #tpu.memory_space<semaphore_mem>>) src(%dma_wait3A_40 : memref<800xi32, #tpu.memory_space<hbm>>) dst(%arg14 : memref<800xi32, #tpu.memory_space<vmem>>)
        tpu.yield
      }) : () -> ()
      %dma_start3A = arith.constant 0 : i32
      %dma_start3A_16 = arith.constant 0 : i32
      %dma_start3A_17 = tpu.memref_slice %arg2[%dma_start3A, %dma_start3A_16] : memref<100096x16xf32, #tpu.memory_space<hbm>> -> memref<100096x16xf32, #tpu.memory_space<hbm>>
      tpu.enqueue_indirect_dma source(%dma_start3A_17 : memref<100096x16xf32, #tpu.memory_space<hbm>>) target(%arg17 : memref<800x16xf32, #tpu.memory_space<vmem>>) offsets(%arg13 : memref<800xi32, #tpu.memory_space<vmem>>) semaphore(%arg20 : memref<!tpu.dma_semaphore, #tpu.memory_space<semaphore_mem>>)
      %dma_wait3A = arith.constant 0 : i32
      %dma_wait3A_18 = arith.constant 0 : i32
      %dma_wait3A_19 = tpu.memref_slice %arg2[%dma_wait3A, %dma_wait3A_18] : memref<100096x16xf32, #tpu.memory_space<hbm>> -> memref<100096x16xf32, #tpu.memory_space<hbm>>
      tpu.wait_indirect_dma semaphore(%arg20 : memref<!tpu.dma_semaphore, #tpu.memory_space<semaphore_mem>>) src(%dma_wait3A_19 : memref<100096x16xf32, #tpu.memory_space<hbm>>) dst(%arg17 : memref<800x16xf32, #tpu.memory_space<vmem>>)
      "tpu.region"() ({
        %run_scoped3A = tpu.sem_alloc : memref<!tpu.dma_semaphore, #tpu.memory_space<semaphore_mem>>
        %dma_start3A_37 = arith.constant 0 : i32
        %dma_start3A_38 = arith.constant 0 : i32
        %dma_start3A_39 = tpu.memref_slice %arg19[%dma_start3A_37, %dma_start3A_38] : memref<100096x16xf32, #tpu.memory_space<vmem_shared>> -> memref<100096x16xf32, #tpu.memory_space<vmem_shared>>
        tpu.enqueue_indirect_dma source(%arg17 : memref<800x16xf32, #tpu.memory_space<vmem>>) target(%dma_start3A_39 : memref<100096x16xf32, #tpu.memory_space<vmem_shared>>) offsets(%arg14 : memref<800xi32, #tpu.memory_space<vmem>>) semaphore(%run_scoped3A : memref<!tpu.dma_semaphore, #tpu.memory_space<semaphore_mem>>) {add = true}
        %dma_wait3A_40 = arith.constant 0 : i32
        %dma_wait3A_41 = arith.constant 0 : i32
        %dma_wait3A_42 = tpu.memref_slice %arg19[%dma_wait3A_40, %dma_wait3A_41] : memref<100096x16xf32, #tpu.memory_space<vmem_shared>> -> memref<100096x16xf32, #tpu.memory_space<vmem_shared>>
        tpu.wait_indirect_dma semaphore(%run_scoped3A : memref<!tpu.dma_semaphore, #tpu.memory_space<semaphore_mem>>) src(%arg17 : memref<800x16xf32, #tpu.memory_space<vmem>>) dst(%dma_wait3A_42 : memref<100096x16xf32, #tpu.memory_space<vmem_shared>>)
        tpu.yield
      }) : () -> ()
      %barrier3A_20 = arith.constant 0 : index
      tpu.barrier barrier_id(%barrier3A_20)
      "tpu.region"() ({
        %run_scoped3A = tpu.sem_alloc : memref<!tpu.dma_semaphore, #tpu.memory_space<semaphore_mem>>
        %dma_start3A_37 = arith.constant 0 : i32
        %dma_start3A_38 = tpu.memref_slice %arg9[%mul3A_2, %dma_start3A_37] : memref<100096x16xf32, #tpu.memory_space<hbm>> -> memref<6256x16xf32, #tpu.memory_space<hbm>>
        %dma_start3A_39 = arith.constant 0 : i32
        %dma_start3A_40 = tpu.memref_slice %arg19[%mul3A_2, %dma_start3A_39] : memref<100096x16xf32, #tpu.memory_space<vmem_shared>> -> memref<6256x16xf32, #tpu.memory_space<vmem_shared>>
        tpu.enqueue_dma source(%dma_start3A_40 : memref<6256x16xf32, #tpu.memory_space<vmem_shared>>) target(%dma_start3A_38 : memref<6256x16xf32, #tpu.memory_space<hbm>>) target_semaphore(%run_scoped3A : memref<!tpu.dma_semaphore, #tpu.memory_space<semaphore_mem>>)
        %dma_wait3A_41 = arith.constant 0 : i32
        %dma_wait3A_42 = tpu.memref_slice %arg9[%mul3A_2, %dma_wait3A_41] : memref<100096x16xf32, #tpu.memory_space<hbm>> -> memref<6256x16xf32, #tpu.memory_space<hbm>>
        %dma_wait3A_43 = arith.constant 0 : i32
        %dma_wait3A_44 = tpu.memref_slice %arg19[%mul3A_2, %dma_wait3A_43] : memref<100096x16xf32, #tpu.memory_space<vmem_shared>> -> memref<6256x16xf32, #tpu.memory_space<vmem_shared>>
        tpu.wait_dma2 semaphore(%run_scoped3A : memref<!tpu.dma_semaphore, #tpu.memory_space<semaphore_mem>>) src(%dma_wait3A_44 : memref<6256x16xf32, #tpu.memory_space<vmem_shared>>) dst(%dma_wait3A_42 : memref<6256x16xf32, #tpu.memory_space<hbm>>)
        tpu.yield
      }) : () -> ()
      "tpu.region"() ({
        %run_scoped3A = tpu.sem_alloc : memref<!tpu.dma_semaphore, #tpu.memory_space<semaphore_mem>>
        %dma_start3A_37 = arith.constant 0 : i32
        %dma_start3A_38 = tpu.memref_slice %arg19[%mul3A_2, %dma_start3A_37] : memref<100096x16xf32, #tpu.memory_space<vmem_shared>> -> memref<6256x16xf32, #tpu.memory_space<vmem_shared>>
        %dma_start3A_39 = arith.constant 0 : i32
        %dma_start3A_40 = tpu.memref_slice %arg8[%mul3A_2, %dma_start3A_39] : memref<100096x16xf32, #tpu.memory_space<hbm>> -> memref<6256x16xf32, #tpu.memory_space<hbm>>
        tpu.enqueue_dma source(%dma_start3A_40 : memref<6256x16xf32, #tpu.memory_space<hbm>>) target(%dma_start3A_38 : memref<6256x16xf32, #tpu.memory_space<vmem_shared>>) target_semaphore(%run_scoped3A : memref<!tpu.dma_semaphore, #tpu.memory_space<semaphore_mem>>)
        %dma_wait3A_41 = arith.constant 0 : i32
        %dma_wait3A_42 = tpu.memref_slice %arg19[%mul3A_2, %dma_wait3A_41] : memref<100096x16xf32, #tpu.memory_space<vmem_shared>> -> memref<6256x16xf32, #tpu.memory_space<vmem_shared>>
        %dma_wait3A_43 = arith.constant 0 : i32
        %dma_wait3A_44 = tpu.memref_slice %arg8[%mul3A_2, %dma_wait3A_43] : memref<100096x16xf32, #tpu.memory_space<hbm>> -> memref<6256x16xf32, #tpu.memory_space<hbm>>
        tpu.wait_dma2 semaphore(%run_scoped3A : memref<!tpu.dma_semaphore, #tpu.memory_space<semaphore_mem>>) src(%dma_wait3A_44 : memref<6256x16xf32, #tpu.memory_space<hbm>>) dst(%dma_wait3A_42 : memref<6256x16xf32, #tpu.memory_space<vmem_shared>>)
        tpu.yield
      }) : () -> ()
      %barrier3A_21 = arith.constant 0 : index
      tpu.barrier barrier_id(%barrier3A_21)
      %scan3A_22 = arith.constant 0 : i32
      %scan3A_23 = arith.constant 0 : i32
      %scan3A_24 = arith.constant 62 : i32
      %scan3A_25 = arith.addi %scan3A_23, %scan3A_24 : i32
      %scan3A_26 = arith.constant 1 : i32
      scf.for %scan3A_37 = %scan3A_23 to %scan3A_25 step %scan3A_26  : i32 {
        %mul3A_38 = arith.constant 2 : i32
        %mul3A_39 = arith.muli %mul3A_38, %scan3A_37 : i32
        %mul3A_40 = arith.constant 800 : i32
        %mul3A_41 = arith.muli %mul3A_39, %mul3A_40 : i32
        %add3A_42 = arith.addi %mul3A_0, %mul3A_41 : i32
        %add3A_43 = arith.constant 800 : i32
        %add3A_44 = arith.addi %add3A_42, %add3A_43 : i32
        "tpu.region"() ({
          %run_scoped3A = tpu.sem_alloc : memref<!tpu.dma_semaphore, #tpu.memory_space<semaphore_mem>>
          %dma_start3A_57 = tpu.memref_slice %arg6[%add3A_42] : memref<1600000xi32, #tpu.memory_space<hbm>> -> memref<800xi32, #tpu.memory_space<hbm>>
          %dma_start3A_58 = tpu.memref_slice %arg6[%add3A_42] : memref<1600000xi32, #tpu.memory_space<hbm>> -> memref<800xi32, #tpu.memory_space<hbm>>
          tpu.enqueue_dma source(%dma_start3A_58 : memref<800xi32, #tpu.memory_space<hbm>>) target(%arg13 : memref<800xi32, #tpu.memory_space<vmem>>) target_semaphore(%run_scoped3A : memref<!tpu.dma_semaphore, #tpu.memory_space<semaphore_mem>>)
          %dma_wait3A_59 = tpu.memref_slice %arg6[%add3A_42] : memref<1600000xi32, #tpu.memory_space<hbm>> -> memref<800xi32, #tpu.memory_space<hbm>>
          %dma_wait3A_60 = tpu.memref_slice %arg6[%add3A_42] : memref<1600000xi32, #tpu.memory_space<hbm>> -> memref<800xi32, #tpu.memory_space<hbm>>
          tpu.wait_dma2 semaphore(%run_scoped3A : memref<!tpu.dma_semaphore, #tpu.memory_space<semaphore_mem>>) src(%dma_wait3A_60 : memref<800xi32, #tpu.memory_space<hbm>>) dst(%arg13 : memref<800xi32, #tpu.memory_space<vmem>>)
          tpu.yield
        }) : () -> ()
        "tpu.region"() ({
          %run_scoped3A = tpu.sem_alloc : memref<!tpu.dma_semaphore, #tpu.memory_space<semaphore_mem>>
          %dma_start3A_57 = tpu.memref_slice %arg7[%add3A_42] : memref<1600000xi32, #tpu.memory_space<hbm>> -> memref<800xi32, #tpu.memory_space<hbm>>
          %dma_start3A_58 = tpu.memref_slice %arg7[%add3A_42] : memref<1600000xi32, #tpu.memory_space<hbm>> -> memref<800xi32, #tpu.memory_space<hbm>>
          tpu.enqueue_dma source(%dma_start3A_58 : memref<800xi32, #tpu.memory_space<hbm>>) target(%arg14 : memref<800xi32, #tpu.memory_space<vmem>>) target_semaphore(%run_scoped3A : memref<!tpu.dma_semaphore, #tpu.memory_space<semaphore_mem>>)
          %dma_wait3A_59 = tpu.memref_slice %arg7[%add3A_42] : memref<1600000xi32, #tpu.memory_space<hbm>> -> memref<800xi32, #tpu.memory_space<hbm>>
          %dma_wait3A_60 = tpu.memref_slice %arg7[%add3A_42] : memref<1600000xi32, #tpu.memory_space<hbm>> -> memref<800xi32, #tpu.memory_space<hbm>>
          tpu.wait_dma2 semaphore(%run_scoped3A : memref<!tpu.dma_semaphore, #tpu.memory_space<semaphore_mem>>) src(%dma_wait3A_60 : memref<800xi32, #tpu.memory_space<hbm>>) dst(%arg14 : memref<800xi32, #tpu.memory_space<vmem>>)
          tpu.yield
        }) : () -> ()
        %dma_start3A_45 = arith.constant 0 : i32
        %dma_start3A_46 = arith.constant 0 : i32
        %dma_start3A_47 = tpu.memref_slice %arg3[%dma_start3A_45, %dma_start3A_46] : memref<100096x16xf32, #tpu.memory_space<hbm>> -> memref<100096x16xf32, #tpu.memory_space<hbm>>
        tpu.enqueue_indirect_dma source(%dma_start3A_47 : memref<100096x16xf32, #tpu.memory_space<hbm>>) target(%arg17 : memref<800x16xf32, #tpu.memory_space<vmem>>) offsets(%arg13 : memref<800xi32, #tpu.memory_space<vmem>>) semaphore(%arg20 : memref<!tpu.dma_semaphore, #tpu.memory_space<semaphore_mem>>)
        "tpu.region"() ({
          %run_scoped3A = tpu.sem_alloc : memref<!tpu.dma_semaphore, #tpu.memory_space<semaphore_mem>>
          %dma_start3A_57 = tpu.memref_slice %arg6[%add3A_44] : memref<1600000xi32, #tpu.memory_space<hbm>> -> memref<800xi32, #tpu.memory_space<hbm>>
          %dma_start3A_58 = tpu.memref_slice %arg6[%add3A_44] : memref<1600000xi32, #tpu.memory_space<hbm>> -> memref<800xi32, #tpu.memory_space<hbm>>
          tpu.enqueue_dma source(%dma_start3A_58 : memref<800xi32, #tpu.memory_space<hbm>>) target(%arg15 : memref<800xi32, #tpu.memory_space<vmem>>) target_semaphore(%run_scoped3A : memref<!tpu.dma_semaphore, #tpu.memory_space<semaphore_mem>>)
          %dma_wait3A_59 = tpu.memref_slice %arg6[%add3A_44] : memref<1600000xi32, #tpu.memory_space<hbm>> -> memref<800xi32, #tpu.memory_space<hbm>>
          %dma_wait3A_60 = tpu.memref_slice %arg6[%add3A_44] : memref<1600000xi32, #tpu.memory_space<hbm>> -> memref<800xi32, #tpu.memory_space<hbm>>
          tpu.wait_dma2 semaphore(%run_scoped3A : memref<!tpu.dma_semaphore, #tpu.memory_space<semaphore_mem>>) src(%dma_wait3A_60 : memref<800xi32, #tpu.memory_space<hbm>>) dst(%arg15 : memref<800xi32, #tpu.memory_space<vmem>>)
          tpu.yield
        }) : () -> ()
        "tpu.region"() ({
          %run_scoped3A = tpu.sem_alloc : memref<!tpu.dma_semaphore, #tpu.memory_space<semaphore_mem>>
          %dma_start3A_57 = tpu.memref_slice %arg7[%add3A_44] : memref<1600000xi32, #tpu.memory_space<hbm>> -> memref<800xi32, #tpu.memory_space<hbm>>
          %dma_start3A_58 = tpu.memref_slice %arg7[%add3A_44] : memref<1600000xi32, #tpu.memory_space<hbm>> -> memref<800xi32, #tpu.memory_space<hbm>>
          tpu.enqueue_dma source(%dma_start3A_58 : memref<800xi32, #tpu.memory_space<hbm>>) target(%arg16 : memref<800xi32, #tpu.memory_space<vmem>>) target_semaphore(%run_scoped3A : memref<!tpu.dma_semaphore, #tpu.memory_space<semaphore_mem>>)
          %dma_wait3A_59 = tpu.memref_slice %arg7[%add3A_44] : memref<1600000xi32, #tpu.memory_space<hbm>> -> memref<800xi32, #tpu.memory_space<hbm>>
          %dma_wait3A_60 = tpu.memref_slice %arg7[%add3A_44] : memref<1600000xi32, #tpu.memory_space<hbm>> -> memref<800xi32, #tpu.memory_space<hbm>>
          tpu.wait_dma2 semaphore(%run_scoped3A : memref<!tpu.dma_semaphore, #tpu.memory_space<semaphore_mem>>) src(%dma_wait3A_60 : memref<800xi32, #tpu.memory_space<hbm>>) dst(%arg16 : memref<800xi32, #tpu.memory_space<vmem>>)
          tpu.yield
        }) : () -> ()
        %dma_start3A_48 = arith.constant 0 : i32
        %dma_start3A_49 = arith.constant 0 : i32
        %dma_start3A_50 = tpu.memref_slice %arg3[%dma_start3A_48, %dma_start3A_49] : memref<100096x16xf32, #tpu.memory_space<hbm>> -> memref<100096x16xf32, #tpu.memory_space<hbm>>
        tpu.enqueue_indirect_dma source(%dma_start3A_50 : memref<100096x16xf32, #tpu.memory_space<hbm>>) target(%arg18 : memref<800x16xf32, #tpu.memory_space<vmem>>) offsets(%arg15 : memref<800xi32, #tpu.memory_space<vmem>>) semaphore(%arg21 : memref<!tpu.dma_semaphore, #tpu.memory_space<semaphore_mem>>)
        %dma_wait3A_51 = arith.constant 0 : i32
        %dma_wait3A_52 = arith.constant 0 : i32
        %dma_wait3A_53 = tpu.memref_slice %arg3[%dma_wait3A_51, %dma_wait3A_52] : memref<100096x16xf32, #tpu.memory_space<hbm>> -> memref<100096x16xf32, #tpu.memory_space<hbm>>
        tpu.wait_indirect_dma semaphore(%arg20 : memref<!tpu.dma_semaphore, #tpu.memory_space<semaphore_mem>>) src(%dma_wait3A_53 : memref<100096x16xf32, #tpu.memory_space<hbm>>) dst(%arg17 : memref<800x16xf32, #tpu.memory_space<vmem>>)
        "tpu.region"() ({
          %run_scoped3A = tpu.sem_alloc : memref<!tpu.dma_semaphore, #tpu.memory_space<semaphore_mem>>
          %dma_start3A_57 = arith.constant 0 : i32
          %dma_start3A_58 = arith.constant 0 : i32
          %dma_start3A_59 = tpu.memref_slice %arg19[%dma_start3A_57, %dma_start3A_58] : memref<100096x16xf32, #tpu.memory_space<vmem_shared>> -> memref<100096x16xf32, #tpu.memory_space<vmem_shared>>
          tpu.enqueue_indirect_dma source(%arg17 : memref<800x16xf32, #tpu.memory_space<vmem>>) target(%dma_start3A_59 : memref<100096x16xf32, #tpu.memory_space<vmem_shared>>) offsets(%arg14 : memref<800xi32, #tpu.memory_space<vmem>>) semaphore(%run_scoped3A : memref<!tpu.dma_semaphore, #tpu.memory_space<semaphore_mem>>) {add = true}
          %dma_wait3A_60 = arith.constant 0 : i32
          %dma_wait3A_61 = arith.constant 0 : i32
          %dma_wait3A_62 = tpu.memref_slice %arg19[%dma_wait3A_60, %dma_wait3A_61] : memref<100096x16xf32, #tpu.memory_space<vmem_shared>> -> memref<100096x16xf32, #tpu.memory_space<vmem_shared>>
          tpu.wait_indirect_dma semaphore(%run_scoped3A : memref<!tpu.dma_semaphore, #tpu.memory_space<semaphore_mem>>) src(%arg17 : memref<800x16xf32, #tpu.memory_space<vmem>>) dst(%dma_wait3A_62 : memref<100096x16xf32, #tpu.memory_space<vmem_shared>>)
          tpu.yield
        }) : () -> ()
        %dma_wait3A_54 = arith.constant 0 : i32
        %dma_wait3A_55 = arith.constant 0 : i32
        %dma_wait3A_56 = tpu.memref_slice %arg3[%dma_wait3A_54, %dma_wait3A_55] : memref<100096x16xf32, #tpu.memory_space<hbm>> -> memref<100096x16xf32, #tpu.memory_space<hbm>>
        tpu.wait_indirect_dma semaphore(%arg21 : memref<!tpu.dma_semaphore, #tpu.memory_space<semaphore_mem>>) src(%dma_wait3A_56 : memref<100096x16xf32, #tpu.memory_space<hbm>>) dst(%arg18 : memref<800x16xf32, #tpu.memory_space<vmem>>)
        "tpu.region"() ({
          %run_scoped3A = tpu.sem_alloc : memref<!tpu.dma_semaphore, #tpu.memory_space<semaphore_mem>>
          %dma_start3A_57 = arith.constant 0 : i32
          %dma_start3A_58 = arith.constant 0 : i32
          %dma_start3A_59 = tpu.memref_slice %arg19[%dma_start3A_57, %dma_start3A_58] : memref<100096x16xf32, #tpu.memory_space<vmem_shared>> -> memref<100096x16xf32, #tpu.memory_space<vmem_shared>>
          tpu.enqueue_indirect_dma source(%arg18 : memref<800x16xf32, #tpu.memory_space<vmem>>) target(%dma_start3A_59 : memref<100096x16xf32, #tpu.memory_space<vmem_shared>>) offsets(%arg16 : memref<800xi32, #tpu.memory_space<vmem>>) semaphore(%run_scoped3A : memref<!tpu.dma_semaphore, #tpu.memory_space<semaphore_mem>>) {add = true}
          %dma_wait3A_60 = arith.constant 0 : i32
          %dma_wait3A_61 = arith.constant 0 : i32
          %dma_wait3A_62 = tpu.memref_slice %arg19[%dma_wait3A_60, %dma_wait3A_61] : memref<100096x16xf32, #tpu.memory_space<vmem_shared>> -> memref<100096x16xf32, #tpu.memory_space<vmem_shared>>
          tpu.wait_indirect_dma semaphore(%run_scoped3A : memref<!tpu.dma_semaphore, #tpu.memory_space<semaphore_mem>>) src(%arg18 : memref<800x16xf32, #tpu.memory_space<vmem>>) dst(%dma_wait3A_62 : memref<100096x16xf32, #tpu.memory_space<vmem_shared>>)
          tpu.yield
        }) : () -> ()
      }
      %scan3A_27 = arith.constant 62 : i32
      %add3A_28 = arith.constant 99200 : i32
      %add3A_29 = arith.addi %mul3A_0, %add3A_28 : i32
      "tpu.region"() ({
        %run_scoped3A = tpu.sem_alloc : memref<!tpu.dma_semaphore, #tpu.memory_space<semaphore_mem>>
        %dma_start3A_37 = tpu.memref_slice %arg6[%add3A_29] : memref<1600000xi32, #tpu.memory_space<hbm>> -> memref<800xi32, #tpu.memory_space<hbm>>
        %dma_start3A_38 = tpu.memref_slice %arg6[%add3A_29] : memref<1600000xi32, #tpu.memory_space<hbm>> -> memref<800xi32, #tpu.memory_space<hbm>>
        tpu.enqueue_dma source(%dma_start3A_38 : memref<800xi32, #tpu.memory_space<hbm>>) target(%arg13 : memref<800xi32, #tpu.memory_space<vmem>>) target_semaphore(%run_scoped3A : memref<!tpu.dma_semaphore, #tpu.memory_space<semaphore_mem>>)
        %dma_wait3A_39 = tpu.memref_slice %arg6[%add3A_29] : memref<1600000xi32, #tpu.memory_space<hbm>> -> memref<800xi32, #tpu.memory_space<hbm>>
        %dma_wait3A_40 = tpu.memref_slice %arg6[%add3A_29] : memref<1600000xi32, #tpu.memory_space<hbm>> -> memref<800xi32, #tpu.memory_space<hbm>>
        tpu.wait_dma2 semaphore(%run_scoped3A : memref<!tpu.dma_semaphore, #tpu.memory_space<semaphore_mem>>) src(%dma_wait3A_40 : memref<800xi32, #tpu.memory_space<hbm>>) dst(%arg13 : memref<800xi32, #tpu.memory_space<vmem>>)
        tpu.yield
      }) : () -> ()
      "tpu.region"() ({
        %run_scoped3A = tpu.sem_alloc : memref<!tpu.dma_semaphore, #tpu.memory_space<semaphore_mem>>
        %dma_start3A_37 = tpu.memref_slice %arg7[%add3A_29] : memref<1600000xi32, #tpu.memory_space<hbm>> -> memref<800xi32, #tpu.memory_space<hbm>>
        %dma_start3A_38 = tpu.memref_slice %arg7[%add3A_29] : memref<1600000xi32, #tpu.memory_space<hbm>> -> memref<800xi32, #tpu.memory_space<hbm>>
        tpu.enqueue_dma source(%dma_start3A_38 : memref<800xi32, #tpu.memory_space<hbm>>) target(%arg14 : memref<800xi32, #tpu.memory_space<vmem>>) target_semaphore(%run_scoped3A : memref<!tpu.dma_semaphore, #tpu.memory_space<semaphore_mem>>)
        %dma_wait3A_39 = tpu.memref_slice %arg7[%add3A_29] : memref<1600000xi32, #tpu.memory_space<hbm>> -> memref<800xi32, #tpu.memory_space<hbm>>
        %dma_wait3A_40 = tpu.memref_slice %arg7[%add3A_29] : memref<1600000xi32, #tpu.memory_space<hbm>> -> memref<800xi32, #tpu.memory_space<hbm>>
        tpu.wait_dma2 semaphore(%run_scoped3A : memref<!tpu.dma_semaphore, #tpu.memory_space<semaphore_mem>>) src(%dma_wait3A_40 : memref<800xi32, #tpu.memory_space<hbm>>) dst(%arg14 : memref<800xi32, #tpu.memory_space<vmem>>)
        tpu.yield
      }) : () -> ()
      %dma_start3A_30 = arith.constant 0 : i32
      %dma_start3A_31 = arith.constant 0 : i32
      %dma_start3A_32 = tpu.memref_slice %arg3[%dma_start3A_30, %dma_start3A_31] : memref<100096x16xf32, #tpu.memory_space<hbm>> -> memref<100096x16xf32, #tpu.memory_space<hbm>>
      tpu.enqueue_indirect_dma source(%dma_start3A_32 : memref<100096x16xf32, #tpu.memory_space<hbm>>) target(%arg17 : memref<800x16xf32, #tpu.memory_space<vmem>>) offsets(%arg13 : memref<800xi32, #tpu.memory_space<vmem>>) semaphore(%arg20 : memref<!tpu.dma_semaphore, #tpu.memory_space<semaphore_mem>>)
      %dma_wait3A_33 = arith.constant 0 : i32
      %dma_wait3A_34 = arith.constant 0 : i32
      %dma_wait3A_35 = tpu.memref_slice %arg3[%dma_wait3A_33, %dma_wait3A_34] : memref<100096x16xf32, #tpu.memory_space<hbm>> -> memref<100096x16xf32, #tpu.memory_space<hbm>>
      tpu.wait_indirect_dma semaphore(%arg20 : memref<!tpu.dma_semaphore, #tpu.memory_space<semaphore_mem>>) src(%dma_wait3A_35 : memref<100096x16xf32, #tpu.memory_space<hbm>>) dst(%arg17 : memref<800x16xf32, #tpu.memory_space<vmem>>)
      "tpu.region"() ({
        %run_scoped3A = tpu.sem_alloc : memref<!tpu.dma_semaphore, #tpu.memory_space<semaphore_mem>>
        %dma_start3A_37 = arith.constant 0 : i32
        %dma_start3A_38 = arith.constant 0 : i32
        %dma_start3A_39 = tpu.memref_slice %arg19[%dma_start3A_37, %dma_start3A_38] : memref<100096x16xf32, #tpu.memory_space<vmem_shared>> -> memref<100096x16xf32, #tpu.memory_space<vmem_shared>>
        tpu.enqueue_indirect_dma source(%arg17 : memref<800x16xf32, #tpu.memory_space<vmem>>) target(%dma_start3A_39 : memref<100096x16xf32, #tpu.memory_space<vmem_shared>>) offsets(%arg14 : memref<800xi32, #tpu.memory_space<vmem>>) semaphore(%run_scoped3A : memref<!tpu.dma_semaphore, #tpu.memory_space<semaphore_mem>>) {add = true}
        %dma_wait3A_40 = arith.constant 0 : i32
        %dma_wait3A_41 = arith.constant 0 : i32
        %dma_wait3A_42 = tpu.memref_slice %arg19[%dma_wait3A_40, %dma_wait3A_41] : memref<100096x16xf32, #tpu.memory_space<vmem_shared>> -> memref<100096x16xf32, #tpu.memory_space<vmem_shared>>
        tpu.wait_indirect_dma semaphore(%run_scoped3A : memref<!tpu.dma_semaphore, #tpu.memory_space<semaphore_mem>>) src(%arg17 : memref<800x16xf32, #tpu.memory_space<vmem>>) dst(%dma_wait3A_42 : memref<100096x16xf32, #tpu.memory_space<vmem_shared>>)
        tpu.yield
      }) : () -> ()
      %barrier3A_36 = arith.constant 0 : index
      tpu.barrier barrier_id(%barrier3A_36)
      "tpu.region"() ({
        %run_scoped3A = tpu.sem_alloc : memref<!tpu.dma_semaphore, #tpu.memory_space<semaphore_mem>>
        %dma_start3A_37 = arith.constant 0 : i32
        %dma_start3A_38 = tpu.memref_slice %arg10[%mul3A_2, %dma_start3A_37] : memref<100096x16xf32, #tpu.memory_space<hbm>> -> memref<6256x16xf32, #tpu.memory_space<hbm>>
        %dma_start3A_39 = arith.constant 0 : i32
        %dma_start3A_40 = tpu.memref_slice %arg19[%mul3A_2, %dma_start3A_39] : memref<100096x16xf32, #tpu.memory_space<vmem_shared>> -> memref<6256x16xf32, #tpu.memory_space<vmem_shared>>
        tpu.enqueue_dma source(%dma_start3A_40 : memref<6256x16xf32, #tpu.memory_space<vmem_shared>>) target(%dma_start3A_38 : memref<6256x16xf32, #tpu.memory_space<hbm>>) target_semaphore(%run_scoped3A : memref<!tpu.dma_semaphore, #tpu.memory_space<semaphore_mem>>)
        %dma_wait3A_41 = arith.constant 0 : i32
        %dma_wait3A_42 = tpu.memref_slice %arg10[%mul3A_2, %dma_wait3A_41] : memref<100096x16xf32, #tpu.memory_space<hbm>> -> memref<6256x16xf32, #tpu.memory_space<hbm>>
        %dma_wait3A_43 = arith.constant 0 : i32
        %dma_wait3A_44 = tpu.memref_slice %arg19[%mul3A_2, %dma_wait3A_43] : memref<100096x16xf32, #tpu.memory_space<vmem_shared>> -> memref<6256x16xf32, #tpu.memory_space<vmem_shared>>
        tpu.wait_dma2 semaphore(%run_scoped3A : memref<!tpu.dma_semaphore, #tpu.memory_space<semaphore_mem>>) src(%dma_wait3A_44 : memref<6256x16xf32, #tpu.memory_space<vmem_shared>>) dst(%dma_wait3A_42 : memref<6256x16xf32, #tpu.memory_space<hbm>>)
        tpu.yield
      }) : () -> ()
    } else {
    }
    %eq3A_5 = arith.constant 1 : i32
    %eq3A_6 = arith.cmpi eq, %arg0, %eq3A_5 : i32
    %convert_element_type3A_7 = arith.extui %eq3A_6 : i1 to i32
    %cond3A_8 = arith.constant 0 : i32
    %cond3A_9 = arith.cmpi ne, %convert_element_type3A_7, %cond3A_8 : i32
    scf.if %cond3A_9 {
      "tpu.region"() ({
        %run_scoped3A = tpu.sem_alloc : memref<!tpu.dma_semaphore, #tpu.memory_space<semaphore_mem>>
        %dma_start3A_37 = arith.constant 0 : i32
        %dma_start3A_38 = tpu.memref_slice %arg19[%mul3A_2, %dma_start3A_37] : memref<100096x16xf32, #tpu.memory_space<vmem_shared>> -> memref<6256x16xf32, #tpu.memory_space<vmem_shared>>
        %dma_start3A_39 = arith.constant 0 : i32
        %dma_start3A_40 = tpu.memref_slice %arg8[%mul3A_2, %dma_start3A_39] : memref<100096x16xf32, #tpu.memory_space<hbm>> -> memref<6256x16xf32, #tpu.memory_space<hbm>>
        tpu.enqueue_dma source(%dma_start3A_40 : memref<6256x16xf32, #tpu.memory_space<hbm>>) target(%dma_start3A_38 : memref<6256x16xf32, #tpu.memory_space<vmem_shared>>) target_semaphore(%run_scoped3A : memref<!tpu.dma_semaphore, #tpu.memory_space<semaphore_mem>>)
        %dma_wait3A_41 = arith.constant 0 : i32
        %dma_wait3A_42 = tpu.memref_slice %arg19[%mul3A_2, %dma_wait3A_41] : memref<100096x16xf32, #tpu.memory_space<vmem_shared>> -> memref<6256x16xf32, #tpu.memory_space<vmem_shared>>
        %dma_wait3A_43 = arith.constant 0 : i32
        %dma_wait3A_44 = tpu.memref_slice %arg8[%mul3A_2, %dma_wait3A_43] : memref<100096x16xf32, #tpu.memory_space<hbm>> -> memref<6256x16xf32, #tpu.memory_space<hbm>>
        tpu.wait_dma2 semaphore(%run_scoped3A : memref<!tpu.dma_semaphore, #tpu.memory_space<semaphore_mem>>) src(%dma_wait3A_44 : memref<6256x16xf32, #tpu.memory_space<hbm>>) dst(%dma_wait3A_42 : memref<6256x16xf32, #tpu.memory_space<vmem_shared>>)
        tpu.yield
      }) : () -> ()
      %barrier3A = arith.constant 0 : index
      tpu.barrier barrier_id(%barrier3A)
      %scan3A = arith.constant 0 : i32
      %scan3A_10 = arith.constant 0 : i32
      %scan3A_11 = arith.constant 62 : i32
      %scan3A_12 = arith.addi %scan3A_10, %scan3A_11 : i32
      %scan3A_13 = arith.constant 1 : i32
      scf.for %scan3A_37 = %scan3A_10 to %scan3A_12 step %scan3A_13  : i32 {
        %mul3A_38 = arith.constant 2 : i32
        %mul3A_39 = arith.muli %mul3A_38, %scan3A_37 : i32
        %mul3A_40 = arith.constant 800 : i32
        %mul3A_41 = arith.muli %mul3A_39, %mul3A_40 : i32
        %add3A_42 = arith.addi %mul3A_0, %mul3A_41 : i32
        %add3A_43 = arith.constant 800 : i32
        %add3A_44 = arith.addi %add3A_42, %add3A_43 : i32
        "tpu.region"() ({
          %run_scoped3A = tpu.sem_alloc : memref<!tpu.dma_semaphore, #tpu.memory_space<semaphore_mem>>
          %dma_start3A_57 = tpu.memref_slice %arg6[%add3A_42] : memref<1600000xi32, #tpu.memory_space<hbm>> -> memref<800xi32, #tpu.memory_space<hbm>>
          %dma_start3A_58 = tpu.memref_slice %arg6[%add3A_42] : memref<1600000xi32, #tpu.memory_space<hbm>> -> memref<800xi32, #tpu.memory_space<hbm>>
          tpu.enqueue_dma source(%dma_start3A_58 : memref<800xi32, #tpu.memory_space<hbm>>) target(%arg13 : memref<800xi32, #tpu.memory_space<vmem>>) target_semaphore(%run_scoped3A : memref<!tpu.dma_semaphore, #tpu.memory_space<semaphore_mem>>)
          %dma_wait3A_59 = tpu.memref_slice %arg6[%add3A_42] : memref<1600000xi32, #tpu.memory_space<hbm>> -> memref<800xi32, #tpu.memory_space<hbm>>
          %dma_wait3A_60 = tpu.memref_slice %arg6[%add3A_42] : memref<1600000xi32, #tpu.memory_space<hbm>> -> memref<800xi32, #tpu.memory_space<hbm>>
          tpu.wait_dma2 semaphore(%run_scoped3A : memref<!tpu.dma_semaphore, #tpu.memory_space<semaphore_mem>>) src(%dma_wait3A_60 : memref<800xi32, #tpu.memory_space<hbm>>) dst(%arg13 : memref<800xi32, #tpu.memory_space<vmem>>)
          tpu.yield
        }) : () -> ()
        "tpu.region"() ({
          %run_scoped3A = tpu.sem_alloc : memref<!tpu.dma_semaphore, #tpu.memory_space<semaphore_mem>>
          %dma_start3A_57 = tpu.memref_slice %arg7[%add3A_42] : memref<1600000xi32, #tpu.memory_space<hbm>> -> memref<800xi32, #tpu.memory_space<hbm>>
          %dma_start3A_58 = tpu.memref_slice %arg7[%add3A_42] : memref<1600000xi32, #tpu.memory_space<hbm>> -> memref<800xi32, #tpu.memory_space<hbm>>
          tpu.enqueue_dma source(%dma_start3A_58 : memref<800xi32, #tpu.memory_space<hbm>>) target(%arg14 : memref<800xi32, #tpu.memory_space<vmem>>) target_semaphore(%run_scoped3A : memref<!tpu.dma_semaphore, #tpu.memory_space<semaphore_mem>>)
          %dma_wait3A_59 = tpu.memref_slice %arg7[%add3A_42] : memref<1600000xi32, #tpu.memory_space<hbm>> -> memref<800xi32, #tpu.memory_space<hbm>>
          %dma_wait3A_60 = tpu.memref_slice %arg7[%add3A_42] : memref<1600000xi32, #tpu.memory_space<hbm>> -> memref<800xi32, #tpu.memory_space<hbm>>
          tpu.wait_dma2 semaphore(%run_scoped3A : memref<!tpu.dma_semaphore, #tpu.memory_space<semaphore_mem>>) src(%dma_wait3A_60 : memref<800xi32, #tpu.memory_space<hbm>>) dst(%arg14 : memref<800xi32, #tpu.memory_space<vmem>>)
          tpu.yield
        }) : () -> ()
        %dma_start3A_45 = arith.constant 0 : i32
        %dma_start3A_46 = arith.constant 0 : i32
        %dma_start3A_47 = tpu.memref_slice %arg4[%dma_start3A_45, %dma_start3A_46] : memref<100096x16xf32, #tpu.memory_space<hbm>> -> memref<100096x16xf32, #tpu.memory_space<hbm>>
        tpu.enqueue_indirect_dma source(%dma_start3A_47 : memref<100096x16xf32, #tpu.memory_space<hbm>>) target(%arg17 : memref<800x16xf32, #tpu.memory_space<vmem>>) offsets(%arg13 : memref<800xi32, #tpu.memory_space<vmem>>) semaphore(%arg20 : memref<!tpu.dma_semaphore, #tpu.memory_space<semaphore_mem>>)
        "tpu.region"() ({
          %run_scoped3A = tpu.sem_alloc : memref<!tpu.dma_semaphore, #tpu.memory_space<semaphore_mem>>
          %dma_start3A_57 = tpu.memref_slice %arg6[%add3A_44] : memref<1600000xi32, #tpu.memory_space<hbm>> -> memref<800xi32, #tpu.memory_space<hbm>>
          %dma_start3A_58 = tpu.memref_slice %arg6[%add3A_44] : memref<1600000xi32, #tpu.memory_space<hbm>> -> memref<800xi32, #tpu.memory_space<hbm>>
          tpu.enqueue_dma source(%dma_start3A_58 : memref<800xi32, #tpu.memory_space<hbm>>) target(%arg15 : memref<800xi32, #tpu.memory_space<vmem>>) target_semaphore(%run_scoped3A : memref<!tpu.dma_semaphore, #tpu.memory_space<semaphore_mem>>)
          %dma_wait3A_59 = tpu.memref_slice %arg6[%add3A_44] : memref<1600000xi32, #tpu.memory_space<hbm>> -> memref<800xi32, #tpu.memory_space<hbm>>
          %dma_wait3A_60 = tpu.memref_slice %arg6[%add3A_44] : memref<1600000xi32, #tpu.memory_space<hbm>> -> memref<800xi32, #tpu.memory_space<hbm>>
          tpu.wait_dma2 semaphore(%run_scoped3A : memref<!tpu.dma_semaphore, #tpu.memory_space<semaphore_mem>>) src(%dma_wait3A_60 : memref<800xi32, #tpu.memory_space<hbm>>) dst(%arg15 : memref<800xi32, #tpu.memory_space<vmem>>)
          tpu.yield
        }) : () -> ()
        "tpu.region"() ({
          %run_scoped3A = tpu.sem_alloc : memref<!tpu.dma_semaphore, #tpu.memory_space<semaphore_mem>>
          %dma_start3A_57 = tpu.memref_slice %arg7[%add3A_44] : memref<1600000xi32, #tpu.memory_space<hbm>> -> memref<800xi32, #tpu.memory_space<hbm>>
          %dma_start3A_58 = tpu.memref_slice %arg7[%add3A_44] : memref<1600000xi32, #tpu.memory_space<hbm>> -> memref<800xi32, #tpu.memory_space<hbm>>
          tpu.enqueue_dma source(%dma_start3A_58 : memref<800xi32, #tpu.memory_space<hbm>>) target(%arg16 : memref<800xi32, #tpu.memory_space<vmem>>) target_semaphore(%run_scoped3A : memref<!tpu.dma_semaphore, #tpu.memory_space<semaphore_mem>>)
          %dma_wait3A_59 = tpu.memref_slice %arg7[%add3A_44] : memref<1600000xi32, #tpu.memory_space<hbm>> -> memref<800xi32, #tpu.memory_space<hbm>>
          %dma_wait3A_60 = tpu.memref_slice %arg7[%add3A_44] : memref<1600000xi32, #tpu.memory_space<hbm>> -> memref<800xi32, #tpu.memory_space<hbm>>
          tpu.wait_dma2 semaphore(%run_scoped3A : memref<!tpu.dma_semaphore, #tpu.memory_space<semaphore_mem>>) src(%dma_wait3A_60 : memref<800xi32, #tpu.memory_space<hbm>>) dst(%arg16 : memref<800xi32, #tpu.memory_space<vmem>>)
          tpu.yield
        }) : () -> ()
        %dma_start3A_48 = arith.constant 0 : i32
        %dma_start3A_49 = arith.constant 0 : i32
        %dma_start3A_50 = tpu.memref_slice %arg4[%dma_start3A_48, %dma_start3A_49] : memref<100096x16xf32, #tpu.memory_space<hbm>> -> memref<100096x16xf32, #tpu.memory_space<hbm>>
        tpu.enqueue_indirect_dma source(%dma_start3A_50 : memref<100096x16xf32, #tpu.memory_space<hbm>>) target(%arg18 : memref<800x16xf32, #tpu.memory_space<vmem>>) offsets(%arg15 : memref<800xi32, #tpu.memory_space<vmem>>) semaphore(%arg21 : memref<!tpu.dma_semaphore, #tpu.memory_space<semaphore_mem>>)
        %dma_wait3A_51 = arith.constant 0 : i32
        %dma_wait3A_52 = arith.constant 0 : i32
        %dma_wait3A_53 = tpu.memref_slice %arg4[%dma_wait3A_51, %dma_wait3A_52] : memref<100096x16xf32, #tpu.memory_space<hbm>> -> memref<100096x16xf32, #tpu.memory_space<hbm>>
        tpu.wait_indirect_dma semaphore(%arg20 : memref<!tpu.dma_semaphore, #tpu.memory_space<semaphore_mem>>) src(%dma_wait3A_53 : memref<100096x16xf32, #tpu.memory_space<hbm>>) dst(%arg17 : memref<800x16xf32, #tpu.memory_space<vmem>>)
        "tpu.region"() ({
          %run_scoped3A = tpu.sem_alloc : memref<!tpu.dma_semaphore, #tpu.memory_space<semaphore_mem>>
          %dma_start3A_57 = arith.constant 0 : i32
          %dma_start3A_58 = arith.constant 0 : i32
          %dma_start3A_59 = tpu.memref_slice %arg19[%dma_start3A_57, %dma_start3A_58] : memref<100096x16xf32, #tpu.memory_space<vmem_shared>> -> memref<100096x16xf32, #tpu.memory_space<vmem_shared>>
          tpu.enqueue_indirect_dma source(%arg17 : memref<800x16xf32, #tpu.memory_space<vmem>>) target(%dma_start3A_59 : memref<100096x16xf32, #tpu.memory_space<vmem_shared>>) offsets(%arg14 : memref<800xi32, #tpu.memory_space<vmem>>) semaphore(%run_scoped3A : memref<!tpu.dma_semaphore, #tpu.memory_space<semaphore_mem>>) {add = true}
          %dma_wait3A_60 = arith.constant 0 : i32
          %dma_wait3A_61 = arith.constant 0 : i32
          %dma_wait3A_62 = tpu.memref_slice %arg19[%dma_wait3A_60, %dma_wait3A_61] : memref<100096x16xf32, #tpu.memory_space<vmem_shared>> -> memref<100096x16xf32, #tpu.memory_space<vmem_shared>>
          tpu.wait_indirect_dma semaphore(%run_scoped3A : memref<!tpu.dma_semaphore, #tpu.memory_space<semaphore_mem>>) src(%arg17 : memref<800x16xf32, #tpu.memory_space<vmem>>) dst(%dma_wait3A_62 : memref<100096x16xf32, #tpu.memory_space<vmem_shared>>)
          tpu.yield
        }) : () -> ()
        %dma_wait3A_54 = arith.constant 0 : i32
        %dma_wait3A_55 = arith.constant 0 : i32
        %dma_wait3A_56 = tpu.memref_slice %arg4[%dma_wait3A_54, %dma_wait3A_55] : memref<100096x16xf32, #tpu.memory_space<hbm>> -> memref<100096x16xf32, #tpu.memory_space<hbm>>
        tpu.wait_indirect_dma semaphore(%arg21 : memref<!tpu.dma_semaphore, #tpu.memory_space<semaphore_mem>>) src(%dma_wait3A_56 : memref<100096x16xf32, #tpu.memory_space<hbm>>) dst(%arg18 : memref<800x16xf32, #tpu.memory_space<vmem>>)
        "tpu.region"() ({
          %run_scoped3A = tpu.sem_alloc : memref<!tpu.dma_semaphore, #tpu.memory_space<semaphore_mem>>
          %dma_start3A_57 = arith.constant 0 : i32
          %dma_start3A_58 = arith.constant 0 : i32
          %dma_start3A_59 = tpu.memref_slice %arg19[%dma_start3A_57, %dma_start3A_58] : memref<100096x16xf32, #tpu.memory_space<vmem_shared>> -> memref<100096x16xf32, #tpu.memory_space<vmem_shared>>
          tpu.enqueue_indirect_dma source(%arg18 : memref<800x16xf32, #tpu.memory_space<vmem>>) target(%dma_start3A_59 : memref<100096x16xf32, #tpu.memory_space<vmem_shared>>) offsets(%arg16 : memref<800xi32, #tpu.memory_space<vmem>>) semaphore(%run_scoped3A : memref<!tpu.dma_semaphore, #tpu.memory_space<semaphore_mem>>) {add = true}
          %dma_wait3A_60 = arith.constant 0 : i32
          %dma_wait3A_61 = arith.constant 0 : i32
          %dma_wait3A_62 = tpu.memref_slice %arg19[%dma_wait3A_60, %dma_wait3A_61] : memref<100096x16xf32, #tpu.memory_space<vmem_shared>> -> memref<100096x16xf32, #tpu.memory_space<vmem_shared>>
          tpu.wait_indirect_dma semaphore(%run_scoped3A : memref<!tpu.dma_semaphore, #tpu.memory_space<semaphore_mem>>) src(%arg18 : memref<800x16xf32, #tpu.memory_space<vmem>>) dst(%dma_wait3A_62 : memref<100096x16xf32, #tpu.memory_space<vmem_shared>>)
          tpu.yield
        }) : () -> ()
      }
      %scan3A_14 = arith.constant 62 : i32
      %add3A = arith.constant 99200 : i32
      %add3A_15 = arith.addi %mul3A_0, %add3A : i32
      "tpu.region"() ({
        %run_scoped3A = tpu.sem_alloc : memref<!tpu.dma_semaphore, #tpu.memory_space<semaphore_mem>>
        %dma_start3A_37 = tpu.memref_slice %arg6[%add3A_15] : memref<1600000xi32, #tpu.memory_space<hbm>> -> memref<800xi32, #tpu.memory_space<hbm>>
        %dma_start3A_38 = tpu.memref_slice %arg6[%add3A_15] : memref<1600000xi32, #tpu.memory_space<hbm>> -> memref<800xi32, #tpu.memory_space<hbm>>
        tpu.enqueue_dma source(%dma_start3A_38 : memref<800xi32, #tpu.memory_space<hbm>>) target(%arg13 : memref<800xi32, #tpu.memory_space<vmem>>) target_semaphore(%run_scoped3A : memref<!tpu.dma_semaphore, #tpu.memory_space<semaphore_mem>>)
        %dma_wait3A_39 = tpu.memref_slice %arg6[%add3A_15] : memref<1600000xi32, #tpu.memory_space<hbm>> -> memref<800xi32, #tpu.memory_space<hbm>>
        %dma_wait3A_40 = tpu.memref_slice %arg6[%add3A_15] : memref<1600000xi32, #tpu.memory_space<hbm>> -> memref<800xi32, #tpu.memory_space<hbm>>
        tpu.wait_dma2 semaphore(%run_scoped3A : memref<!tpu.dma_semaphore, #tpu.memory_space<semaphore_mem>>) src(%dma_wait3A_40 : memref<800xi32, #tpu.memory_space<hbm>>) dst(%arg13 : memref<800xi32, #tpu.memory_space<vmem>>)
        tpu.yield
      }) : () -> ()
      "tpu.region"() ({
        %run_scoped3A = tpu.sem_alloc : memref<!tpu.dma_semaphore, #tpu.memory_space<semaphore_mem>>
        %dma_start3A_37 = tpu.memref_slice %arg7[%add3A_15] : memref<1600000xi32, #tpu.memory_space<hbm>> -> memref<800xi32, #tpu.memory_space<hbm>>
        %dma_start3A_38 = tpu.memref_slice %arg7[%add3A_15] : memref<1600000xi32, #tpu.memory_space<hbm>> -> memref<800xi32, #tpu.memory_space<hbm>>
        tpu.enqueue_dma source(%dma_start3A_38 : memref<800xi32, #tpu.memory_space<hbm>>) target(%arg14 : memref<800xi32, #tpu.memory_space<vmem>>) target_semaphore(%run_scoped3A : memref<!tpu.dma_semaphore, #tpu.memory_space<semaphore_mem>>)
        %dma_wait3A_39 = tpu.memref_slice %arg7[%add3A_15] : memref<1600000xi32, #tpu.memory_space<hbm>> -> memref<800xi32, #tpu.memory_space<hbm>>
        %dma_wait3A_40 = tpu.memref_slice %arg7[%add3A_15] : memref<1600000xi32, #tpu.memory_space<hbm>> -> memref<800xi32, #tpu.memory_space<hbm>>
        tpu.wait_dma2 semaphore(%run_scoped3A : memref<!tpu.dma_semaphore, #tpu.memory_space<semaphore_mem>>) src(%dma_wait3A_40 : memref<800xi32, #tpu.memory_space<hbm>>) dst(%arg14 : memref<800xi32, #tpu.memory_space<vmem>>)
        tpu.yield
      }) : () -> ()
      %dma_start3A = arith.constant 0 : i32
      %dma_start3A_16 = arith.constant 0 : i32
      %dma_start3A_17 = tpu.memref_slice %arg4[%dma_start3A, %dma_start3A_16] : memref<100096x16xf32, #tpu.memory_space<hbm>> -> memref<100096x16xf32, #tpu.memory_space<hbm>>
      tpu.enqueue_indirect_dma source(%dma_start3A_17 : memref<100096x16xf32, #tpu.memory_space<hbm>>) target(%arg17 : memref<800x16xf32, #tpu.memory_space<vmem>>) offsets(%arg13 : memref<800xi32, #tpu.memory_space<vmem>>) semaphore(%arg20 : memref<!tpu.dma_semaphore, #tpu.memory_space<semaphore_mem>>)
      %dma_wait3A = arith.constant 0 : i32
      %dma_wait3A_18 = arith.constant 0 : i32
      %dma_wait3A_19 = tpu.memref_slice %arg4[%dma_wait3A, %dma_wait3A_18] : memref<100096x16xf32, #tpu.memory_space<hbm>> -> memref<100096x16xf32, #tpu.memory_space<hbm>>
      tpu.wait_indirect_dma semaphore(%arg20 : memref<!tpu.dma_semaphore, #tpu.memory_space<semaphore_mem>>) src(%dma_wait3A_19 : memref<100096x16xf32, #tpu.memory_space<hbm>>) dst(%arg17 : memref<800x16xf32, #tpu.memory_space<vmem>>)
      "tpu.region"() ({
        %run_scoped3A = tpu.sem_alloc : memref<!tpu.dma_semaphore, #tpu.memory_space<semaphore_mem>>
        %dma_start3A_37 = arith.constant 0 : i32
        %dma_start3A_38 = arith.constant 0 : i32
        %dma_start3A_39 = tpu.memref_slice %arg19[%dma_start3A_37, %dma_start3A_38] : memref<100096x16xf32, #tpu.memory_space<vmem_shared>> -> memref<100096x16xf32, #tpu.memory_space<vmem_shared>>
        tpu.enqueue_indirect_dma source(%arg17 : memref<800x16xf32, #tpu.memory_space<vmem>>) target(%dma_start3A_39 : memref<100096x16xf32, #tpu.memory_space<vmem_shared>>) offsets(%arg14 : memref<800xi32, #tpu.memory_space<vmem>>) semaphore(%run_scoped3A : memref<!tpu.dma_semaphore, #tpu.memory_space<semaphore_mem>>) {add = true}
        %dma_wait3A_40 = arith.constant 0 : i32
        %dma_wait3A_41 = arith.constant 0 : i32
        %dma_wait3A_42 = tpu.memref_slice %arg19[%dma_wait3A_40, %dma_wait3A_41] : memref<100096x16xf32, #tpu.memory_space<vmem_shared>> -> memref<100096x16xf32, #tpu.memory_space<vmem_shared>>
        tpu.wait_indirect_dma semaphore(%run_scoped3A : memref<!tpu.dma_semaphore, #tpu.memory_space<semaphore_mem>>) src(%arg17 : memref<800x16xf32, #tpu.memory_space<vmem>>) dst(%dma_wait3A_42 : memref<100096x16xf32, #tpu.memory_space<vmem_shared>>)
        tpu.yield
      }) : () -> ()
      %barrier3A_20 = arith.constant 0 : index
      tpu.barrier barrier_id(%barrier3A_20)
      "tpu.region"() ({
        %run_scoped3A = tpu.sem_alloc : memref<!tpu.dma_semaphore, #tpu.memory_space<semaphore_mem>>
        %dma_start3A_37 = arith.constant 0 : i32
        %dma_start3A_38 = tpu.memref_slice %arg11[%mul3A_2, %dma_start3A_37] : memref<100096x16xf32, #tpu.memory_space<hbm>> -> memref<6256x16xf32, #tpu.memory_space<hbm>>
        %dma_start3A_39 = arith.constant 0 : i32
        %dma_start3A_40 = tpu.memref_slice %arg19[%mul3A_2, %dma_start3A_39] : memref<100096x16xf32, #tpu.memory_space<vmem_shared>> -> memref<6256x16xf32, #tpu.memory_space<vmem_shared>>
        tpu.enqueue_dma source(%dma_start3A_40 : memref<6256x16xf32, #tpu.memory_space<vmem_shared>>) target(%dma_start3A_38 : memref<6256x16xf32, #tpu.memory_space<hbm>>) target_semaphore(%run_scoped3A : memref<!tpu.dma_semaphore, #tpu.memory_space<semaphore_mem>>)
        %dma_wait3A_41 = arith.constant 0 : i32
        %dma_wait3A_42 = tpu.memref_slice %arg11[%mul3A_2, %dma_wait3A_41] : memref<100096x16xf32, #tpu.memory_space<hbm>> -> memref<6256x16xf32, #tpu.memory_space<hbm>>
        %dma_wait3A_43 = arith.constant 0 : i32
        %dma_wait3A_44 = tpu.memref_slice %arg19[%mul3A_2, %dma_wait3A_43] : memref<100096x16xf32, #tpu.memory_space<vmem_shared>> -> memref<6256x16xf32, #tpu.memory_space<vmem_shared>>
        tpu.wait_dma2 semaphore(%run_scoped3A : memref<!tpu.dma_semaphore, #tpu.memory_space<semaphore_mem>>) src(%dma_wait3A_44 : memref<6256x16xf32, #tpu.memory_space<vmem_shared>>) dst(%dma_wait3A_42 : memref<6256x16xf32, #tpu.memory_space<hbm>>)
        tpu.yield
      }) : () -> ()
      "tpu.region"() ({
        %run_scoped3A = tpu.sem_alloc : memref<!tpu.dma_semaphore, #tpu.memory_space<semaphore_mem>>
        %dma_start3A_37 = arith.constant 0 : i32
        %dma_start3A_38 = tpu.memref_slice %arg19[%mul3A_2, %dma_start3A_37] : memref<100096x16xf32, #tpu.memory_space<vmem_shared>> -> memref<6256x16xf32, #tpu.memory_space<vmem_shared>>
        %dma_start3A_39 = arith.constant 0 : i32
        %dma_start3A_40 = tpu.memref_slice %arg8[%mul3A_2, %dma_start3A_39] : memref<100096x16xf32, #tpu.memory_space<hbm>> -> memref<6256x16xf32, #tpu.memory_space<hbm>>
        tpu.enqueue_dma source(%dma_start3A_40 : memref<6256x16xf32, #tpu.memory_space<hbm>>) target(%dma_start3A_38 : memref<6256x16xf32, #tpu.memory_space<vmem_shared>>) target_semaphore(%run_scoped3A : memref<!tpu.dma_semaphore, #tpu.memory_space<semaphore_mem>>)
        %dma_wait3A_41 = arith.constant 0 : i32
        %dma_wait3A_42 = tpu.memref_slice %arg19[%mul3A_2, %dma_wait3A_41] : memref<100096x16xf32, #tpu.memory_space<vmem_shared>> -> memref<6256x16xf32, #tpu.memory_space<vmem_shared>>
        %dma_wait3A_43 = arith.constant 0 : i32
        %dma_wait3A_44 = tpu.memref_slice %arg8[%mul3A_2, %dma_wait3A_43] : memref<100096x16xf32, #tpu.memory_space<hbm>> -> memref<6256x16xf32, #tpu.memory_space<hbm>>
        tpu.wait_dma2 semaphore(%run_scoped3A : memref<!tpu.dma_semaphore, #tpu.memory_space<semaphore_mem>>) src(%dma_wait3A_44 : memref<6256x16xf32, #tpu.memory_space<hbm>>) dst(%dma_wait3A_42 : memref<6256x16xf32, #tpu.memory_space<vmem_shared>>)
        tpu.yield
      }) : () -> ()
      %barrier3A_21 = arith.constant 0 : index
      tpu.barrier barrier_id(%barrier3A_21)
      %scan3A_22 = arith.constant 0 : i32
      %scan3A_23 = arith.constant 0 : i32
      %scan3A_24 = arith.constant 62 : i32
      %scan3A_25 = arith.addi %scan3A_23, %scan3A_24 : i32
      %scan3A_26 = arith.constant 1 : i32
      scf.for %scan3A_37 = %scan3A_23 to %scan3A_25 step %scan3A_26  : i32 {
        %mul3A_38 = arith.constant 2 : i32
        %mul3A_39 = arith.muli %mul3A_38, %scan3A_37 : i32
        %mul3A_40 = arith.constant 800 : i32
        %mul3A_41 = arith.muli %mul3A_39, %mul3A_40 : i32
        %add3A_42 = arith.addi %mul3A_0, %mul3A_41 : i32
        %add3A_43 = arith.constant 800 : i32
        %add3A_44 = arith.addi %add3A_42, %add3A_43 : i32
        "tpu.region"() ({
          %run_scoped3A = tpu.sem_alloc : memref<!tpu.dma_semaphore, #tpu.memory_space<semaphore_mem>>
          %dma_start3A_57 = tpu.memref_slice %arg6[%add3A_42] : memref<1600000xi32, #tpu.memory_space<hbm>> -> memref<800xi32, #tpu.memory_space<hbm>>
          %dma_start3A_58 = tpu.memref_slice %arg6[%add3A_42] : memref<1600000xi32, #tpu.memory_space<hbm>> -> memref<800xi32, #tpu.memory_space<hbm>>
          tpu.enqueue_dma source(%dma_start3A_58 : memref<800xi32, #tpu.memory_space<hbm>>) target(%arg13 : memref<800xi32, #tpu.memory_space<vmem>>) target_semaphore(%run_scoped3A : memref<!tpu.dma_semaphore, #tpu.memory_space<semaphore_mem>>)
          %dma_wait3A_59 = tpu.memref_slice %arg6[%add3A_42] : memref<1600000xi32, #tpu.memory_space<hbm>> -> memref<800xi32, #tpu.memory_space<hbm>>
          %dma_wait3A_60 = tpu.memref_slice %arg6[%add3A_42] : memref<1600000xi32, #tpu.memory_space<hbm>> -> memref<800xi32, #tpu.memory_space<hbm>>
          tpu.wait_dma2 semaphore(%run_scoped3A : memref<!tpu.dma_semaphore, #tpu.memory_space<semaphore_mem>>) src(%dma_wait3A_60 : memref<800xi32, #tpu.memory_space<hbm>>) dst(%arg13 : memref<800xi32, #tpu.memory_space<vmem>>)
          tpu.yield
        }) : () -> ()
        "tpu.region"() ({
          %run_scoped3A = tpu.sem_alloc : memref<!tpu.dma_semaphore, #tpu.memory_space<semaphore_mem>>
          %dma_start3A_57 = tpu.memref_slice %arg7[%add3A_42] : memref<1600000xi32, #tpu.memory_space<hbm>> -> memref<800xi32, #tpu.memory_space<hbm>>
          %dma_start3A_58 = tpu.memref_slice %arg7[%add3A_42] : memref<1600000xi32, #tpu.memory_space<hbm>> -> memref<800xi32, #tpu.memory_space<hbm>>
          tpu.enqueue_dma source(%dma_start3A_58 : memref<800xi32, #tpu.memory_space<hbm>>) target(%arg14 : memref<800xi32, #tpu.memory_space<vmem>>) target_semaphore(%run_scoped3A : memref<!tpu.dma_semaphore, #tpu.memory_space<semaphore_mem>>)
          %dma_wait3A_59 = tpu.memref_slice %arg7[%add3A_42] : memref<1600000xi32, #tpu.memory_space<hbm>> -> memref<800xi32, #tpu.memory_space<hbm>>
          %dma_wait3A_60 = tpu.memref_slice %arg7[%add3A_42] : memref<1600000xi32, #tpu.memory_space<hbm>> -> memref<800xi32, #tpu.memory_space<hbm>>
          tpu.wait_dma2 semaphore(%run_scoped3A : memref<!tpu.dma_semaphore, #tpu.memory_space<semaphore_mem>>) src(%dma_wait3A_60 : memref<800xi32, #tpu.memory_space<hbm>>) dst(%arg14 : memref<800xi32, #tpu.memory_space<vmem>>)
          tpu.yield
        }) : () -> ()
        %dma_start3A_45 = arith.constant 0 : i32
        %dma_start3A_46 = arith.constant 0 : i32
        %dma_start3A_47 = tpu.memref_slice %arg5[%dma_start3A_45, %dma_start3A_46] : memref<100096x16xf32, #tpu.memory_space<hbm>> -> memref<100096x16xf32, #tpu.memory_space<hbm>>
        tpu.enqueue_indirect_dma source(%dma_start3A_47 : memref<100096x16xf32, #tpu.memory_space<hbm>>) target(%arg17 : memref<800x16xf32, #tpu.memory_space<vmem>>) offsets(%arg13 : memref<800xi32, #tpu.memory_space<vmem>>) semaphore(%arg20 : memref<!tpu.dma_semaphore, #tpu.memory_space<semaphore_mem>>)
        "tpu.region"() ({
          %run_scoped3A = tpu.sem_alloc : memref<!tpu.dma_semaphore, #tpu.memory_space<semaphore_mem>>
          %dma_start3A_57 = tpu.memref_slice %arg6[%add3A_44] : memref<1600000xi32, #tpu.memory_space<hbm>> -> memref<800xi32, #tpu.memory_space<hbm>>
          %dma_start3A_58 = tpu.memref_slice %arg6[%add3A_44] : memref<1600000xi32, #tpu.memory_space<hbm>> -> memref<800xi32, #tpu.memory_space<hbm>>
          tpu.enqueue_dma source(%dma_start3A_58 : memref<800xi32, #tpu.memory_space<hbm>>) target(%arg15 : memref<800xi32, #tpu.memory_space<vmem>>) target_semaphore(%run_scoped3A : memref<!tpu.dma_semaphore, #tpu.memory_space<semaphore_mem>>)
          %dma_wait3A_59 = tpu.memref_slice %arg6[%add3A_44] : memref<1600000xi32, #tpu.memory_space<hbm>> -> memref<800xi32, #tpu.memory_space<hbm>>
          %dma_wait3A_60 = tpu.memref_slice %arg6[%add3A_44] : memref<1600000xi32, #tpu.memory_space<hbm>> -> memref<800xi32, #tpu.memory_space<hbm>>
          tpu.wait_dma2 semaphore(%run_scoped3A : memref<!tpu.dma_semaphore, #tpu.memory_space<semaphore_mem>>) src(%dma_wait3A_60 : memref<800xi32, #tpu.memory_space<hbm>>) dst(%arg15 : memref<800xi32, #tpu.memory_space<vmem>>)
          tpu.yield
        }) : () -> ()
        "tpu.region"() ({
          %run_scoped3A = tpu.sem_alloc : memref<!tpu.dma_semaphore, #tpu.memory_space<semaphore_mem>>
          %dma_start3A_57 = tpu.memref_slice %arg7[%add3A_44] : memref<1600000xi32, #tpu.memory_space<hbm>> -> memref<800xi32, #tpu.memory_space<hbm>>
          %dma_start3A_58 = tpu.memref_slice %arg7[%add3A_44] : memref<1600000xi32, #tpu.memory_space<hbm>> -> memref<800xi32, #tpu.memory_space<hbm>>
          tpu.enqueue_dma source(%dma_start3A_58 : memref<800xi32, #tpu.memory_space<hbm>>) target(%arg16 : memref<800xi32, #tpu.memory_space<vmem>>) target_semaphore(%run_scoped3A : memref<!tpu.dma_semaphore, #tpu.memory_space<semaphore_mem>>)
          %dma_wait3A_59 = tpu.memref_slice %arg7[%add3A_44] : memref<1600000xi32, #tpu.memory_space<hbm>> -> memref<800xi32, #tpu.memory_space<hbm>>
          %dma_wait3A_60 = tpu.memref_slice %arg7[%add3A_44] : memref<1600000xi32, #tpu.memory_space<hbm>> -> memref<800xi32, #tpu.memory_space<hbm>>
          tpu.wait_dma2 semaphore(%run_scoped3A : memref<!tpu.dma_semaphore, #tpu.memory_space<semaphore_mem>>) src(%dma_wait3A_60 : memref<800xi32, #tpu.memory_space<hbm>>) dst(%arg16 : memref<800xi32, #tpu.memory_space<vmem>>)
          tpu.yield
        }) : () -> ()
        %dma_start3A_48 = arith.constant 0 : i32
        %dma_start3A_49 = arith.constant 0 : i32
        %dma_start3A_50 = tpu.memref_slice %arg5[%dma_start3A_48, %dma_start3A_49] : memref<100096x16xf32, #tpu.memory_space<hbm>> -> memref<100096x16xf32, #tpu.memory_space<hbm>>
        tpu.enqueue_indirect_dma source(%dma_start3A_50 : memref<100096x16xf32, #tpu.memory_space<hbm>>) target(%arg18 : memref<800x16xf32, #tpu.memory_space<vmem>>) offsets(%arg15 : memref<800xi32, #tpu.memory_space<vmem>>) semaphore(%arg21 : memref<!tpu.dma_semaphore, #tpu.memory_space<semaphore_mem>>)
        %dma_wait3A_51 = arith.constant 0 : i32
        %dma_wait3A_52 = arith.constant 0 : i32
        %dma_wait3A_53 = tpu.memref_slice %arg5[%dma_wait3A_51, %dma_wait3A_52] : memref<100096x16xf32, #tpu.memory_space<hbm>> -> memref<100096x16xf32, #tpu.memory_space<hbm>>
        tpu.wait_indirect_dma semaphore(%arg20 : memref<!tpu.dma_semaphore, #tpu.memory_space<semaphore_mem>>) src(%dma_wait3A_53 : memref<100096x16xf32, #tpu.memory_space<hbm>>) dst(%arg17 : memref<800x16xf32, #tpu.memory_space<vmem>>)
        "tpu.region"() ({
          %run_scoped3A = tpu.sem_alloc : memref<!tpu.dma_semaphore, #tpu.memory_space<semaphore_mem>>
          %dma_start3A_57 = arith.constant 0 : i32
          %dma_start3A_58 = arith.constant 0 : i32
          %dma_start3A_59 = tpu.memref_slice %arg19[%dma_start3A_57, %dma_start3A_58] : memref<100096x16xf32, #tpu.memory_space<vmem_shared>> -> memref<100096x16xf32, #tpu.memory_space<vmem_shared>>
          tpu.enqueue_indirect_dma source(%arg17 : memref<800x16xf32, #tpu.memory_space<vmem>>) target(%dma_start3A_59 : memref<100096x16xf32, #tpu.memory_space<vmem_shared>>) offsets(%arg14 : memref<800xi32, #tpu.memory_space<vmem>>) semaphore(%run_scoped3A : memref<!tpu.dma_semaphore, #tpu.memory_space<semaphore_mem>>) {add = true}
          %dma_wait3A_60 = arith.constant 0 : i32
          %dma_wait3A_61 = arith.constant 0 : i32
          %dma_wait3A_62 = tpu.memref_slice %arg19[%dma_wait3A_60, %dma_wait3A_61] : memref<100096x16xf32, #tpu.memory_space<vmem_shared>> -> memref<100096x16xf32, #tpu.memory_space<vmem_shared>>
          tpu.wait_indirect_dma semaphore(%run_scoped3A : memref<!tpu.dma_semaphore, #tpu.memory_space<semaphore_mem>>) src(%arg17 : memref<800x16xf32, #tpu.memory_space<vmem>>) dst(%dma_wait3A_62 : memref<100096x16xf32, #tpu.memory_space<vmem_shared>>)
          tpu.yield
        }) : () -> ()
        %dma_wait3A_54 = arith.constant 0 : i32
        %dma_wait3A_55 = arith.constant 0 : i32
        %dma_wait3A_56 = tpu.memref_slice %arg5[%dma_wait3A_54, %dma_wait3A_55] : memref<100096x16xf32, #tpu.memory_space<hbm>> -> memref<100096x16xf32, #tpu.memory_space<hbm>>
        tpu.wait_indirect_dma semaphore(%arg21 : memref<!tpu.dma_semaphore, #tpu.memory_space<semaphore_mem>>) src(%dma_wait3A_56 : memref<100096x16xf32, #tpu.memory_space<hbm>>) dst(%arg18 : memref<800x16xf32, #tpu.memory_space<vmem>>)
        "tpu.region"() ({
          %run_scoped3A = tpu.sem_alloc : memref<!tpu.dma_semaphore, #tpu.memory_space<semaphore_mem>>
          %dma_start3A_57 = arith.constant 0 : i32
          %dma_start3A_58 = arith.constant 0 : i32
          %dma_start3A_59 = tpu.memref_slice %arg19[%dma_start3A_57, %dma_start3A_58] : memref<100096x16xf32, #tpu.memory_space<vmem_shared>> -> memref<100096x16xf32, #tpu.memory_space<vmem_shared>>
          tpu.enqueue_indirect_dma source(%arg18 : memref<800x16xf32, #tpu.memory_space<vmem>>) target(%dma_start3A_59 : memref<100096x16xf32, #tpu.memory_space<vmem_shared>>) offsets(%arg16 : memref<800xi32, #tpu.memory_space<vmem>>) semaphore(%run_scoped3A : memref<!tpu.dma_semaphore, #tpu.memory_space<semaphore_mem>>) {add = true}
          %dma_wait3A_60 = arith.constant 0 : i32
          %dma_wait3A_61 = arith.constant 0 : i32
          %dma_wait3A_62 = tpu.memref_slice %arg19[%dma_wait3A_60, %dma_wait3A_61] : memref<100096x16xf32, #tpu.memory_space<vmem_shared>> -> memref<100096x16xf32, #tpu.memory_space<vmem_shared>>
          tpu.wait_indirect_dma semaphore(%run_scoped3A : memref<!tpu.dma_semaphore, #tpu.memory_space<semaphore_mem>>) src(%arg18 : memref<800x16xf32, #tpu.memory_space<vmem>>) dst(%dma_wait3A_62 : memref<100096x16xf32, #tpu.memory_space<vmem_shared>>)
          tpu.yield
        }) : () -> ()
      }
      %scan3A_27 = arith.constant 62 : i32
      %add3A_28 = arith.constant 99200 : i32
      %add3A_29 = arith.addi %mul3A_0, %add3A_28 : i32
      "tpu.region"() ({
        %run_scoped3A = tpu.sem_alloc : memref<!tpu.dma_semaphore, #tpu.memory_space<semaphore_mem>>
        %dma_start3A_37 = tpu.memref_slice %arg6[%add3A_29] : memref<1600000xi32, #tpu.memory_space<hbm>> -> memref<800xi32, #tpu.memory_space<hbm>>
        %dma_start3A_38 = tpu.memref_slice %arg6[%add3A_29] : memref<1600000xi32, #tpu.memory_space<hbm>> -> memref<800xi32, #tpu.memory_space<hbm>>
        tpu.enqueue_dma source(%dma_start3A_38 : memref<800xi32, #tpu.memory_space<hbm>>) target(%arg13 : memref<800xi32, #tpu.memory_space<vmem>>) target_semaphore(%run_scoped3A : memref<!tpu.dma_semaphore, #tpu.memory_space<semaphore_mem>>)
        %dma_wait3A_39 = tpu.memref_slice %arg6[%add3A_29] : memref<1600000xi32, #tpu.memory_space<hbm>> -> memref<800xi32, #tpu.memory_space<hbm>>
        %dma_wait3A_40 = tpu.memref_slice %arg6[%add3A_29] : memref<1600000xi32, #tpu.memory_space<hbm>> -> memref<800xi32, #tpu.memory_space<hbm>>
        tpu.wait_dma2 semaphore(%run_scoped3A : memref<!tpu.dma_semaphore, #tpu.memory_space<semaphore_mem>>) src(%dma_wait3A_40 : memref<800xi32, #tpu.memory_space<hbm>>) dst(%arg13 : memref<800xi32, #tpu.memory_space<vmem>>)
        tpu.yield
      }) : () -> ()
      "tpu.region"() ({
        %run_scoped3A = tpu.sem_alloc : memref<!tpu.dma_semaphore, #tpu.memory_space<semaphore_mem>>
        %dma_start3A_37 = tpu.memref_slice %arg7[%add3A_29] : memref<1600000xi32, #tpu.memory_space<hbm>> -> memref<800xi32, #tpu.memory_space<hbm>>
        %dma_start3A_38 = tpu.memref_slice %arg7[%add3A_29] : memref<1600000xi32, #tpu.memory_space<hbm>> -> memref<800xi32, #tpu.memory_space<hbm>>
        tpu.enqueue_dma source(%dma_start3A_38 : memref<800xi32, #tpu.memory_space<hbm>>) target(%arg14 : memref<800xi32, #tpu.memory_space<vmem>>) target_semaphore(%run_scoped3A : memref<!tpu.dma_semaphore, #tpu.memory_space<semaphore_mem>>)
        %dma_wait3A_39 = tpu.memref_slice %arg7[%add3A_29] : memref<1600000xi32, #tpu.memory_space<hbm>> -> memref<800xi32, #tpu.memory_space<hbm>>
        %dma_wait3A_40 = tpu.memref_slice %arg7[%add3A_29] : memref<1600000xi32, #tpu.memory_space<hbm>> -> memref<800xi32, #tpu.memory_space<hbm>>
        tpu.wait_dma2 semaphore(%run_scoped3A : memref<!tpu.dma_semaphore, #tpu.memory_space<semaphore_mem>>) src(%dma_wait3A_40 : memref<800xi32, #tpu.memory_space<hbm>>) dst(%arg14 : memref<800xi32, #tpu.memory_space<vmem>>)
        tpu.yield
      }) : () -> ()
      %dma_start3A_30 = arith.constant 0 : i32
      %dma_start3A_31 = arith.constant 0 : i32
      %dma_start3A_32 = tpu.memref_slice %arg5[%dma_start3A_30, %dma_start3A_31] : memref<100096x16xf32, #tpu.memory_space<hbm>> -> memref<100096x16xf32, #tpu.memory_space<hbm>>
      tpu.enqueue_indirect_dma source(%dma_start3A_32 : memref<100096x16xf32, #tpu.memory_space<hbm>>) target(%arg17 : memref<800x16xf32, #tpu.memory_space<vmem>>) offsets(%arg13 : memref<800xi32, #tpu.memory_space<vmem>>) semaphore(%arg20 : memref<!tpu.dma_semaphore, #tpu.memory_space<semaphore_mem>>)
      %dma_wait3A_33 = arith.constant 0 : i32
      %dma_wait3A_34 = arith.constant 0 : i32
      %dma_wait3A_35 = tpu.memref_slice %arg5[%dma_wait3A_33, %dma_wait3A_34] : memref<100096x16xf32, #tpu.memory_space<hbm>> -> memref<100096x16xf32, #tpu.memory_space<hbm>>
      tpu.wait_indirect_dma semaphore(%arg20 : memref<!tpu.dma_semaphore, #tpu.memory_space<semaphore_mem>>) src(%dma_wait3A_35 : memref<100096x16xf32, #tpu.memory_space<hbm>>) dst(%arg17 : memref<800x16xf32, #tpu.memory_space<vmem>>)
      "tpu.region"() ({
        %run_scoped3A = tpu.sem_alloc : memref<!tpu.dma_semaphore, #tpu.memory_space<semaphore_mem>>
        %dma_start3A_37 = arith.constant 0 : i32
        %dma_start3A_38 = arith.constant 0 : i32
        %dma_start3A_39 = tpu.memref_slice %arg19[%dma_start3A_37, %dma_start3A_38] : memref<100096x16xf32, #tpu.memory_space<vmem_shared>> -> memref<100096x16xf32, #tpu.memory_space<vmem_shared>>
        tpu.enqueue_indirect_dma source(%arg17 : memref<800x16xf32, #tpu.memory_space<vmem>>) target(%dma_start3A_39 : memref<100096x16xf32, #tpu.memory_space<vmem_shared>>) offsets(%arg14 : memref<800xi32, #tpu.memory_space<vmem>>) semaphore(%run_scoped3A : memref<!tpu.dma_semaphore, #tpu.memory_space<semaphore_mem>>) {add = true}
        %dma_wait3A_40 = arith.constant 0 : i32
        %dma_wait3A_41 = arith.constant 0 : i32
        %dma_wait3A_42 = tpu.memref_slice %arg19[%dma_wait3A_40, %dma_wait3A_41] : memref<100096x16xf32, #tpu.memory_space<vmem_shared>> -> memref<100096x16xf32, #tpu.memory_space<vmem_shared>>
        tpu.wait_indirect_dma semaphore(%run_scoped3A : memref<!tpu.dma_semaphore, #tpu.memory_space<semaphore_mem>>) src(%arg17 : memref<800x16xf32, #tpu.memory_space<vmem>>) dst(%dma_wait3A_42 : memref<100096x16xf32, #tpu.memory_space<vmem_shared>>)
        tpu.yield
      }) : () -> ()
      %barrier3A_36 = arith.constant 0 : index
      tpu.barrier barrier_id(%barrier3A_36)
      "tpu.region"() ({
        %run_scoped3A = tpu.sem_alloc : memref<!tpu.dma_semaphore, #tpu.memory_space<semaphore_mem>>
        %dma_start3A_37 = arith.constant 0 : i32
        %dma_start3A_38 = tpu.memref_slice %arg12[%mul3A_2, %dma_start3A_37] : memref<100096x16xf32, #tpu.memory_space<hbm>> -> memref<6256x16xf32, #tpu.memory_space<hbm>>
        %dma_start3A_39 = arith.constant 0 : i32
        %dma_start3A_40 = tpu.memref_slice %arg19[%mul3A_2, %dma_start3A_39] : memref<100096x16xf32, #tpu.memory_space<vmem_shared>> -> memref<6256x16xf32, #tpu.memory_space<vmem_shared>>
        tpu.enqueue_dma source(%dma_start3A_40 : memref<6256x16xf32, #tpu.memory_space<vmem_shared>>) target(%dma_start3A_38 : memref<6256x16xf32, #tpu.memory_space<hbm>>) target_semaphore(%run_scoped3A : memref<!tpu.dma_semaphore, #tpu.memory_space<semaphore_mem>>)
        %dma_wait3A_41 = arith.constant 0 : i32
        %dma_wait3A_42 = tpu.memref_slice %arg12[%mul3A_2, %dma_wait3A_41] : memref<100096x16xf32, #tpu.memory_space<hbm>> -> memref<6256x16xf32, #tpu.memory_space<hbm>>
        %dma_wait3A_43 = arith.constant 0 : i32
        %dma_wait3A_44 = tpu.memref_slice %arg19[%mul3A_2, %dma_wait3A_43] : memref<100096x16xf32, #tpu.memory_space<vmem_shared>> -> memref<6256x16xf32, #tpu.memory_space<vmem_shared>>
        tpu.wait_dma2 semaphore(%run_scoped3A : memref<!tpu.dma_semaphore, #tpu.memory_space<semaphore_mem>>) src(%dma_wait3A_44 : memref<6256x16xf32, #tpu.memory_space<vmem_shared>>) dst(%dma_wait3A_42 : memref<6256x16xf32, #tpu.memory_space<hbm>>)
        tpu.yield
      }) : () -> ()
    } else {
    }
    return
  }
}

#map = affine_map<(d0, d1) -> (0, 0)>
#map1 = affine_map<(d0, d1) -> (0)>
module attributes {stable_mosaic.version = 14 : i64} {
  func.func @segsum(%arg0: i32, %arg1: i32, %arg2: memref<100096x16xf32, #tpu.memory_space<hbm>>, %arg3: memref<100096x16xf32, #tpu.memory_space<hbm>>, %arg4: memref<100096x16xf32, #tpu.memory_space<hbm>>, %arg5: memref<100096x16xf32, #tpu.memory_space<hbm>>, %arg6: memref<1600000xi32, #tpu.memory_space<hbm>>, %arg7: memref<1600000xi32, #tpu.memory_space<hbm>>, %arg8: memref<100096x16xf32, #tpu.memory_space<hbm>>, %arg9: memref<100096x16xf32, #tpu.memory_space<hbm>>, %arg10: memref<100096x16xf32, #tpu.memory_space<hbm>>, %arg11: memref<100096x16xf32, #tpu.memory_space<hbm>>, %arg12: memref<100096x16xf32, #tpu.memory_space<hbm>>, %arg13: memref<800xi32, #tpu.memory_space<vmem>>, %arg14: memref<800xi32, #tpu.memory_space<vmem>>, %arg15: memref<800xi32, #tpu.memory_space<vmem>>, %arg16: memref<800xi32, #tpu.memory_space<vmem>>, %arg17: memref<800x16xf32, #tpu.memory_space<vmem>>, %arg18: memref<800x16xf32, #tpu.memory_space<vmem>>, %arg19: memref<100096x16xf32, #tpu.memory_space<vmem_shared>>, %arg20: memref<!tpu.dma_semaphore, #tpu.memory_space<semaphore_mem>>, %arg21: memref<!tpu.dma_semaphore, #tpu.memory_space<semaphore_mem>>) attributes {dimension_semantics = [#tpu.dimension_semantics<core_parallel>, #tpu.dimension_semantics<subcore_parallel>], iteration_bounds = array<i64: 2, 16>, scalar_prefetch = 0 : i64, scratch_operands = 9 : i64, tpu.core_type = #tpu.core_type<sc_vector_subcore>, window_params = [{transform_indices = #map}, {transform_indices = #map}, {transform_indices = #map}, {transform_indices = #map}, {transform_indices = #map1}, {transform_indices = #map1}, {transform_indices = #map}, {transform_indices = #map}, {transform_indices = #map}, {transform_indices = #map}, {transform_indices = #map}]} {
    %mul3A = arith.constant 100000 : i32
    %mul3A_0 = arith.muli %arg1, %mul3A : i32
    %mul3A_1 = arith.constant 6256 : i32
    %mul3A_2 = arith.muli %arg1, %mul3A_1 : i32
    %eq3A = arith.constant 0 : i32
    %eq3A_3 = arith.cmpi eq, %arg0, %eq3A : i32
    %convert_element_type3A = arith.extui %eq3A_3 : i1 to i32
    %cond3A = arith.constant 0 : i32
    %cond3A_4 = arith.cmpi ne, %convert_element_type3A, %cond3A : i32
    scf.if %cond3A_4 {
      "tpu.region"() ({
        %run_scoped3A = tpu.sem_alloc : memref<!tpu.dma_semaphore, #tpu.memory_space<semaphore_mem>>
        %dma_start3A_37 = arith.constant 0 : i32
        %dma_start3A_38 = tpu.memref_slice %arg19[%mul3A_2, %dma_start3A_37] : memref<100096x16xf32, #tpu.memory_space<vmem_shared>> -> memref<6256x16xf32, #tpu.memory_space<vmem_shared>>
        %dma_start3A_39 = arith.constant 0 : i32
        %dma_start3A_40 = tpu.memref_slice %arg8[%mul3A_2, %dma_start3A_39] : memref<100096x16xf32, #tpu.memory_space<hbm>> -> memref<6256x16xf32, #tpu.memory_space<hbm>>
        tpu.enqueue_dma source(%dma_start3A_40 : memref<6256x16xf32, #tpu.memory_space<hbm>>) target(%dma_start3A_38 : memref<6256x16xf32, #tpu.memory_space<vmem_shared>>) target_semaphore(%run_scoped3A : memref<!tpu.dma_semaphore, #tpu.memory_space<semaphore_mem>>)
        %dma_wait3A_41 = arith.constant 0 : i32
        %dma_wait3A_42 = tpu.memref_slice %arg19[%mul3A_2, %dma_wait3A_41] : memref<100096x16xf32, #tpu.memory_space<vmem_shared>> -> memref<6256x16xf32, #tpu.memory_space<vmem_shared>>
        %dma_wait3A_43 = arith.constant 0 : i32
        %dma_wait3A_44 = tpu.memref_slice %arg8[%mul3A_2, %dma_wait3A_43] : memref<100096x16xf32, #tpu.memory_space<hbm>> -> memref<6256x16xf32, #tpu.memory_space<hbm>>
        tpu.wait_dma2 semaphore(%run_scoped3A : memref<!tpu.dma_semaphore, #tpu.memory_space<semaphore_mem>>) src(%dma_wait3A_44 : memref<6256x16xf32, #tpu.memory_space<hbm>>) dst(%dma_wait3A_42 : memref<6256x16xf32, #tpu.memory_space<vmem_shared>>)
        tpu.yield
      }) : () -> ()
      %barrier3A = arith.constant 0 : index
      tpu.barrier barrier_id(%barrier3A)
      %scan3A = arith.constant 0 : i32
      %scan3A_10 = arith.constant 0 : i32
      %scan3A_11 = arith.constant 62 : i32
      %scan3A_12 = arith.addi %scan3A_10, %scan3A_11 : i32
      %scan3A_13 = arith.constant 1 : i32
      scf.for %scan3A_37 = %scan3A_10 to %scan3A_12 step %scan3A_13  : i32 {
        %mul3A_38 = arith.constant 2 : i32
        %mul3A_39 = arith.muli %mul3A_38, %scan3A_37 : i32
        %mul3A_40 = arith.constant 800 : i32
        %mul3A_41 = arith.muli %mul3A_39, %mul3A_40 : i32
        %add3A_42 = arith.addi %mul3A_0, %mul3A_41 : i32
        %add3A_43 = arith.constant 800 : i32
        %add3A_44 = arith.addi %add3A_42, %add3A_43 : i32
        "tpu.region"() ({
          %run_scoped3A = tpu.sem_alloc : memref<!tpu.dma_semaphore, #tpu.memory_space<semaphore_mem>>
          %dma_start3A_57 = tpu.memref_slice %arg6[%add3A_42] : memref<1600000xi32, #tpu.memory_space<hbm>> -> memref<800xi32, #tpu.memory_space<hbm>>
          %dma_start3A_58 = tpu.memref_slice %arg6[%add3A_42] : memref<1600000xi32, #tpu.memory_space<hbm>> -> memref<800xi32, #tpu.memory_space<hbm>>
          tpu.enqueue_dma source(%dma_start3A_58 : memref<800xi32, #tpu.memory_space<hbm>>) target(%arg13 : memref<800xi32, #tpu.memory_space<vmem>>) target_semaphore(%run_scoped3A : memref<!tpu.dma_semaphore, #tpu.memory_space<semaphore_mem>>)
          %dma_wait3A_59 = tpu.memref_slice %arg6[%add3A_42] : memref<1600000xi32, #tpu.memory_space<hbm>> -> memref<800xi32, #tpu.memory_space<hbm>>
          %dma_wait3A_60 = tpu.memref_slice %arg6[%add3A_42] : memref<1600000xi32, #tpu.memory_space<hbm>> -> memref<800xi32, #tpu.memory_space<hbm>>
          tpu.wait_dma2 semaphore(%run_scoped3A : memref<!tpu.dma_semaphore, #tpu.memory_space<semaphore_mem>>) src(%dma_wait3A_60 : memref<800xi32, #tpu.memory_space<hbm>>) dst(%arg13 : memref<800xi32, #tpu.memory_space<vmem>>)
          tpu.yield
        }) : () -> ()
        "tpu.region"() ({
          %run_scoped3A = tpu.sem_alloc : memref<!tpu.dma_semaphore, #tpu.memory_space<semaphore_mem>>
          %dma_start3A_57 = tpu.memref_slice %arg7[%add3A_42] : memref<1600000xi32, #tpu.memory_space<hbm>> -> memref<800xi32, #tpu.memory_space<hbm>>
          %dma_start3A_58 = tpu.memref_slice %arg7[%add3A_42] : memref<1600000xi32, #tpu.memory_space<hbm>> -> memref<800xi32, #tpu.memory_space<hbm>>
          tpu.enqueue_dma source(%dma_start3A_58 : memref<800xi32, #tpu.memory_space<hbm>>) target(%arg14 : memref<800xi32, #tpu.memory_space<vmem>>) target_semaphore(%run_scoped3A : memref<!tpu.dma_semaphore, #tpu.memory_space<semaphore_mem>>)
          %dma_wait3A_59 = tpu.memref_slice %arg7[%add3A_42] : memref<1600000xi32, #tpu.memory_space<hbm>> -> memref<800xi32, #tpu.memory_space<hbm>>
          %dma_wait3A_60 = tpu.memref_slice %arg7[%add3A_42] : memref<1600000xi32, #tpu.memory_space<hbm>> -> memref<800xi32, #tpu.memory_space<hbm>>
          tpu.wait_dma2 semaphore(%run_scoped3A : memref<!tpu.dma_semaphore, #tpu.memory_space<semaphore_mem>>) src(%dma_wait3A_60 : memref<800xi32, #tpu.memory_space<hbm>>) dst(%arg14 : memref<800xi32, #tpu.memory_space<vmem>>)
          tpu.yield
        }) : () -> ()
        %dma_start3A_45 = arith.constant 0 : i32
        %dma_start3A_46 = arith.constant 0 : i32
        %dma_start3A_47 = tpu.memref_slice %arg2[%dma_start3A_45, %dma_start3A_46] : memref<100096x16xf32, #tpu.memory_space<hbm>> -> memref<100096x16xf32, #tpu.memory_space<hbm>>
        tpu.enqueue_indirect_dma source(%dma_start3A_47 : memref<100096x16xf32, #tpu.memory_space<hbm>>) target(%arg17 : memref<800x16xf32, #tpu.memory_space<vmem>>) offsets(%arg13 : memref<800xi32, #tpu.memory_space<vmem>>) semaphore(%arg20 : memref<!tpu.dma_semaphore, #tpu.memory_space<semaphore_mem>>)
        "tpu.region"() ({
          %run_scoped3A = tpu.sem_alloc : memref<!tpu.dma_semaphore, #tpu.memory_space<semaphore_mem>>
          %dma_start3A_57 = tpu.memref_slice %arg6[%add3A_44] : memref<1600000xi32, #tpu.memory_space<hbm>> -> memref<800xi32, #tpu.memory_space<hbm>>
          %dma_start3A_58 = tpu.memref_slice %arg6[%add3A_44] : memref<1600000xi32, #tpu.memory_space<hbm>> -> memref<800xi32, #tpu.memory_space<hbm>>
          tpu.enqueue_dma source(%dma_start3A_58 : memref<800xi32, #tpu.memory_space<hbm>>) target(%arg15 : memref<800xi32, #tpu.memory_space<vmem>>) target_semaphore(%run_scoped3A : memref<!tpu.dma_semaphore, #tpu.memory_space<semaphore_mem>>)
          %dma_wait3A_59 = tpu.memref_slice %arg6[%add3A_44] : memref<1600000xi32, #tpu.memory_space<hbm>> -> memref<800xi32, #tpu.memory_space<hbm>>
          %dma_wait3A_60 = tpu.memref_slice %arg6[%add3A_44] : memref<1600000xi32, #tpu.memory_space<hbm>> -> memref<800xi32, #tpu.memory_space<hbm>>
          tpu.wait_dma2 semaphore(%run_scoped3A : memref<!tpu.dma_semaphore, #tpu.memory_space<semaphore_mem>>) src(%dma_wait3A_60 : memref<800xi32, #tpu.memory_space<hbm>>) dst(%arg15 : memref<800xi32, #tpu.memory_space<vmem>>)
          tpu.yield
        }) : () -> ()
        "tpu.region"() ({
          %run_scoped3A = tpu.sem_alloc : memref<!tpu.dma_semaphore, #tpu.memory_space<semaphore_mem>>
          %dma_start3A_57 = tpu.memref_slice %arg7[%add3A_44] : memref<1600000xi32, #tpu.memory_space<hbm>> -> memref<800xi32, #tpu.memory_space<hbm>>
          %dma_start3A_58 = tpu.memref_slice %arg7[%add3A_44] : memref<1600000xi32, #tpu.memory_space<hbm>> -> memref<800xi32, #tpu.memory_space<hbm>>
          tpu.enqueue_dma source(%dma_start3A_58 : memref<800xi32, #tpu.memory_space<hbm>>) target(%arg16 : memref<800xi32, #tpu.memory_space<vmem>>) target_semaphore(%run_scoped3A : memref<!tpu.dma_semaphore, #tpu.memory_space<semaphore_mem>>)
          %dma_wait3A_59 = tpu.memref_slice %arg7[%add3A_44] : memref<1600000xi32, #tpu.memory_space<hbm>> -> memref<800xi32, #tpu.memory_space<hbm>>
          %dma_wait3A_60 = tpu.memref_slice %arg7[%add3A_44] : memref<1600000xi32, #tpu.memory_space<hbm>> -> memref<800xi32, #tpu.memory_space<hbm>>
          tpu.wait_dma2 semaphore(%run_scoped3A : memref<!tpu.dma_semaphore, #tpu.memory_space<semaphore_mem>>) src(%dma_wait3A_60 : memref<800xi32, #tpu.memory_space<hbm>>) dst(%arg16 : memref<800xi32, #tpu.memory_space<vmem>>)
          tpu.yield
        }) : () -> ()
        %dma_start3A_48 = arith.constant 0 : i32
        %dma_start3A_49 = arith.constant 0 : i32
        %dma_start3A_50 = tpu.memref_slice %arg2[%dma_start3A_48, %dma_start3A_49] : memref<100096x16xf32, #tpu.memory_space<hbm>> -> memref<100096x16xf32, #tpu.memory_space<hbm>>
        tpu.enqueue_indirect_dma source(%dma_start3A_50 : memref<100096x16xf32, #tpu.memory_space<hbm>>) target(%arg18 : memref<800x16xf32, #tpu.memory_space<vmem>>) offsets(%arg15 : memref<800xi32, #tpu.memory_space<vmem>>) semaphore(%arg21 : memref<!tpu.dma_semaphore, #tpu.memory_space<semaphore_mem>>)
        %dma_wait3A_51 = arith.constant 0 : i32
        %dma_wait3A_52 = arith.constant 0 : i32
        %dma_wait3A_53 = tpu.memref_slice %arg2[%dma_wait3A_51, %dma_wait3A_52] : memref<100096x16xf32, #tpu.memory_space<hbm>> -> memref<100096x16xf32, #tpu.memory_space<hbm>>
        tpu.wait_indirect_dma semaphore(%arg20 : memref<!tpu.dma_semaphore, #tpu.memory_space<semaphore_mem>>) src(%dma_wait3A_53 : memref<100096x16xf32, #tpu.memory_space<hbm>>) dst(%arg17 : memref<800x16xf32, #tpu.memory_space<vmem>>)
        "tpu.region"() ({
          %run_scoped3A = tpu.sem_alloc : memref<!tpu.dma_semaphore, #tpu.memory_space<semaphore_mem>>
          %dma_start3A_57 = arith.constant 0 : i32
          %dma_start3A_58 = arith.constant 0 : i32
          %dma_start3A_59 = tpu.memref_slice %arg19[%dma_start3A_57, %dma_start3A_58] : memref<100096x16xf32, #tpu.memory_space<vmem_shared>> -> memref<100096x16xf32, #tpu.memory_space<vmem_shared>>
          tpu.enqueue_indirect_dma source(%arg17 : memref<800x16xf32, #tpu.memory_space<vmem>>) target(%dma_start3A_59 : memref<100096x16xf32, #tpu.memory_space<vmem_shared>>) offsets(%arg14 : memref<800xi32, #tpu.memory_space<vmem>>) semaphore(%run_scoped3A : memref<!tpu.dma_semaphore, #tpu.memory_space<semaphore_mem>>) {add = true}
          %dma_wait3A_60 = arith.constant 0 : i32
          %dma_wait3A_61 = arith.constant 0 : i32
          %dma_wait3A_62 = tpu.memref_slice %arg19[%dma_wait3A_60, %dma_wait3A_61] : memref<100096x16xf32, #tpu.memory_space<vmem_shared>> -> memref<100096x16xf32, #tpu.memory_space<vmem_shared>>
          tpu.wait_indirect_dma semaphore(%run_scoped3A : memref<!tpu.dma_semaphore, #tpu.memory_space<semaphore_mem>>) src(%arg17 : memref<800x16xf32, #tpu.memory_space<vmem>>) dst(%dma_wait3A_62 : memref<100096x16xf32, #tpu.memory_space<vmem_shared>>)
          tpu.yield
        }) : () -> ()
        %dma_wait3A_54 = arith.constant 0 : i32
        %dma_wait3A_55 = arith.constant 0 : i32
        %dma_wait3A_56 = tpu.memref_slice %arg2[%dma_wait3A_54, %dma_wait3A_55] : memref<100096x16xf32, #tpu.memory_space<hbm>> -> memref<100096x16xf32, #tpu.memory_space<hbm>>
        tpu.wait_indirect_dma semaphore(%arg21 : memref<!tpu.dma_semaphore, #tpu.memory_space<semaphore_mem>>) src(%dma_wait3A_56 : memref<100096x16xf32, #tpu.memory_space<hbm>>) dst(%arg18 : memref<800x16xf32, #tpu.memory_space<vmem>>)
        "tpu.region"() ({
          %run_scoped3A = tpu.sem_alloc : memref<!tpu.dma_semaphore, #tpu.memory_space<semaphore_mem>>
          %dma_start3A_57 = arith.constant 0 : i32
          %dma_start3A_58 = arith.constant 0 : i32
          %dma_start3A_59 = tpu.memref_slice %arg19[%dma_start3A_57, %dma_start3A_58] : memref<100096x16xf32, #tpu.memory_space<vmem_shared>> -> memref<100096x16xf32, #tpu.memory_space<vmem_shared>>
          tpu.enqueue_indirect_dma source(%arg18 : memref<800x16xf32, #tpu.memory_space<vmem>>) target(%dma_start3A_59 : memref<100096x16xf32, #tpu.memory_space<vmem_shared>>) offsets(%arg16 : memref<800xi32, #tpu.memory_space<vmem>>) semaphore(%run_scoped3A : memref<!tpu.dma_semaphore, #tpu.memory_space<semaphore_mem>>) {add = true}
          %dma_wait3A_60 = arith.constant 0 : i32
          %dma_wait3A_61 = arith.constant 0 : i32
          %dma_wait3A_62 = tpu.memref_slice %arg19[%dma_wait3A_60, %dma_wait3A_61] : memref<100096x16xf32, #tpu.memory_space<vmem_shared>> -> memref<100096x16xf32, #tpu.memory_space<vmem_shared>>
          tpu.wait_indirect_dma semaphore(%run_scoped3A : memref<!tpu.dma_semaphore, #tpu.memory_space<semaphore_mem>>) src(%arg18 : memref<800x16xf32, #tpu.memory_space<vmem>>) dst(%dma_wait3A_62 : memref<100096x16xf32, #tpu.memory_space<vmem_shared>>)
          tpu.yield
        }) : () -> ()
      }
      %scan3A_14 = arith.constant 62 : i32
      %add3A = arith.constant 99200 : i32
      %add3A_15 = arith.addi %mul3A_0, %add3A : i32
      "tpu.region"() ({
        %run_scoped3A = tpu.sem_alloc : memref<!tpu.dma_semaphore, #tpu.memory_space<semaphore_mem>>
        %dma_start3A_37 = tpu.memref_slice %arg6[%add3A_15] : memref<1600000xi32, #tpu.memory_space<hbm>> -> memref<800xi32, #tpu.memory_space<hbm>>
        %dma_start3A_38 = tpu.memref_slice %arg6[%add3A_15] : memref<1600000xi32, #tpu.memory_space<hbm>> -> memref<800xi32, #tpu.memory_space<hbm>>
        tpu.enqueue_dma source(%dma_start3A_38 : memref<800xi32, #tpu.memory_space<hbm>>) target(%arg13 : memref<800xi32, #tpu.memory_space<vmem>>) target_semaphore(%run_scoped3A : memref<!tpu.dma_semaphore, #tpu.memory_space<semaphore_mem>>)
        %dma_wait3A_39 = tpu.memref_slice %arg6[%add3A_15] : memref<1600000xi32, #tpu.memory_space<hbm>> -> memref<800xi32, #tpu.memory_space<hbm>>
        %dma_wait3A_40 = tpu.memref_slice %arg6[%add3A_15] : memref<1600000xi32, #tpu.memory_space<hbm>> -> memref<800xi32, #tpu.memory_space<hbm>>
        tpu.wait_dma2 semaphore(%run_scoped3A : memref<!tpu.dma_semaphore, #tpu.memory_space<semaphore_mem>>) src(%dma_wait3A_40 : memref<800xi32, #tpu.memory_space<hbm>>) dst(%arg13 : memref<800xi32, #tpu.memory_space<vmem>>)
        tpu.yield
      }) : () -> ()
      "tpu.region"() ({
        %run_scoped3A = tpu.sem_alloc : memref<!tpu.dma_semaphore, #tpu.memory_space<semaphore_mem>>
        %dma_start3A_37 = tpu.memref_slice %arg7[%add3A_15] : memref<1600000xi32, #tpu.memory_space<hbm>> -> memref<800xi32, #tpu.memory_space<hbm>>
        %dma_start3A_38 = tpu.memref_slice %arg7[%add3A_15] : memref<1600000xi32, #tpu.memory_space<hbm>> -> memref<800xi32, #tpu.memory_space<hbm>>
        tpu.enqueue_dma source(%dma_start3A_38 : memref<800xi32, #tpu.memory_space<hbm>>) target(%arg14 : memref<800xi32, #tpu.memory_space<vmem>>) target_semaphore(%run_scoped3A : memref<!tpu.dma_semaphore, #tpu.memory_space<semaphore_mem>>)
        %dma_wait3A_39 = tpu.memref_slice %arg7[%add3A_15] : memref<1600000xi32, #tpu.memory_space<hbm>> -> memref<800xi32, #tpu.memory_space<hbm>>
        %dma_wait3A_40 = tpu.memref_slice %arg7[%add3A_15] : memref<1600000xi32, #tpu.memory_space<hbm>> -> memref<800xi32, #tpu.memory_space<hbm>>
        tpu.wait_dma2 semaphore(%run_scoped3A : memref<!tpu.dma_semaphore, #tpu.memory_space<semaphore_mem>>) src(%dma_wait3A_40 : memref<800xi32, #tpu.memory_space<hbm>>) dst(%arg14 : memref<800xi32, #tpu.memory_space<vmem>>)
        tpu.yield
      }) : () -> ()
      %dma_start3A = arith.constant 0 : i32
      %dma_start3A_16 = arith.constant 0 : i32
      %dma_start3A_17 = tpu.memref_slice %arg2[%dma_start3A, %dma_start3A_16] : memref<100096x16xf32, #tpu.memory_space<hbm>> -> memref<100096x16xf32, #tpu.memory_space<hbm>>
      tpu.enqueue_indirect_dma source(%dma_start3A_17 : memref<100096x16xf32, #tpu.memory_space<hbm>>) target(%arg17 : memref<800x16xf32, #tpu.memory_space<vmem>>) offsets(%arg13 : memref<800xi32, #tpu.memory_space<vmem>>) semaphore(%arg20 : memref<!tpu.dma_semaphore, #tpu.memory_space<semaphore_mem>>)
      %dma_wait3A = arith.constant 0 : i32
      %dma_wait3A_18 = arith.constant 0 : i32
      %dma_wait3A_19 = tpu.memref_slice %arg2[%dma_wait3A, %dma_wait3A_18] : memref<100096x16xf32, #tpu.memory_space<hbm>> -> memref<100096x16xf32, #tpu.memory_space<hbm>>
      tpu.wait_indirect_dma semaphore(%arg20 : memref<!tpu.dma_semaphore, #tpu.memory_space<semaphore_mem>>) src(%dma_wait3A_19 : memref<100096x16xf32, #tpu.memory_space<hbm>>) dst(%arg17 : memref<800x16xf32, #tpu.memory_space<vmem>>)
      "tpu.region"() ({
        %run_scoped3A = tpu.sem_alloc : memref<!tpu.dma_semaphore, #tpu.memory_space<semaphore_mem>>
        %dma_start3A_37 = arith.constant 0 : i32
        %dma_start3A_38 = arith.constant 0 : i32
        %dma_start3A_39 = tpu.memref_slice %arg19[%dma_start3A_37, %dma_start3A_38] : memref<100096x16xf32, #tpu.memory_space<vmem_shared>> -> memref<100096x16xf32, #tpu.memory_space<vmem_shared>>
        tpu.enqueue_indirect_dma source(%arg17 : memref<800x16xf32, #tpu.memory_space<vmem>>) target(%dma_start3A_39 : memref<100096x16xf32, #tpu.memory_space<vmem_shared>>) offsets(%arg14 : memref<800xi32, #tpu.memory_space<vmem>>) semaphore(%run_scoped3A : memref<!tpu.dma_semaphore, #tpu.memory_space<semaphore_mem>>) {add = true}
        %dma_wait3A_40 = arith.constant 0 : i32
        %dma_wait3A_41 = arith.constant 0 : i32
        %dma_wait3A_42 = tpu.memref_slice %arg19[%dma_wait3A_40, %dma_wait3A_41] : memref<100096x16xf32, #tpu.memory_space<vmem_shared>> -> memref<100096x16xf32, #tpu.memory_space<vmem_shared>>
        tpu.wait_indirect_dma semaphore(%run_scoped3A : memref<!tpu.dma_semaphore, #tpu.memory_space<semaphore_mem>>) src(%arg17 : memref<800x16xf32, #tpu.memory_space<vmem>>) dst(%dma_wait3A_42 : memref<100096x16xf32, #tpu.memory_space<vmem_shared>>)
        tpu.yield
      }) : () -> ()
      %barrier3A_20 = arith.constant 0 : index
      tpu.barrier barrier_id(%barrier3A_20)
      "tpu.region"() ({
        %run_scoped3A = tpu.sem_alloc : memref<!tpu.dma_semaphore, #tpu.memory_space<semaphore_mem>>
        %dma_start3A_37 = arith.constant 0 : i32
        %dma_start3A_38 = tpu.memref_slice %arg9[%mul3A_2, %dma_start3A_37] : memref<100096x16xf32, #tpu.memory_space<hbm>> -> memref<6256x16xf32, #tpu.memory_space<hbm>>
        %dma_start3A_39 = arith.constant 0 : i32
        %dma_start3A_40 = tpu.memref_slice %arg19[%mul3A_2, %dma_start3A_39] : memref<100096x16xf32, #tpu.memory_space<vmem_shared>> -> memref<6256x16xf32, #tpu.memory_space<vmem_shared>>
        tpu.enqueue_dma source(%dma_start3A_40 : memref<6256x16xf32, #tpu.memory_space<vmem_shared>>) target(%dma_start3A_38 : memref<6256x16xf32, #tpu.memory_space<hbm>>) target_semaphore(%run_scoped3A : memref<!tpu.dma_semaphore, #tpu.memory_space<semaphore_mem>>)
        %dma_wait3A_41 = arith.constant 0 : i32
        %dma_wait3A_42 = tpu.memref_slice %arg9[%mul3A_2, %dma_wait3A_41] : memref<100096x16xf32, #tpu.memory_space<hbm>> -> memref<6256x16xf32, #tpu.memory_space<hbm>>
        %dma_wait3A_43 = arith.constant 0 : i32
        %dma_wait3A_44 = tpu.memref_slice %arg19[%mul3A_2, %dma_wait3A_43] : memref<100096x16xf32, #tpu.memory_space<vmem_shared>> -> memref<6256x16xf32, #tpu.memory_space<vmem_shared>>
        tpu.wait_dma2 semaphore(%run_scoped3A : memref<!tpu.dma_semaphore, #tpu.memory_space<semaphore_mem>>) src(%dma_wait3A_44 : memref<6256x16xf32, #tpu.memory_space<vmem_shared>>) dst(%dma_wait3A_42 : memref<6256x16xf32, #tpu.memory_space<hbm>>)
        tpu.yield
      }) : () -> ()
      "tpu.region"() ({
        %run_scoped3A = tpu.sem_alloc : memref<!tpu.dma_semaphore, #tpu.memory_space<semaphore_mem>>
        %dma_start3A_37 = arith.constant 0 : i32
        %dma_start3A_38 = tpu.memref_slice %arg19[%mul3A_2, %dma_start3A_37] : memref<100096x16xf32, #tpu.memory_space<vmem_shared>> -> memref<6256x16xf32, #tpu.memory_space<vmem_shared>>
        %dma_start3A_39 = arith.constant 0 : i32
        %dma_start3A_40 = tpu.memref_slice %arg8[%mul3A_2, %dma_start3A_39] : memref<100096x16xf32, #tpu.memory_space<hbm>> -> memref<6256x16xf32, #tpu.memory_space<hbm>>
        tpu.enqueue_dma source(%dma_start3A_40 : memref<6256x16xf32, #tpu.memory_space<hbm>>) target(%dma_start3A_38 : memref<6256x16xf32, #tpu.memory_space<vmem_shared>>) target_semaphore(%run_scoped3A : memref<!tpu.dma_semaphore, #tpu.memory_space<semaphore_mem>>)
        %dma_wait3A_41 = arith.constant 0 : i32
        %dma_wait3A_42 = tpu.memref_slice %arg19[%mul3A_2, %dma_wait3A_41] : memref<100096x16xf32, #tpu.memory_space<vmem_shared>> -> memref<6256x16xf32, #tpu.memory_space<vmem_shared>>
        %dma_wait3A_43 = arith.constant 0 : i32
        %dma_wait3A_44 = tpu.memref_slice %arg8[%mul3A_2, %dma_wait3A_43] : memref<100096x16xf32, #tpu.memory_space<hbm>> -> memref<6256x16xf32, #tpu.memory_space<hbm>>
        tpu.wait_dma2 semaphore(%run_scoped3A : memref<!tpu.dma_semaphore, #tpu.memory_space<semaphore_mem>>) src(%dma_wait3A_44 : memref<6256x16xf32, #tpu.memory_space<hbm>>) dst(%dma_wait3A_42 : memref<6256x16xf32, #tpu.memory_space<vmem_shared>>)
        tpu.yield
      }) : () -> ()
      %barrier3A_21 = arith.constant 0 : index
      tpu.barrier barrier_id(%barrier3A_21)
      %scan3A_22 = arith.constant 0 : i32
      %scan3A_23 = arith.constant 0 : i32
      %scan3A_24 = arith.constant 62 : i32
      %scan3A_25 = arith.addi %scan3A_23, %scan3A_24 : i32
      %scan3A_26 = arith.constant 1 : i32
      scf.for %scan3A_37 = %scan3A_23 to %scan3A_25 step %scan3A_26  : i32 {
        %mul3A_38 = arith.constant 2 : i32
        %mul3A_39 = arith.muli %mul3A_38, %scan3A_37 : i32
        %mul3A_40 = arith.constant 800 : i32
        %mul3A_41 = arith.muli %mul3A_39, %mul3A_40 : i32
        %add3A_42 = arith.addi %mul3A_0, %mul3A_41 : i32
        %add3A_43 = arith.constant 800 : i32
        %add3A_44 = arith.addi %add3A_42, %add3A_43 : i32
        "tpu.region"() ({
          %run_scoped3A = tpu.sem_alloc : memref<!tpu.dma_semaphore, #tpu.memory_space<semaphore_mem>>
          %dma_start3A_57 = tpu.memref_slice %arg6[%add3A_42] : memref<1600000xi32, #tpu.memory_space<hbm>> -> memref<800xi32, #tpu.memory_space<hbm>>
          %dma_start3A_58 = tpu.memref_slice %arg6[%add3A_42] : memref<1600000xi32, #tpu.memory_space<hbm>> -> memref<800xi32, #tpu.memory_space<hbm>>
          tpu.enqueue_dma source(%dma_start3A_58 : memref<800xi32, #tpu.memory_space<hbm>>) target(%arg13 : memref<800xi32, #tpu.memory_space<vmem>>) target_semaphore(%run_scoped3A : memref<!tpu.dma_semaphore, #tpu.memory_space<semaphore_mem>>)
          %dma_wait3A_59 = tpu.memref_slice %arg6[%add3A_42] : memref<1600000xi32, #tpu.memory_space<hbm>> -> memref<800xi32, #tpu.memory_space<hbm>>
          %dma_wait3A_60 = tpu.memref_slice %arg6[%add3A_42] : memref<1600000xi32, #tpu.memory_space<hbm>> -> memref<800xi32, #tpu.memory_space<hbm>>
          tpu.wait_dma2 semaphore(%run_scoped3A : memref<!tpu.dma_semaphore, #tpu.memory_space<semaphore_mem>>) src(%dma_wait3A_60 : memref<800xi32, #tpu.memory_space<hbm>>) dst(%arg13 : memref<800xi32, #tpu.memory_space<vmem>>)
          tpu.yield
        }) : () -> ()
        "tpu.region"() ({
          %run_scoped3A = tpu.sem_alloc : memref<!tpu.dma_semaphore, #tpu.memory_space<semaphore_mem>>
          %dma_start3A_57 = tpu.memref_slice %arg7[%add3A_42] : memref<1600000xi32, #tpu.memory_space<hbm>> -> memref<800xi32, #tpu.memory_space<hbm>>
          %dma_start3A_58 = tpu.memref_slice %arg7[%add3A_42] : memref<1600000xi32, #tpu.memory_space<hbm>> -> memref<800xi32, #tpu.memory_space<hbm>>
          tpu.enqueue_dma source(%dma_start3A_58 : memref<800xi32, #tpu.memory_space<hbm>>) target(%arg14 : memref<800xi32, #tpu.memory_space<vmem>>) target_semaphore(%run_scoped3A : memref<!tpu.dma_semaphore, #tpu.memory_space<semaphore_mem>>)
          %dma_wait3A_59 = tpu.memref_slice %arg7[%add3A_42] : memref<1600000xi32, #tpu.memory_space<hbm>> -> memref<800xi32, #tpu.memory_space<hbm>>
          %dma_wait3A_60 = tpu.memref_slice %arg7[%add3A_42] : memref<1600000xi32, #tpu.memory_space<hbm>> -> memref<800xi32, #tpu.memory_space<hbm>>
          tpu.wait_dma2 semaphore(%run_scoped3A : memref<!tpu.dma_semaphore, #tpu.memory_space<semaphore_mem>>) src(%dma_wait3A_60 : memref<800xi32, #tpu.memory_space<hbm>>) dst(%arg14 : memref<800xi32, #tpu.memory_space<vmem>>)
          tpu.yield
        }) : () -> ()
        %dma_start3A_45 = arith.constant 0 : i32
        %dma_start3A_46 = arith.constant 0 : i32
        %dma_start3A_47 = tpu.memref_slice %arg3[%dma_start3A_45, %dma_start3A_46] : memref<100096x16xf32, #tpu.memory_space<hbm>> -> memref<100096x16xf32, #tpu.memory_space<hbm>>
        tpu.enqueue_indirect_dma source(%dma_start3A_47 : memref<100096x16xf32, #tpu.memory_space<hbm>>) target(%arg17 : memref<800x16xf32, #tpu.memory_space<vmem>>) offsets(%arg13 : memref<800xi32, #tpu.memory_space<vmem>>) semaphore(%arg20 : memref<!tpu.dma_semaphore, #tpu.memory_space<semaphore_mem>>)
        "tpu.region"() ({
          %run_scoped3A = tpu.sem_alloc : memref<!tpu.dma_semaphore, #tpu.memory_space<semaphore_mem>>
          %dma_start3A_57 = tpu.memref_slice %arg6[%add3A_44] : memref<1600000xi32, #tpu.memory_space<hbm>> -> memref<800xi32, #tpu.memory_space<hbm>>
          %dma_start3A_58 = tpu.memref_slice %arg6[%add3A_44] : memref<1600000xi32, #tpu.memory_space<hbm>> -> memref<800xi32, #tpu.memory_space<hbm>>
          tpu.enqueue_dma source(%dma_start3A_58 : memref<800xi32, #tpu.memory_space<hbm>>) target(%arg15 : memref<800xi32, #tpu.memory_space<vmem>>) target_semaphore(%run_scoped3A : memref<!tpu.dma_semaphore, #tpu.memory_space<semaphore_mem>>)
          %dma_wait3A_59 = tpu.memref_slice %arg6[%add3A_44] : memref<1600000xi32, #tpu.memory_space<hbm>> -> memref<800xi32, #tpu.memory_space<hbm>>
          %dma_wait3A_60 = tpu.memref_slice %arg6[%add3A_44] : memref<1600000xi32, #tpu.memory_space<hbm>> -> memref<800xi32, #tpu.memory_space<hbm>>
          tpu.wait_dma2 semaphore(%run_scoped3A : memref<!tpu.dma_semaphore, #tpu.memory_space<semaphore_mem>>) src(%dma_wait3A_60 : memref<800xi32, #tpu.memory_space<hbm>>) dst(%arg15 : memref<800xi32, #tpu.memory_space<vmem>>)
          tpu.yield
        }) : () -> ()
        "tpu.region"() ({
          %run_scoped3A = tpu.sem_alloc : memref<!tpu.dma_semaphore, #tpu.memory_space<semaphore_mem>>
          %dma_start3A_57 = tpu.memref_slice %arg7[%add3A_44] : memref<1600000xi32, #tpu.memory_space<hbm>> -> memref<800xi32, #tpu.memory_space<hbm>>
          %dma_start3A_58 = tpu.memref_slice %arg7[%add3A_44] : memref<1600000xi32, #tpu.memory_space<hbm>> -> memref<800xi32, #tpu.memory_space<hbm>>
          tpu.enqueue_dma source(%dma_start3A_58 : memref<800xi32, #tpu.memory_space<hbm>>) target(%arg16 : memref<800xi32, #tpu.memory_space<vmem>>) target_semaphore(%run_scoped3A : memref<!tpu.dma_semaphore, #tpu.memory_space<semaphore_mem>>)
          %dma_wait3A_59 = tpu.memref_slice %arg7[%add3A_44] : memref<1600000xi32, #tpu.memory_space<hbm>> -> memref<800xi32, #tpu.memory_space<hbm>>
          %dma_wait3A_60 = tpu.memref_slice %arg7[%add3A_44] : memref<1600000xi32, #tpu.memory_space<hbm>> -> memref<800xi32, #tpu.memory_space<hbm>>
          tpu.wait_dma2 semaphore(%run_scoped3A : memref<!tpu.dma_semaphore, #tpu.memory_space<semaphore_mem>>) src(%dma_wait3A_60 : memref<800xi32, #tpu.memory_space<hbm>>) dst(%arg16 : memref<800xi32, #tpu.memory_space<vmem>>)
          tpu.yield
        }) : () -> ()
        %dma_start3A_48 = arith.constant 0 : i32
        %dma_start3A_49 = arith.constant 0 : i32
        %dma_start3A_50 = tpu.memref_slice %arg3[%dma_start3A_48, %dma_start3A_49] : memref<100096x16xf32, #tpu.memory_space<hbm>> -> memref<100096x16xf32, #tpu.memory_space<hbm>>
        tpu.enqueue_indirect_dma source(%dma_start3A_50 : memref<100096x16xf32, #tpu.memory_space<hbm>>) target(%arg18 : memref<800x16xf32, #tpu.memory_space<vmem>>) offsets(%arg15 : memref<800xi32, #tpu.memory_space<vmem>>) semaphore(%arg21 : memref<!tpu.dma_semaphore, #tpu.memory_space<semaphore_mem>>)
        %dma_wait3A_51 = arith.constant 0 : i32
        %dma_wait3A_52 = arith.constant 0 : i32
        %dma_wait3A_53 = tpu.memref_slice %arg3[%dma_wait3A_51, %dma_wait3A_52] : memref<100096x16xf32, #tpu.memory_space<hbm>> -> memref<100096x16xf32, #tpu.memory_space<hbm>>
        tpu.wait_indirect_dma semaphore(%arg20 : memref<!tpu.dma_semaphore, #tpu.memory_space<semaphore_mem>>) src(%dma_wait3A_53 : memref<100096x16xf32, #tpu.memory_space<hbm>>) dst(%arg17 : memref<800x16xf32, #tpu.memory_space<vmem>>)
        "tpu.region"() ({
          %run_scoped3A = tpu.sem_alloc : memref<!tpu.dma_semaphore, #tpu.memory_space<semaphore_mem>>
          %dma_start3A_57 = arith.constant 0 : i32
          %dma_start3A_58 = arith.constant 0 : i32
          %dma_start3A_59 = tpu.memref_slice %arg19[%dma_start3A_57, %dma_start3A_58] : memref<100096x16xf32, #tpu.memory_space<vmem_shared>> -> memref<100096x16xf32, #tpu.memory_space<vmem_shared>>
          tpu.enqueue_indirect_dma source(%arg17 : memref<800x16xf32, #tpu.memory_space<vmem>>) target(%dma_start3A_59 : memref<100096x16xf32, #tpu.memory_space<vmem_shared>>) offsets(%arg14 : memref<800xi32, #tpu.memory_space<vmem>>) semaphore(%run_scoped3A : memref<!tpu.dma_semaphore, #tpu.memory_space<semaphore_mem>>) {add = true}
          %dma_wait3A_60 = arith.constant 0 : i32
          %dma_wait3A_61 = arith.constant 0 : i32
          %dma_wait3A_62 = tpu.memref_slice %arg19[%dma_wait3A_60, %dma_wait3A_61] : memref<100096x16xf32, #tpu.memory_space<vmem_shared>> -> memref<100096x16xf32, #tpu.memory_space<vmem_shared>>
          tpu.wait_indirect_dma semaphore(%run_scoped3A : memref<!tpu.dma_semaphore, #tpu.memory_space<semaphore_mem>>) src(%arg17 : memref<800x16xf32, #tpu.memory_space<vmem>>) dst(%dma_wait3A_62 : memref<100096x16xf32, #tpu.memory_space<vmem_shared>>)
          tpu.yield
        }) : () -> ()
        %dma_wait3A_54 = arith.constant 0 : i32
        %dma_wait3A_55 = arith.constant 0 : i32
        %dma_wait3A_56 = tpu.memref_slice %arg3[%dma_wait3A_54, %dma_wait3A_55] : memref<100096x16xf32, #tpu.memory_space<hbm>> -> memref<100096x16xf32, #tpu.memory_space<hbm>>
        tpu.wait_indirect_dma semaphore(%arg21 : memref<!tpu.dma_semaphore, #tpu.memory_space<semaphore_mem>>) src(%dma_wait3A_56 : memref<100096x16xf32, #tpu.memory_space<hbm>>) dst(%arg18 : memref<800x16xf32, #tpu.memory_space<vmem>>)
        "tpu.region"() ({
          %run_scoped3A = tpu.sem_alloc : memref<!tpu.dma_semaphore, #tpu.memory_space<semaphore_mem>>
          %dma_start3A_57 = arith.constant 0 : i32
          %dma_start3A_58 = arith.constant 0 : i32
          %dma_start3A_59 = tpu.memref_slice %arg19[%dma_start3A_57, %dma_start3A_58] : memref<100096x16xf32, #tpu.memory_space<vmem_shared>> -> memref<100096x16xf32, #tpu.memory_space<vmem_shared>>
          tpu.enqueue_indirect_dma source(%arg18 : memref<800x16xf32, #tpu.memory_space<vmem>>) target(%dma_start3A_59 : memref<100096x16xf32, #tpu.memory_space<vmem_shared>>) offsets(%arg16 : memref<800xi32, #tpu.memory_space<vmem>>) semaphore(%run_scoped3A : memref<!tpu.dma_semaphore, #tpu.memory_space<semaphore_mem>>) {add = true}
          %dma_wait3A_60 = arith.constant 0 : i32
          %dma_wait3A_61 = arith.constant 0 : i32
          %dma_wait3A_62 = tpu.memref_slice %arg19[%dma_wait3A_60, %dma_wait3A_61] : memref<100096x16xf32, #tpu.memory_space<vmem_shared>> -> memref<100096x16xf32, #tpu.memory_space<vmem_shared>>
          tpu.wait_indirect_dma semaphore(%run_scoped3A : memref<!tpu.dma_semaphore, #tpu.memory_space<semaphore_mem>>) src(%arg18 : memref<800x16xf32, #tpu.memory_space<vmem>>) dst(%dma_wait3A_62 : memref<100096x16xf32, #tpu.memory_space<vmem_shared>>)
          tpu.yield
        }) : () -> ()
      }
      %scan3A_27 = arith.constant 62 : i32
      %add3A_28 = arith.constant 99200 : i32
      %add3A_29 = arith.addi %mul3A_0, %add3A_28 : i32
      "tpu.region"() ({
        %run_scoped3A = tpu.sem_alloc : memref<!tpu.dma_semaphore, #tpu.memory_space<semaphore_mem>>
        %dma_start3A_37 = tpu.memref_slice %arg6[%add3A_29] : memref<1600000xi32, #tpu.memory_space<hbm>> -> memref<800xi32, #tpu.memory_space<hbm>>
        %dma_start3A_38 = tpu.memref_slice %arg6[%add3A_29] : memref<1600000xi32, #tpu.memory_space<hbm>> -> memref<800xi32, #tpu.memory_space<hbm>>
        tpu.enqueue_dma source(%dma_start3A_38 : memref<800xi32, #tpu.memory_space<hbm>>) target(%arg13 : memref<800xi32, #tpu.memory_space<vmem>>) target_semaphore(%run_scoped3A : memref<!tpu.dma_semaphore, #tpu.memory_space<semaphore_mem>>)
        %dma_wait3A_39 = tpu.memref_slice %arg6[%add3A_29] : memref<1600000xi32, #tpu.memory_space<hbm>> -> memref<800xi32, #tpu.memory_space<hbm>>
        %dma_wait3A_40 = tpu.memref_slice %arg6[%add3A_29] : memref<1600000xi32, #tpu.memory_space<hbm>> -> memref<800xi32, #tpu.memory_space<hbm>>
        tpu.wait_dma2 semaphore(%run_scoped3A : memref<!tpu.dma_semaphore, #tpu.memory_space<semaphore_mem>>) src(%dma_wait3A_40 : memref<800xi32, #tpu.memory_space<hbm>>) dst(%arg13 : memref<800xi32, #tpu.memory_space<vmem>>)
        tpu.yield
      }) : () -> ()
      "tpu.region"() ({
        %run_scoped3A = tpu.sem_alloc : memref<!tpu.dma_semaphore, #tpu.memory_space<semaphore_mem>>
        %dma_start3A_37 = tpu.memref_slice %arg7[%add3A_29] : memref<1600000xi32, #tpu.memory_space<hbm>> -> memref<800xi32, #tpu.memory_space<hbm>>
        %dma_start3A_38 = tpu.memref_slice %arg7[%add3A_29] : memref<1600000xi32, #tpu.memory_space<hbm>> -> memref<800xi32, #tpu.memory_space<hbm>>
        tpu.enqueue_dma source(%dma_start3A_38 : memref<800xi32, #tpu.memory_space<hbm>>) target(%arg14 : memref<800xi32, #tpu.memory_space<vmem>>) target_semaphore(%run_scoped3A : memref<!tpu.dma_semaphore, #tpu.memory_space<semaphore_mem>>)
        %dma_wait3A_39 = tpu.memref_slice %arg7[%add3A_29] : memref<1600000xi32, #tpu.memory_space<hbm>> -> memref<800xi32, #tpu.memory_space<hbm>>
        %dma_wait3A_40 = tpu.memref_slice %arg7[%add3A_29] : memref<1600000xi32, #tpu.memory_space<hbm>> -> memref<800xi32, #tpu.memory_space<hbm>>
        tpu.wait_dma2 semaphore(%run_scoped3A : memref<!tpu.dma_semaphore, #tpu.memory_space<semaphore_mem>>) src(%dma_wait3A_40 : memref<800xi32, #tpu.memory_space<hbm>>) dst(%arg14 : memref<800xi32, #tpu.memory_space<vmem>>)
        tpu.yield
      }) : () -> ()
      %dma_start3A_30 = arith.constant 0 : i32
      %dma_start3A_31 = arith.constant 0 : i32
      %dma_start3A_32 = tpu.memref_slice %arg3[%dma_start3A_30, %dma_start3A_31] : memref<100096x16xf32, #tpu.memory_space<hbm>> -> memref<100096x16xf32, #tpu.memory_space<hbm>>
      tpu.enqueue_indirect_dma source(%dma_start3A_32 : memref<100096x16xf32, #tpu.memory_space<hbm>>) target(%arg17 : memref<800x16xf32, #tpu.memory_space<vmem>>) offsets(%arg13 : memref<800xi32, #tpu.memory_space<vmem>>) semaphore(%arg20 : memref<!tpu.dma_semaphore, #tpu.memory_space<semaphore_mem>>)
      %dma_wait3A_33 = arith.constant 0 : i32
      %dma_wait3A_34 = arith.constant 0 : i32
      %dma_wait3A_35 = tpu.memref_slice %arg3[%dma_wait3A_33, %dma_wait3A_34] : memref<100096x16xf32, #tpu.memory_space<hbm>> -> memref<100096x16xf32, #tpu.memory_space<hbm>>
      tpu.wait_indirect_dma semaphore(%arg20 : memref<!tpu.dma_semaphore, #tpu.memory_space<semaphore_mem>>) src(%dma_wait3A_35 : memref<100096x16xf32, #tpu.memory_space<hbm>>) dst(%arg17 : memref<800x16xf32, #tpu.memory_space<vmem>>)
      "tpu.region"() ({
        %run_scoped3A = tpu.sem_alloc : memref<!tpu.dma_semaphore, #tpu.memory_space<semaphore_mem>>
        %dma_start3A_37 = arith.constant 0 : i32
        %dma_start3A_38 = arith.constant 0 : i32
        %dma_start3A_39 = tpu.memref_slice %arg19[%dma_start3A_37, %dma_start3A_38] : memref<100096x16xf32, #tpu.memory_space<vmem_shared>> -> memref<100096x16xf32, #tpu.memory_space<vmem_shared>>
        tpu.enqueue_indirect_dma source(%arg17 : memref<800x16xf32, #tpu.memory_space<vmem>>) target(%dma_start3A_39 : memref<100096x16xf32, #tpu.memory_space<vmem_shared>>) offsets(%arg14 : memref<800xi32, #tpu.memory_space<vmem>>) semaphore(%run_scoped3A : memref<!tpu.dma_semaphore, #tpu.memory_space<semaphore_mem>>) {add = true}
        %dma_wait3A_40 = arith.constant 0 : i32
        %dma_wait3A_41 = arith.constant 0 : i32
        %dma_wait3A_42 = tpu.memref_slice %arg19[%dma_wait3A_40, %dma_wait3A_41] : memref<100096x16xf32, #tpu.memory_space<vmem_shared>> -> memref<100096x16xf32, #tpu.memory_space<vmem_shared>>
        tpu.wait_indirect_dma semaphore(%run_scoped3A : memref<!tpu.dma_semaphore, #tpu.memory_space<semaphore_mem>>) src(%arg17 : memref<800x16xf32, #tpu.memory_space<vmem>>) dst(%dma_wait3A_42 : memref<100096x16xf32, #tpu.memory_space<vmem_shared>>)
        tpu.yield
      }) : () -> ()
      %barrier3A_36 = arith.constant 0 : index
      tpu.barrier barrier_id(%barrier3A_36)
      "tpu.region"() ({
        %run_scoped3A = tpu.sem_alloc : memref<!tpu.dma_semaphore, #tpu.memory_space<semaphore_mem>>
        %dma_start3A_37 = arith.constant 0 : i32
        %dma_start3A_38 = tpu.memref_slice %arg10[%mul3A_2, %dma_start3A_37] : memref<100096x16xf32, #tpu.memory_space<hbm>> -> memref<6256x16xf32, #tpu.memory_space<hbm>>
        %dma_start3A_39 = arith.constant 0 : i32
        %dma_start3A_40 = tpu.memref_slice %arg19[%mul3A_2, %dma_start3A_39] : memref<100096x16xf32, #tpu.memory_space<vmem_shared>> -> memref<6256x16xf32, #tpu.memory_space<vmem_shared>>
        tpu.enqueue_dma source(%dma_start3A_40 : memref<6256x16xf32, #tpu.memory_space<vmem_shared>>) target(%dma_start3A_38 : memref<6256x16xf32, #tpu.memory_space<hbm>>) target_semaphore(%run_scoped3A : memref<!tpu.dma_semaphore, #tpu.memory_space<semaphore_mem>>)
        %dma_wait3A_41 = arith.constant 0 : i32
        %dma_wait3A_42 = tpu.memref_slice %arg10[%mul3A_2, %dma_wait3A_41] : memref<100096x16xf32, #tpu.memory_space<hbm>> -> memref<6256x16xf32, #tpu.memory_space<hbm>>
        %dma_wait3A_43 = arith.constant 0 : i32
        %dma_wait3A_44 = tpu.memref_slice %arg19[%mul3A_2, %dma_wait3A_43] : memref<100096x16xf32, #tpu.memory_space<vmem_shared>> -> memref<6256x16xf32, #tpu.memory_space<vmem_shared>>
        tpu.wait_dma2 semaphore(%run_scoped3A : memref<!tpu.dma_semaphore, #tpu.memory_space<semaphore_mem>>) src(%dma_wait3A_44 : memref<6256x16xf32, #tpu.memory_space<vmem_shared>>) dst(%dma_wait3A_42 : memref<6256x16xf32, #tpu.memory_space<hbm>>)
        tpu.yield
      }) : () -> ()
    } else {
    }
    %eq3A_5 = arith.constant 1 : i32
    %eq3A_6 = arith.cmpi eq, %arg0, %eq3A_5 : i32
    %convert_element_type3A_7 = arith.extui %eq3A_6 : i1 to i32
    %cond3A_8 = arith.constant 0 : i32
    %cond3A_9 = arith.cmpi ne, %convert_element_type3A_7, %cond3A_8 : i32
    scf.if %cond3A_9 {
      "tpu.region"() ({
        %run_scoped3A = tpu.sem_alloc : memref<!tpu.dma_semaphore, #tpu.memory_space<semaphore_mem>>
        %dma_start3A_37 = arith.constant 0 : i32
        %dma_start3A_38 = tpu.memref_slice %arg19[%mul3A_2, %dma_start3A_37] : memref<100096x16xf32, #tpu.memory_space<vmem_shared>> -> memref<6256x16xf32, #tpu.memory_space<vmem_shared>>
        %dma_start3A_39 = arith.constant 0 : i32
        %dma_start3A_40 = tpu.memref_slice %arg8[%mul3A_2, %dma_start3A_39] : memref<100096x16xf32, #tpu.memory_space<hbm>> -> memref<6256x16xf32, #tpu.memory_space<hbm>>
        tpu.enqueue_dma source(%dma_start3A_40 : memref<6256x16xf32, #tpu.memory_space<hbm>>) target(%dma_start3A_38 : memref<6256x16xf32, #tpu.memory_space<vmem_shared>>) target_semaphore(%run_scoped3A : memref<!tpu.dma_semaphore, #tpu.memory_space<semaphore_mem>>)
        %dma_wait3A_41 = arith.constant 0 : i32
        %dma_wait3A_42 = tpu.memref_slice %arg19[%mul3A_2, %dma_wait3A_41] : memref<100096x16xf32, #tpu.memory_space<vmem_shared>> -> memref<6256x16xf32, #tpu.memory_space<vmem_shared>>
        %dma_wait3A_43 = arith.constant 0 : i32
        %dma_wait3A_44 = tpu.memref_slice %arg8[%mul3A_2, %dma_wait3A_43] : memref<100096x16xf32, #tpu.memory_space<hbm>> -> memref<6256x16xf32, #tpu.memory_space<hbm>>
        tpu.wait_dma2 semaphore(%run_scoped3A : memref<!tpu.dma_semaphore, #tpu.memory_space<semaphore_mem>>) src(%dma_wait3A_44 : memref<6256x16xf32, #tpu.memory_space<hbm>>) dst(%dma_wait3A_42 : memref<6256x16xf32, #tpu.memory_space<vmem_shared>>)
        tpu.yield
      }) : () -> ()
      %barrier3A = arith.constant 0 : index
      tpu.barrier barrier_id(%barrier3A)
      %scan3A = arith.constant 0 : i32
      %scan3A_10 = arith.constant 0 : i32
      %scan3A_11 = arith.constant 62 : i32
      %scan3A_12 = arith.addi %scan3A_10, %scan3A_11 : i32
      %scan3A_13 = arith.constant 1 : i32
      scf.for %scan3A_37 = %scan3A_10 to %scan3A_12 step %scan3A_13  : i32 {
        %mul3A_38 = arith.constant 2 : i32
        %mul3A_39 = arith.muli %mul3A_38, %scan3A_37 : i32
        %mul3A_40 = arith.constant 800 : i32
        %mul3A_41 = arith.muli %mul3A_39, %mul3A_40 : i32
        %add3A_42 = arith.addi %mul3A_0, %mul3A_41 : i32
        %add3A_43 = arith.constant 800 : i32
        %add3A_44 = arith.addi %add3A_42, %add3A_43 : i32
        "tpu.region"() ({
          %run_scoped3A = tpu.sem_alloc : memref<!tpu.dma_semaphore, #tpu.memory_space<semaphore_mem>>
          %dma_start3A_57 = tpu.memref_slice %arg6[%add3A_42] : memref<1600000xi32, #tpu.memory_space<hbm>> -> memref<800xi32, #tpu.memory_space<hbm>>
          %dma_start3A_58 = tpu.memref_slice %arg6[%add3A_42] : memref<1600000xi32, #tpu.memory_space<hbm>> -> memref<800xi32, #tpu.memory_space<hbm>>
          tpu.enqueue_dma source(%dma_start3A_58 : memref<800xi32, #tpu.memory_space<hbm>>) target(%arg13 : memref<800xi32, #tpu.memory_space<vmem>>) target_semaphore(%run_scoped3A : memref<!tpu.dma_semaphore, #tpu.memory_space<semaphore_mem>>)
          %dma_wait3A_59 = tpu.memref_slice %arg6[%add3A_42] : memref<1600000xi32, #tpu.memory_space<hbm>> -> memref<800xi32, #tpu.memory_space<hbm>>
          %dma_wait3A_60 = tpu.memref_slice %arg6[%add3A_42] : memref<1600000xi32, #tpu.memory_space<hbm>> -> memref<800xi32, #tpu.memory_space<hbm>>
          tpu.wait_dma2 semaphore(%run_scoped3A : memref<!tpu.dma_semaphore, #tpu.memory_space<semaphore_mem>>) src(%dma_wait3A_60 : memref<800xi32, #tpu.memory_space<hbm>>) dst(%arg13 : memref<800xi32, #tpu.memory_space<vmem>>)
          tpu.yield
        }) : () -> ()
        "tpu.region"() ({
          %run_scoped3A = tpu.sem_alloc : memref<!tpu.dma_semaphore, #tpu.memory_space<semaphore_mem>>
          %dma_start3A_57 = tpu.memref_slice %arg7[%add3A_42] : memref<1600000xi32, #tpu.memory_space<hbm>> -> memref<800xi32, #tpu.memory_space<hbm>>
          %dma_start3A_58 = tpu.memref_slice %arg7[%add3A_42] : memref<1600000xi32, #tpu.memory_space<hbm>> -> memref<800xi32, #tpu.memory_space<hbm>>
          tpu.enqueue_dma source(%dma_start3A_58 : memref<800xi32, #tpu.memory_space<hbm>>) target(%arg14 : memref<800xi32, #tpu.memory_space<vmem>>) target_semaphore(%run_scoped3A : memref<!tpu.dma_semaphore, #tpu.memory_space<semaphore_mem>>)
          %dma_wait3A_59 = tpu.memref_slice %arg7[%add3A_42] : memref<1600000xi32, #tpu.memory_space<hbm>> -> memref<800xi32, #tpu.memory_space<hbm>>
          %dma_wait3A_60 = tpu.memref_slice %arg7[%add3A_42] : memref<1600000xi32, #tpu.memory_space<hbm>> -> memref<800xi32, #tpu.memory_space<hbm>>
          tpu.wait_dma2 semaphore(%run_scoped3A : memref<!tpu.dma_semaphore, #tpu.memory_space<semaphore_mem>>) src(%dma_wait3A_60 : memref<800xi32, #tpu.memory_space<hbm>>) dst(%arg14 : memref<800xi32, #tpu.memory_space<vmem>>)
          tpu.yield
        }) : () -> ()
        %dma_start3A_45 = arith.constant 0 : i32
        %dma_start3A_46 = arith.constant 0 : i32
        %dma_start3A_47 = tpu.memref_slice %arg4[%dma_start3A_45, %dma_start3A_46] : memref<100096x16xf32, #tpu.memory_space<hbm>> -> memref<100096x16xf32, #tpu.memory_space<hbm>>
        tpu.enqueue_indirect_dma source(%dma_start3A_47 : memref<100096x16xf32, #tpu.memory_space<hbm>>) target(%arg17 : memref<800x16xf32, #tpu.memory_space<vmem>>) offsets(%arg13 : memref<800xi32, #tpu.memory_space<vmem>>) semaphore(%arg20 : memref<!tpu.dma_semaphore, #tpu.memory_space<semaphore_mem>>)
        "tpu.region"() ({
          %run_scoped3A = tpu.sem_alloc : memref<!tpu.dma_semaphore, #tpu.memory_space<semaphore_mem>>
          %dma_start3A_57 = tpu.memref_slice %arg6[%add3A_44] : memref<1600000xi32, #tpu.memory_space<hbm>> -> memref<800xi32, #tpu.memory_space<hbm>>
          %dma_start3A_58 = tpu.memref_slice %arg6[%add3A_44] : memref<1600000xi32, #tpu.memory_space<hbm>> -> memref<800xi32, #tpu.memory_space<hbm>>
          tpu.enqueue_dma source(%dma_start3A_58 : memref<800xi32, #tpu.memory_space<hbm>>) target(%arg15 : memref<800xi32, #tpu.memory_space<vmem>>) target_semaphore(%run_scoped3A : memref<!tpu.dma_semaphore, #tpu.memory_space<semaphore_mem>>)
          %dma_wait3A_59 = tpu.memref_slice %arg6[%add3A_44] : memref<1600000xi32, #tpu.memory_space<hbm>> -> memref<800xi32, #tpu.memory_space<hbm>>
          %dma_wait3A_60 = tpu.memref_slice %arg6[%add3A_44] : memref<1600000xi32, #tpu.memory_space<hbm>> -> memref<800xi32, #tpu.memory_space<hbm>>
          tpu.wait_dma2 semaphore(%run_scoped3A : memref<!tpu.dma_semaphore, #tpu.memory_space<semaphore_mem>>) src(%dma_wait3A_60 : memref<800xi32, #tpu.memory_space<hbm>>) dst(%arg15 : memref<800xi32, #tpu.memory_space<vmem>>)
          tpu.yield
        }) : () -> ()
        "tpu.region"() ({
          %run_scoped3A = tpu.sem_alloc : memref<!tpu.dma_semaphore, #tpu.memory_space<semaphore_mem>>
          %dma_start3A_57 = tpu.memref_slice %arg7[%add3A_44] : memref<1600000xi32, #tpu.memory_space<hbm>> -> memref<800xi32, #tpu.memory_space<hbm>>
          %dma_start3A_58 = tpu.memref_slice %arg7[%add3A_44] : memref<1600000xi32, #tpu.memory_space<hbm>> -> memref<800xi32, #tpu.memory_space<hbm>>
          tpu.enqueue_dma source(%dma_start3A_58 : memref<800xi32, #tpu.memory_space<hbm>>) target(%arg16 : memref<800xi32, #tpu.memory_space<vmem>>) target_semaphore(%run_scoped3A : memref<!tpu.dma_semaphore, #tpu.memory_space<semaphore_mem>>)
          %dma_wait3A_59 = tpu.memref_slice %arg7[%add3A_44] : memref<1600000xi32, #tpu.memory_space<hbm>> -> memref<800xi32, #tpu.memory_space<hbm>>
          %dma_wait3A_60 = tpu.memref_slice %arg7[%add3A_44] : memref<1600000xi32, #tpu.memory_space<hbm>> -> memref<800xi32, #tpu.memory_space<hbm>>
          tpu.wait_dma2 semaphore(%run_scoped3A : memref<!tpu.dma_semaphore, #tpu.memory_space<semaphore_mem>>) src(%dma_wait3A_60 : memref<800xi32, #tpu.memory_space<hbm>>) dst(%arg16 : memref<800xi32, #tpu.memory_space<vmem>>)
          tpu.yield
        }) : () -> ()
        %dma_start3A_48 = arith.constant 0 : i32
        %dma_start3A_49 = arith.constant 0 : i32
        %dma_start3A_50 = tpu.memref_slice %arg4[%dma_start3A_48, %dma_start3A_49] : memref<100096x16xf32, #tpu.memory_space<hbm>> -> memref<100096x16xf32, #tpu.memory_space<hbm>>
        tpu.enqueue_indirect_dma source(%dma_start3A_50 : memref<100096x16xf32, #tpu.memory_space<hbm>>) target(%arg18 : memref<800x16xf32, #tpu.memory_space<vmem>>) offsets(%arg15 : memref<800xi32, #tpu.memory_space<vmem>>) semaphore(%arg21 : memref<!tpu.dma_semaphore, #tpu.memory_space<semaphore_mem>>)
        %dma_wait3A_51 = arith.constant 0 : i32
        %dma_wait3A_52 = arith.constant 0 : i32
        %dma_wait3A_53 = tpu.memref_slice %arg4[%dma_wait3A_51, %dma_wait3A_52] : memref<100096x16xf32, #tpu.memory_space<hbm>> -> memref<100096x16xf32, #tpu.memory_space<hbm>>
        tpu.wait_indirect_dma semaphore(%arg20 : memref<!tpu.dma_semaphore, #tpu.memory_space<semaphore_mem>>) src(%dma_wait3A_53 : memref<100096x16xf32, #tpu.memory_space<hbm>>) dst(%arg17 : memref<800x16xf32, #tpu.memory_space<vmem>>)
        "tpu.region"() ({
          %run_scoped3A = tpu.sem_alloc : memref<!tpu.dma_semaphore, #tpu.memory_space<semaphore_mem>>
          %dma_start3A_57 = arith.constant 0 : i32
          %dma_start3A_58 = arith.constant 0 : i32
          %dma_start3A_59 = tpu.memref_slice %arg19[%dma_start3A_57, %dma_start3A_58] : memref<100096x16xf32, #tpu.memory_space<vmem_shared>> -> memref<100096x16xf32, #tpu.memory_space<vmem_shared>>
          tpu.enqueue_indirect_dma source(%arg17 : memref<800x16xf32, #tpu.memory_space<vmem>>) target(%dma_start3A_59 : memref<100096x16xf32, #tpu.memory_space<vmem_shared>>) offsets(%arg14 : memref<800xi32, #tpu.memory_space<vmem>>) semaphore(%run_scoped3A : memref<!tpu.dma_semaphore, #tpu.memory_space<semaphore_mem>>) {add = true}
          %dma_wait3A_60 = arith.constant 0 : i32
          %dma_wait3A_61 = arith.constant 0 : i32
          %dma_wait3A_62 = tpu.memref_slice %arg19[%dma_wait3A_60, %dma_wait3A_61] : memref<100096x16xf32, #tpu.memory_space<vmem_shared>> -> memref<100096x16xf32, #tpu.memory_space<vmem_shared>>
          tpu.wait_indirect_dma semaphore(%run_scoped3A : memref<!tpu.dma_semaphore, #tpu.memory_space<semaphore_mem>>) src(%arg17 : memref<800x16xf32, #tpu.memory_space<vmem>>) dst(%dma_wait3A_62 : memref<100096x16xf32, #tpu.memory_space<vmem_shared>>)
          tpu.yield
        }) : () -> ()
        %dma_wait3A_54 = arith.constant 0 : i32
        %dma_wait3A_55 = arith.constant 0 : i32
        %dma_wait3A_56 = tpu.memref_slice %arg4[%dma_wait3A_54, %dma_wait3A_55] : memref<100096x16xf32, #tpu.memory_space<hbm>> -> memref<100096x16xf32, #tpu.memory_space<hbm>>
        tpu.wait_indirect_dma semaphore(%arg21 : memref<!tpu.dma_semaphore, #tpu.memory_space<semaphore_mem>>) src(%dma_wait3A_56 : memref<100096x16xf32, #tpu.memory_space<hbm>>) dst(%arg18 : memref<800x16xf32, #tpu.memory_space<vmem>>)
        "tpu.region"() ({
          %run_scoped3A = tpu.sem_alloc : memref<!tpu.dma_semaphore, #tpu.memory_space<semaphore_mem>>
          %dma_start3A_57 = arith.constant 0 : i32
          %dma_start3A_58 = arith.constant 0 : i32
          %dma_start3A_59 = tpu.memref_slice %arg19[%dma_start3A_57, %dma_start3A_58] : memref<100096x16xf32, #tpu.memory_space<vmem_shared>> -> memref<100096x16xf32, #tpu.memory_space<vmem_shared>>
          tpu.enqueue_indirect_dma source(%arg18 : memref<800x16xf32, #tpu.memory_space<vmem>>) target(%dma_start3A_59 : memref<100096x16xf32, #tpu.memory_space<vmem_shared>>) offsets(%arg16 : memref<800xi32, #tpu.memory_space<vmem>>) semaphore(%run_scoped3A : memref<!tpu.dma_semaphore, #tpu.memory_space<semaphore_mem>>) {add = true}
          %dma_wait3A_60 = arith.constant 0 : i32
          %dma_wait3A_61 = arith.constant 0 : i32
          %dma_wait3A_62 = tpu.memref_slice %arg19[%dma_wait3A_60, %dma_wait3A_61] : memref<100096x16xf32, #tpu.memory_space<vmem_shared>> -> memref<100096x16xf32, #tpu.memory_space<vmem_shared>>
          tpu.wait_indirect_dma semaphore(%run_scoped3A : memref<!tpu.dma_semaphore, #tpu.memory_space<semaphore_mem>>) src(%arg18 : memref<800x16xf32, #tpu.memory_space<vmem>>) dst(%dma_wait3A_62 : memref<100096x16xf32, #tpu.memory_space<vmem_shared>>)
          tpu.yield
        }) : () -> ()
      }
      %scan3A_14 = arith.constant 62 : i32
      %add3A = arith.constant 99200 : i32
      %add3A_15 = arith.addi %mul3A_0, %add3A : i32
      "tpu.region"() ({
        %run_scoped3A = tpu.sem_alloc : memref<!tpu.dma_semaphore, #tpu.memory_space<semaphore_mem>>
        %dma_start3A_37 = tpu.memref_slice %arg6[%add3A_15] : memref<1600000xi32, #tpu.memory_space<hbm>> -> memref<800xi32, #tpu.memory_space<hbm>>
        %dma_start3A_38 = tpu.memref_slice %arg6[%add3A_15] : memref<1600000xi32, #tpu.memory_space<hbm>> -> memref<800xi32, #tpu.memory_space<hbm>>
        tpu.enqueue_dma source(%dma_start3A_38 : memref<800xi32, #tpu.memory_space<hbm>>) target(%arg13 : memref<800xi32, #tpu.memory_space<vmem>>) target_semaphore(%run_scoped3A : memref<!tpu.dma_semaphore, #tpu.memory_space<semaphore_mem>>)
        %dma_wait3A_39 = tpu.memref_slice %arg6[%add3A_15] : memref<1600000xi32, #tpu.memory_space<hbm>> -> memref<800xi32, #tpu.memory_space<hbm>>
        %dma_wait3A_40 = tpu.memref_slice %arg6[%add3A_15] : memref<1600000xi32, #tpu.memory_space<hbm>> -> memref<800xi32, #tpu.memory_space<hbm>>
        tpu.wait_dma2 semaphore(%run_scoped3A : memref<!tpu.dma_semaphore, #tpu.memory_space<semaphore_mem>>) src(%dma_wait3A_40 : memref<800xi32, #tpu.memory_space<hbm>>) dst(%arg13 : memref<800xi32, #tpu.memory_space<vmem>>)
        tpu.yield
      }) : () -> ()
      "tpu.region"() ({
        %run_scoped3A = tpu.sem_alloc : memref<!tpu.dma_semaphore, #tpu.memory_space<semaphore_mem>>
        %dma_start3A_37 = tpu.memref_slice %arg7[%add3A_15] : memref<1600000xi32, #tpu.memory_space<hbm>> -> memref<800xi32, #tpu.memory_space<hbm>>
        %dma_start3A_38 = tpu.memref_slice %arg7[%add3A_15] : memref<1600000xi32, #tpu.memory_space<hbm>> -> memref<800xi32, #tpu.memory_space<hbm>>
        tpu.enqueue_dma source(%dma_start3A_38 : memref<800xi32, #tpu.memory_space<hbm>>) target(%arg14 : memref<800xi32, #tpu.memory_space<vmem>>) target_semaphore(%run_scoped3A : memref<!tpu.dma_semaphore, #tpu.memory_space<semaphore_mem>>)
        %dma_wait3A_39 = tpu.memref_slice %arg7[%add3A_15] : memref<1600000xi32, #tpu.memory_space<hbm>> -> memref<800xi32, #tpu.memory_space<hbm>>
        %dma_wait3A_40 = tpu.memref_slice %arg7[%add3A_15] : memref<1600000xi32, #tpu.memory_space<hbm>> -> memref<800xi32, #tpu.memory_space<hbm>>
        tpu.wait_dma2 semaphore(%run_scoped3A : memref<!tpu.dma_semaphore, #tpu.memory_space<semaphore_mem>>) src(%dma_wait3A_40 : memref<800xi32, #tpu.memory_space<hbm>>) dst(%arg14 : memref<800xi32, #tpu.memory_space<vmem>>)
        tpu.yield
      }) : () -> ()
      %dma_start3A = arith.constant 0 : i32
      %dma_start3A_16 = arith.constant 0 : i32
      %dma_start3A_17 = tpu.memref_slice %arg4[%dma_start3A, %dma_start3A_16] : memref<100096x16xf32, #tpu.memory_space<hbm>> -> memref<100096x16xf32, #tpu.memory_space<hbm>>
      tpu.enqueue_indirect_dma source(%dma_start3A_17 : memref<100096x16xf32, #tpu.memory_space<hbm>>) target(%arg17 : memref<800x16xf32, #tpu.memory_space<vmem>>) offsets(%arg13 : memref<800xi32, #tpu.memory_space<vmem>>) semaphore(%arg20 : memref<!tpu.dma_semaphore, #tpu.memory_space<semaphore_mem>>)
      %dma_wait3A = arith.constant 0 : i32
      %dma_wait3A_18 = arith.constant 0 : i32
      %dma_wait3A_19 = tpu.memref_slice %arg4[%dma_wait3A, %dma_wait3A_18] : memref<100096x16xf32, #tpu.memory_space<hbm>> -> memref<100096x16xf32, #tpu.memory_space<hbm>>
      tpu.wait_indirect_dma semaphore(%arg20 : memref<!tpu.dma_semaphore, #tpu.memory_space<semaphore_mem>>) src(%dma_wait3A_19 : memref<100096x16xf32, #tpu.memory_space<hbm>>) dst(%arg17 : memref<800x16xf32, #tpu.memory_space<vmem>>)
      "tpu.region"() ({
        %run_scoped3A = tpu.sem_alloc : memref<!tpu.dma_semaphore, #tpu.memory_space<semaphore_mem>>
        %dma_start3A_37 = arith.constant 0 : i32
        %dma_start3A_38 = arith.constant 0 : i32
        %dma_start3A_39 = tpu.memref_slice %arg19[%dma_start3A_37, %dma_start3A_38] : memref<100096x16xf32, #tpu.memory_space<vmem_shared>> -> memref<100096x16xf32, #tpu.memory_space<vmem_shared>>
        tpu.enqueue_indirect_dma source(%arg17 : memref<800x16xf32, #tpu.memory_space<vmem>>) target(%dma_start3A_39 : memref<100096x16xf32, #tpu.memory_space<vmem_shared>>) offsets(%arg14 : memref<800xi32, #tpu.memory_space<vmem>>) semaphore(%run_scoped3A : memref<!tpu.dma_semaphore, #tpu.memory_space<semaphore_mem>>) {add = true}
        %dma_wait3A_40 = arith.constant 0 : i32
        %dma_wait3A_41 = arith.constant 0 : i32
        %dma_wait3A_42 = tpu.memref_slice %arg19[%dma_wait3A_40, %dma_wait3A_41] : memref<100096x16xf32, #tpu.memory_space<vmem_shared>> -> memref<100096x16xf32, #tpu.memory_space<vmem_shared>>
        tpu.wait_indirect_dma semaphore(%run_scoped3A : memref<!tpu.dma_semaphore, #tpu.memory_space<semaphore_mem>>) src(%arg17 : memref<800x16xf32, #tpu.memory_space<vmem>>) dst(%dma_wait3A_42 : memref<100096x16xf32, #tpu.memory_space<vmem_shared>>)
        tpu.yield
      }) : () -> ()
      %barrier3A_20 = arith.constant 0 : index
      tpu.barrier barrier_id(%barrier3A_20)
      "tpu.region"() ({
        %run_scoped3A = tpu.sem_alloc : memref<!tpu.dma_semaphore, #tpu.memory_space<semaphore_mem>>
        %dma_start3A_37 = arith.constant 0 : i32
        %dma_start3A_38 = tpu.memref_slice %arg11[%mul3A_2, %dma_start3A_37] : memref<100096x16xf32, #tpu.memory_space<hbm>> -> memref<6256x16xf32, #tpu.memory_space<hbm>>
        %dma_start3A_39 = arith.constant 0 : i32
        %dma_start3A_40 = tpu.memref_slice %arg19[%mul3A_2, %dma_start3A_39] : memref<100096x16xf32, #tpu.memory_space<vmem_shared>> -> memref<6256x16xf32, #tpu.memory_space<vmem_shared>>
        tpu.enqueue_dma source(%dma_start3A_40 : memref<6256x16xf32, #tpu.memory_space<vmem_shared>>) target(%dma_start3A_38 : memref<6256x16xf32, #tpu.memory_space<hbm>>) target_semaphore(%run_scoped3A : memref<!tpu.dma_semaphore, #tpu.memory_space<semaphore_mem>>)
        %dma_wait3A_41 = arith.constant 0 : i32
        %dma_wait3A_42 = tpu.memref_slice %arg11[%mul3A_2, %dma_wait3A_41] : memref<100096x16xf32, #tpu.memory_space<hbm>> -> memref<6256x16xf32, #tpu.memory_space<hbm>>
        %dma_wait3A_43 = arith.constant 0 : i32
        %dma_wait3A_44 = tpu.memref_slice %arg19[%mul3A_2, %dma_wait3A_43] : memref<100096x16xf32, #tpu.memory_space<vmem_shared>> -> memref<6256x16xf32, #tpu.memory_space<vmem_shared>>
        tpu.wait_dma2 semaphore(%run_scoped3A : memref<!tpu.dma_semaphore, #tpu.memory_space<semaphore_mem>>) src(%dma_wait3A_44 : memref<6256x16xf32, #tpu.memory_space<vmem_shared>>) dst(%dma_wait3A_42 : memref<6256x16xf32, #tpu.memory_space<hbm>>)
        tpu.yield
      }) : () -> ()
      "tpu.region"() ({
        %run_scoped3A = tpu.sem_alloc : memref<!tpu.dma_semaphore, #tpu.memory_space<semaphore_mem>>
        %dma_start3A_37 = arith.constant 0 : i32
        %dma_start3A_38 = tpu.memref_slice %arg19[%mul3A_2, %dma_start3A_37] : memref<100096x16xf32, #tpu.memory_space<vmem_shared>> -> memref<6256x16xf32, #tpu.memory_space<vmem_shared>>
        %dma_start3A_39 = arith.constant 0 : i32
        %dma_start3A_40 = tpu.memref_slice %arg8[%mul3A_2, %dma_start3A_39] : memref<100096x16xf32, #tpu.memory_space<hbm>> -> memref<6256x16xf32, #tpu.memory_space<hbm>>
        tpu.enqueue_dma source(%dma_start3A_40 : memref<6256x16xf32, #tpu.memory_space<hbm>>) target(%dma_start3A_38 : memref<6256x16xf32, #tpu.memory_space<vmem_shared>>) target_semaphore(%run_scoped3A : memref<!tpu.dma_semaphore, #tpu.memory_space<semaphore_mem>>)
        %dma_wait3A_41 = arith.constant 0 : i32
        %dma_wait3A_42 = tpu.memref_slice %arg19[%mul3A_2, %dma_wait3A_41] : memref<100096x16xf32, #tpu.memory_space<vmem_shared>> -> memref<6256x16xf32, #tpu.memory_space<vmem_shared>>
        %dma_wait3A_43 = arith.constant 0 : i32
        %dma_wait3A_44 = tpu.memref_slice %arg8[%mul3A_2, %dma_wait3A_43] : memref<100096x16xf32, #tpu.memory_space<hbm>> -> memref<6256x16xf32, #tpu.memory_space<hbm>>
        tpu.wait_dma2 semaphore(%run_scoped3A : memref<!tpu.dma_semaphore, #tpu.memory_space<semaphore_mem>>) src(%dma_wait3A_44 : memref<6256x16xf32, #tpu.memory_space<hbm>>) dst(%dma_wait3A_42 : memref<6256x16xf32, #tpu.memory_space<vmem_shared>>)
        tpu.yield
      }) : () -> ()
      %barrier3A_21 = arith.constant 0 : index
      tpu.barrier barrier_id(%barrier3A_21)
      %scan3A_22 = arith.constant 0 : i32
      %scan3A_23 = arith.constant 0 : i32
      %scan3A_24 = arith.constant 62 : i32
      %scan3A_25 = arith.addi %scan3A_23, %scan3A_24 : i32
      %scan3A_26 = arith.constant 1 : i32
      scf.for %scan3A_37 = %scan3A_23 to %scan3A_25 step %scan3A_26  : i32 {
        %mul3A_38 = arith.constant 2 : i32
        %mul3A_39 = arith.muli %mul3A_38, %scan3A_37 : i32
        %mul3A_40 = arith.constant 800 : i32
        %mul3A_41 = arith.muli %mul3A_39, %mul3A_40 : i32
        %add3A_42 = arith.addi %mul3A_0, %mul3A_41 : i32
        %add3A_43 = arith.constant 800 : i32
        %add3A_44 = arith.addi %add3A_42, %add3A_43 : i32
        "tpu.region"() ({
          %run_scoped3A = tpu.sem_alloc : memref<!tpu.dma_semaphore, #tpu.memory_space<semaphore_mem>>
          %dma_start3A_57 = tpu.memref_slice %arg6[%add3A_42] : memref<1600000xi32, #tpu.memory_space<hbm>> -> memref<800xi32, #tpu.memory_space<hbm>>
          %dma_start3A_58 = tpu.memref_slice %arg6[%add3A_42] : memref<1600000xi32, #tpu.memory_space<hbm>> -> memref<800xi32, #tpu.memory_space<hbm>>
          tpu.enqueue_dma source(%dma_start3A_58 : memref<800xi32, #tpu.memory_space<hbm>>) target(%arg13 : memref<800xi32, #tpu.memory_space<vmem>>) target_semaphore(%run_scoped3A : memref<!tpu.dma_semaphore, #tpu.memory_space<semaphore_mem>>)
          %dma_wait3A_59 = tpu.memref_slice %arg6[%add3A_42] : memref<1600000xi32, #tpu.memory_space<hbm>> -> memref<800xi32, #tpu.memory_space<hbm>>
          %dma_wait3A_60 = tpu.memref_slice %arg6[%add3A_42] : memref<1600000xi32, #tpu.memory_space<hbm>> -> memref<800xi32, #tpu.memory_space<hbm>>
          tpu.wait_dma2 semaphore(%run_scoped3A : memref<!tpu.dma_semaphore, #tpu.memory_space<semaphore_mem>>) src(%dma_wait3A_60 : memref<800xi32, #tpu.memory_space<hbm>>) dst(%arg13 : memref<800xi32, #tpu.memory_space<vmem>>)
          tpu.yield
        }) : () -> ()
        "tpu.region"() ({
          %run_scoped3A = tpu.sem_alloc : memref<!tpu.dma_semaphore, #tpu.memory_space<semaphore_mem>>
          %dma_start3A_57 = tpu.memref_slice %arg7[%add3A_42] : memref<1600000xi32, #tpu.memory_space<hbm>> -> memref<800xi32, #tpu.memory_space<hbm>>
          %dma_start3A_58 = tpu.memref_slice %arg7[%add3A_42] : memref<1600000xi32, #tpu.memory_space<hbm>> -> memref<800xi32, #tpu.memory_space<hbm>>
          tpu.enqueue_dma source(%dma_start3A_58 : memref<800xi32, #tpu.memory_space<hbm>>) target(%arg14 : memref<800xi32, #tpu.memory_space<vmem>>) target_semaphore(%run_scoped3A : memref<!tpu.dma_semaphore, #tpu.memory_space<semaphore_mem>>)
          %dma_wait3A_59 = tpu.memref_slice %arg7[%add3A_42] : memref<1600000xi32, #tpu.memory_space<hbm>> -> memref<800xi32, #tpu.memory_space<hbm>>
          %dma_wait3A_60 = tpu.memref_slice %arg7[%add3A_42] : memref<1600000xi32, #tpu.memory_space<hbm>> -> memref<800xi32, #tpu.memory_space<hbm>>
          tpu.wait_dma2 semaphore(%run_scoped3A : memref<!tpu.dma_semaphore, #tpu.memory_space<semaphore_mem>>) src(%dma_wait3A_60 : memref<800xi32, #tpu.memory_space<hbm>>) dst(%arg14 : memref<800xi32, #tpu.memory_space<vmem>>)
          tpu.yield
        }) : () -> ()
        %dma_start3A_45 = arith.constant 0 : i32
        %dma_start3A_46 = arith.constant 0 : i32
        %dma_start3A_47 = tpu.memref_slice %arg5[%dma_start3A_45, %dma_start3A_46] : memref<100096x16xf32, #tpu.memory_space<hbm>> -> memref<100096x16xf32, #tpu.memory_space<hbm>>
        tpu.enqueue_indirect_dma source(%dma_start3A_47 : memref<100096x16xf32, #tpu.memory_space<hbm>>) target(%arg17 : memref<800x16xf32, #tpu.memory_space<vmem>>) offsets(%arg13 : memref<800xi32, #tpu.memory_space<vmem>>) semaphore(%arg20 : memref<!tpu.dma_semaphore, #tpu.memory_space<semaphore_mem>>)
        "tpu.region"() ({
          %run_scoped3A = tpu.sem_alloc : memref<!tpu.dma_semaphore, #tpu.memory_space<semaphore_mem>>
          %dma_start3A_57 = tpu.memref_slice %arg6[%add3A_44] : memref<1600000xi32, #tpu.memory_space<hbm>> -> memref<800xi32, #tpu.memory_space<hbm>>
          %dma_start3A_58 = tpu.memref_slice %arg6[%add3A_44] : memref<1600000xi32, #tpu.memory_space<hbm>> -> memref<800xi32, #tpu.memory_space<hbm>>
          tpu.enqueue_dma source(%dma_start3A_58 : memref<800xi32, #tpu.memory_space<hbm>>) target(%arg15 : memref<800xi32, #tpu.memory_space<vmem>>) target_semaphore(%run_scoped3A : memref<!tpu.dma_semaphore, #tpu.memory_space<semaphore_mem>>)
          %dma_wait3A_59 = tpu.memref_slice %arg6[%add3A_44] : memref<1600000xi32, #tpu.memory_space<hbm>> -> memref<800xi32, #tpu.memory_space<hbm>>
          %dma_wait3A_60 = tpu.memref_slice %arg6[%add3A_44] : memref<1600000xi32, #tpu.memory_space<hbm>> -> memref<800xi32, #tpu.memory_space<hbm>>
          tpu.wait_dma2 semaphore(%run_scoped3A : memref<!tpu.dma_semaphore, #tpu.memory_space<semaphore_mem>>) src(%dma_wait3A_60 : memref<800xi32, #tpu.memory_space<hbm>>) dst(%arg15 : memref<800xi32, #tpu.memory_space<vmem>>)
          tpu.yield
        }) : () -> ()
        "tpu.region"() ({
          %run_scoped3A = tpu.sem_alloc : memref<!tpu.dma_semaphore, #tpu.memory_space<semaphore_mem>>
          %dma_start3A_57 = tpu.memref_slice %arg7[%add3A_44] : memref<1600000xi32, #tpu.memory_space<hbm>> -> memref<800xi32, #tpu.memory_space<hbm>>
          %dma_start3A_58 = tpu.memref_slice %arg7[%add3A_44] : memref<1600000xi32, #tpu.memory_space<hbm>> -> memref<800xi32, #tpu.memory_space<hbm>>
          tpu.enqueue_dma source(%dma_start3A_58 : memref<800xi32, #tpu.memory_space<hbm>>) target(%arg16 : memref<800xi32, #tpu.memory_space<vmem>>) target_semaphore(%run_scoped3A : memref<!tpu.dma_semaphore, #tpu.memory_space<semaphore_mem>>)
          %dma_wait3A_59 = tpu.memref_slice %arg7[%add3A_44] : memref<1600000xi32, #tpu.memory_space<hbm>> -> memref<800xi32, #tpu.memory_space<hbm>>
          %dma_wait3A_60 = tpu.memref_slice %arg7[%add3A_44] : memref<1600000xi32, #tpu.memory_space<hbm>> -> memref<800xi32, #tpu.memory_space<hbm>>
          tpu.wait_dma2 semaphore(%run_scoped3A : memref<!tpu.dma_semaphore, #tpu.memory_space<semaphore_mem>>) src(%dma_wait3A_60 : memref<800xi32, #tpu.memory_space<hbm>>) dst(%arg16 : memref<800xi32, #tpu.memory_space<vmem>>)
          tpu.yield
        }) : () -> ()
        %dma_start3A_48 = arith.constant 0 : i32
        %dma_start3A_49 = arith.constant 0 : i32
        %dma_start3A_50 = tpu.memref_slice %arg5[%dma_start3A_48, %dma_start3A_49] : memref<100096x16xf32, #tpu.memory_space<hbm>> -> memref<100096x16xf32, #tpu.memory_space<hbm>>
        tpu.enqueue_indirect_dma source(%dma_start3A_50 : memref<100096x16xf32, #tpu.memory_space<hbm>>) target(%arg18 : memref<800x16xf32, #tpu.memory_space<vmem>>) offsets(%arg15 : memref<800xi32, #tpu.memory_space<vmem>>) semaphore(%arg21 : memref<!tpu.dma_semaphore, #tpu.memory_space<semaphore_mem>>)
        %dma_wait3A_51 = arith.constant 0 : i32
        %dma_wait3A_52 = arith.constant 0 : i32
        %dma_wait3A_53 = tpu.memref_slice %arg5[%dma_wait3A_51, %dma_wait3A_52] : memref<100096x16xf32, #tpu.memory_space<hbm>> -> memref<100096x16xf32, #tpu.memory_space<hbm>>
        tpu.wait_indirect_dma semaphore(%arg20 : memref<!tpu.dma_semaphore, #tpu.memory_space<semaphore_mem>>) src(%dma_wait3A_53 : memref<100096x16xf32, #tpu.memory_space<hbm>>) dst(%arg17 : memref<800x16xf32, #tpu.memory_space<vmem>>)
        "tpu.region"() ({
          %run_scoped3A = tpu.sem_alloc : memref<!tpu.dma_semaphore, #tpu.memory_space<semaphore_mem>>
          %dma_start3A_57 = arith.constant 0 : i32
          %dma_start3A_58 = arith.constant 0 : i32
          %dma_start3A_59 = tpu.memref_slice %arg19[%dma_start3A_57, %dma_start3A_58] : memref<100096x16xf32, #tpu.memory_space<vmem_shared>> -> memref<100096x16xf32, #tpu.memory_space<vmem_shared>>
          tpu.enqueue_indirect_dma source(%arg17 : memref<800x16xf32, #tpu.memory_space<vmem>>) target(%dma_start3A_59 : memref<100096x16xf32, #tpu.memory_space<vmem_shared>>) offsets(%arg14 : memref<800xi32, #tpu.memory_space<vmem>>) semaphore(%run_scoped3A : memref<!tpu.dma_semaphore, #tpu.memory_space<semaphore_mem>>) {add = true}
          %dma_wait3A_60 = arith.constant 0 : i32
          %dma_wait3A_61 = arith.constant 0 : i32
          %dma_wait3A_62 = tpu.memref_slice %arg19[%dma_wait3A_60, %dma_wait3A_61] : memref<100096x16xf32, #tpu.memory_space<vmem_shared>> -> memref<100096x16xf32, #tpu.memory_space<vmem_shared>>
          tpu.wait_indirect_dma semaphore(%run_scoped3A : memref<!tpu.dma_semaphore, #tpu.memory_space<semaphore_mem>>) src(%arg17 : memref<800x16xf32, #tpu.memory_space<vmem>>) dst(%dma_wait3A_62 : memref<100096x16xf32, #tpu.memory_space<vmem_shared>>)
          tpu.yield
        }) : () -> ()
        %dma_wait3A_54 = arith.constant 0 : i32
        %dma_wait3A_55 = arith.constant 0 : i32
        %dma_wait3A_56 = tpu.memref_slice %arg5[%dma_wait3A_54, %dma_wait3A_55] : memref<100096x16xf32, #tpu.memory_space<hbm>> -> memref<100096x16xf32, #tpu.memory_space<hbm>>
        tpu.wait_indirect_dma semaphore(%arg21 : memref<!tpu.dma_semaphore, #tpu.memory_space<semaphore_mem>>) src(%dma_wait3A_56 : memref<100096x16xf32, #tpu.memory_space<hbm>>) dst(%arg18 : memref<800x16xf32, #tpu.memory_space<vmem>>)
        "tpu.region"() ({
          %run_scoped3A = tpu.sem_alloc : memref<!tpu.dma_semaphore, #tpu.memory_space<semaphore_mem>>
          %dma_start3A_57 = arith.constant 0 : i32
          %dma_start3A_58 = arith.constant 0 : i32
          %dma_start3A_59 = tpu.memref_slice %arg19[%dma_start3A_57, %dma_start3A_58] : memref<100096x16xf32, #tpu.memory_space<vmem_shared>> -> memref<100096x16xf32, #tpu.memory_space<vmem_shared>>
          tpu.enqueue_indirect_dma source(%arg18 : memref<800x16xf32, #tpu.memory_space<vmem>>) target(%dma_start3A_59 : memref<100096x16xf32, #tpu.memory_space<vmem_shared>>) offsets(%arg16 : memref<800xi32, #tpu.memory_space<vmem>>) semaphore(%run_scoped3A : memref<!tpu.dma_semaphore, #tpu.memory_space<semaphore_mem>>) {add = true}
          %dma_wait3A_60 = arith.constant 0 : i32
          %dma_wait3A_61 = arith.constant 0 : i32
          %dma_wait3A_62 = tpu.memref_slice %arg19[%dma_wait3A_60, %dma_wait3A_61] : memref<100096x16xf32, #tpu.memory_space<vmem_shared>> -> memref<100096x16xf32, #tpu.memory_space<vmem_shared>>
          tpu.wait_indirect_dma semaphore(%run_scoped3A : memref<!tpu.dma_semaphore, #tpu.memory_space<semaphore_mem>>) src(%arg18 : memref<800x16xf32, #tpu.memory_space<vmem>>) dst(%dma_wait3A_62 : memref<100096x16xf32, #tpu.memory_space<vmem_shared>>)
          tpu.yield
        }) : () -> ()
      }
      %scan3A_27 = arith.constant 62 : i32
      %add3A_28 = arith.constant 99200 : i32
      %add3A_29 = arith.addi %mul3A_0, %add3A_28 : i32
      "tpu.region"() ({
        %run_scoped3A = tpu.sem_alloc : memref<!tpu.dma_semaphore, #tpu.memory_space<semaphore_mem>>
        %dma_start3A_37 = tpu.memref_slice %arg6[%add3A_29] : memref<1600000xi32, #tpu.memory_space<hbm>> -> memref<800xi32, #tpu.memory_space<hbm>>
        %dma_start3A_38 = tpu.memref_slice %arg6[%add3A_29] : memref<1600000xi32, #tpu.memory_space<hbm>> -> memref<800xi32, #tpu.memory_space<hbm>>
        tpu.enqueue_dma source(%dma_start3A_38 : memref<800xi32, #tpu.memory_space<hbm>>) target(%arg13 : memref<800xi32, #tpu.memory_space<vmem>>) target_semaphore(%run_scoped3A : memref<!tpu.dma_semaphore, #tpu.memory_space<semaphore_mem>>)
        %dma_wait3A_39 = tpu.memref_slice %arg6[%add3A_29] : memref<1600000xi32, #tpu.memory_space<hbm>> -> memref<800xi32, #tpu.memory_space<hbm>>
        %dma_wait3A_40 = tpu.memref_slice %arg6[%add3A_29] : memref<1600000xi32, #tpu.memory_space<hbm>> -> memref<800xi32, #tpu.memory_space<hbm>>
        tpu.wait_dma2 semaphore(%run_scoped3A : memref<!tpu.dma_semaphore, #tpu.memory_space<semaphore_mem>>) src(%dma_wait3A_40 : memref<800xi32, #tpu.memory_space<hbm>>) dst(%arg13 : memref<800xi32, #tpu.memory_space<vmem>>)
        tpu.yield
      }) : () -> ()
      "tpu.region"() ({
        %run_scoped3A = tpu.sem_alloc : memref<!tpu.dma_semaphore, #tpu.memory_space<semaphore_mem>>
        %dma_start3A_37 = tpu.memref_slice %arg7[%add3A_29] : memref<1600000xi32, #tpu.memory_space<hbm>> -> memref<800xi32, #tpu.memory_space<hbm>>
        %dma_start3A_38 = tpu.memref_slice %arg7[%add3A_29] : memref<1600000xi32, #tpu.memory_space<hbm>> -> memref<800xi32, #tpu.memory_space<hbm>>
        tpu.enqueue_dma source(%dma_start3A_38 : memref<800xi32, #tpu.memory_space<hbm>>) target(%arg14 : memref<800xi32, #tpu.memory_space<vmem>>) target_semaphore(%run_scoped3A : memref<!tpu.dma_semaphore, #tpu.memory_space<semaphore_mem>>)
        %dma_wait3A_39 = tpu.memref_slice %arg7[%add3A_29] : memref<1600000xi32, #tpu.memory_space<hbm>> -> memref<800xi32, #tpu.memory_space<hbm>>
        %dma_wait3A_40 = tpu.memref_slice %arg7[%add3A_29] : memref<1600000xi32, #tpu.memory_space<hbm>> -> memref<800xi32, #tpu.memory_space<hbm>>
        tpu.wait_dma2 semaphore(%run_scoped3A : memref<!tpu.dma_semaphore, #tpu.memory_space<semaphore_mem>>) src(%dma_wait3A_40 : memref<800xi32, #tpu.memory_space<hbm>>) dst(%arg14 : memref<800xi32, #tpu.memory_space<vmem>>)
        tpu.yield
      }) : () -> ()
      %dma_start3A_30 = arith.constant 0 : i32
      %dma_start3A_31 = arith.constant 0 : i32
      %dma_start3A_32 = tpu.memref_slice %arg5[%dma_start3A_30, %dma_start3A_31] : memref<100096x16xf32, #tpu.memory_space<hbm>> -> memref<100096x16xf32, #tpu.memory_space<hbm>>
      tpu.enqueue_indirect_dma source(%dma_start3A_32 : memref<100096x16xf32, #tpu.memory_space<hbm>>) target(%arg17 : memref<800x16xf32, #tpu.memory_space<vmem>>) offsets(%arg13 : memref<800xi32, #tpu.memory_space<vmem>>) semaphore(%arg20 : memref<!tpu.dma_semaphore, #tpu.memory_space<semaphore_mem>>)
      %dma_wait3A_33 = arith.constant 0 : i32
      %dma_wait3A_34 = arith.constant 0 : i32
      %dma_wait3A_35 = tpu.memref_slice %arg5[%dma_wait3A_33, %dma_wait3A_34] : memref<100096x16xf32, #tpu.memory_space<hbm>> -> memref<100096x16xf32, #tpu.memory_space<hbm>>
      tpu.wait_indirect_dma semaphore(%arg20 : memref<!tpu.dma_semaphore, #tpu.memory_space<semaphore_mem>>) src(%dma_wait3A_35 : memref<100096x16xf32, #tpu.memory_space<hbm>>) dst(%arg17 : memref<800x16xf32, #tpu.memory_space<vmem>>)
      "tpu.region"() ({
        %run_scoped3A = tpu.sem_alloc : memref<!tpu.dma_semaphore, #tpu.memory_space<semaphore_mem>>
        %dma_start3A_37 = arith.constant 0 : i32
        %dma_start3A_38 = arith.constant 0 : i32
        %dma_start3A_39 = tpu.memref_slice %arg19[%dma_start3A_37, %dma_start3A_38] : memref<100096x16xf32, #tpu.memory_space<vmem_shared>> -> memref<100096x16xf32, #tpu.memory_space<vmem_shared>>
        tpu.enqueue_indirect_dma source(%arg17 : memref<800x16xf32, #tpu.memory_space<vmem>>) target(%dma_start3A_39 : memref<100096x16xf32, #tpu.memory_space<vmem_shared>>) offsets(%arg14 : memref<800xi32, #tpu.memory_space<vmem>>) semaphore(%run_scoped3A : memref<!tpu.dma_semaphore, #tpu.memory_space<semaphore_mem>>) {add = true}
        %dma_wait3A_40 = arith.constant 0 : i32
        %dma_wait3A_41 = arith.constant 0 : i32
        %dma_wait3A_42 = tpu.memref_slice %arg19[%dma_wait3A_40, %dma_wait3A_41] : memref<100096x16xf32, #tpu.memory_space<vmem_shared>> -> memref<100096x16xf32, #tpu.memory_space<vmem_shared>>
        tpu.wait_indirect_dma semaphore(%run_scoped3A : memref<!tpu.dma_semaphore, #tpu.memory_space<semaphore_mem>>) src(%arg17 : memref<800x16xf32, #tpu.memory_space<vmem>>) dst(%dma_wait3A_42 : memref<100096x16xf32, #tpu.memory_space<vmem_shared>>)
        tpu.yield
      }) : () -> ()
      %barrier3A_36 = arith.constant 0 : index
      tpu.barrier barrier_id(%barrier3A_36)
      "tpu.region"() ({
        %run_scoped3A = tpu.sem_alloc : memref<!tpu.dma_semaphore, #tpu.memory_space<semaphore_mem>>
        %dma_start3A_37 = arith.constant 0 : i32
        %dma_start3A_38 = tpu.memref_slice %arg12[%mul3A_2, %dma_start3A_37] : memref<100096x16xf32, #tpu.memory_space<hbm>> -> memref<6256x16xf32, #tpu.memory_space<hbm>>
        %dma_start3A_39 = arith.constant 0 : i32
        %dma_start3A_40 = tpu.memref_slice %arg19[%mul3A_2, %dma_start3A_39] : memref<100096x16xf32, #tpu.memory_space<vmem_shared>> -> memref<6256x16xf32, #tpu.memory_space<vmem_shared>>
        tpu.enqueue_dma source(%dma_start3A_40 : memref<6256x16xf32, #tpu.memory_space<vmem_shared>>) target(%dma_start3A_38 : memref<6256x16xf32, #tpu.memory_space<hbm>>) target_semaphore(%run_scoped3A : memref<!tpu.dma_semaphore, #tpu.memory_space<semaphore_mem>>)
        %dma_wait3A_41 = arith.constant 0 : i32
        %dma_wait3A_42 = tpu.memref_slice %arg12[%mul3A_2, %dma_wait3A_41] : memref<100096x16xf32, #tpu.memory_space<hbm>> -> memref<6256x16xf32, #tpu.memory_space<hbm>>
        %dma_wait3A_43 = arith.constant 0 : i32
        %dma_wait3A_44 = tpu.memref_slice %arg19[%mul3A_2, %dma_wait3A_43] : memref<100096x16xf32, #tpu.memory_space<vmem_shared>> -> memref<6256x16xf32, #tpu.memory_space<vmem_shared>>
        tpu.wait_dma2 semaphore(%run_scoped3A : memref<!tpu.dma_semaphore, #tpu.memory_space<semaphore_mem>>) src(%dma_wait3A_44 : memref<6256x16xf32, #tpu.memory_space<vmem_shared>>) dst(%dma_wait3A_42 : memref<6256x16xf32, #tpu.memory_space<hbm>>)
        tpu.yield
      }) : () -> ()
    } else {
    }
    return
  }
}

module attributes {stable_mosaic.version = 14 : i64} {
  func.func @body(%arg0: i32, %arg1: memref<2176x16xf32, #tpu.memory_space<vmem>>, %arg2: memref<2176x16xf32, #tpu.memory_space<vmem>>, %arg3: memref<2176x16xf32, #tpu.memory_space<vmem>>, %arg4: memref<2176x16xf32, #tpu.memory_space<vmem>>, %arg5: memref<2176x16xf32, #tpu.memory_space<vmem>>, %arg6: memref<2176x16xf32, #tpu.memory_space<vmem>>, %arg7: memref<2176x16xf32, #tpu.memory_space<vmem>>, %arg8: memref<2176x16xf32, #tpu.memory_space<vmem>>, %arg9: memref<2176x16xf32, #tpu.memory_space<vmem>>, %arg10: memref<64x64xf32, #tpu.memory_space<vmem>>, %arg11: memref<1x64xf32, #tpu.memory_space<vmem>>, %arg12: memref<64x64xf32, #tpu.memory_space<vmem>>, %arg13: memref<1x64xf32, #tpu.memory_space<vmem>>, %arg14: memref<1x64xf32, #tpu.memory_space<vmem>>, %arg15: memref<2176x16xf32, #tpu.memory_space<vmem>>, %arg16: memref<2176x16xf32, #tpu.memory_space<vmem>>, %arg17: memref<2176x16xf32, #tpu.memory_space<vmem>>, %arg18: memref<2176x16xf32, #tpu.memory_space<vmem>>) attributes {dimension_semantics = [#tpu.dimension_semantics<arbitrary>], iteration_bounds = array<i64: 46>, scalar_prefetch = 0 : i64, scratch_operands = 0 : i64, tpu.core_type = #tpu.core_type<tc>, window_params = [{transform_indices = @transform_0, window_bounds = array<i64: 2176, 16>}, {transform_indices = @transform_1, window_bounds = array<i64: 2176, 16>}, {transform_indices = @transform_2, window_bounds = array<i64: 2176, 16>}, {transform_indices = @transform_3, window_bounds = array<i64: 2176, 16>}, {transform_indices = @transform_4, window_bounds = array<i64: 2176, 16>}, {transform_indices = @transform_5, window_bounds = array<i64: 2176, 16>}, {transform_indices = @transform_6, window_bounds = array<i64: 2176, 16>}, {transform_indices = @transform_7, window_bounds = array<i64: 2176, 16>}, {transform_indices = @transform_8, window_bounds = array<i64: 2176, 16>}, {pipeline_mode = #tpu.pipeline_mode<synchronous>, transform_indices = @transform_9, window_bounds = array<i64: 64, 64>}, {pipeline_mode = #tpu.pipeline_mode<synchronous>, transform_indices = @transform_10, window_bounds = array<i64: 1, 64>}, {pipeline_mode = #tpu.pipeline_mode<synchronous>, transform_indices = @transform_11, window_bounds = array<i64: 64, 64>}, {pipeline_mode = #tpu.pipeline_mode<synchronous>, transform_indices = @transform_12, window_bounds = array<i64: 1, 64>}, {pipeline_mode = #tpu.pipeline_mode<synchronous>, transform_indices = @transform_13, window_bounds = array<i64: 1, 64>}, {transform_indices = @transform_14, window_bounds = array<i64: 2176, 16>}, {transform_indices = @transform_15, window_bounds = array<i64: 2176, 16>}, {transform_indices = @transform_16, window_bounds = array<i64: 2176, 16>}, {transform_indices = @transform_17, window_bounds = array<i64: 2176, 16>}]} {
    %get3A = arith.constant 0 : index
    %get3A_0 = arith.constant 0 : index
    %get3A_1 = vector.load %arg9[%get3A, %get3A_0] : memref<2176x16xf32, #tpu.memory_space<vmem>>, vector<2176x16xf32>
    %slice3A = vector.extract_strided_slice %get3A_1 {offsets = [0, 15], sizes = [2176, 1], strides = [1, 1]} : vector<2176x16xf32> to vector<2176x1xf32>
    %max3A = arith.constant 1.000000e+00 : f32
    %max3A_2 = vector.broadcast %max3A : f32 to vector<2176x1xf32>
    %max3A_3 = arith.maximumf %slice3A, %max3A_2 : vector<2176x1xf32>
    %get3A_4 = arith.constant 0 : index
    %get3A_5 = arith.constant 0 : index
    %get3A_6 = vector.load %arg1[%get3A_4, %get3A_5] : memref<2176x16xf32, #tpu.memory_space<vmem>>, vector<2176x16xf32>
    %get3A_7 = arith.constant 0 : index
    %get3A_8 = arith.constant 0 : index
    %get3A_9 = vector.load %arg2[%get3A_7, %get3A_8] : memref<2176x16xf32, #tpu.memory_space<vmem>>, vector<2176x16xf32>
    %get3A_10 = arith.constant 0 : index
    %get3A_11 = arith.constant 0 : index
    %get3A_12 = vector.load %arg3[%get3A_10, %get3A_11] : memref<2176x16xf32, #tpu.memory_space<vmem>>, vector<2176x16xf32>
    %get3A_13 = arith.constant 0 : index
    %get3A_14 = arith.constant 0 : index
    %get3A_15 = vector.load %arg4[%get3A_13, %get3A_14] : memref<2176x16xf32, #tpu.memory_space<vmem>>, vector<2176x16xf32>
    %concatenate3A = tpu.concatenate %get3A_6, %get3A_9, %get3A_12, %get3A_15 in 1 : vector<2176x16xf32>, vector<2176x16xf32>, vector<2176x16xf32>, vector<2176x16xf32> -> vector<2176x64xf32>
    %div3A = vector.broadcast %max3A_3 : vector<2176x1xf32> to vector<2176x64xf32>
    %div3A_16 = arith.divf %concatenate3A, %div3A : vector<2176x64xf32>
    %get3A_17 = arith.constant 0 : index
    %get3A_18 = arith.constant 0 : index
    %get3A_19 = vector.load %arg5[%get3A_17, %get3A_18] : memref<2176x16xf32, #tpu.memory_space<vmem>>, vector<2176x16xf32>
    %get3A_20 = arith.constant 0 : index
    %get3A_21 = arith.constant 0 : index
    %get3A_22 = vector.load %arg6[%get3A_20, %get3A_21] : memref<2176x16xf32, #tpu.memory_space<vmem>>, vector<2176x16xf32>
    %get3A_23 = arith.constant 0 : index
    %get3A_24 = arith.constant 0 : index
    %get3A_25 = vector.load %arg7[%get3A_23, %get3A_24] : memref<2176x16xf32, #tpu.memory_space<vmem>>, vector<2176x16xf32>
    %get3A_26 = arith.constant 0 : index
    %get3A_27 = arith.constant 0 : index
    %get3A_28 = vector.load %arg8[%get3A_26, %get3A_27] : memref<2176x16xf32, #tpu.memory_space<vmem>>, vector<2176x16xf32>
    %concatenate3A_29 = tpu.concatenate %get3A_19, %get3A_22, %get3A_25, %get3A_28 in 1 : vector<2176x16xf32>, vector<2176x16xf32>, vector<2176x16xf32>, vector<2176x16xf32> -> vector<2176x64xf32>
    %get3A_30 = arith.constant 0 : index
    %get3A_31 = arith.constant 0 : index
    %get3A_32 = vector.load %arg10[%get3A_30, %get3A_31] : memref<64x64xf32, #tpu.memory_space<vmem>>, vector<64x64xf32>
    %dot_general3A = arith.constant dense<0.000000e+00> : vector<2176x64xf32>
    %dot_general3A_33 = tpu.matmul %div3A_16, %get3A_32, %dot_general3A {dimension_numbers = #tpu.dot_dimension_numbers<[1], [0], [0], [1], [0, 0, 1, 1], [], []>, transpose_lhs_hint = false} : vector<2176x64xf32>, vector<64x64xf32>, vector<2176x64xf32> -> vector<2176x64xf32>
    %get3A_34 = arith.constant 0 : index
    %get3A_35 = arith.constant 0 : index
    %get3A_36 = vector.load %arg11[%get3A_34, %get3A_35] : memref<1x64xf32, #tpu.memory_space<vmem>>, vector<1x64xf32>
    %add3A = vector.broadcast %get3A_36 : vector<1x64xf32> to vector<2176x64xf32>
    %add3A_37 = arith.addf %dot_general3A_33, %add3A : vector<2176x64xf32>
    %get3A_38 = arith.constant 0 : index
    %get3A_39 = arith.constant 0 : index
    %get3A_40 = vector.load %arg12[%get3A_38, %get3A_39] : memref<64x64xf32, #tpu.memory_space<vmem>>, vector<64x64xf32>
    %dot_general3A_41 = arith.constant dense<0.000000e+00> : vector<2176x64xf32>
    %dot_general3A_42 = tpu.matmul %concatenate3A_29, %get3A_40, %dot_general3A_41 {dimension_numbers = #tpu.dot_dimension_numbers<[1], [0], [0], [1], [0, 0, 1, 1], [], []>, transpose_lhs_hint = false} : vector<2176x64xf32>, vector<64x64xf32>, vector<2176x64xf32> -> vector<2176x64xf32>
    %add3A_43 = arith.addf %add3A_37, %dot_general3A_42 : vector<2176x64xf32>
    %get3A_44 = arith.constant 0 : index
    %get3A_45 = arith.constant 0 : index
    %get3A_46 = vector.load %arg13[%get3A_44, %get3A_45] : memref<1x64xf32, #tpu.memory_space<vmem>>, vector<1x64xf32>
    %mul3A = arith.constant 0.999994993 : f32
    %mul3A_47 = vector.broadcast %mul3A : f32 to vector<1x64xf32>
    %mul3A_48 = arith.mulf %get3A_46, %mul3A_47 : vector<1x64xf32>
    %mul3A_49 = vector.broadcast %mul3A_48 : vector<1x64xf32> to vector<2176x64xf32>
    %mul3A_50 = arith.mulf %add3A_43, %mul3A_49 : vector<2176x64xf32>
    %get3A_51 = arith.constant 0 : index
    %get3A_52 = arith.constant 0 : index
    %get3A_53 = vector.load %arg14[%get3A_51, %get3A_52] : memref<1x64xf32, #tpu.memory_space<vmem>>, vector<1x64xf32>
    %add3A_54 = vector.broadcast %get3A_53 : vector<1x64xf32> to vector<2176x64xf32>
    %add3A_55 = arith.addf %mul3A_50, %add3A_54 : vector<2176x64xf32>
    %max3A_56 = arith.constant 0.000000e+00 : f32
    %max3A_57 = vector.broadcast %max3A_56 : f32 to vector<2176x64xf32>
    %max3A_58 = arith.maximumf %add3A_55, %max3A_57 : vector<2176x64xf32>
    %slice3A_59 = vector.extract_strided_slice %max3A_58 {offsets = [0, 0], sizes = [2176, 16], strides = [1, 1]} : vector<2176x64xf32> to vector<2176x16xf32>
    %swap3A = arith.constant 0 : index
    %swap3A_60 = arith.constant 0 : index
    %swap3A_61 = vector.load %arg15[%swap3A, %swap3A_60] : memref<2176x16xf32, #tpu.memory_space<vmem>>, vector<2176x16xf32>
    tpu.vector_store %arg15[%swap3A, %swap3A_60], %slice3A_59 {strides = array<i32>} : memref<2176x16xf32, #tpu.memory_space<vmem>>, vector<2176x16xf32>,
    %slice3A_62 = vector.extract_strided_slice %max3A_58 {offsets = [0, 16], sizes = [2176, 16], strides = [1, 1]} : vector<2176x64xf32> to vector<2176x16xf32>
    %swap3A_63 = arith.constant 0 : index
    %swap3A_64 = arith.constant 0 : index
    %swap3A_65 = vector.load %arg16[%swap3A_63, %swap3A_64] : memref<2176x16xf32, #tpu.memory_space<vmem>>, vector<2176x16xf32>
    tpu.vector_store %arg16[%swap3A_63, %swap3A_64], %slice3A_62 {strides = array<i32>} : memref<2176x16xf32, #tpu.memory_space<vmem>>, vector<2176x16xf32>,
    %slice3A_66 = vector.extract_strided_slice %max3A_58 {offsets = [0, 32], sizes = [2176, 16], strides = [1, 1]} : vector<2176x64xf32> to vector<2176x16xf32>
    %swap3A_67 = arith.constant 0 : index
    %swap3A_68 = arith.constant 0 : index
    %swap3A_69 = vector.load %arg17[%swap3A_67, %swap3A_68] : memref<2176x16xf32, #tpu.memory_space<vmem>>, vector<2176x16xf32>
    tpu.vector_store %arg17[%swap3A_67, %swap3A_68], %slice3A_66 {strides = array<i32>} : memref<2176x16xf32, #tpu.memory_space<vmem>>, vector<2176x16xf32>,
    %slice3A_70 = vector.extract_strided_slice %max3A_58 {offsets = [0, 48], sizes = [2176, 16], strides = [1, 1]} : vector<2176x64xf32> to vector<2176x16xf32>
    %swap3A_71 = arith.constant 0 : index
    %swap3A_72 = arith.constant 0 : index
    %swap3A_73 = vector.load %arg18[%swap3A_71, %swap3A_72] : memref<2176x16xf32, #tpu.memory_space<vmem>>, vector<2176x16xf32>
    tpu.vector_store %arg18[%swap3A_71, %swap3A_72], %slice3A_70 {strides = array<i32>} : memref<2176x16xf32, #tpu.memory_space<vmem>>, vector<2176x16xf32>,
    return
  }
  func.func @transform_0(%arg0: i32) -> (i32, i32) {
    %c0_i32 = arith.constant 0 : i32
    %c0_i32_0 = arith.constant 0 : i32
    return %arg0, %c0_i32 : i32, i32
  }
  func.func @transform_1(%arg0: i32) -> (i32, i32) {
    %c0_i32 = arith.constant 0 : i32
    %c0_i32_0 = arith.constant 0 : i32
    return %arg0, %c0_i32 : i32, i32
  }
  func.func @transform_2(%arg0: i32) -> (i32, i32) {
    %c0_i32 = arith.constant 0 : i32
    %c0_i32_0 = arith.constant 0 : i32
    return %arg0, %c0_i32 : i32, i32
  }
  func.func @transform_3(%arg0: i32) -> (i32, i32) {
    %c0_i32 = arith.constant 0 : i32
    %c0_i32_0 = arith.constant 0 : i32
    return %arg0, %c0_i32 : i32, i32
  }
  func.func @transform_4(%arg0: i32) -> (i32, i32) {
    %c0_i32 = arith.constant 0 : i32
    %c0_i32_0 = arith.constant 0 : i32
    return %arg0, %c0_i32 : i32, i32
  }
  func.func @transform_5(%arg0: i32) -> (i32, i32) {
    %c0_i32 = arith.constant 0 : i32
    %c0_i32_0 = arith.constant 0 : i32
    return %arg0, %c0_i32 : i32, i32
  }
  func.func @transform_6(%arg0: i32) -> (i32, i32) {
    %c0_i32 = arith.constant 0 : i32
    %c0_i32_0 = arith.constant 0 : i32
    return %arg0, %c0_i32 : i32, i32
  }
  func.func @transform_7(%arg0: i32) -> (i32, i32) {
    %c0_i32 = arith.constant 0 : i32
    %c0_i32_0 = arith.constant 0 : i32
    return %arg0, %c0_i32 : i32, i32
  }
  func.func @transform_8(%arg0: i32) -> (i32, i32) {
    %c0_i32 = arith.constant 0 : i32
    %c0_i32_0 = arith.constant 0 : i32
    return %arg0, %c0_i32 : i32, i32
  }
  func.func @transform_9(%arg0: i32) -> (i32, i32) {
    %c0_i32 = arith.constant 0 : i32
    %c0_i32_0 = arith.constant 0 : i32
    %c0_i32_1 = arith.constant 0 : i32
    return %c0_i32, %c0_i32_0 : i32, i32
  }
  func.func @transform_10(%arg0: i32) -> (i32, i32) {
    %c0_i32 = arith.constant 0 : i32
    %c0_i32_0 = arith.constant 0 : i32
    %c0_i32_1 = arith.constant 0 : i32
    return %c0_i32, %c0_i32_0 : i32, i32
  }
  func.func @transform_11(%arg0: i32) -> (i32, i32) {
    %c0_i32 = arith.constant 0 : i32
    %c0_i32_0 = arith.constant 0 : i32
    %c0_i32_1 = arith.constant 0 : i32
    return %c0_i32, %c0_i32_0 : i32, i32
  }
  func.func @transform_12(%arg0: i32) -> (i32, i32) {
    %c0_i32 = arith.constant 0 : i32
    %c0_i32_0 = arith.constant 0 : i32
    %c0_i32_1 = arith.constant 0 : i32
    return %c0_i32, %c0_i32_0 : i32, i32
  }
  func.func @transform_13(%arg0: i32) -> (i32, i32) {
    %c0_i32 = arith.constant 0 : i32
    %c0_i32_0 = arith.constant 0 : i32
    %c0_i32_1 = arith.constant 0 : i32
    return %c0_i32, %c0_i32_0 : i32, i32
  }
  func.func @transform_14(%arg0: i32) -> (i32, i32) {
    %c0_i32 = arith.constant 0 : i32
    %c0_i32_0 = arith.constant 0 : i32
    return %arg0, %c0_i32 : i32, i32
  }
  func.func @transform_15(%arg0: i32) -> (i32, i32) {
    %c0_i32 = arith.constant 0 : i32
    %c0_i32_0 = arith.constant 0 : i32
    return %arg0, %c0_i32 : i32, i32
  }
  func.func @transform_16(%arg0: i32) -> (i32, i32) {
    %c0_i32 = arith.constant 0 : i32
    %c0_i32_0 = arith.constant 0 : i32
    return %arg0, %c0_i32 : i32, i32
  }
  func.func @transform_17(%arg0: i32) -> (i32, i32) {
    %c0_i32 = arith.constant 0 : i32
    %c0_i32_0 = arith.constant 0 : i32
    return %arg0, %c0_i32 : i32, i32
  }
}

module attributes {stable_mosaic.version = 14 : i64} {
  func.func @body(%arg0: i32, %arg1: memref<2176x16xf32, #tpu.memory_space<vmem>>, %arg2: memref<2176x16xf32, #tpu.memory_space<vmem>>, %arg3: memref<2176x16xf32, #tpu.memory_space<vmem>>, %arg4: memref<2176x16xf32, #tpu.memory_space<vmem>>, %arg5: memref<2176x16xf32, #tpu.memory_space<vmem>>, %arg6: memref<2176x16xf32, #tpu.memory_space<vmem>>, %arg7: memref<2176x16xf32, #tpu.memory_space<vmem>>, %arg8: memref<2176x16xf32, #tpu.memory_space<vmem>>, %arg9: memref<2176x16xf32, #tpu.memory_space<vmem>>, %arg10: memref<64x64xf32, #tpu.memory_space<vmem>>, %arg11: memref<1x64xf32, #tpu.memory_space<vmem>>, %arg12: memref<64x64xf32, #tpu.memory_space<vmem>>, %arg13: memref<1x64xf32, #tpu.memory_space<vmem>>, %arg14: memref<1x64xf32, #tpu.memory_space<vmem>>, %arg15: memref<2176x16xf32, #tpu.memory_space<vmem>>, %arg16: memref<2176x16xf32, #tpu.memory_space<vmem>>, %arg17: memref<2176x16xf32, #tpu.memory_space<vmem>>, %arg18: memref<2176x16xf32, #tpu.memory_space<vmem>>) attributes {dimension_semantics = [#tpu.dimension_semantics<arbitrary>], iteration_bounds = array<i64: 46>, scalar_prefetch = 0 : i64, scratch_operands = 0 : i64, tpu.core_type = #tpu.core_type<tc>, window_params = [{transform_indices = @transform_0, window_bounds = array<i64: 2176, 16>}, {transform_indices = @transform_1, window_bounds = array<i64: 2176, 16>}, {transform_indices = @transform_2, window_bounds = array<i64: 2176, 16>}, {transform_indices = @transform_3, window_bounds = array<i64: 2176, 16>}, {transform_indices = @transform_4, window_bounds = array<i64: 2176, 16>}, {transform_indices = @transform_5, window_bounds = array<i64: 2176, 16>}, {transform_indices = @transform_6, window_bounds = array<i64: 2176, 16>}, {transform_indices = @transform_7, window_bounds = array<i64: 2176, 16>}, {transform_indices = @transform_8, window_bounds = array<i64: 2176, 16>}, {pipeline_mode = #tpu.pipeline_mode<synchronous>, transform_indices = @transform_9, window_bounds = array<i64: 64, 64>}, {pipeline_mode = #tpu.pipeline_mode<synchronous>, transform_indices = @transform_10, window_bounds = array<i64: 1, 64>}, {pipeline_mode = #tpu.pipeline_mode<synchronous>, transform_indices = @transform_11, window_bounds = array<i64: 64, 64>}, {pipeline_mode = #tpu.pipeline_mode<synchronous>, transform_indices = @transform_12, window_bounds = array<i64: 1, 64>}, {pipeline_mode = #tpu.pipeline_mode<synchronous>, transform_indices = @transform_13, window_bounds = array<i64: 1, 64>}, {transform_indices = @transform_14, window_bounds = array<i64: 2176, 16>}, {transform_indices = @transform_15, window_bounds = array<i64: 2176, 16>}, {transform_indices = @transform_16, window_bounds = array<i64: 2176, 16>}, {transform_indices = @transform_17, window_bounds = array<i64: 2176, 16>}]} {
    %get3A = arith.constant 0 : index
    %get3A_0 = arith.constant 0 : index
    %get3A_1 = vector.load %arg9[%get3A, %get3A_0] : memref<2176x16xf32, #tpu.memory_space<vmem>>, vector<2176x16xf32>
    %slice3A = vector.extract_strided_slice %get3A_1 {offsets = [0, 15], sizes = [2176, 1], strides = [1, 1]} : vector<2176x16xf32> to vector<2176x1xf32>
    %max3A = arith.constant 1.000000e+00 : f32
    %max3A_2 = vector.broadcast %max3A : f32 to vector<2176x1xf32>
    %max3A_3 = arith.maximumf %slice3A, %max3A_2 : vector<2176x1xf32>
    %get3A_4 = arith.constant 0 : index
    %get3A_5 = arith.constant 0 : index
    %get3A_6 = vector.load %arg1[%get3A_4, %get3A_5] : memref<2176x16xf32, #tpu.memory_space<vmem>>, vector<2176x16xf32>
    %get3A_7 = arith.constant 0 : index
    %get3A_8 = arith.constant 0 : index
    %get3A_9 = vector.load %arg2[%get3A_7, %get3A_8] : memref<2176x16xf32, #tpu.memory_space<vmem>>, vector<2176x16xf32>
    %get3A_10 = arith.constant 0 : index
    %get3A_11 = arith.constant 0 : index
    %get3A_12 = vector.load %arg3[%get3A_10, %get3A_11] : memref<2176x16xf32, #tpu.memory_space<vmem>>, vector<2176x16xf32>
    %get3A_13 = arith.constant 0 : index
    %get3A_14 = arith.constant 0 : index
    %get3A_15 = vector.load %arg4[%get3A_13, %get3A_14] : memref<2176x16xf32, #tpu.memory_space<vmem>>, vector<2176x16xf32>
    %concatenate3A = tpu.concatenate %get3A_6, %get3A_9, %get3A_12, %get3A_15 in 1 : vector<2176x16xf32>, vector<2176x16xf32>, vector<2176x16xf32>, vector<2176x16xf32> -> vector<2176x64xf32>
    %div3A = vector.broadcast %max3A_3 : vector<2176x1xf32> to vector<2176x64xf32>
    %div3A_16 = arith.divf %concatenate3A, %div3A : vector<2176x64xf32>
    %get3A_17 = arith.constant 0 : index
    %get3A_18 = arith.constant 0 : index
    %get3A_19 = vector.load %arg5[%get3A_17, %get3A_18] : memref<2176x16xf32, #tpu.memory_space<vmem>>, vector<2176x16xf32>
    %get3A_20 = arith.constant 0 : index
    %get3A_21 = arith.constant 0 : index
    %get3A_22 = vector.load %arg6[%get3A_20, %get3A_21] : memref<2176x16xf32, #tpu.memory_space<vmem>>, vector<2176x16xf32>
    %get3A_23 = arith.constant 0 : index
    %get3A_24 = arith.constant 0 : index
    %get3A_25 = vector.load %arg7[%get3A_23, %get3A_24] : memref<2176x16xf32, #tpu.memory_space<vmem>>, vector<2176x16xf32>
    %get3A_26 = arith.constant 0 : index
    %get3A_27 = arith.constant 0 : index
    %get3A_28 = vector.load %arg8[%get3A_26, %get3A_27] : memref<2176x16xf32, #tpu.memory_space<vmem>>, vector<2176x16xf32>
    %concatenate3A_29 = tpu.concatenate %get3A_19, %get3A_22, %get3A_25, %get3A_28 in 1 : vector<2176x16xf32>, vector<2176x16xf32>, vector<2176x16xf32>, vector<2176x16xf32> -> vector<2176x64xf32>
    %get3A_30 = arith.constant 0 : index
    %get3A_31 = arith.constant 0 : index
    %get3A_32 = vector.load %arg10[%get3A_30, %get3A_31] : memref<64x64xf32, #tpu.memory_space<vmem>>, vector<64x64xf32>
    %dot_general3A = arith.constant dense<0.000000e+00> : vector<2176x64xf32>
    %dot_general3A_33 = tpu.matmul %div3A_16, %get3A_32, %dot_general3A {dimension_numbers = #tpu.dot_dimension_numbers<[1], [0], [0], [1], [0, 0, 1, 1], [], []>, transpose_lhs_hint = false} : vector<2176x64xf32>, vector<64x64xf32>, vector<2176x64xf32> -> vector<2176x64xf32>
    %get3A_34 = arith.constant 0 : index
    %get3A_35 = arith.constant 0 : index
    %get3A_36 = vector.load %arg11[%get3A_34, %get3A_35] : memref<1x64xf32, #tpu.memory_space<vmem>>, vector<1x64xf32>
    %add3A = vector.broadcast %get3A_36 : vector<1x64xf32> to vector<2176x64xf32>
    %add3A_37 = arith.addf %dot_general3A_33, %add3A : vector<2176x64xf32>
    %get3A_38 = arith.constant 0 : index
    %get3A_39 = arith.constant 0 : index
    %get3A_40 = vector.load %arg12[%get3A_38, %get3A_39] : memref<64x64xf32, #tpu.memory_space<vmem>>, vector<64x64xf32>
    %dot_general3A_41 = arith.constant dense<0.000000e+00> : vector<2176x64xf32>
    %dot_general3A_42 = tpu.matmul %concatenate3A_29, %get3A_40, %dot_general3A_41 {dimension_numbers = #tpu.dot_dimension_numbers<[1], [0], [0], [1], [0, 0, 1, 1], [], []>, transpose_lhs_hint = false} : vector<2176x64xf32>, vector<64x64xf32>, vector<2176x64xf32> -> vector<2176x64xf32>
    %add3A_43 = arith.addf %add3A_37, %dot_general3A_42 : vector<2176x64xf32>
    %get3A_44 = arith.constant 0 : index
    %get3A_45 = arith.constant 0 : index
    %get3A_46 = vector.load %arg13[%get3A_44, %get3A_45] : memref<1x64xf32, #tpu.memory_space<vmem>>, vector<1x64xf32>
    %mul3A = arith.constant 0.999994993 : f32
    %mul3A_47 = vector.broadcast %mul3A : f32 to vector<1x64xf32>
    %mul3A_48 = arith.mulf %get3A_46, %mul3A_47 : vector<1x64xf32>
    %mul3A_49 = vector.broadcast %mul3A_48 : vector<1x64xf32> to vector<2176x64xf32>
    %mul3A_50 = arith.mulf %add3A_43, %mul3A_49 : vector<2176x64xf32>
    %get3A_51 = arith.constant 0 : index
    %get3A_52 = arith.constant 0 : index
    %get3A_53 = vector.load %arg14[%get3A_51, %get3A_52] : memref<1x64xf32, #tpu.memory_space<vmem>>, vector<1x64xf32>
    %add3A_54 = vector.broadcast %get3A_53 : vector<1x64xf32> to vector<2176x64xf32>
    %add3A_55 = arith.addf %mul3A_50, %add3A_54 : vector<2176x64xf32>
    %max3A_56 = arith.constant 0.000000e+00 : f32
    %max3A_57 = vector.broadcast %max3A_56 : f32 to vector<2176x64xf32>
    %max3A_58 = arith.maximumf %add3A_55, %max3A_57 : vector<2176x64xf32>
    %mul3A_59 = arith.constant 5.000000e-01 : f32
    %mul3A_60 = vector.broadcast %mul3A_59 : f32 to vector<2176x64xf32>
    %mul3A_61 = arith.mulf %mul3A_60, %max3A_58 : vector<2176x64xf32>
    %add3A_62 = arith.addf %concatenate3A_29, %mul3A_61 : vector<2176x64xf32>
    %slice3A_63 = vector.extract_strided_slice %add3A_62 {offsets = [0, 0], sizes = [2176, 16], strides = [1, 1]} : vector<2176x64xf32> to vector<2176x16xf32>
    %swap3A = arith.constant 0 : index
    %swap3A_64 = arith.constant 0 : index
    %swap3A_65 = vector.load %arg15[%swap3A, %swap3A_64] : memref<2176x16xf32, #tpu.memory_space<vmem>>, vector<2176x16xf32>
    tpu.vector_store %arg15[%swap3A, %swap3A_64], %slice3A_63 {strides = array<i32>} : memref<2176x16xf32, #tpu.memory_space<vmem>>, vector<2176x16xf32>,
    %slice3A_66 = vector.extract_strided_slice %add3A_62 {offsets = [0, 16], sizes = [2176, 16], strides = [1, 1]} : vector<2176x64xf32> to vector<2176x16xf32>
    %swap3A_67 = arith.constant 0 : index
    %swap3A_68 = arith.constant 0 : index
    %swap3A_69 = vector.load %arg16[%swap3A_67, %swap3A_68] : memref<2176x16xf32, #tpu.memory_space<vmem>>, vector<2176x16xf32>
    tpu.vector_store %arg16[%swap3A_67, %swap3A_68], %slice3A_66 {strides = array<i32>} : memref<2176x16xf32, #tpu.memory_space<vmem>>, vector<2176x16xf32>,
    %slice3A_70 = vector.extract_strided_slice %add3A_62 {offsets = [0, 32], sizes = [2176, 16], strides = [1, 1]} : vector<2176x64xf32> to vector<2176x16xf32>
    %swap3A_71 = arith.constant 0 : index
    %swap3A_72 = arith.constant 0 : index
    %swap3A_73 = vector.load %arg17[%swap3A_71, %swap3A_72] : memref<2176x16xf32, #tpu.memory_space<vmem>>, vector<2176x16xf32>
    tpu.vector_store %arg17[%swap3A_71, %swap3A_72], %slice3A_70 {strides = array<i32>} : memref<2176x16xf32, #tpu.memory_space<vmem>>, vector<2176x16xf32>,
    %slice3A_74 = vector.extract_strided_slice %add3A_62 {offsets = [0, 48], sizes = [2176, 16], strides = [1, 1]} : vector<2176x64xf32> to vector<2176x16xf32>
    %swap3A_75 = arith.constant 0 : index
    %swap3A_76 = arith.constant 0 : index
    %swap3A_77 = vector.load %arg18[%swap3A_75, %swap3A_76] : memref<2176x16xf32, #tpu.memory_space<vmem>>, vector<2176x16xf32>
    tpu.vector_store %arg18[%swap3A_75, %swap3A_76], %slice3A_74 {strides = array<i32>} : memref<2176x16xf32, #tpu.memory_space<vmem>>, vector<2176x16xf32>,
    return
  }
  func.func @transform_0(%arg0: i32) -> (i32, i32) {
    %c0_i32 = arith.constant 0 : i32
    %c0_i32_0 = arith.constant 0 : i32
    return %arg0, %c0_i32 : i32, i32
  }
  func.func @transform_1(%arg0: i32) -> (i32, i32) {
    %c0_i32 = arith.constant 0 : i32
    %c0_i32_0 = arith.constant 0 : i32
    return %arg0, %c0_i32 : i32, i32
  }
  func.func @transform_2(%arg0: i32) -> (i32, i32) {
    %c0_i32 = arith.constant 0 : i32
    %c0_i32_0 = arith.constant 0 : i32
    return %arg0, %c0_i32 : i32, i32
  }
  func.func @transform_3(%arg0: i32) -> (i32, i32) {
    %c0_i32 = arith.constant 0 : i32
    %c0_i32_0 = arith.constant 0 : i32
    return %arg0, %c0_i32 : i32, i32
  }
  func.func @transform_4(%arg0: i32) -> (i32, i32) {
    %c0_i32 = arith.constant 0 : i32
    %c0_i32_0 = arith.constant 0 : i32
    return %arg0, %c0_i32 : i32, i32
  }
  func.func @transform_5(%arg0: i32) -> (i32, i32) {
    %c0_i32 = arith.constant 0 : i32
    %c0_i32_0 = arith.constant 0 : i32
    return %arg0, %c0_i32 : i32, i32
  }
  func.func @transform_6(%arg0: i32) -> (i32, i32) {
    %c0_i32 = arith.constant 0 : i32
    %c0_i32_0 = arith.constant 0 : i32
    return %arg0, %c0_i32 : i32, i32
  }
  func.func @transform_7(%arg0: i32) -> (i32, i32) {
    %c0_i32 = arith.constant 0 : i32
    %c0_i32_0 = arith.constant 0 : i32
    return %arg0, %c0_i32 : i32, i32
  }
  func.func @transform_8(%arg0: i32) -> (i32, i32) {
    %c0_i32 = arith.constant 0 : i32
    %c0_i32_0 = arith.constant 0 : i32
    return %arg0, %c0_i32 : i32, i32
  }
  func.func @transform_9(%arg0: i32) -> (i32, i32) {
    %c0_i32 = arith.constant 0 : i32
    %c0_i32_0 = arith.constant 0 : i32
    %c0_i32_1 = arith.constant 0 : i32
    return %c0_i32, %c0_i32_0 : i32, i32
  }
  func.func @transform_10(%arg0: i32) -> (i32, i32) {
    %c0_i32 = arith.constant 0 : i32
    %c0_i32_0 = arith.constant 0 : i32
    %c0_i32_1 = arith.constant 0 : i32
    return %c0_i32, %c0_i32_0 : i32, i32
  }
  func.func @transform_11(%arg0: i32) -> (i32, i32) {
    %c0_i32 = arith.constant 0 : i32
    %c0_i32_0 = arith.constant 0 : i32
    %c0_i32_1 = arith.constant 0 : i32
    return %c0_i32, %c0_i32_0 : i32, i32
  }
  func.func @transform_12(%arg0: i32) -> (i32, i32) {
    %c0_i32 = arith.constant 0 : i32
    %c0_i32_0 = arith.constant 0 : i32
    %c0_i32_1 = arith.constant 0 : i32
    return %c0_i32, %c0_i32_0 : i32, i32
  }
  func.func @transform_13(%arg0: i32) -> (i32, i32) {
    %c0_i32 = arith.constant 0 : i32
    %c0_i32_0 = arith.constant 0 : i32
    %c0_i32_1 = arith.constant 0 : i32
    return %c0_i32, %c0_i32_0 : i32, i32
  }
  func.func @transform_14(%arg0: i32) -> (i32, i32) {
    %c0_i32 = arith.constant 0 : i32
    %c0_i32_0 = arith.constant 0 : i32
    return %arg0, %c0_i32 : i32, i32
  }
  func.func @transform_15(%arg0: i32) -> (i32, i32) {
    %c0_i32 = arith.constant 0 : i32
    %c0_i32_0 = arith.constant 0 : i32
    return %arg0, %c0_i32 : i32, i32
  }
  func.func @transform_16(%arg0: i32) -> (i32, i32) {
    %c0_i32 = arith.constant 0 : i32
    %c0_i32_0 = arith.constant 0 : i32
    return %arg0, %c0_i32 : i32, i32
  }
  func.func @transform_17(%arg0: i32) -> (i32, i32) {
    %c0_i32 = arith.constant 0 : i32
    %c0_i32_0 = arith.constant 0 : i32
    return %arg0, %c0_i32 : i32, i32
  }
}

module attributes {stable_mosaic.version = 14 : i64} {
  func.func @body(%arg0: i32, %arg1: memref<2176x16xf32, #tpu.memory_space<vmem>>, %arg2: memref<2176x16xf32, #tpu.memory_space<vmem>>, %arg3: memref<2176x16xf32, #tpu.memory_space<vmem>>, %arg4: memref<2176x16xf32, #tpu.memory_space<vmem>>, %arg5: memref<2176x16xf32, #tpu.memory_space<vmem>>, %arg6: memref<2176x16xf32, #tpu.memory_space<vmem>>, %arg7: memref<2176x16xf32, #tpu.memory_space<vmem>>, %arg8: memref<2176x16xf32, #tpu.memory_space<vmem>>, %arg9: memref<2176x16xf32, #tpu.memory_space<vmem>>, %arg10: memref<64x64xf32, #tpu.memory_space<vmem>>, %arg11: memref<1x64xf32, #tpu.memory_space<vmem>>, %arg12: memref<64x64xf32, #tpu.memory_space<vmem>>, %arg13: memref<1x64xf32, #tpu.memory_space<vmem>>, %arg14: memref<1x64xf32, #tpu.memory_space<vmem>>, %arg15: memref<2176x64xf32, #tpu.memory_space<vmem>>) attributes {dimension_semantics = [#tpu.dimension_semantics<arbitrary>], iteration_bounds = array<i64: 46>, scalar_prefetch = 0 : i64, scratch_operands = 0 : i64, tpu.core_type = #tpu.core_type<tc>, window_params = [{transform_indices = @transform_0, window_bounds = array<i64: 2176, 16>}, {transform_indices = @transform_1, window_bounds = array<i64: 2176, 16>}, {transform_indices = @transform_2, window_bounds = array<i64: 2176, 16>}, {transform_indices = @transform_3, window_bounds = array<i64: 2176, 16>}, {transform_indices = @transform_4, window_bounds = array<i64: 2176, 16>}, {transform_indices = @transform_5, window_bounds = array<i64: 2176, 16>}, {transform_indices = @transform_6, window_bounds = array<i64: 2176, 16>}, {transform_indices = @transform_7, window_bounds = array<i64: 2176, 16>}, {transform_indices = @transform_8, window_bounds = array<i64: 2176, 16>}, {pipeline_mode = #tpu.pipeline_mode<synchronous>, transform_indices = @transform_9, window_bounds = array<i64: 64, 64>}, {pipeline_mode = #tpu.pipeline_mode<synchronous>, transform_indices = @transform_10, window_bounds = array<i64: 1, 64>}, {pipeline_mode = #tpu.pipeline_mode<synchronous>, transform_indices = @transform_11, window_bounds = array<i64: 64, 64>}, {pipeline_mode = #tpu.pipeline_mode<synchronous>, transform_indices = @transform_12, window_bounds = array<i64: 1, 64>}, {pipeline_mode = #tpu.pipeline_mode<synchronous>, transform_indices = @transform_13, window_bounds = array<i64: 1, 64>}, {transform_indices = @transform_14, window_bounds = array<i64: 2176, 64>}]} {
    %get3A = arith.constant 0 : index
    %get3A_0 = arith.constant 0 : index
    %get3A_1 = vector.load %arg9[%get3A, %get3A_0] : memref<2176x16xf32, #tpu.memory_space<vmem>>, vector<2176x16xf32>
    %slice3A = vector.extract_strided_slice %get3A_1 {offsets = [0, 15], sizes = [2176, 1], strides = [1, 1]} : vector<2176x16xf32> to vector<2176x1xf32>
    %max3A = arith.constant 1.000000e+00 : f32
    %max3A_2 = vector.broadcast %max3A : f32 to vector<2176x1xf32>
    %max3A_3 = arith.maximumf %slice3A, %max3A_2 : vector<2176x1xf32>
    %get3A_4 = arith.constant 0 : index
    %get3A_5 = arith.constant 0 : index
    %get3A_6 = vector.load %arg1[%get3A_4, %get3A_5] : memref<2176x16xf32, #tpu.memory_space<vmem>>, vector<2176x16xf32>
    %get3A_7 = arith.constant 0 : index
    %get3A_8 = arith.constant 0 : index
    %get3A_9 = vector.load %arg2[%get3A_7, %get3A_8] : memref<2176x16xf32, #tpu.memory_space<vmem>>, vector<2176x16xf32>
    %get3A_10 = arith.constant 0 : index
    %get3A_11 = arith.constant 0 : index
    %get3A_12 = vector.load %arg3[%get3A_10, %get3A_11] : memref<2176x16xf32, #tpu.memory_space<vmem>>, vector<2176x16xf32>
    %get3A_13 = arith.constant 0 : index
    %get3A_14 = arith.constant 0 : index
    %get3A_15 = vector.load %arg4[%get3A_13, %get3A_14] : memref<2176x16xf32, #tpu.memory_space<vmem>>, vector<2176x16xf32>
    %concatenate3A = tpu.concatenate %get3A_6, %get3A_9, %get3A_12, %get3A_15 in 1 : vector<2176x16xf32>, vector<2176x16xf32>, vector<2176x16xf32>, vector<2176x16xf32> -> vector<2176x64xf32>
    %div3A = vector.broadcast %max3A_3 : vector<2176x1xf32> to vector<2176x64xf32>
    %div3A_16 = arith.divf %concatenate3A, %div3A : vector<2176x64xf32>
    %get3A_17 = arith.constant 0 : index
    %get3A_18 = arith.constant 0 : index
    %get3A_19 = vector.load %arg5[%get3A_17, %get3A_18] : memref<2176x16xf32, #tpu.memory_space<vmem>>, vector<2176x16xf32>
    %get3A_20 = arith.constant 0 : index
    %get3A_21 = arith.constant 0 : index
    %get3A_22 = vector.load %arg6[%get3A_20, %get3A_21] : memref<2176x16xf32, #tpu.memory_space<vmem>>, vector<2176x16xf32>
    %get3A_23 = arith.constant 0 : index
    %get3A_24 = arith.constant 0 : index
    %get3A_25 = vector.load %arg7[%get3A_23, %get3A_24] : memref<2176x16xf32, #tpu.memory_space<vmem>>, vector<2176x16xf32>
    %get3A_26 = arith.constant 0 : index
    %get3A_27 = arith.constant 0 : index
    %get3A_28 = vector.load %arg8[%get3A_26, %get3A_27] : memref<2176x16xf32, #tpu.memory_space<vmem>>, vector<2176x16xf32>
    %concatenate3A_29 = tpu.concatenate %get3A_19, %get3A_22, %get3A_25, %get3A_28 in 1 : vector<2176x16xf32>, vector<2176x16xf32>, vector<2176x16xf32>, vector<2176x16xf32> -> vector<2176x64xf32>
    %get3A_30 = arith.constant 0 : index
    %get3A_31 = arith.constant 0 : index
    %get3A_32 = vector.load %arg10[%get3A_30, %get3A_31] : memref<64x64xf32, #tpu.memory_space<vmem>>, vector<64x64xf32>
    %dot_general3A = arith.constant dense<0.000000e+00> : vector<2176x64xf32>
    %dot_general3A_33 = tpu.matmul %div3A_16, %get3A_32, %dot_general3A {dimension_numbers = #tpu.dot_dimension_numbers<[1], [0], [0], [1], [0, 0, 1, 1], [], []>, transpose_lhs_hint = false} : vector<2176x64xf32>, vector<64x64xf32>, vector<2176x64xf32> -> vector<2176x64xf32>
    %get3A_34 = arith.constant 0 : index
    %get3A_35 = arith.constant 0 : index
    %get3A_36 = vector.load %arg11[%get3A_34, %get3A_35] : memref<1x64xf32, #tpu.memory_space<vmem>>, vector<1x64xf32>
    %add3A = vector.broadcast %get3A_36 : vector<1x64xf32> to vector<2176x64xf32>
    %add3A_37 = arith.addf %dot_general3A_33, %add3A : vector<2176x64xf32>
    %get3A_38 = arith.constant 0 : index
    %get3A_39 = arith.constant 0 : index
    %get3A_40 = vector.load %arg12[%get3A_38, %get3A_39] : memref<64x64xf32, #tpu.memory_space<vmem>>, vector<64x64xf32>
    %dot_general3A_41 = arith.constant dense<0.000000e+00> : vector<2176x64xf32>
    %dot_general3A_42 = tpu.matmul %concatenate3A_29, %get3A_40, %dot_general3A_41 {dimension_numbers = #tpu.dot_dimension_numbers<[1], [0], [0], [1], [0, 0, 1, 1], [], []>, transpose_lhs_hint = false} : vector<2176x64xf32>, vector<64x64xf32>, vector<2176x64xf32> -> vector<2176x64xf32>
    %add3A_43 = arith.addf %add3A_37, %dot_general3A_42 : vector<2176x64xf32>
    %get3A_44 = arith.constant 0 : index
    %get3A_45 = arith.constant 0 : index
    %get3A_46 = vector.load %arg13[%get3A_44, %get3A_45] : memref<1x64xf32, #tpu.memory_space<vmem>>, vector<1x64xf32>
    %mul3A = arith.constant 0.999994993 : f32
    %mul3A_47 = vector.broadcast %mul3A : f32 to vector<1x64xf32>
    %mul3A_48 = arith.mulf %get3A_46, %mul3A_47 : vector<1x64xf32>
    %mul3A_49 = vector.broadcast %mul3A_48 : vector<1x64xf32> to vector<2176x64xf32>
    %mul3A_50 = arith.mulf %add3A_43, %mul3A_49 : vector<2176x64xf32>
    %get3A_51 = arith.constant 0 : index
    %get3A_52 = arith.constant 0 : index
    %get3A_53 = vector.load %arg14[%get3A_51, %get3A_52] : memref<1x64xf32, #tpu.memory_space<vmem>>, vector<1x64xf32>
    %add3A_54 = vector.broadcast %get3A_53 : vector<1x64xf32> to vector<2176x64xf32>
    %add3A_55 = arith.addf %mul3A_50, %add3A_54 : vector<2176x64xf32>
    %max3A_56 = arith.constant 0.000000e+00 : f32
    %max3A_57 = vector.broadcast %max3A_56 : f32 to vector<2176x64xf32>
    %max3A_58 = arith.maximumf %add3A_55, %max3A_57 : vector<2176x64xf32>
    %swap3A = arith.constant 0 : index
    %swap3A_59 = arith.constant 0 : index
    %swap3A_60 = vector.load %arg15[%swap3A, %swap3A_59] : memref<2176x64xf32, #tpu.memory_space<vmem>>, vector<2176x64xf32>
    tpu.vector_store %arg15[%swap3A, %swap3A_59], %max3A_58 {strides = array<i32>} : memref<2176x64xf32, #tpu.memory_space<vmem>>, vector<2176x64xf32>,
    return
  }
  func.func @transform_0(%arg0: i32) -> (i32, i32) {
    %c0_i32 = arith.constant 0 : i32
    %c0_i32_0 = arith.constant 0 : i32
    return %arg0, %c0_i32 : i32, i32
  }
  func.func @transform_1(%arg0: i32) -> (i32, i32) {
    %c0_i32 = arith.constant 0 : i32
    %c0_i32_0 = arith.constant 0 : i32
    return %arg0, %c0_i32 : i32, i32
  }
  func.func @transform_2(%arg0: i32) -> (i32, i32) {
    %c0_i32 = arith.constant 0 : i32
    %c0_i32_0 = arith.constant 0 : i32
    return %arg0, %c0_i32 : i32, i32
  }
  func.func @transform_3(%arg0: i32) -> (i32, i32) {
    %c0_i32 = arith.constant 0 : i32
    %c0_i32_0 = arith.constant 0 : i32
    return %arg0, %c0_i32 : i32, i32
  }
  func.func @transform_4(%arg0: i32) -> (i32, i32) {
    %c0_i32 = arith.constant 0 : i32
    %c0_i32_0 = arith.constant 0 : i32
    return %arg0, %c0_i32 : i32, i32
  }
  func.func @transform_5(%arg0: i32) -> (i32, i32) {
    %c0_i32 = arith.constant 0 : i32
    %c0_i32_0 = arith.constant 0 : i32
    return %arg0, %c0_i32 : i32, i32
  }
  func.func @transform_6(%arg0: i32) -> (i32, i32) {
    %c0_i32 = arith.constant 0 : i32
    %c0_i32_0 = arith.constant 0 : i32
    return %arg0, %c0_i32 : i32, i32
  }
  func.func @transform_7(%arg0: i32) -> (i32, i32) {
    %c0_i32 = arith.constant 0 : i32
    %c0_i32_0 = arith.constant 0 : i32
    return %arg0, %c0_i32 : i32, i32
  }
  func.func @transform_8(%arg0: i32) -> (i32, i32) {
    %c0_i32 = arith.constant 0 : i32
    %c0_i32_0 = arith.constant 0 : i32
    return %arg0, %c0_i32 : i32, i32
  }
  func.func @transform_9(%arg0: i32) -> (i32, i32) {
    %c0_i32 = arith.constant 0 : i32
    %c0_i32_0 = arith.constant 0 : i32
    %c0_i32_1 = arith.constant 0 : i32
    return %c0_i32, %c0_i32_0 : i32, i32
  }
  func.func @transform_10(%arg0: i32) -> (i32, i32) {
    %c0_i32 = arith.constant 0 : i32
    %c0_i32_0 = arith.constant 0 : i32
    %c0_i32_1 = arith.constant 0 : i32
    return %c0_i32, %c0_i32_0 : i32, i32
  }
  func.func @transform_11(%arg0: i32) -> (i32, i32) {
    %c0_i32 = arith.constant 0 : i32
    %c0_i32_0 = arith.constant 0 : i32
    %c0_i32_1 = arith.constant 0 : i32
    return %c0_i32, %c0_i32_0 : i32, i32
  }
  func.func @transform_12(%arg0: i32) -> (i32, i32) {
    %c0_i32 = arith.constant 0 : i32
    %c0_i32_0 = arith.constant 0 : i32
    %c0_i32_1 = arith.constant 0 : i32
    return %c0_i32, %c0_i32_0 : i32, i32
  }
  func.func @transform_13(%arg0: i32) -> (i32, i32) {
    %c0_i32 = arith.constant 0 : i32
    %c0_i32_0 = arith.constant 0 : i32
    %c0_i32_1 = arith.constant 0 : i32
    return %c0_i32, %c0_i32_0 : i32, i32
  }
  func.func @transform_14(%arg0: i32) -> (i32, i32) {
    %c0_i32 = arith.constant 0 : i32
    %c0_i32_0 = arith.constant 0 : i32
    return %arg0, %c0_i32 : i32, i32
  }
}

</mosaic_0001>

<sc_bundles>
// kernel: kernel.11.cloned.1.call-start
scs
__scs_entry_jumppad:
0x0: {  	(pc) =	sbr.rel $0x88, $3  }
0x1: {  	(tag) =	ssettag $0x0;
	lr =	simm.s32 $0x1  }
0x2: {  	[smem:$0x3F90] =	sst lr;
	_ =	strace $0xD0000000  }
0x3: {  	_ = 	snop  }
0x4: {  	_ = 	snop  }
0x5: {  	_ = 	snop  }
0x6: {  	_ = 	snop  }
0x7: {  	_ = 	snop  }
__scs_overlays_trampoline_lowered:
0x8: {  	[smem:$0x3F9F] =	sst s0  }
0x9: {  	[smem:$0x3FA0] =	sst s1  }
0xa: {  	[smem:$0x3FA1] =	sst s2  }
0xb: {  	[smem:$0x3FA2] =	sst s3  }
0xc: {  	[smem:$0x3FA3] =	sst s4  }
0xd: {  	[smem:$0x3FA4] =	sst s5  }
0xe: {  	[smem:$0x3FA5] =	sst s6  }
0xf: {  	[smem:$0x3FA6] =	sst s7  }
0x10: {  	[smem:$0x3FA7] =	sst s8  }
0x11: {  	[smem:$0x3FA8] =	sst s9;
	s0 =	simm.s32 @!p0 $0x0  }
0x12: {  	s1 =	sld [smem:$0x3F8E];
	s0 =	simm.s32 @p0 $0x1  }
0x13: {  	[smem:$0x3FA9] =	sst s0;
	s0 =	simm.s32 @!p1 $0x0  }
0x14: {  	s2 =	sld [smem:$0x3F8D];
	s0 =	simm.s32 @p1 $0x1  }
0x15: {  	[smem:$0x3FAA] =	sst s0;
	s0 =	simm.s32 @!p2 $0x0  }
0x16: {  	s3 =	sld [smem:$0x3FDB];
	s0 =	simm.s32 @p2 $0x1  }
0x17: {  	s4 =	simm.s32 $0x1BF5;
	[smem:$0x3FAC] =	sst s0  }
0x18: {  	s0 =	sld [smem:$0x3F8F];
	_ =	swait.ge [sflag:s4], $0x0  }
0x19: {  	s7 =	sld [smem:$0x3F90]  }
0x1a: {  	s8 =	sadd.s32 $0xFFFFE003, lr  }
0x1b: {  	s9 =	sadd.s32 $0xFFFFFEF7, lr;
	s5 =	simm.s32 $0xFFFFFFFF;
	p2 =	slt.u32 s8, $0xFFFFF086  }
0x1c: {  	p1 =	slt.u32 s9, $0xF7A;
	s5 =	simm.s32 @!p2 $0x0  }
0x1d: {  	s5 =	simm.s32 @p1 $0x1;
	p0 =	seq.s32 s7, s2  }
0x1e: {  	s7 =	smul.u32 @!p0 $0xF7A, s2;
	p2 =	seq.s32 @!p0 s5, $0x0  }
0x1f: {  	s9 =	smul.u32 $0xF7A, s1;
	s8 =	simm.s32 @!p0 $0x1BF5;
	p2 =	por !p2, p0  }
0x20: {  	[sflag:s8] =	ssyncset.s32 @!p0 $0xFFFFF086;
	s6 =	sadd.s32 @!p0 s3, s7;
	s7 =	simm.s32 @!p0 $0x108  }
0x21: {  	s3 =	sadd.s32 s3, s9;
	s6 =	sadd.s32 @!p0 $0x88, s6;
	s7 =	simm.s32 @p2 $0x1082  }
0x22: {  	[simem:s7], [sflag:s8] =	dma.local @!p0 [hbm:s6], $0xF7A  }
0x23: {  	s9 =	sor.u32 $0xD0000000, s2;
	s6 =	simm.s32 $0x108;
	_ =	swait.ge @!p0 [sflag:s8], $0x0  }
0x24: {  	s3 =	sadd.s32 $0x88, s3;
	s6 =	simm.s32 @!p1 $0x1082;
	[sflag:s4] =	ssyncset.s32 $0xFFFFF086  }
0x25: {  	[simem:s6], [sflag:s4] =	dma.local [hbm:s3], $0xF7A  }
0x26: {  	[smem:$0x3F90] =	sst s1;
	(tag) =	ssettag s2;
	_ =	strace s9  }
0x27: {  	s1 =	sld [smem:$0x3FA0]  }
0x28: {  	s2 =	sld [smem:$0x3FA1]  }
0x29: {  	s4 =	sld [smem:$0x3FA3]  }
0x2a: {  	p0 =	seq.s32 s5, $0x0;
	s5 =	sld [smem:$0x3FA4]  }
0x2b: {  	s6 =	sld [smem:$0x3FA5]  }
0x2c: {  	s7 =	sld [smem:$0x3FA6]  }
0x2d: {  	s3 =	simm.s32 $0x108;
	s8 =	sld [smem:$0x3FA7]  }
0x2e: {  	s3 =	simm.s32 @!p0 $0x1082;
	s9 =	sld [smem:$0x3FA8]  }
0x2f: {  	lr =	sadd.s32 s0, s3;
	s0 =	sld [smem:$0x3F9F]  }
0x30: {  	s3 =	sld [smem:$0x3FA2]  }
0x31: {  	[smem:$0x3FAB] =	sst s10  }
0x32: {  	s10 =	sld [smem:$0x3FA9];
	_ =	sdelay $0x3  }
0x33: {  	p0 =	seq.s32 s10, $0x1;
	s10 =	sld [smem:$0x3FAB];
	_ =	sdelay $0x3  }
0x34: {  	[smem:$0x3FAB] =	sst s10  }
0x35: {  	s10 =	sld [smem:$0x3FAA];
	_ =	sdelay $0x3  }
0x36: {  	p1 =	seq.s32 s10, $0x1;
	s10 =	sld [smem:$0x3FAB];
	_ =	sdelay $0x3  }
0x37: {  	[smem:$0x3FAB] =	sst s10  }
0x38: {  	s10 =	sld [smem:$0x3FAC]  }
0x39: {  	_ = 	snop;
	(pc) =	sbr.ind lr, $3  }
0x3a: {  	_ = 	snop  }
0x3b: {  	_ = 	snop  }
0x3c: {  	p2 =	seq.s32 s10, $0x1;
	s10 =	sld [smem:$0x3FAB]  }
0x3d: {  	_ =	shalt  }
0x3e: {  	_ =	shalt  }
0x3f: {  	_ =	shalt  }
0x40: {  	_ =	shalt  }
0x41: {  	_ =	shalt  }
0x42: {  	_ =	shalt  }
0x43: {  	_ =	shalt  }
0x44: {  	_ =	shalt  }
0x45: {  	_ =	shalt  }
0x46: {  	_ =	shalt  }
0x47: {  	_ =	shalt  }
0x48: {  	_ =	shalt  }
0x49: {  	_ =	shalt  }
0x4a: {  	_ =	shalt  }
0x4b: {  	_ =	shalt  }
0x4c: {  	_ =	shalt  }
0x4d: {  	_ =	shalt  }
0x4e: {  	_ =	shalt  }
0x4f: {  	_ =	shalt  }
0x50: {  	_ =	shalt  }
0x51: {  	_ =	shalt  }
0x52: {  	_ =	shalt  }
0x53: {  	_ =	shalt  }
0x54: {  	_ =	shalt  }
0x55: {  	_ =	shalt  }
0x56: {  	_ =	shalt  }
0x57: {  	_ =	shalt  }
0x58: {  	_ =	shalt  }
0x59: {  	_ =	shalt  }
0x5a: {  	_ =	shalt  }
0x5b: {  	_ =	shalt  }
0x5c: {  	_ =	shalt  }
0x5d: {  	_ =	shalt  }
0x5e: {  	_ =	shalt  }
0x5f: {  	_ =	shalt  }
0x60: {  	_ =	shalt  }
0x61: {  	_ =	shalt  }
0x62: {  	_ =	shalt  }
0x63: {  	_ =	shalt  }
0x64: {  	_ =	shalt  }
0x65: {  	_ =	shalt  }
0x66: {  	_ =	shalt  }
0x67: {  	_ =	shalt  }
0x68: {  	_ =	shalt  }
0x69: {  	_ =	shalt  }
0x6a: {  	_ =	shalt  }
0x6b: {  	_ =	shalt  }
0x6c: {  	_ =	shalt  }
0x6d: {  	_ =	shalt  }
0x6e: {  	_ =	shalt  }
0x6f: {  	_ =	shalt  }
0x70: {  	_ =	shalt  }
0x71: {  	_ =	shalt  }
0x72: {  	_ =	shalt  }
0x73: {  	_ =	shalt  }
0x74: {  	_ =	shalt  }
0x75: {  	_ =	shalt  }
0x76: {  	_ =	shalt  }
0x77: {  	_ =	shalt  }
0x78: {  	_ =	shalt  }
0x79: {  	_ =	shalt  }
0x7a: {  	_ =	shalt  }
0x7b: {  	_ =	shalt  }
0x7c: {  	_ =	shalt  }
0x7d: {  	_ =	shalt  }
0x7e: {  	_ =	shalt  }
0x7f: {  	_ =	shalt  }
0x80: {  	_ =	shalt  }
0x81: {  	_ =	shalt  }
0x82: {  	_ =	shalt  }
0x83: {  	_ =	shalt  }
0x84: {  	_ =	shalt  }
0x85: {  	_ =	shalt  }
0x86: {  	_ =	shalt  }
0x87: {  	_ =	shalt  }
.Lfunc_end0:
.L_simem_size_0:
called_computation.1_lowered:
.L_overlay_start_0:
0x88: {  	s2 =	sld [smem:$0x3FD9]  }
0x89: {  	s3 =	sld [smem:$0x3FFE];
	_ =	sdelay $0x1  }
0x8a: {  	s1 =	srdreg.scid  }
0x8b: {  	s0 =	sand.u32 $0x1, s1  }
0x8c: {  	s17 =	sshll.u32 s0, $0xA;
	s2 =	sadd.s32 s3, s2  }
0x8d: {  	s2 =	sadd.s32 s2, s17  }
0x8e: {  	[smem:$0x3FB7] =	sst s2  }
0x8f: {  	_ = 	snop  }
0x90: {  	s2 =	sld [smem:$0x3FD0];
	(tm) =	ssettm $0x1  }
0x91: {  	s18 =	sld [smem:$0x3FFB];
	_ =	sdelay $0x3  }
0x92: {  	_ =	strace s18  }
0x93: {  	s3 =	sld [smem:$0x3FFC];
	_ =	sdelay $0x3  }
0x94: {  	_ =	strace s3  }
0x95: {  	s3 =	sld [smem:$0x3FFD];
	_ =	sdelay $0x3  }
0x96: {  	_ =	strace s3  }
0x97: {  	_ =	strace $0x8FFFFFFF  }
0x98: {  	s19 =	sld [smem:$0x3FDB];
	_ =	sdelay $0x1  }
0x99: {  	s4 =	simm.s32 $_scs_section_size  }
0x9a: {  	s5 =	simm.s32 $_size__tile_overlayer_lowered;
	s6 =	simm.s32 $_tile_overlayer_lowered  }
0x9b: {  	s22 =	simm.s32 $0x1BFF;
	s21 =	sshll.u32 s6, $0x1;
	s3 =	sadd.s32 s4, s19  }
0x9c: {  	s7 =	simm.s32 $0x0;
	s20 =	sshll.u32 s5, $0x1;
	s5 =	sadd.s32 s21, s3  }
0x9d: {  	[timem:s7], [sflag:s22] =	dma.local [hbm:s5], s20  }
0x9e: {  	_ =	swait.ge [sflag:s22], s20  }
0x9f: {  	s4 =	ssub.s32 $0x0, s20;
	[sflag:s22] =	ssyncset.done $0x0  }
0xa0: {  	[sflag:s22] =	ssyncadd.s32 s4;
	_ =	sdelay $0x1  }
0xa1: {  	s23 =	simm.s32 $0x1B8B  }
0xa2: {  	_ =	swait.ge [sflag:s23], $0x1  }
0xa3: {  	[sflag:s23] =	ssyncset.done $0x0  }
0xa4: {  	s25 =	simm.s32 $0x1B8E;
	s24 =	sld [smem:$0x3FFE];
	[sflag:s23] =	ssyncadd.s32 $0xFFFFFFFF  }
0xa5: {  	s26 =	simm.s32 $execute0_lowered;
	[smem:$0x3FD2] =	sst s25  }
0xa6: {  	s5 =	sshll.u32 s26, $0x1;
	_ =	strace $0x80000049;
	[dreg:$0x1] =	wrdreg $0xFFFFFFFF  }
0xa7: {  	s28 =	simm.s32 $_size_execute0_lowered;
	s3 =	sadd.s32 s3, s5;
	[dreg:$0x0] =	wrdreg $0x0  }
0xa8: {  	s5 =	sshll.u32 s28, $0x1;
	[dreg:$0x2] =	wrdreg s3  }
0xa9: {  	[dreg:$0x3] =	wrdreg s5  }
0xaa: {  	[dreg:$0x4] =	wrdreg $0xC0  }
0xab: {  	_ =	task [dreg:s7], $0x5FFFF  }
0xac: {  	[dreg:$0x1] =	wrdreg $0xFFFFFFFF  }
0xad: {  	[dreg:$0x0] =	wrdreg $0x60  }
0xae: {  	[dreg:$0x2] =	wrdreg s2  }
0xaf: {  	[dreg:$0x3] =	wrdreg s24  }
0xb0: {  	[dreg:$0x4] =	wrdreg $0x70800  }
0xb1: {  	[dreg:$0x5] =	wrdreg $0x9  }
0xb2: {  	_ =	task.clear_ibuf [dreg:s7], $0x6FFFF;
	_ =	strace $0x90000049  }
0xb3: {  	s29 =	simm.s32 $0x9;
	_ =	strace $0x8000004B  }
0xb4: {  	_ =	swait.ge [sflag:s29], $0x1  }
0xb5: {  	[sflag:s29] =	ssyncadd.s32 $0xFFFFFFFF  }
0xb6: {  	_ =	strace $0x9000004B  }
0xb7: {  	_ =	sfence  }
0xb8: {  	s30 =	sld [smem:$0x0];
	_ =	sdelay $0x2  }
0xb9: {  	s31 =	sshll.u32 s1, $0xD;
	s1 =	sshrl.u32 s1, $0x2  }
0xba: {  	s3 =	sand.u32 $0x4000, s31;
	s1 =	sadd.s32 s1, s30  }
0xbb: {  	s0 =	sor.u32 s3, s0;
	s1 =	sshll.u32 s1, $0x11  }
0xbc: {  	s0 =	sor.u32 s1, s0  }
0xbd: {  	s0 =	sadd.s32 $0x8F2B, s0  }
0xbe: {  	[sflag:s0] =	ssyncadd.remote.s32 $0x1  }
0xbf: {  	_ =	sfence.sel $0xFFFF  }
0xc0: {  	[dreg:$0x0] =	wrdreg $0xFFFFFFFF;
	(pc) =	sbr.abs _section_cstart, $3  }
0xc1: {  	[dreg:$0x1] =	wrdreg $0xFFFFFFFF  }
0xc2: {  	_ =	task.clear_ibuf [dreg:s7], $0x2FFFF;
	_ =	strace $0x9FFFFFFF  }
0xc3: {  	(tm) =	ssettm $0x7FFFFFFF  }
tec
execute0_lowered:
.L_overlay_start_1:
0x0: {  	(tag) =	ssettag $0x1  }
0x1: {  	s1 =	rddreg [dreg:$0x0]  }
0x2: {  	s0 =	rddreg [dreg:$0x1]  }
0x3: {  	s2 =	rddreg [dreg:$0x2]  }
0x4: {  	s3 =	simm.s32 $0x0;
	s9 =	stileid.u32;
	s8 =	srdreg.scid  }
0x5: {  	s21 =	simm.s32 $0x3;
	s22 =	simm.s32 $0x320;
	s23 =	simm.s32 $0xC80  }
0x6: {  	s24 =	simm.s32 $0x640;
	s25 =	simm.s32 $0x960;
	s28 =	simm.s32 $0x1  }
0x7: {  	s29 =	simm.s32 $0x2;
	s30 =	simm.s32 $0x0;
	[smem:$0x7FF] =	sst s3  }
0x8: {  	s5 =	sadd.s32 $0x67400, s0;
	s6 =	sadd.s32 $0x36600, s0;
	s7 =	sadd.s32 $0x5800, s0  }
0x9: {  	s4 =	smul.u32 $0x18700, s9;
	s19 =	sadd.s32 $0xC9000, s0;
	s18 =	sadd.s32 $0x98200, s0  }
0xa: {  	s11 =	sand.u32 $0x1, s8;
	s13 =	smul.u32 $0x186A0, s9;
	s10 =	sadd.s32 $0xB17E00, s0  }
0xb: {  	s17 =	sshll.u32 s9, $0x6;
	s20 =	smul.u32 $0x30D4, s9;
	_ =	strace $0x8000004A  }
0xc: {  	s12 =	ssub.s32 $0x2, s11;
	[dreg:$0x4] =	wrdreg s10;
	p0 =	seq.s32 s11, $0x1  }
0xd: {  	s17 =	sor.u32 $0x1C03, s17;
	s8 =	sshrl.u32 s4, $0x3;
	s14 =	sshrl.u32 s12, $0x1  }
0xe: {  	s31 =	sshrl.u32 s13, $0x3;
	s4 =	sadd.s32 s4, s2;
	s15 =	sadd.s32 s8, s0  }
.Ltmp0:
0xf: {  	s0 =	sadd.s32 $0xAB6200, s0;
	s26 =	ssub.s32 s12, s14;
	(pc) =	sbr.rel .LBB2_1-.Ltmp0, $4  }
0x10: {  	s13 =	sadd.s32 $0x3070, s31;
	[dreg:$0x5] =	wrdreg s0;
	s11 =	sadd.s32 $0xF9E00, s15  }
0x11: {  	s12 =	sadd.s32 s19, s13;
	s13 =	sadd.s32 s18, s13;
	s14 =	sadd.s32 $0xB48C00, s15  }
0x12: {  	s15 =	sadd.s32 $0xAE7000, s15;
	s16 =	smax.u32 s26, $0x1;
	s18 =	sadd.s32 s20, s18  }
0x13: {  	s19 =	sadd.s32 s20, s19;
	s20 =	sshrl.u32 s4, $0x3;
	s26 =	simm.s32 $0x3E80  }
.LBB2_11:
0x14: {  	s0 =	sadd.s32 s31, s19;
	[sflag:s21] =	ssyncadd.s32 $0xFFFFCE00  }
0x15: {  	[tilespmem:s3], [sflag:$0x3] =	stream.linear.gather [hbm4b:s0+s3], $0x320, $0x38;
	[tilespmem:$0x1F780] =	vst v63  }
0x16: {  	_ =	swait.ge [sflag:s21], $0x320  }
0x17: {  	[sflag:s21] =	ssyncset.done $0x0  }
0x18: {  	s4 =	sadd.s32 s31, s18;
	[sflag:s21] =	ssyncadd.s32 $0xFFFFFCE0  }
0x19: {  	[tilespmem:s22], [sflag:$0x3] =	stream.linear.gather [hbm4b:s4+s3], $0x320, $0x38;
	[tilespmem:$0x1F780] =	vst v63  }
0x1a: {  	_ =	swait.ge [sflag:s21], $0x320  }
0x1b: {  	[sflag:s21] =	ssyncset.done $0x0  }
0x1c: {  	[sflag:s21] =	ssyncadd.s32 $0xFFFFFCE0  }
0x1d: {  	[tilespmem:s23], [sflag:$0x1] =	stream.indirect.gather [hbm4b:s7+s22], $0x10, s3, s22, $0xb8;
	[tilespmem:$0x1F780] =	vst v63  }
0x1e: {  	s0 =	sadd.s32 $0x64, s0  }
0x1f: {  	[tilespmem:s24], [sflag:$0x3] =	stream.linear.gather [hbm4b:s0+s3], $0x320, $0x38;
	[tilespmem:$0x1F780] =	vst v63  }
0x20: {  	_ =	swait.ge [sflag:s21], $0x320  }
0x21: {  	[sflag:s21] =	ssyncset.done $0x0  }
0x22: {  	s10 =	sadd.s32 $0x64, s4;
	[sflag:s21] =	ssyncadd.s32 $0xFFFFFCE0  }
0x23: {  	[tilespmem:s25], [sflag:$0x3] =	stream.linear.gather [hbm4b:s10+s3], $0x320, $0x38;
	[tilespmem:$0x1F780] =	vst v63  }
0x24: {  	_ =	swait.ge [sflag:s21], $0x320  }
0x25: {  	[sflag:s21] =	ssyncset.done $0x0  }
0x26: {  	[sflag:s21] =	ssyncadd.s32 $0xFFFFFCE0  }
0x27: {  	[tilespmem:s26], [sflag:$0x2] =	stream.indirect.gather [hbm4b:s7+s22], $0x10, s24, s22, $0xb8;
	[tilespmem:$0x1F780] =	vst v63  }
0x28: {  	_ =	swait.ge [sflag:s28], $0x3200  }
0x29: {  	[sflag:s28] =	ssyncset.done $0x0  }
0x2a: {  	[sflag:s28] =	ssyncadd.s32 $0xFFFFCE00  }
0x2b: {  	[spmem:s2] =	stream.indirect.scatter.add.f32 [tilespmem:s23], [sflag:$0x3], $0x10, s22, s22, $0xb8;
	[tilespmem:$0x1F780] =	vst v63  }
0x2c: {  	_ =	swait.ge [sflag:s21], $0x3200  }
0x2d: {  	[sflag:s21] =	ssyncset.done $0x0  }
0x2e: {  	[sflag:s21] =	ssyncadd.s32 $0xFFFFCE00  }
0x2f: {  	_ =	swait.ge [sflag:s29], $0x3200  }
0x30: {  	[sflag:s29] =	ssyncset.done $0x0  }
0x31: {  	[sflag:s29] =	ssyncadd.s32 $0xFFFFCE00  }
0x32: {  	[spmem:s2] =	stream.indirect.scatter.add.f32 [tilespmem:s26], [sflag:$0x3], $0x10, s25, s22, $0xb8;
	[tilespmem:$0x1F780] =	vst v63  }
0x33: {  	_ =	swait.ge [sflag:s21], $0x3200  }
0x34: {  	[sflag:s21] =	ssyncset.done $0x0  }
0x35: {  	s31 =	smov.u32 s7;
	s0 =	rddreg [dreg:$0x5];
	[sflag:s21] =	ssyncadd.s32 $0xFFFFCE00  }
.LBB2_12:
0x36: {  	[tilespmem:s3], [sflag:$0x3] =	stream.linear.gather [hbm4b:s12+s3], $0x320, $0x38;
	[tilespmem:$0x1F780] =	vst v63  }
0x37: {  	_ =	swait.ge [sflag:s21], $0x320  }
0x38: {  	[sflag:s21] =	ssyncset.done $0x0  }
0x39: {  	[sflag:s21] =	ssyncadd.s32 $0xFFFFFCE0  }
0x3a: {  	[tilespmem:s22], [sflag:$0x3] =	stream.linear.gather [hbm4b:s13+s3], $0x320, $0x38;
	[tilespmem:$0x1F780] =	vst v63  }
0x3b: {  	_ =	swait.ge [sflag:s21], $0x320  }
0x3c: {  	[sflag:s21] =	ssyncset.done $0x0  }
0x3d: {  	[sflag:s21] =	ssyncadd.s32 $0xFFFFFCE0  }
0x3e: {  	[tilespmem:s23], [sflag:$0x1] =	stream.indirect.gather [hbm4b:s31+s22], $0x10, s3, s22, $0xb8;
	[tilespmem:$0x1F780] =	vst v63  }
0x3f: {  	_ =	swait.ge [sflag:s28], $0x3200  }
0x40: {  	[sflag:s28] =	ssyncset.done $0x0  }
0x41: {  	[sflag:s28] =	ssyncadd.s32 $0xFFFFCE00  }
0x42: {  	[spmem:s2] =	stream.indirect.scatter.add.f32 [tilespmem:s23], [sflag:$0x3], $0x10, s22, s22, $0xb8;
	[tilespmem:$0x1F780] =	vst v63  }
0x43: {  	_ =	swait.ge [sflag:s21], $0x3200  }
0x44: {  	s30 =	sadd.s32 $0x1, s30;
	[sflag:s21] =	ssyncset.done $0x0  }
0x45: {  	p1 =	sne.s32 s30, s16;
	[sflag:s21] =	ssyncadd.s32 $0xFFFFCE00  }
.Ltmp1:
0x46: {  	s0 =	sadd.s32 s0, s8;
	[bflag:$0x0] =	sbarrier.arrive $0xFFFF;
	(pc) =	sbr.rel @!p1 .LBB2_13-.Ltmp1, $4  }
0x47: {  	[hbm:s0], [sflag:s17] =	dma.local [spmem:s20], $0x30E0  }
0x48: {  	_ =	swait.ge [sflag:s21], $0x30E0  }
0x49: {  	[sflag:s21] =	ssyncset.done $0x0  }
0x4a: {  	[sflag:s21] =	ssyncadd.s32 $0xFFFFCF20  }
.LBB2_1:
0x4b: {  	[spmem:s20], [sflag:s17] =	dma.local [hbm:s11], $0x30E0  }
.Ltmp2:
0x4c: {  	_ =	swait.ge [sflag:s21], $0x30E0;
	(pc) =	sbr.rel @!p0 .LBB2_2-.Ltmp2, $4  }
0x4d: {  	[sflag:s21] =	ssyncset.done $0x0  }
0x4e: {  	[sflag:s21] =	ssyncadd.s32 $0xFFFFCF20  }
0x4f: {  	[bflag:$0x0] =	sbarrier.arrive $0xFFFF  }
0x50: {  	s0 =	sadd.s32 $0x0, s19  }
0x51: {  	[tilespmem:s3], [sflag:$0x3] =	stream.linear.gather [hbm4b:s0+s3], $0x320, $0x38;
	[tilespmem:$0x1F780] =	vst v63  }
0x52: {  	_ =	swait.ge [sflag:s21], $0x320  }
0x53: {  	[sflag:s21] =	ssyncset.done $0x0  }
0x54: {  	s4 =	sadd.s32 $0x0, s18;
	[sflag:s21] =	ssyncadd.s32 $0xFFFFFCE0  }
0x55: {  	[tilespmem:s22], [sflag:$0x3] =	stream.linear.gather [hbm4b:s4+s3], $0x320, $0x38;
	[tilespmem:$0x1F780] =	vst v63  }
0x56: {  	_ =	swait.ge [sflag:s21], $0x320  }
0x57: {  	[sflag:s21] =	ssyncset.done $0x0  }
0x58: {  	[sflag:s21] =	ssyncadd.s32 $0xFFFFFCE0  }
0x59: {  	[tilespmem:s23], [sflag:$0x1] =	stream.indirect.gather [hbm4b:s6+s22], $0x10, s3, s22, $0xb8;
	[tilespmem:$0x1F780] =	vst v63  }
0x5a: {  	s9 =	sadd.s32 $0x64, s0  }
0x5b: {  	[tilespmem:s24], [sflag:$0x3] =	stream.linear.gather [hbm4b:s9+s3], $0x320, $0x38;
	[tilespmem:$0x1F780] =	vst v63  }
0x5c: {  	_ =	swait.ge [sflag:s21], $0x320  }
0x5d: {  	[sflag:s21] =	ssyncset.done $0x0  }
0x5e: {  	s10 =	sadd.s32 $0x64, s4;
	[sflag:s21] =	ssyncadd.s32 $0xFFFFFCE0  }
0x5f: {  	[tilespmem:s25], [sflag:$0x3] =	stream.linear.gather [hbm4b:s10+s3], $0x320, $0x38;
	[tilespmem:$0x1F780] =	vst v63  }
0x60: {  	_ =	swait.ge [sflag:s21], $0x320  }
0x61: {  	[sflag:s21] =	ssyncset.done $0x0  }
0x62: {  	[sflag:s21] =	ssyncadd.s32 $0xFFFFFCE0  }
0x63: {  	[tilespmem:s26], [sflag:$0x2] =	stream.indirect.gather [hbm4b:s6+s22], $0x10, s24, s22, $0xb8;
	[tilespmem:$0x1F780] =	vst v63  }
0x64: {  	_ =	swait.ge [sflag:s28], $0x3200  }
0x65: {  	[sflag:s28] =	ssyncset.done $0x0  }
0x66: {  	[sflag:s28] =	ssyncadd.s32 $0xFFFFCE00  }
0x67: {  	[spmem:s2] =	stream.indirect.scatter.add.f32 [tilespmem:s23], [sflag:$0x3], $0x10, s22, s22, $0xb8;
	[tilespmem:$0x1F780] =	vst v63  }
0x68: {  	_ =	swait.ge [sflag:s21], $0x3200  }
0x69: {  	[sflag:s21] =	ssyncset.done $0x0  }
0x6a: {  	[sflag:s21] =	ssyncadd.s32 $0xFFFFCE00  }
0x6b: {  	_ =	swait.ge [sflag:s29], $0x3200  }
0x6c: {  	[sflag:s29] =	ssyncset.done $0x0  }
0x6d: {  	[sflag:s29] =	ssyncadd.s32 $0xFFFFCE00  }
0x6e: {  	[spmem:s2] =	stream.indirect.scatter.add.f32 [tilespmem:s26], [sflag:$0x3], $0x10, s25, s22, $0xb8;
	[tilespmem:$0x1F780] =	vst v63  }
0x6f: {  	_ =	swait.ge [sflag:s21], $0x3200  }
0x70: {  	s31 =	simm.s32 $0xC8;
	s4 =	simm.s32 $0x190;
	[sflag:s21] =	ssyncset.done $0x0  }
.LBB2_8:
0x71: {  	s9 =	sadd.s32 s31, s19  }
0x72: {  	[sflag:s21] =	ssyncadd.s32 $0xFFFFCE00;
	s10 =	smov.u32 s4;
	s0 =	sadd.s32 $0xC8, s4  }
0x73: {  	[tilespmem:s3], [sflag:$0x3] =	stream.linear.gather [hbm4b:s9+s3], $0x320, $0x38;
	[tilespmem:$0x1F780] =	vst v63  }
0x74: {  	p1 =	sne.s32 s4, $0x2FA8;
	_ =	swait.ge [sflag:s21], $0x320  }
0x75: {  	[sflag:s21] =	ssyncset.done $0x0  }
0x76: {  	s4 =	sadd.s32 s31, s18;
	s31 =	smov.u32 s10;
	[sflag:s21] =	ssyncadd.s32 $0xFFFFFCE0  }
0x77: {  	[tilespmem:s22], [sflag:$0x3] =	stream.linear.gather [hbm4b:s4+s3], $0x320, $0x38;
	[tilespmem:$0x1F780] =	vst v63  }
0x78: {  	_ =	swait.ge [sflag:s21], $0x320  }
0x79: {  	[sflag:s21] =	ssyncset.done $0x0  }
0x7a: {  	[sflag:s21] =	ssyncadd.s32 $0xFFFFFCE0  }
0x7b: {  	[tilespmem:s23], [sflag:$0x1] =	stream.indirect.gather [hbm4b:s6+s22], $0x10, s3, s22, $0xb8;
	[tilespmem:$0x1F780] =	vst v63  }
0x7c: {  	s9 =	sadd.s32 $0x64, s9  }
0x7d: {  	[tilespmem:s24], [sflag:$0x3] =	stream.linear.gather [hbm4b:s9+s3], $0x320, $0x38;
	[tilespmem:$0x1F780] =	vst v63  }
0x7e: {  	_ =	swait.ge [sflag:s21], $0x320  }
0x7f: {  	[sflag:s21] =	ssyncset.done $0x0  }
0x80: {  	s4 =	sadd.s32 $0x64, s4;
	[sflag:s21] =	ssyncadd.s32 $0xFFFFFCE0  }
0x81: {  	[tilespmem:s25], [sflag:$0x3] =	stream.linear.gather [hbm4b:s4+s3], $0x320, $0x38;
	[tilespmem:$0x1F780] =	vst v63  }
0x82: {  	_ =	swait.ge [sflag:s21], $0x320  }
0x83: {  	[sflag:s21] =	ssyncset.done $0x0  }
0x84: {  	[sflag:s21] =	ssyncadd.s32 $0xFFFFFCE0  }
0x85: {  	[tilespmem:s26], [sflag:$0x2] =	stream.indirect.gather [hbm4b:s6+s22], $0x10, s24, s22, $0xb8;
	[tilespmem:$0x1F780] =	vst v63  }
0x86: {  	_ =	swait.ge [sflag:s28], $0x3200  }
0x87: {  	[sflag:s28] =	ssyncset.done $0x0  }
0x88: {  	[sflag:s28] =	ssyncadd.s32 $0xFFFFCE00  }
0x89: {  	[spmem:s2] =	stream.indirect.scatter.add.f32 [tilespmem:s23], [sflag:$0x3], $0x10, s22, s22, $0xb8;
	[tilespmem:$0x1F780] =	vst v63  }
0x8a: {  	_ =	swait.ge [sflag:s21], $0x3200  }
0x8b: {  	[sflag:s21] =	ssyncset.done $0x0  }
0x8c: {  	[sflag:s21] =	ssyncadd.s32 $0xFFFFCE00  }
0x8d: {  	_ =	swait.ge [sflag:s29], $0x3200  }
.Ltmp3:
0x8e: {  	[sflag:s29] =	ssyncset.done $0x0;
	(pc) =	sbr.rel @p1 .LBB2_8-.Ltmp3, $4  }
0x8f: {  	[sflag:s29] =	ssyncadd.s32 $0xFFFFCE00  }
0x90: {  	[spmem:s2] =	stream.indirect.scatter.add.f32 [tilespmem:s26], [sflag:$0x3], $0x10, s25, s22, $0xb8;
	[tilespmem:$0x1F780] =	vst v63  }
0x91: {  	_ =	swait.ge [sflag:s21], $0x3200  }
0x92: {  	s4 =	smov.u32 s0;
	[sflag:s21] =	ssyncset.done $0x0  }
0x93: {  	s0 =	sadd.s32 s31, s19;
	[sflag:s21] =	ssyncadd.s32 $0xFFFFCE00  }
0x94: {  	[tilespmem:s3], [sflag:$0x3] =	stream.linear.gather [hbm4b:s0+s3], $0x320, $0x38;
	[tilespmem:$0x1F780] =	vst v63  }
0x95: {  	_ =	swait.ge [sflag:s21], $0x320  }
0x96: {  	[sflag:s21] =	ssyncset.done $0x0  }
0x97: {  	s4 =	sadd.s32 s31, s18;
	[sflag:s21] =	ssyncadd.s32 $0xFFFFFCE0  }
0x98: {  	[tilespmem:s22], [sflag:$0x3] =	stream.linear.gather [hbm4b:s4+s3], $0x320, $0x38;
	[tilespmem:$0x1F780] =	vst v63  }
0x99: {  	_ =	swait.ge [sflag:s21], $0x320  }
0x9a: {  	[sflag:s21] =	ssyncset.done $0x0  }
0x9b: {  	[sflag:s21] =	ssyncadd.s32 $0xFFFFFCE0  }
0x9c: {  	[tilespmem:s23], [sflag:$0x1] =	stream.indirect.gather [hbm4b:s6+s22], $0x10, s3, s22, $0xb8;
	[tilespmem:$0x1F780] =	vst v63  }
0x9d: {  	s0 =	sadd.s32 $0x64, s0  }
0x9e: {  	[tilespmem:s24], [sflag:$0x3] =	stream.linear.gather [hbm4b:s0+s3], $0x320, $0x38;
	[tilespmem:$0x1F780] =	vst v63  }
0x9f: {  	_ =	swait.ge [sflag:s21], $0x320  }
0xa0: {  	[sflag:s21] =	ssyncset.done $0x0  }
0xa1: {  	s9 =	sadd.s32 $0x64, s4;
	[sflag:s21] =	ssyncadd.s32 $0xFFFFFCE0  }
0xa2: {  	[tilespmem:s25], [sflag:$0x3] =	stream.linear.gather [hbm4b:s9+s3], $0x320, $0x38;
	[tilespmem:$0x1F780] =	vst v63  }
0xa3: {  	_ =	swait.ge [sflag:s21], $0x320  }
0xa4: {  	[sflag:s21] =	ssyncset.done $0x0  }
0xa5: {  	[sflag:s21] =	ssyncadd.s32 $0xFFFFFCE0  }
0xa6: {  	[tilespmem:s26], [sflag:$0x2] =	stream.indirect.gather [hbm4b:s6+s22], $0x10, s24, s22, $0xb8;
	[tilespmem:$0x1F780] =	vst v63  }
0xa7: {  	_ =	swait.ge [sflag:s28], $0x3200  }
0xa8: {  	[sflag:s28] =	ssyncset.done $0x0  }
0xa9: {  	[sflag:s28] =	ssyncadd.s32 $0xFFFFCE00  }
0xaa: {  	[spmem:s2] =	stream.indirect.scatter.add.f32 [tilespmem:s23], [sflag:$0x3], $0x10, s22, s22, $0xb8;
	[tilespmem:$0x1F780] =	vst v63  }
0xab: {  	_ =	swait.ge [sflag:s21], $0x3200  }
0xac: {  	[sflag:s21] =	ssyncset.done $0x0  }
0xad: {  	[sflag:s21] =	ssyncadd.s32 $0xFFFFCE00  }
0xae: {  	_ =	swait.ge [sflag:s29], $0x3200  }
0xaf: {  	[sflag:s29] =	ssyncset.done $0x0  }
0xb0: {  	[sflag:s29] =	ssyncadd.s32 $0xFFFFCE00  }
0xb1: {  	[spmem:s2] =	stream.indirect.scatter.add.f32 [tilespmem:s26], [sflag:$0x3], $0x10, s25, s22, $0xb8;
	[tilespmem:$0x1F780] =	vst v63  }
0xb2: {  	_ =	swait.ge [sflag:s21], $0x3200  }
0xb3: {  	[sflag:s21] =	ssyncset.done $0x0  }
0xb4: {  	s10 =	simm.s32 $0x0;
	[sflag:s21] =	ssyncadd.s32 $0xFFFFCE00  }
0xb5: {  	[tilespmem:s10], [sflag:$0x3] =	stream.linear.gather [hbm4b:s12+s10], $0x320, $0x38;
	[tilespmem:$0x1F780] =	vst v63  }
0xb6: {  	_ =	swait.ge [sflag:s21], $0x320  }
0xb7: {  	[sflag:s21] =	ssyncset.done $0x0  }
0xb8: {  	[sflag:s21] =	ssyncadd.s32 $0xFFFFFCE0  }
0xb9: {  	[tilespmem:s22], [sflag:$0x3] =	stream.linear.gather [hbm4b:s13+s10], $0x320, $0x38;
	[tilespmem:$0x1F780] =	vst v63  }
0xba: {  	_ =	swait.ge [sflag:s21], $0x320  }
0xbb: {  	[sflag:s21] =	ssyncset.done $0x0  }
0xbc: {  	[sflag:s21] =	ssyncadd.s32 $0xFFFFFCE0  }
0xbd: {  	[tilespmem:s23], [sflag:$0x1] =	stream.indirect.gather [hbm4b:s6+s22], $0x10, s10, s22, $0xb8;
	[tilespmem:$0x1F780] =	vst v63  }
0xbe: {  	_ =	swait.ge [sflag:s28], $0x3200  }
0xbf: {  	[sflag:s28] =	ssyncset.done $0x0  }
0xc0: {  	[sflag:s28] =	ssyncadd.s32 $0xFFFFCE00  }
0xc1: {  	[spmem:s2] =	stream.indirect.scatter.add.f32 [tilespmem:s23], [sflag:$0x3], $0x10, s22, s22, $0xb8;
	[tilespmem:$0x1F780] =	vst v63  }
0xc2: {  	_ =	swait.ge [sflag:s21], $0x3200  }
0xc3: {  	[sflag:s21] =	ssyncset.done $0x0  }
0xc4: {  	[sflag:s21] =	ssyncadd.s32 $0xFFFFCE00  }
0xc5: {  	[bflag:$0x0] =	sbarrier.arrive $0xFFFF  }
0xc6: {  	[hbm:s15], [sflag:s17] =	dma.local [spmem:s20], $0x30E0  }
0xc7: {  	_ =	swait.ge [sflag:s21], $0x30E0  }
0xc8: {  	[sflag:s21] =	ssyncset.done $0x0  }
0xc9: {  	[sflag:s21] =	ssyncadd.s32 $0xFFFFCF20  }
0xca: {  	[spmem:s20], [sflag:s17] =	dma.local [hbm:s11], $0x30E0  }
0xcb: {  	_ =	swait.ge [sflag:s21], $0x30E0  }
0xcc: {  	[sflag:s21] =	ssyncset.done $0x0  }
0xcd: {  	[sflag:s21] =	ssyncadd.s32 $0xFFFFCF20  }
0xce: {  	s4 =	sadd.s32 $0x0, s19;
	[bflag:$0x0] =	sbarrier.arrive $0xFFFF  }
0xcf: {  	[tilespmem:s3], [sflag:$0x3] =	stream.linear.gather [hbm4b:s4+s3], $0x320, $0x38;
	[tilespmem:$0x1F780] =	vst v63  }
0xd0: {  	_ =	swait.ge [sflag:s21], $0x320  }
0xd1: {  	[sflag:s21] =	ssyncset.done $0x0  }
0xd2: {  	s9 =	sadd.s32 $0x0, s18;
	[sflag:s21] =	ssyncadd.s32 $0xFFFFFCE0  }
0xd3: {  	[tilespmem:s22], [sflag:$0x3] =	stream.linear.gather [hbm4b:s9+s3], $0x320, $0x38;
	[tilespmem:$0x1F780] =	vst v63  }
0xd4: {  	_ =	swait.ge [sflag:s21], $0x320  }
0xd5: {  	[sflag:s21] =	ssyncset.done $0x0  }
0xd6: {  	[sflag:s21] =	ssyncadd.s32 $0xFFFFFCE0  }
0xd7: {  	[tilespmem:s23], [sflag:$0x1] =	stream.indirect.gather [hbm4b:s7+s22], $0x10, s3, s22, $0xb8;
	[tilespmem:$0x1F780] =	vst v63  }
0xd8: {  	s0 =	sadd.s32 $0x64, s4  }
0xd9: {  	[tilespmem:s24], [sflag:$0x3] =	stream.linear.gather [hbm4b:s0+s3], $0x320, $0x38;
	[tilespmem:$0x1F780] =	vst v63  }
0xda: {  	_ =	swait.ge [sflag:s21], $0x320  }
0xdb: {  	[sflag:s21] =	ssyncset.done $0x0  }
0xdc: {  	s10 =	sadd.s32 $0x64, s9;
	[sflag:s21] =	ssyncadd.s32 $0xFFFFFCE0  }
0xdd: {  	[tilespmem:s25], [sflag:$0x3] =	stream.linear.gather [hbm4b:s10+s3], $0x320, $0x38;
	[tilespmem:$0x1F780] =	vst v63  }
0xde: {  	_ =	swait.ge [sflag:s21], $0x320  }
0xdf: {  	[sflag:s21] =	ssyncset.done $0x0  }
0xe0: {  	[sflag:s21] =	ssyncadd.s32 $0xFFFFFCE0  }
0xe1: {  	[tilespmem:s26], [sflag:$0x2] =	stream.indirect.gather [hbm4b:s7+s22], $0x10, s24, s22, $0xb8;
	[tilespmem:$0x1F780] =	vst v63  }
0xe2: {  	_ =	swait.ge [sflag:s28], $0x3200  }
0xe3: {  	[sflag:s28] =	ssyncset.done $0x0  }
0xe4: {  	[sflag:s28] =	ssyncadd.s32 $0xFFFFCE00  }
0xe5: {  	[spmem:s2] =	stream.indirect.scatter.add.f32 [tilespmem:s23], [sflag:$0x3], $0x10, s22, s22, $0xb8;
	[tilespmem:$0x1F780] =	vst v63  }
0xe6: {  	_ =	swait.ge [sflag:s21], $0x3200  }
0xe7: {  	[sflag:s21] =	ssyncset.done $0x0  }
0xe8: {  	[sflag:s21] =	ssyncadd.s32 $0xFFFFCE00  }
0xe9: {  	_ =	swait.ge [sflag:s29], $0x3200  }
0xea: {  	[sflag:s29] =	ssyncset.done $0x0  }
0xeb: {  	[sflag:s29] =	ssyncadd.s32 $0xFFFFCE00  }
0xec: {  	[spmem:s2] =	stream.indirect.scatter.add.f32 [tilespmem:s26], [sflag:$0x3], $0x10, s25, s22, $0xb8;
	[tilespmem:$0x1F780] =	vst v63  }
0xed: {  	_ =	swait.ge [sflag:s21], $0x3200  }
0xee: {  	s31 =	simm.s32 $0xC8;
	s4 =	simm.s32 $0x190;
	[sflag:s21] =	ssyncset.done $0x0  }
.LBB2_10:
0xef: {  	s9 =	sadd.s32 s31, s19  }
0xf0: {  	[sflag:s21] =	ssyncadd.s32 $0xFFFFCE00;
	s10 =	smov.u32 s4;
	s0 =	sadd.s32 $0xC8, s4  }
0xf1: {  	[tilespmem:s3], [sflag:$0x3] =	stream.linear.gather [hbm4b:s9+s3], $0x320, $0x38;
	[tilespmem:$0x1F780] =	vst v63  }
0xf2: {  	p1 =	sne.s32 s4, $0x2FA8;
	_ =	swait.ge [sflag:s21], $0x320  }
0xf3: {  	[sflag:s21] =	ssyncset.done $0x0  }
0xf4: {  	s4 =	sadd.s32 s31, s18;
	s31 =	smov.u32 s10;
	[sflag:s21] =	ssyncadd.s32 $0xFFFFFCE0  }
0xf5: {  	[tilespmem:s22], [sflag:$0x3] =	stream.linear.gather [hbm4b:s4+s3], $0x320, $0x38;
	[tilespmem:$0x1F780] =	vst v63  }
0xf6: {  	_ =	swait.ge [sflag:s21], $0x320  }
0xf7: {  	[sflag:s21] =	ssyncset.done $0x0  }
0xf8: {  	[sflag:s21] =	ssyncadd.s32 $0xFFFFFCE0  }
0xf9: {  	[tilespmem:s23], [sflag:$0x1] =	stream.indirect.gather [hbm4b:s7+s22], $0x10, s3, s22, $0xb8;
	[tilespmem:$0x1F780] =	vst v63  }
0xfa: {  	s9 =	sadd.s32 $0x64, s9  }
0xfb: {  	[tilespmem:s24], [sflag:$0x3] =	stream.linear.gather [hbm4b:s9+s3], $0x320, $0x38;
	[tilespmem:$0x1F780] =	vst v63  }
0xfc: {  	_ =	swait.ge [sflag:s21], $0x320  }
0xfd: {  	[sflag:s21] =	ssyncset.done $0x0  }
0xfe: {  	s4 =	sadd.s32 $0x64, s4;
	[sflag:s21] =	ssyncadd.s32 $0xFFFFFCE0  }
0xff: {  	[tilespmem:s25], [sflag:$0x3] =	stream.linear.gather [hbm4b:s4+s3], $0x320, $0x38;
	[tilespmem:$0x1F780] =	vst v63  }
0x100: {  	_ =	swait.ge [sflag:s21], $0x320  }
0x101: {  	[sflag:s21] =	ssyncset.done $0x0  }
0x102: {  	[sflag:s21] =	ssyncadd.s32 $0xFFFFFCE0  }
0x103: {  	[tilespmem:s26], [sflag:$0x2] =	stream.indirect.gather [hbm4b:s7+s22], $0x10, s24, s22, $0xb8;
	[tilespmem:$0x1F780] =	vst v63  }
0x104: {  	_ =	swait.ge [sflag:s28], $0x3200  }
0x105: {  	[sflag:s28] =	ssyncset.done $0x0  }
0x106: {  	[sflag:s28] =	ssyncadd.s32 $0xFFFFCE00  }
0x107: {  	[spmem:s2] =	stream.indirect.scatter.add.f32 [tilespmem:s23], [sflag:$0x3], $0x10, s22, s22, $0xb8;
	[tilespmem:$0x1F780] =	vst v63  }
0x108: {  	_ =	swait.ge [sflag:s21], $0x3200  }
0x109: {  	[sflag:s21] =	ssyncset.done $0x0  }
0x10a: {  	[sflag:s21] =	ssyncadd.s32 $0xFFFFCE00  }
0x10b: {  	_ =	swait.ge [sflag:s29], $0x3200  }
.Ltmp4:
0x10c: {  	[sflag:s29] =	ssyncset.done $0x0;
	(pc) =	sbr.rel @p1 .LBB2_10-.Ltmp4, $4  }
0x10d: {  	[sflag:s29] =	ssyncadd.s32 $0xFFFFCE00  }
0x10e: {  	[spmem:s2] =	stream.indirect.scatter.add.f32 [tilespmem:s26], [sflag:$0x3], $0x10, s25, s22, $0xb8;
	[tilespmem:$0x1F780] =	vst v63  }
0x10f: {  	_ =	swait.ge [sflag:s21], $0x3200  }
0x110: {  	s4 =	smov.u32 s0;
	[sflag:s21] =	ssyncset.done $0x0  }
.Ltmp5:
0x111: {  	_ = 	snop;
	(pc) =	sbr.rel .LBB2_11-.Ltmp5, $1  }
0x112: {  	_ =	sdelay $0x3  }
.LBB2_2:
0x113: {  	[tilespmem:s3], [sflag:$0x3] =	stream.linear.gather [hbm4b:s0+s3], $0x320, $0x38;
	[tilespmem:$0x1F780] =	vst v63  }
0x114: {  	_ =	swait.ge [sflag:s21], $0x320  }
0x115: {  	[sflag:s21] =	ssyncset.done $0x0  }
0x116: {  	s4 =	sadd.s32 $0x0, s18;
	[sflag:s21] =	ssyncadd.s32 $0xFFFFFCE0  }
0x117: {  	[tilespmem:s22], [sflag:$0x3] =	stream.linear.gather [hbm4b:s4+s3], $0x320, $0x38;
	[tilespmem:$0x1F780] =	vst v63  }
0x118: {  	_ =	swait.ge [sflag:s21], $0x320  }
0x119: {  	[sflag:s21] =	ssyncset.done $0x0  }
0x11a: {  	[sflag:s21] =	ssyncadd.s32 $0xFFFFFCE0  }
0x11b: {  	[tilespmem:s23], [sflag:$0x1] =	stream.indirect.gather [hbm4b:s1+s22], $0x10, s3, s22, $0xb8;
	[tilespmem:$0x1F780] =	vst v63  }
0x11c: {  	s9 =	sadd.s32 $0x64, s0  }
0x11d: {  	[tilespmem:s24], [sflag:$0x3] =	stream.linear.gather [hbm4b:s9+s3], $0x320, $0x38;
	[tilespmem:$0x1F780] =	vst v63  }
0x11e: {  	_ =	swait.ge [sflag:s21], $0x320  }
0x11f: {  	[sflag:s21] =	ssyncset.done $0x0  }
0x120: {  	s10 =	sadd.s32 $0x64, s4;
	[sflag:s21] =	ssyncadd.s32 $0xFFFFFCE0  }
0x121: {  	[tilespmem:s25], [sflag:$0x3] =	stream.linear.gather [hbm4b:s10+s3], $0x320, $0x38;
	[tilespmem:$0x1F780] =	vst v63  }
0x122: {  	_ =	swait.ge [sflag:s21], $0x320  }
0x123: {  	[sflag:s21] =	ssyncset.done $0x0  }
0x124: {  	[sflag:s21] =	ssyncadd.s32 $0xFFFFFCE0  }
0x125: {  	[tilespmem:s26], [sflag:$0x2] =	stream.indirect.gather [hbm4b:s1+s22], $0x10, s24, s22, $0xb8;
	[tilespmem:$0x1F780] =	vst v63  }
0x126: {  	_ =	swait.ge [sflag:s28], $0x3200  }
0x127: {  	[sflag:s28] =	ssyncset.done $0x0  }
0x128: {  	[sflag:s28] =	ssyncadd.s32 $0xFFFFCE00  }
0x129: {  	[spmem:s2] =	stream.indirect.scatter.add.f32 [tilespmem:s23], [sflag:$0x3], $0x10, s22, s22, $0xb8;
	[tilespmem:$0x1F780] =	vst v63  }
0x12a: {  	_ =	swait.ge [sflag:s21], $0x3200  }
0x12b: {  	[sflag:s21] =	ssyncset.done $0x0  }
0x12c: {  	[sflag:s21] =	ssyncadd.s32 $0xFFFFCE00  }
0x12d: {  	_ =	swait.ge [sflag:s29], $0x3200  }
0x12e: {  	[sflag:s29] =	ssyncset.done $0x0  }
0x12f: {  	[sflag:s29] =	ssyncadd.s32 $0xFFFFCE00  }
0x130: {  	[spmem:s2] =	stream.indirect.scatter.add.f32 [tilespmem:s26], [sflag:$0x3], $0x10, s25, s22, $0xb8;
	[tilespmem:$0x1F780] =	vst v63  }
0x131: {  	_ =	swait.ge [sflag:s21], $0x3200  }
0x132: {  	s31 =	simm.s32 $0xC8;
	s0 =	simm.s32 $0x190;
	[sflag:s21] =	ssyncset.done $0x0  }
.LBB2_3:
0x133: {  	s9 =	sadd.s32 s31, s19  }
0x134: {  	[sflag:s21] =	ssyncadd.s32 $0xFFFFCE00;
	s10 =	smov.u32 s0;
	s4 =	sadd.s32 $0xC8, s0  }
0x135: {  	[tilespmem:s3], [sflag:$0x3] =	stream.linear.gather [hbm4b:s9+s3], $0x320, $0x38;
	[tilespmem:$0x1F780] =	vst v63  }
0x136: {  	p1 =	sne.s32 s0, $0x2FA8;
	_ =	swait.ge [sflag:s21], $0x320  }
0x137: {  	[sflag:s21] =	ssyncset.done $0x0  }
0x138: {  	s0 =	sadd.s32 s31, s18;
	s31 =	smov.u32 s10;
	[sflag:s21] =	ssyncadd.s32 $0xFFFFFCE0  }
0x139: {  	[tilespmem:s22], [sflag:$0x3] =	stream.linear.gather [hbm4b:s0+s3], $0x320, $0x38;
	[tilespmem:$0x1F780] =	vst v63  }
0x13a: {  	_ =	swait.ge [sflag:s21], $0x320  }
0x13b: {  	[sflag:s21] =	ssyncset.done $0x0  }
0x13c: {  	[sflag:s21] =	ssyncadd.s32 $0xFFFFFCE0  }
0x13d: {  	[tilespmem:s23], [sflag:$0x1] =	stream.indirect.gather [hbm4b:s1+s22], $0x10, s3, s22, $0xb8;
	[tilespmem:$0x1F780] =	vst v63  }
0x13e: {  	s9 =	sadd.s32 $0x64, s9  }
0x13f: {  	[tilespmem:s24], [sflag:$0x3] =	stream.linear.gather [hbm4b:s9+s3], $0x320, $0x38;
	[tilespmem:$0x1F780] =	vst v63  }
0x140: {  	_ =	swait.ge [sflag:s21], $0x320  }
0x141: {  	[sflag:s21] =	ssyncset.done $0x0  }
0x142: {  	s0 =	sadd.s32 $0x64, s0;
	[sflag:s21] =	ssyncadd.s32 $0xFFFFFCE0  }
0x143: {  	[tilespmem:s25], [sflag:$0x3] =	stream.linear.gather [hbm4b:s0+s3], $0x320, $0x38;
	[tilespmem:$0x1F780] =	vst v63  }
0x144: {  	_ =	swait.ge [sflag:s21], $0x320  }
0x145: {  	[sflag:s21] =	ssyncset.done $0x0  }
0x146: {  	[sflag:s21] =	ssyncadd.s32 $0xFFFFFCE0  }
0x147: {  	[tilespmem:s26], [sflag:$0x2] =	stream.indirect.gather [hbm4b:s1+s22], $0x10, s24, s22, $0xb8;
	[tilespmem:$0x1F780] =	vst v63  }
0x148: {  	_ =	swait.ge [sflag:s28], $0x3200  }
0x149: {  	[sflag:s28] =	ssyncset.done $0x0  }
0x14a: {  	[sflag:s28] =	ssyncadd.s32 $0xFFFFCE00  }
0x14b: {  	[spmem:s2] =	stream.indirect.scatter.add.f32 [tilespmem:s23], [sflag:$0x3], $0x10, s22, s22, $0xb8;
	[tilespmem:$0x1F780] =	vst v63  }
0x14c: {  	_ =	swait.ge [sflag:s21], $0x3200  }
0x14d: {  	[sflag:s21] =	ssyncset.done $0x0  }
0x14e: {  	[sflag:s21] =	ssyncadd.s32 $0xFFFFCE00  }
0x14f: {  	_ =	swait.ge [sflag:s29], $0x3200  }
.Ltmp6:
0x150: {  	[sflag:s29] =	ssyncset.done $0x0;
	(pc) =	sbr.rel @p1 .LBB2_3-.Ltmp6, $4  }
0x151: {  	[sflag:s29] =	ssyncadd.s32 $0xFFFFCE00  }
0x152: {  	[spmem:s2] =	stream.indirect.scatter.add.f32 [tilespmem:s26], [sflag:$0x3], $0x10, s25, s22, $0xb8;
	[tilespmem:$0x1F780] =	vst v63  }
0x153: {  	_ =	swait.ge [sflag:s21], $0x3200  }
0x154: {  	s0 =	smov.u32 s4;
	[sflag:s21] =	ssyncset.done $0x0  }
0x155: {  	s0 =	sadd.s32 s31, s19;
	[sflag:s21] =	ssyncadd.s32 $0xFFFFCE00  }
0x156: {  	[tilespmem:s3], [sflag:$0x3] =	stream.linear.gather [hbm4b:s0+s3], $0x320, $0x38;
	[tilespmem:$0x1F780] =	vst v63  }
0x157: {  	_ =	swait.ge [sflag:s21], $0x320  }
0x158: {  	[sflag:s21] =	ssyncset.done $0x0  }
0x159: {  	s4 =	sadd.s32 s31, s18;
	[sflag:s21] =	ssyncadd.s32 $0xFFFFFCE0  }
0x15a: {  	[tilespmem:s22], [sflag:$0x3] =	stream.linear.gather [hbm4b:s4+s3], $0x320, $0x38;
	[tilespmem:$0x1F780] =	vst v63  }
0x15b: {  	_ =	swait.ge [sflag:s21], $0x320  }
0x15c: {  	[sflag:s21] =	ssyncset.done $0x0  }
0x15d: {  	[sflag:s21] =	ssyncadd.s32 $0xFFFFFCE0  }
0x15e: {  	[tilespmem:s23], [sflag:$0x1] =	stream.indirect.gather [hbm4b:s1+s22], $0x10, s3, s22, $0xb8;
	[tilespmem:$0x1F780] =	vst v63  }
0x15f: {  	s0 =	sadd.s32 $0x64, s0  }
0x160: {  	[tilespmem:s24], [sflag:$0x3] =	stream.linear.gather [hbm4b:s0+s3], $0x320, $0x38;
	[tilespmem:$0x1F780] =	vst v63  }
0x161: {  	_ =	swait.ge [sflag:s21], $0x320  }
0x162: {  	[sflag:s21] =	ssyncset.done $0x0  }
0x163: {  	s9 =	sadd.s32 $0x64, s4;
	[sflag:s21] =	ssyncadd.s32 $0xFFFFFCE0  }
0x164: {  	[tilespmem:s25], [sflag:$0x3] =	stream.linear.gather [hbm4b:s9+s3], $0x320, $0x38;
	[tilespmem:$0x1F780] =	vst v63  }
0x165: {  	_ =	swait.ge [sflag:s21], $0x320  }
0x166: {  	[sflag:s21] =	ssyncset.done $0x0  }
0x167: {  	[sflag:s21] =	ssyncadd.s32 $0xFFFFFCE0  }
0x168: {  	[tilespmem:s26], [sflag:$0x2] =	stream.indirect.gather [hbm4b:s1+s22], $0x10, s24, s22, $0xb8;
	[tilespmem:$0x1F780] =	vst v63  }
0x169: {  	_ =	swait.ge [sflag:s28], $0x3200  }
0x16a: {  	[sflag:s28] =	ssyncset.done $0x0  }
0x16b: {  	[sflag:s28] =	ssyncadd.s32 $0xFFFFCE00  }
0x16c: {  	[spmem:s2] =	stream.indirect.scatter.add.f32 [tilespmem:s23], [sflag:$0x3], $0x10, s22, s22, $0xb8;
	[tilespmem:$0x1F780] =	vst v63  }
0x16d: {  	_ =	swait.ge [sflag:s21], $0x3200  }
0x16e: {  	[sflag:s21] =	ssyncset.done $0x0  }
0x16f: {  	[sflag:s21] =	ssyncadd.s32 $0xFFFFCE00  }
0x170: {  	_ =	swait.ge [sflag:s29], $0x3200  }
0x171: {  	[sflag:s29] =	ssyncset.done $0x0  }
0x172: {  	[sflag:s29] =	ssyncadd.s32 $0xFFFFCE00  }
0x173: {  	[spmem:s2] =	stream.indirect.scatter.add.f32 [tilespmem:s26], [sflag:$0x3], $0x10, s25, s22, $0xb8;
	[tilespmem:$0x1F780] =	vst v63  }
0x174: {  	_ =	swait.ge [sflag:s21], $0x3200  }
0x175: {  	[sflag:s21] =	ssyncset.done $0x0  }
0x176: {  	s10 =	simm.s32 $0x0;
	[sflag:s21] =	ssyncadd.s32 $0xFFFFCE00  }
0x177: {  	[tilespmem:s10], [sflag:$0x3] =	stream.linear.gather [hbm4b:s12+s10], $0x320, $0x38;
	[tilespmem:$0x1F780] =	vst v63  }
0x178: {  	_ =	swait.ge [sflag:s21], $0x320  }
0x179: {  	[sflag:s21] =	ssyncset.done $0x0  }
0x17a: {  	[sflag:s21] =	ssyncadd.s32 $0xFFFFFCE0  }
0x17b: {  	[tilespmem:s22], [sflag:$0x3] =	stream.linear.gather [hbm4b:s13+s10], $0x320, $0x38;
	[tilespmem:$0x1F780] =	vst v63  }
0x17c: {  	_ =	swait.ge [sflag:s21], $0x320  }
0x17d: {  	[sflag:s21] =	ssyncset.done $0x0  }
0x17e: {  	[sflag:s21] =	ssyncadd.s32 $0xFFFFFCE0  }
0x17f: {  	[tilespmem:s23], [sflag:$0x1] =	stream.indirect.gather [hbm4b:s1+s22], $0x10, s10, s22, $0xb8;
	[tilespmem:$0x1F780] =	vst v63  }
0x180: {  	_ =	swait.ge [sflag:s28], $0x3200  }
0x181: {  	[sflag:s28] =	ssyncset.done $0x0  }
0x182: {  	[sflag:s28] =	ssyncadd.s32 $0xFFFFCE00  }
0x183: {  	[spmem:s2] =	stream.indirect.scatter.add.f32 [tilespmem:s23], [sflag:$0x3], $0x10, s22, s22, $0xb8;
	[tilespmem:$0x1F780] =	vst v63  }
0x184: {  	_ =	swait.ge [sflag:s21], $0x3200  }
0x185: {  	[sflag:s21] =	ssyncset.done $0x0  }
0x186: {  	[sflag:s21] =	ssyncadd.s32 $0xFFFFCE00  }
0x187: {  	[bflag:$0x0] =	sbarrier.arrive $0xFFFF  }
0x188: {  	[hbm:s14], [sflag:s17] =	dma.local [spmem:s20], $0x30E0  }
0x189: {  	_ =	swait.ge [sflag:s21], $0x30E0  }
0x18a: {  	[sflag:s21] =	ssyncset.done $0x0  }
0x18b: {  	[sflag:s21] =	ssyncadd.s32 $0xFFFFCF20  }
0x18c: {  	[spmem:s20], [sflag:s17] =	dma.local [hbm:s11], $0x30E0  }
0x18d: {  	_ =	swait.ge [sflag:s21], $0x30E0  }
0x18e: {  	[sflag:s21] =	ssyncset.done $0x0  }
0x18f: {  	[sflag:s21] =	ssyncadd.s32 $0xFFFFCF20  }
0x190: {  	s4 =	sadd.s32 $0x0, s19;
	[bflag:$0x0] =	sbarrier.arrive $0xFFFF  }
0x191: {  	[tilespmem:s3], [sflag:$0x3] =	stream.linear.gather [hbm4b:s4+s3], $0x320, $0x38;
	[tilespmem:$0x1F780] =	vst v63  }
0x192: {  	_ =	swait.ge [sflag:s21], $0x320  }
0x193: {  	[sflag:s21] =	ssyncset.done $0x0  }
0x194: {  	s9 =	sadd.s32 $0x0, s18;
	[sflag:s21] =	ssyncadd.s32 $0xFFFFFCE0  }
0x195: {  	[tilespmem:s22], [sflag:$0x3] =	stream.linear.gather [hbm4b:s9+s3], $0x320, $0x38;
	[tilespmem:$0x1F780] =	vst v63  }
0x196: {  	_ =	swait.ge [sflag:s21], $0x320  }
0x197: {  	[sflag:s21] =	ssyncset.done $0x0  }
0x198: {  	[sflag:s21] =	ssyncadd.s32 $0xFFFFFCE0  }
0x199: {  	[tilespmem:s23], [sflag:$0x1] =	stream.indirect.gather [hbm4b:s5+s22], $0x10, s3, s22, $0xb8;
	[tilespmem:$0x1F780] =	vst v63  }
0x19a: {  	s0 =	sadd.s32 $0x64, s4  }
0x19b: {  	[tilespmem:s24], [sflag:$0x3] =	stream.linear.gather [hbm4b:s0+s3], $0x320, $0x38;
	[tilespmem:$0x1F780] =	vst v63  }
0x19c: {  	_ =	swait.ge [sflag:s21], $0x320  }
0x19d: {  	[sflag:s21] =	ssyncset.done $0x0  }
0x19e: {  	s10 =	sadd.s32 $0x64, s9;
	[sflag:s21] =	ssyncadd.s32 $0xFFFFFCE0  }
0x19f: {  	[tilespmem:s25], [sflag:$0x3] =	stream.linear.gather [hbm4b:s10+s3], $0x320, $0x38;
	[tilespmem:$0x1F780] =	vst v63  }
0x1a0: {  	_ =	swait.ge [sflag:s21], $0x320  }
0x1a1: {  	[sflag:s21] =	ssyncset.done $0x0  }
0x1a2: {  	[sflag:s21] =	ssyncadd.s32 $0xFFFFFCE0  }
0x1a3: {  	[tilespmem:s26], [sflag:$0x2] =	stream.indirect.gather [hbm4b:s5+s22], $0x10, s24, s22, $0xb8;
	[tilespmem:$0x1F780] =	vst v63  }
0x1a4: {  	_ =	swait.ge [sflag:s28], $0x3200  }
0x1a5: {  	[sflag:s28] =	ssyncset.done $0x0  }
0x1a6: {  	[sflag:s28] =	ssyncadd.s32 $0xFFFFCE00  }
0x1a7: {  	[spmem:s2] =	stream.indirect.scatter.add.f32 [tilespmem:s23], [sflag:$0x3], $0x10, s22, s22, $0xb8;
	[tilespmem:$0x1F780] =	vst v63  }
0x1a8: {  	_ =	swait.ge [sflag:s21], $0x3200  }
0x1a9: {  	[sflag:s21] =	ssyncset.done $0x0  }
0x1aa: {  	[sflag:s21] =	ssyncadd.s32 $0xFFFFCE00  }
0x1ab: {  	_ =	swait.ge [sflag:s29], $0x3200  }
0x1ac: {  	[sflag:s29] =	ssyncset.done $0x0  }
0x1ad: {  	[sflag:s29] =	ssyncadd.s32 $0xFFFFCE00  }
0x1ae: {  	[spmem:s2] =	stream.indirect.scatter.add.f32 [tilespmem:s26], [sflag:$0x3], $0x10, s25, s22, $0xb8;
	[tilespmem:$0x1F780] =	vst v63  }
0x1af: {  	_ =	swait.ge [sflag:s21], $0x3200  }
0x1b0: {  	s31 =	simm.s32 $0xC8;
	s4 =	simm.s32 $0x190;
	[sflag:s21] =	ssyncset.done $0x0  }
.LBB2_5:
0x1b1: {  	s9 =	sadd.s32 s31, s19  }
0x1b2: {  	[sflag:s21] =	ssyncadd.s32 $0xFFFFCE00;
	s10 =	smov.u32 s4;
	s0 =	sadd.s32 $0xC8, s4  }
0x1b3: {  	[tilespmem:s3], [sflag:$0x3] =	stream.linear.gather [hbm4b:s9+s3], $0x320, $0x38;
	[tilespmem:$0x1F780] =	vst v63  }
0x1b4: {  	p1 =	seq.s32 s4, $0x2FA8;
	_ =	swait.ge [sflag:s21], $0x320  }
0x1b5: {  	[sflag:s21] =	ssyncset.done $0x0  }
0x1b6: {  	s4 =	sadd.s32 s31, s18;
	s31 =	smov.u32 s10;
	[sflag:s21] =	ssyncadd.s32 $0xFFFFFCE0  }
0x1b7: {  	[tilespmem:s22], [sflag:$0x3] =	stream.linear.gather [hbm4b:s4+s3], $0x320, $0x38;
	[tilespmem:$0x1F780] =	vst v63  }
0x1b8: {  	_ =	swait.ge [sflag:s21], $0x320  }
0x1b9: {  	[sflag:s21] =	ssyncset.done $0x0  }
0x1ba: {  	[sflag:s21] =	ssyncadd.s32 $0xFFFFFCE0  }
0x1bb: {  	[tilespmem:s23], [sflag:$0x1] =	stream.indirect.gather [hbm4b:s5+s22], $0x10, s3, s22, $0xb8;
	[tilespmem:$0x1F780] =	vst v63  }
0x1bc: {  	s9 =	sadd.s32 $0x64, s9  }
0x1bd: {  	[tilespmem:s24], [sflag:$0x3] =	stream.linear.gather [hbm4b:s9+s3], $0x320, $0x38;
	[tilespmem:$0x1F780] =	vst v63  }
0x1be: {  	_ =	swait.ge [sflag:s21], $0x320  }
0x1bf: {  	[sflag:s21] =	ssyncset.done $0x0  }
0x1c0: {  	s4 =	sadd.s32 $0x64, s4;
	[sflag:s21] =	ssyncadd.s32 $0xFFFFFCE0  }
0x1c1: {  	[tilespmem:s25], [sflag:$0x3] =	stream.linear.gather [hbm4b:s4+s3], $0x320, $0x38;
	[tilespmem:$0x1F780] =	vst v63  }
0x1c2: {  	_ =	swait.ge [sflag:s21], $0x320  }
0x1c3: {  	[sflag:s21] =	ssyncset.done $0x0  }
0x1c4: {  	[sflag:s21] =	ssyncadd.s32 $0xFFFFFCE0  }
0x1c5: {  	[tilespmem:s26], [sflag:$0x2] =	stream.indirect.gather [hbm4b:s5+s22], $0x10, s24, s22, $0xb8;
	[tilespmem:$0x1F780] =	vst v63  }
0x1c6: {  	_ =	swait.ge [sflag:s28], $0x3200  }
0x1c7: {  	[sflag:s28] =	ssyncset.done $0x0  }
0x1c8: {  	[sflag:s28] =	ssyncadd.s32 $0xFFFFCE00  }
0x1c9: {  	[spmem:s2] =	stream.indirect.scatter.add.f32 [tilespmem:s23], [sflag:$0x3], $0x10, s22, s22, $0xb8;
	[tilespmem:$0x1F780] =	vst v63  }
0x1ca: {  	_ =	swait.ge [sflag:s21], $0x3200  }
0x1cb: {  	[sflag:s21] =	ssyncset.done $0x0  }
0x1cc: {  	[sflag:s21] =	ssyncadd.s32 $0xFFFFCE00  }
0x1cd: {  	_ =	swait.ge [sflag:s29], $0x3200  }
.Ltmp7:
0x1ce: {  	[sflag:s29] =	ssyncset.done $0x0;
	(pc) =	sbr.rel @!p1 .LBB2_5-.Ltmp7, $4  }
0x1cf: {  	[sflag:s29] =	ssyncadd.s32 $0xFFFFCE00  }
0x1d0: {  	[spmem:s2] =	stream.indirect.scatter.add.f32 [tilespmem:s26], [sflag:$0x3], $0x10, s25, s22, $0xb8;
	[tilespmem:$0x1F780] =	vst v63  }
0x1d1: {  	_ =	swait.ge [sflag:s21], $0x3200  }
0x1d2: {  	s4 =	smov.u32 s0;
	[sflag:s21] =	ssyncset.done $0x0  }
0x1d3: {  	s0 =	sadd.s32 s31, s19;
	[sflag:s21] =	ssyncadd.s32 $0xFFFFCE00  }
0x1d4: {  	[tilespmem:s3], [sflag:$0x3] =	stream.linear.gather [hbm4b:s0+s3], $0x320, $0x38;
	[tilespmem:$0x1F780] =	vst v63  }
0x1d5: {  	_ =	swait.ge [sflag:s21], $0x320  }
0x1d6: {  	[sflag:s21] =	ssyncset.done $0x0  }
0x1d7: {  	s4 =	sadd.s32 s31, s18;
	[sflag:s21] =	ssyncadd.s32 $0xFFFFFCE0  }
0x1d8: {  	[tilespmem:s22], [sflag:$0x3] =	stream.linear.gather [hbm4b:s4+s3], $0x320, $0x38;
	[tilespmem:$0x1F780] =	vst v63  }
0x1d9: {  	_ =	swait.ge [sflag:s21], $0x320  }
0x1da: {  	[sflag:s21] =	ssyncset.done $0x0  }
0x1db: {  	[sflag:s21] =	ssyncadd.s32 $0xFFFFFCE0  }
0x1dc: {  	[tilespmem:s23], [sflag:$0x1] =	stream.indirect.gather [hbm4b:s5+s22], $0x10, s3, s22, $0xb8;
	[tilespmem:$0x1F780] =	vst v63  }
0x1dd: {  	s0 =	sadd.s32 $0x64, s0  }
0x1de: {  	[tilespmem:s24], [sflag:$0x3] =	stream.linear.gather [hbm4b:s0+s3], $0x320, $0x38;
	[tilespmem:$0x1F780] =	vst v63  }
0x1df: {  	_ =	swait.ge [sflag:s21], $0x320  }
0x1e0: {  	[sflag:s21] =	ssyncset.done $0x0  }
0x1e1: {  	s10 =	sadd.s32 $0x64, s4;
	[sflag:s21] =	ssyncadd.s32 $0xFFFFFCE0  }
0x1e2: {  	[tilespmem:s25], [sflag:$0x3] =	stream.linear.gather [hbm4b:s10+s3], $0x320, $0x38;
	[tilespmem:$0x1F780] =	vst v63  }
0x1e3: {  	_ =	swait.ge [sflag:s21], $0x320  }
0x1e4: {  	[sflag:s21] =	ssyncset.done $0x0  }
0x1e5: {  	[sflag:s21] =	ssyncadd.s32 $0xFFFFFCE0  }
0x1e6: {  	[tilespmem:s26], [sflag:$0x2] =	stream.indirect.gather [hbm4b:s5+s22], $0x10, s24, s22, $0xb8;
	[tilespmem:$0x1F780] =	vst v63  }
0x1e7: {  	_ =	swait.ge [sflag:s28], $0x3200  }
0x1e8: {  	[sflag:s28] =	ssyncset.done $0x0  }
0x1e9: {  	[sflag:s28] =	ssyncadd.s32 $0xFFFFCE00  }
0x1ea: {  	[spmem:s2] =	stream.indirect.scatter.add.f32 [tilespmem:s23], [sflag:$0x3], $0x10, s22, s22, $0xb8;
	[tilespmem:$0x1F780] =	vst v63  }
0x1eb: {  	_ =	swait.ge [sflag:s21], $0x3200  }
0x1ec: {  	[sflag:s21] =	ssyncset.done $0x0  }
0x1ed: {  	[sflag:s21] =	ssyncadd.s32 $0xFFFFCE00  }
0x1ee: {  	_ =	swait.ge [sflag:s29], $0x3200  }
0x1ef: {  	[sflag:s29] =	ssyncset.done $0x0  }
.Ltmp8:
0x1f0: {  	[sflag:s29] =	ssyncadd.s32 $0xFFFFCE00;
	(pc) =	sbr.rel .LBB2_12-.Ltmp8, $4  }
0x1f1: {  	[spmem:s2] =	stream.indirect.scatter.add.f32 [tilespmem:s26], [sflag:$0x3], $0x10, s25, s22, $0xb8;
	[tilespmem:$0x1F780] =	vst v63  }
0x1f2: {  	_ =	swait.ge [sflag:s21], $0x3200  }
0x1f3: {  	[sflag:s21] =	ssyncset.done $0x0  }
0x1f4: {  	s31 =	smov.u32 s5;
	s0 =	rddreg [dreg:$0x4];
	[sflag:s21] =	ssyncadd.s32 $0xFFFFCE00  }
.LBB2_13:
0x1f5: {  	_ =	sfence.sel $0x180000  }
0x1f6: {  	[bflag:$0x0] =	sbarrier.arrive $0xFFFF  }
0x1f7: {  	_ =	strace $0x9000004A  }
0x1f8: {  	s0 =	stileid.u32;
	[bflag:$0x2] =	sbarrier.arrive $0xFFFF  }
0x1f9: {  	p0 =	sne.s32 s0, $0x0;
	s0 =	rddreg [dreg:$0x3]  }
0x1fa: {  	s0 =	sadd.s32 @!p0 $0x100000, s0  }
0x1fb: {  	[sflag:s0] =	ssyncadd.tile.s32 @!p0 $0x1;
	_ =	shalt  }
.Lfunc_end2:
_tile_overlayer_lowered:
.L_overlay_start_2:
0x1fc: {  	(tag) =	ssettag $0x2  }
0x1fd: {  	s0 =	rddreg [dreg:$0x0];
	s2 =	stileid.u32  }
0x1fe: {  	s1 =	rddreg [dreg:$0x1];
	p0 =	sne.s32 s2, $0x0  }
0x1ff: {  	s3 =	rddreg [dreg:$0x2];
	[bflag:$0x3] =	sbarrier.arrive $0xFFFF;
	s2 =	simm.s32 @!p0 $0x1C03  }
0x200: {  	[timem:s3], [sflag:s2] =	dma.local @!p0 [hbm:s0], s1  }
0x201: {  	s0 =	simm.s32 @!p0 $0x3  }
0x202: {  	_ =	swait.ge @!p0 [sflag:s0], s1  }
0x203: {  	s1 =	ssub.s32 @!p0 $0x0, s1;
	[sflag:s0] =	ssyncset.done @!p0 $0x0  }
0x204: {  	[sflag:s0] =	ssyncadd.s32 @!p0 s1  }
0x205: {  	[bflag:$0x3] =	sbarrier.arrive $0xFFFF  }
0x206: {  	_ =	shalt  }

// kernel: kernel.14.cloned.1.call-start
scs
__scs_entry_jumppad:
0x0: {  	(pc) =	sbr.rel $0x88, $3  }
0x1: {  	(tag) =	ssettag $0x0;
	lr =	simm.s32 $0x1  }
0x2: {  	[smem:$0x3F90] =	sst lr;
	_ =	strace $0xD0000000  }
0x3: {  	_ = 	snop  }
0x4: {  	_ = 	snop  }
0x5: {  	_ = 	snop  }
0x6: {  	_ = 	snop  }
0x7: {  	_ = 	snop  }
__scs_overlays_trampoline_lowered:
0x8: {  	[smem:$0x3F9F] =	sst s0  }
0x9: {  	[smem:$0x3FA0] =	sst s1  }
0xa: {  	[smem:$0x3FA1] =	sst s2  }
0xb: {  	[smem:$0x3FA2] =	sst s3  }
0xc: {  	[smem:$0x3FA3] =	sst s4  }
0xd: {  	[smem:$0x3FA4] =	sst s5  }
0xe: {  	[smem:$0x3FA5] =	sst s6  }
0xf: {  	[smem:$0x3FA6] =	sst s7  }
0x10: {  	[smem:$0x3FA7] =	sst s8  }
0x11: {  	[smem:$0x3FA8] =	sst s9;
	s0 =	simm.s32 @!p0 $0x0  }
0x12: {  	s1 =	sld [smem:$0x3F8E];
	s0 =	simm.s32 @p0 $0x1  }
0x13: {  	[smem:$0x3FA9] =	sst s0;
	s0 =	simm.s32 @!p1 $0x0  }
0x14: {  	s2 =	sld [smem:$0x3F8D];
	s0 =	simm.s32 @p1 $0x1  }
0x15: {  	[smem:$0x3FAA] =	sst s0;
	s0 =	simm.s32 @!p2 $0x0  }
0x16: {  	s3 =	sld [smem:$0x3FDB];
	s0 =	simm.s32 @p2 $0x1  }
0x17: {  	s4 =	simm.s32 $0x1BF5;
	[smem:$0x3FAC] =	sst s0  }
0x18: {  	s0 =	sld [smem:$0x3F8F];
	_ =	swait.ge [sflag:s4], $0x0  }
0x19: {  	s7 =	sld [smem:$0x3F90]  }
0x1a: {  	s8 =	sadd.s32 $0xFFFFE003, lr  }
0x1b: {  	s9 =	sadd.s32 $0xFFFFFEF7, lr;
	s5 =	simm.s32 $0xFFFFFFFF;
	p2 =	slt.u32 s8, $0xFFFFF086  }
0x1c: {  	p1 =	slt.u32 s9, $0xF7A;
	s5 =	simm.s32 @!p2 $0x0  }
0x1d: {  	s5 =	simm.s32 @p1 $0x1;
	p0 =	seq.s32 s7, s2  }
0x1e: {  	s7 =	smul.u32 @!p0 $0xF7A, s2;
	p2 =	seq.s32 @!p0 s5, $0x0  }
0x1f: {  	s9 =	smul.u32 $0xF7A, s1;
	s8 =	simm.s32 @!p0 $0x1BF5;
	p2 =	por !p2, p0  }
0x20: {  	[sflag:s8] =	ssyncset.s32 @!p0 $0xFFFFF086;
	s6 =	sadd.s32 @!p0 s3, s7;
	s7 =	simm.s32 @!p0 $0x108  }
0x21: {  	s3 =	sadd.s32 s3, s9;
	s6 =	sadd.s32 @!p0 $0x88, s6;
	s7 =	simm.s32 @p2 $0x1082  }
0x22: {  	[simem:s7], [sflag:s8] =	dma.local @!p0 [hbm:s6], $0xF7A  }
0x23: {  	s9 =	sor.u32 $0xD0000000, s2;
	s6 =	simm.s32 $0x108;
	_ =	swait.ge @!p0 [sflag:s8], $0x0  }
0x24: {  	s3 =	sadd.s32 $0x88, s3;
	s6 =	simm.s32 @!p1 $0x1082;
	[sflag:s4] =	ssyncset.s32 $0xFFFFF086  }
0x25: {  	[simem:s6], [sflag:s4] =	dma.local [hbm:s3], $0xF7A  }
0x26: {  	[smem:$0x3F90] =	sst s1;
	(tag) =	ssettag s2;
	_ =	strace s9  }
0x27: {  	s1 =	sld [smem:$0x3FA0]  }
0x28: {  	s2 =	sld [smem:$0x3FA1]  }
0x29: {  	s4 =	sld [smem:$0x3FA3]  }
0x2a: {  	p0 =	seq.s32 s5, $0x0;
	s5 =	sld [smem:$0x3FA4]  }
0x2b: {  	s6 =	sld [smem:$0x3FA5]  }
0x2c: {  	s7 =	sld [smem:$0x3FA6]  }
0x2d: {  	s3 =	simm.s32 $0x108;
	s8 =	sld [smem:$0x3FA7]  }
0x2e: {  	s3 =	simm.s32 @!p0 $0x1082;
	s9 =	sld [smem:$0x3FA8]  }
0x2f: {  	lr =	sadd.s32 s0, s3;
	s0 =	sld [smem:$0x3F9F]  }
0x30: {  	s3 =	sld [smem:$0x3FA2]  }
0x31: {  	[smem:$0x3FAB] =	sst s10  }
0x32: {  	s10 =	sld [smem:$0x3FA9];
	_ =	sdelay $0x3  }
0x33: {  	p0 =	seq.s32 s10, $0x1;
	s10 =	sld [smem:$0x3FAB];
	_ =	sdelay $0x3  }
0x34: {  	[smem:$0x3FAB] =	sst s10  }
0x35: {  	s10 =	sld [smem:$0x3FAA];
	_ =	sdelay $0x3  }
0x36: {  	p1 =	seq.s32 s10, $0x1;
	s10 =	sld [smem:$0x3FAB];
	_ =	sdelay $0x3  }
0x37: {  	[smem:$0x3FAB] =	sst s10  }
0x38: {  	s10 =	sld [smem:$0x3FAC]  }
0x39: {  	_ = 	snop;
	(pc) =	sbr.ind lr, $3  }
0x3a: {  	_ = 	snop  }
0x3b: {  	_ = 	snop  }
0x3c: {  	p2 =	seq.s32 s10, $0x1;
	s10 =	sld [smem:$0x3FAB]  }
0x3d: {  	_ =	shalt  }
0x3e: {  	_ =	shalt  }
0x3f: {  	_ =	shalt  }
0x40: {  	_ =	shalt  }
0x41: {  	_ =	shalt  }
0x42: {  	_ =	shalt  }
0x43: {  	_ =	shalt  }
0x44: {  	_ =	shalt  }
0x45: {  	_ =	shalt  }
0x46: {  	_ =	shalt  }
0x47: {  	_ =	shalt  }
0x48: {  	_ =	shalt  }
0x49: {  	_ =	shalt  }
0x4a: {  	_ =	shalt  }
0x4b: {  	_ =	shalt  }
0x4c: {  	_ =	shalt  }
0x4d: {  	_ =	shalt  }
0x4e: {  	_ =	shalt  }
0x4f: {  	_ =	shalt  }
0x50: {  	_ =	shalt  }
0x51: {  	_ =	shalt  }
0x52: {  	_ =	shalt  }
0x53: {  	_ =	shalt  }
0x54: {  	_ =	shalt  }
0x55: {  	_ =	shalt  }
0x56: {  	_ =	shalt  }
0x57: {  	_ =	shalt  }
0x58: {  	_ =	shalt  }
0x59: {  	_ =	shalt  }
0x5a: {  	_ =	shalt  }
0x5b: {  	_ =	shalt  }
0x5c: {  	_ =	shalt  }
0x5d: {  	_ =	shalt  }
0x5e: {  	_ =	shalt  }
0x5f: {  	_ =	shalt  }
0x60: {  	_ =	shalt  }
0x61: {  	_ =	shalt  }
0x62: {  	_ =	shalt  }
0x63: {  	_ =	shalt  }
0x64: {  	_ =	shalt  }
0x65: {  	_ =	shalt  }
0x66: {  	_ =	shalt  }
0x67: {  	_ =	shalt  }
0x68: {  	_ =	shalt  }
0x69: {  	_ =	shalt  }
0x6a: {  	_ =	shalt  }
0x6b: {  	_ =	shalt  }
0x6c: {  	_ =	shalt  }
0x6d: {  	_ =	shalt  }
0x6e: {  	_ =	shalt  }
0x6f: {  	_ =	shalt  }
0x70: {  	_ =	shalt  }
0x71: {  	_ =	shalt  }
0x72: {  	_ =	shalt  }
0x73: {  	_ =	shalt  }
0x74: {  	_ =	shalt  }
0x75: {  	_ =	shalt  }
0x76: {  	_ =	shalt  }
0x77: {  	_ =	shalt  }
0x78: {  	_ =	shalt  }
0x79: {  	_ =	shalt  }
0x7a: {  	_ =	shalt  }
0x7b: {  	_ =	shalt  }
0x7c: {  	_ =	shalt  }
0x7d: {  	_ =	shalt  }
0x7e: {  	_ =	shalt  }
0x7f: {  	_ =	shalt  }
0x80: {  	_ =	shalt  }
0x81: {  	_ =	shalt  }
0x82: {  	_ =	shalt  }
0x83: {  	_ =	shalt  }
0x84: {  	_ =	shalt  }
0x85: {  	_ =	shalt  }
0x86: {  	_ =	shalt  }
0x87: {  	_ =	shalt  }
.Lfunc_end0:
.L_simem_size_0:
called_computation.2_lowered:
.L_overlay_start_0:
0x88: {  	s2 =	sld [smem:$0x3FD9]  }
0x89: {  	s3 =	sld [smem:$0x3FFE];
	_ =	sdelay $0x1  }
0x8a: {  	s1 =	srdreg.scid  }
0x8b: {  	s0 =	sand.u32 $0x1, s1  }
0x8c: {  	s17 =	sshll.u32 s0, $0xA;
	s2 =	sadd.s32 s3, s2  }
0x8d: {  	s2 =	sadd.s32 s2, s17  }
0x8e: {  	[smem:$0x3FB7] =	sst s2  }
0x8f: {  	_ = 	snop  }
0x90: {  	s2 =	sld [smem:$0x3FD0];
	(tm) =	ssettm $0x1  }
0x91: {  	s18 =	sld [smem:$0x3FFB];
	_ =	sdelay $0x3  }
0x92: {  	_ =	strace s18  }
0x93: {  	s3 =	sld [smem:$0x3FFC];
	_ =	sdelay $0x3  }
0x94: {  	_ =	strace s3  }
0x95: {  	s3 =	sld [smem:$0x3FFD];
	_ =	sdelay $0x3  }
0x96: {  	_ =	strace s3  }
0x97: {  	_ =	strace $0x8FFFFFFF  }
0x98: {  	s19 =	sld [smem:$0x3FDB];
	_ =	sdelay $0x1  }
0x99: {  	s4 =	simm.s32 $_scs_section_size  }
0x9a: {  	s5 =	simm.s32 $_size__tile_overlayer_lowered;
	s6 =	simm.s32 $_tile_overlayer_lowered  }
0x9b: {  	s22 =	simm.s32 $0x1BFF;
	s21 =	sshll.u32 s6, $0x1;
	s3 =	sadd.s32 s4, s19  }
0x9c: {  	s7 =	simm.s32 $0x0;
	s20 =	sshll.u32 s5, $0x1;
	s5 =	sadd.s32 s21, s3  }
0x9d: {  	[timem:s7], [sflag:s22] =	dma.local [hbm:s5], s20  }
0x9e: {  	_ =	swait.ge [sflag:s22], s20  }
0x9f: {  	s4 =	ssub.s32 $0x0, s20;
	[sflag:s22] =	ssyncset.done $0x0  }
0xa0: {  	[sflag:s22] =	ssyncadd.s32 s4;
	_ =	sdelay $0x1  }
0xa1: {  	s23 =	simm.s32 $0x1B8B  }
0xa2: {  	_ =	swait.ge [sflag:s23], $0x1  }
0xa3: {  	[sflag:s23] =	ssyncset.done $0x0  }
0xa4: {  	s25 =	simm.s32 $0x1B8E;
	s24 =	sld [smem:$0x3FFE];
	[sflag:s23] =	ssyncadd.s32 $0xFFFFFFFF  }
0xa5: {  	s26 =	simm.s32 $execute0_lowered;
	[smem:$0x3FD2] =	sst s25  }
0xa6: {  	s5 =	sshll.u32 s26, $0x1;
	_ =	strace $0x8000004C;
	[dreg:$0x1] =	wrdreg $0xFFFFFFFF  }
0xa7: {  	s28 =	simm.s32 $_size_execute0_lowered;
	s3 =	sadd.s32 s3, s5;
	[dreg:$0x0] =	wrdreg $0x0  }
0xa8: {  	s5 =	sshll.u32 s28, $0x1;
	[dreg:$0x2] =	wrdreg s3  }
0xa9: {  	[dreg:$0x3] =	wrdreg s5  }
0xaa: {  	[dreg:$0x4] =	wrdreg $0xC0  }
0xab: {  	_ =	task [dreg:s7], $0x5FFFF  }
0xac: {  	[dreg:$0x1] =	wrdreg $0xFFFFFFFF  }
0xad: {  	[dreg:$0x0] =	wrdreg $0x60  }
0xae: {  	[dreg:$0x2] =	wrdreg s2  }
0xaf: {  	[dreg:$0x3] =	wrdreg s24  }
0xb0: {  	[dreg:$0x4] =	wrdreg $0x70800  }
0xb1: {  	[dreg:$0x5] =	wrdreg $0x9  }
0xb2: {  	_ =	task.clear_ibuf [dreg:s7], $0x6FFFF;
	_ =	strace $0x9000004C  }
0xb3: {  	s29 =	simm.s32 $0x9;
	_ =	strace $0x8000004E  }
0xb4: {  	_ =	swait.ge [sflag:s29], $0x1  }
0xb5: {  	[sflag:s29] =	ssyncadd.s32 $0xFFFFFFFF  }
0xb6: {  	_ =	strace $0x9000004E  }
0xb7: {  	_ =	sfence  }
0xb8: {  	s30 =	sld [smem:$0x0];
	_ =	sdelay $0x2  }
0xb9: {  	s31 =	sshll.u32 s1, $0xD;
	s1 =	sshrl.u32 s1, $0x2  }
0xba: {  	s3 =	sand.u32 $0x4000, s31;
	s1 =	sadd.s32 s1, s30  }
0xbb: {  	s0 =	sor.u32 s3, s0;
	s1 =	sshll.u32 s1, $0x11  }
0xbc: {  	s0 =	sor.u32 s1, s0  }
0xbd: {  	s0 =	sadd.s32 $0x8F2B, s0  }
0xbe: {  	[sflag:s0] =	ssyncadd.remote.s32 $0x1  }
0xbf: {  	_ =	sfence.sel $0xFFFF  }
0xc0: {  	[dreg:$0x0] =	wrdreg $0xFFFFFFFF;
	(pc) =	sbr.abs _section_cstart, $3  }
0xc1: {  	[dreg:$0x1] =	wrdreg $0xFFFFFFFF  }
0xc2: {  	_ =	task.clear_ibuf [dreg:s7], $0x2FFFF;
	_ =	strace $0x9FFFFFFF  }
0xc3: {  	(tm) =	ssettm $0x7FFFFFFF  }
tec
execute0_lowered:
.L_overlay_start_1:
0x0: {  	(tag) =	ssettag $0x1  }
0x1: {  	s1 =	rddreg [dreg:$0x0]  }
0x2: {  	s0 =	rddreg [dreg:$0x1]  }
0x3: {  	s2 =	rddreg [dreg:$0x2]  }
0x4: {  	s3 =	simm.s32 $0x0;
	s9 =	stileid.u32;
	s8 =	srdreg.scid  }
0x5: {  	s21 =	simm.s32 $0x3;
	s22 =	simm.s32 $0x320;
	s23 =	simm.s32 $0xC80  }
0x6: {  	s24 =	simm.s32 $0x640;
	s25 =	simm.s32 $0x960;
	s28 =	simm.s32 $0x1  }
0x7: {  	s29 =	simm.s32 $0x2;
	s30 =	simm.s32 $0x0;
	[smem:$0x7FF] =	sst s3  }
0x8: {  	s5 =	sadd.s32 $0x36600, s0;
	s6 =	sadd.s32 $0x5800, s0;
	s7 =	sadd.s32 $0x8CDC00, s0  }
0x9: {  	s4 =	smul.u32 $0x18700, s9;
	s19 =	sadd.s32 $0xC9000, s0;
	s18 =	sadd.s32 $0x98200, s0  }
0xa: {  	s11 =	sand.u32 $0x1, s8;
	s13 =	smul.u32 $0x186A0, s9;
	s10 =	sadd.s32 $0x15BA00, s0  }
0xb: {  	s17 =	sshll.u32 s9, $0x6;
	s20 =	smul.u32 $0x30D4, s9;
	_ =	strace $0x8000004D  }
0xc: {  	s12 =	ssub.s32 $0x2, s11;
	[dreg:$0x4] =	wrdreg s10;
	p0 =	seq.s32 s11, $0x1  }
0xd: {  	s17 =	sor.u32 $0x1C03, s17;
	s8 =	sshrl.u32 s4, $0x3;
	s14 =	sshrl.u32 s12, $0x1  }
0xe: {  	s31 =	sshrl.u32 s13, $0x3;
	s4 =	sadd.s32 s4, s2;
	s15 =	sadd.s32 s8, s0  }
.Ltmp0:
0xf: {  	s0 =	sadd.s32 $0x67400, s0;
	s26 =	ssub.s32 s12, s14;
	(pc) =	sbr.rel .LBB2_1-.Ltmp0, $4  }
0x10: {  	s13 =	sadd.s32 $0x3070, s31;
	[dreg:$0x5] =	wrdreg s0;
	s11 =	sadd.s32 $0xF9E00, s15  }
0x11: {  	s12 =	sadd.s32 s19, s13;
	s13 =	sadd.s32 s18, s13;
	s14 =	sadd.s32 $0x18C800, s15  }
0x12: {  	s15 =	sadd.s32 $0x12AC00, s15;
	s16 =	smax.u32 s26, $0x1;
	s18 =	sadd.s32 s20, s18  }
0x13: {  	s19 =	sadd.s32 s20, s19;
	s20 =	sshrl.u32 s4, $0x3;
	s26 =	simm.s32 $0x3E80  }
.LBB2_11:
0x14: {  	s0 =	sadd.s32 s31, s19;
	[sflag:s21] =	ssyncadd.s32 $0xFFFFCE00  }
0x15: {  	[tilespmem:s3], [sflag:$0x3] =	stream.linear.gather [hbm4b:s0+s3], $0x320, $0x38;
	[tilespmem:$0x1F780] =	vst v63  }
0x16: {  	_ =	swait.ge [sflag:s21], $0x320  }
0x17: {  	[sflag:s21] =	ssyncset.done $0x0  }
0x18: {  	s4 =	sadd.s32 s31, s18;
	[sflag:s21] =	ssyncadd.s32 $0xFFFFFCE0  }
0x19: {  	[tilespmem:s22], [sflag:$0x3] =	stream.linear.gather [hbm4b:s4+s3], $0x320, $0x38;
	[tilespmem:$0x1F780] =	vst v63  }
0x1a: {  	_ =	swait.ge [sflag:s21], $0x320  }
0x1b: {  	[sflag:s21] =	ssyncset.done $0x0  }
0x1c: {  	[sflag:s21] =	ssyncadd.s32 $0xFFFFFCE0  }
0x1d: {  	[tilespmem:s23], [sflag:$0x1] =	stream.indirect.gather [hbm4b:s7+s22], $0x10, s3, s22, $0xb8;
	[tilespmem:$0x1F780] =	vst v63  }
0x1e: {  	s0 =	sadd.s32 $0x64, s0  }
0x1f: {  	[tilespmem:s24], [sflag:$0x3] =	stream.linear.gather [hbm4b:s0+s3], $0x320, $0x38;
	[tilespmem:$0x1F780] =	vst v63  }
0x20: {  	_ =	swait.ge [sflag:s21], $0x320  }
0x21: {  	[sflag:s21] =	ssyncset.done $0x0  }
0x22: {  	s10 =	sadd.s32 $0x64, s4;
	[sflag:s21] =	ssyncadd.s32 $0xFFFFFCE0  }
0x23: {  	[tilespmem:s25], [sflag:$0x3] =	stream.linear.gather [hbm4b:s10+s3], $0x320, $0x38;
	[tilespmem:$0x1F780] =	vst v63  }
0x24: {  	_ =	swait.ge [sflag:s21], $0x320  }
0x25: {  	[sflag:s21] =	ssyncset.done $0x0  }
0x26: {  	[sflag:s21] =	ssyncadd.s32 $0xFFFFFCE0  }
0x27: {  	[tilespmem:s26], [sflag:$0x2] =	stream.indirect.gather [hbm4b:s7+s22], $0x10, s24, s22, $0xb8;
	[tilespmem:$0x1F780] =	vst v63  }
0x28: {  	_ =	swait.ge [sflag:s28], $0x3200  }
0x29: {  	[sflag:s28] =	ssyncset.done $0x0  }
0x2a: {  	[sflag:s28] =	ssyncadd.s32 $0xFFFFCE00  }
0x2b: {  	[spmem:s2] =	stream.indirect.scatter.add.f32 [tilespmem:s23], [sflag:$0x3], $0x10, s22, s22, $0xb8;
	[tilespmem:$0x1F780] =	vst v63  }
0x2c: {  	_ =	swait.ge [sflag:s21], $0x3200  }
0x2d: {  	[sflag:s21] =	ssyncset.done $0x0  }
0x2e: {  	[sflag:s21] =	ssyncadd.s32 $0xFFFFCE00  }
0x2f: {  	_ =	swait.ge [sflag:s29], $0x3200  }
0x30: {  	[sflag:s29] =	ssyncset.done $0x0  }
0x31: {  	[sflag:s29] =	ssyncadd.s32 $0xFFFFCE00  }
0x32: {  	[spmem:s2] =	stream.indirect.scatter.add.f32 [tilespmem:s26], [sflag:$0x3], $0x10, s25, s22, $0xb8;
	[tilespmem:$0x1F780] =	vst v63  }
0x33: {  	_ =	swait.ge [sflag:s21], $0x3200  }
0x34: {  	[sflag:s21] =	ssyncset.done $0x0  }
0x35: {  	s31 =	smov.u32 s7;
	s0 =	rddreg [dreg:$0x5];
	[sflag:s21] =	ssyncadd.s32 $0xFFFFCE00  }
.LBB2_12:
0x36: {  	[tilespmem:s3], [sflag:$0x3] =	stream.linear.gather [hbm4b:s12+s3], $0x320, $0x38;
	[tilespmem:$0x1F780] =	vst v63  }
0x37: {  	_ =	swait.ge [sflag:s21], $0x320  }
0x38: {  	[sflag:s21] =	ssyncset.done $0x0  }
0x39: {  	[sflag:s21] =	ssyncadd.s32 $0xFFFFFCE0  }
0x3a: {  	[tilespmem:s22], [sflag:$0x3] =	stream.linear.gather [hbm4b:s13+s3], $0x320, $0x38;
	[tilespmem:$0x1F780] =	vst v63  }
0x3b: {  	_ =	swait.ge [sflag:s21], $0x320  }
0x3c: {  	[sflag:s21] =	ssyncset.done $0x0  }
0x3d: {  	[sflag:s21] =	ssyncadd.s32 $0xFFFFFCE0  }
0x3e: {  	[tilespmem:s23], [sflag:$0x1] =	stream.indirect.gather [hbm4b:s31+s22], $0x10, s3, s22, $0xb8;
	[tilespmem:$0x1F780] =	vst v63  }
0x3f: {  	_ =	swait.ge [sflag:s28], $0x3200  }
0x40: {  	[sflag:s28] =	ssyncset.done $0x0  }
0x41: {  	[sflag:s28] =	ssyncadd.s32 $0xFFFFCE00  }
0x42: {  	[spmem:s2] =	stream.indirect.scatter.add.f32 [tilespmem:s23], [sflag:$0x3], $0x10, s22, s22, $0xb8;
	[tilespmem:$0x1F780] =	vst v63  }
0x43: {  	_ =	swait.ge [sflag:s21], $0x3200  }
0x44: {  	s30 =	sadd.s32 $0x1, s30;
	[sflag:s21] =	ssyncset.done $0x0  }
0x45: {  	p1 =	sne.s32 s30, s16;
	[sflag:s21] =	ssyncadd.s32 $0xFFFFCE00  }
.Ltmp1:
0x46: {  	s0 =	sadd.s32 s0, s8;
	[bflag:$0x0] =	sbarrier.arrive $0xFFFF;
	(pc) =	sbr.rel @!p1 .LBB2_13-.Ltmp1, $4  }
0x47: {  	[hbm:s0], [sflag:s17] =	dma.local [spmem:s20], $0x30E0  }
0x48: {  	_ =	swait.ge [sflag:s21], $0x30E0  }
0x49: {  	[sflag:s21] =	ssyncset.done $0x0  }
0x4a: {  	[sflag:s21] =	ssyncadd.s32 $0xFFFFCF20  }
.LBB2_1:
0x4b: {  	[spmem:s20], [sflag:s17] =	dma.local [hbm:s11], $0x30E0  }
.Ltmp2:
0x4c: {  	_ =	swait.ge [sflag:s21], $0x30E0;
	(pc) =	sbr.rel @!p0 .LBB2_2-.Ltmp2, $4  }
0x4d: {  	[sflag:s21] =	ssyncset.done $0x0  }
0x4e: {  	[sflag:s21] =	ssyncadd.s32 $0xFFFFCF20  }
0x4f: {  	[bflag:$0x0] =	sbarrier.arrive $0xFFFF  }
0x50: {  	s0 =	sadd.s32 $0x0, s19  }
0x51: {  	[tilespmem:s3], [sflag:$0x3] =	stream.linear.gather [hbm4b:s0+s3], $0x320, $0x38;
	[tilespmem:$0x1F780] =	vst v63  }
0x52: {  	_ =	swait.ge [sflag:s21], $0x320  }
0x53: {  	[sflag:s21] =	ssyncset.done $0x0  }
0x54: {  	s4 =	sadd.s32 $0x0, s18;
	[sflag:s21] =	ssyncadd.s32 $0xFFFFFCE0  }
0x55: {  	[tilespmem:s22], [sflag:$0x3] =	stream.linear.gather [hbm4b:s4+s3], $0x320, $0x38;
	[tilespmem:$0x1F780] =	vst v63  }
0x56: {  	_ =	swait.ge [sflag:s21], $0x320  }
0x57: {  	[sflag:s21] =	ssyncset.done $0x0  }
0x58: {  	[sflag:s21] =	ssyncadd.s32 $0xFFFFFCE0  }
0x59: {  	[tilespmem:s23], [sflag:$0x1] =	stream.indirect.gather [hbm4b:s6+s22], $0x10, s3, s22, $0xb8;
	[tilespmem:$0x1F780] =	vst v63  }
0x5a: {  	s9 =	sadd.s32 $0x64, s0  }
0x5b: {  	[tilespmem:s24], [sflag:$0x3] =	stream.linear.gather [hbm4b:s9+s3], $0x320, $0x38;
	[tilespmem:$0x1F780] =	vst v63  }
0x5c: {  	_ =	swait.ge [sflag:s21], $0x320  }
0x5d: {  	[sflag:s21] =	ssyncset.done $0x0  }
0x5e: {  	s10 =	sadd.s32 $0x64, s4;
	[sflag:s21] =	ssyncadd.s32 $0xFFFFFCE0  }
0x5f: {  	[tilespmem:s25], [sflag:$0x3] =	stream.linear.gather [hbm4b:s10+s3], $0x320, $0x38;
	[tilespmem:$0x1F780] =	vst v63  }
0x60: {  	_ =	swait.ge [sflag:s21], $0x320  }
0x61: {  	[sflag:s21] =	ssyncset.done $0x0  }
0x62: {  	[sflag:s21] =	ssyncadd.s32 $0xFFFFFCE0  }
0x63: {  	[tilespmem:s26], [sflag:$0x2] =	stream.indirect.gather [hbm4b:s6+s22], $0x10, s24, s22, $0xb8;
	[tilespmem:$0x1F780] =	vst v63  }
0x64: {  	_ =	swait.ge [sflag:s28], $0x3200  }
0x65: {  	[sflag:s28] =	ssyncset.done $0x0  }
0x66: {  	[sflag:s28] =	ssyncadd.s32 $0xFFFFCE00  }
0x67: {  	[spmem:s2] =	stream.indirect.scatter.add.f32 [tilespmem:s23], [sflag:$0x3], $0x10, s22, s22, $0xb8;
	[tilespmem:$0x1F780] =	vst v63  }
0x68: {  	_ =	swait.ge [sflag:s21], $0x3200  }
0x69: {  	[sflag:s21] =	ssyncset.done $0x0  }
0x6a: {  	[sflag:s21] =	ssyncadd.s32 $0xFFFFCE00  }
0x6b: {  	_ =	swait.ge [sflag:s29], $0x3200  }
0x6c: {  	[sflag:s29] =	ssyncset.done $0x0  }
0x6d: {  	[sflag:s29] =	ssyncadd.s32 $0xFFFFCE00  }
0x6e: {  	[spmem:s2] =	stream.indirect.scatter.add.f32 [tilespmem:s26], [sflag:$0x3], $0x10, s25, s22, $0xb8;
	[tilespmem:$0x1F780] =	vst v63  }
0x6f: {  	_ =	swait.ge [sflag:s21], $0x3200  }
0x70: {  	s31 =	simm.s32 $0xC8;
	s4 =	simm.s32 $0x190;
	[sflag:s21] =	ssyncset.done $0x0  }
.LBB2_8:
0x71: {  	s9 =	sadd.s32 s31, s19  }
0x72: {  	[sflag:s21] =	ssyncadd.s32 $0xFFFFCE00;
	s10 =	smov.u32 s4;
	s0 =	sadd.s32 $0xC8, s4  }
0x73: {  	[tilespmem:s3], [sflag:$0x3] =	stream.linear.gather [hbm4b:s9+s3], $0x320, $0x38;
	[tilespmem:$0x1F780] =	vst v63  }
0x74: {  	p1 =	sne.s32 s4, $0x2FA8;
	_ =	swait.ge [sflag:s21], $0x320  }
0x75: {  	[sflag:s21] =	ssyncset.done $0x0  }
0x76: {  	s4 =	sadd.s32 s31, s18;
	s31 =	smov.u32 s10;
	[sflag:s21] =	ssyncadd.s32 $0xFFFFFCE0  }
0x77: {  	[tilespmem:s22], [sflag:$0x3] =	stream.linear.gather [hbm4b:s4+s3], $0x320, $0x38;
	[tilespmem:$0x1F780] =	vst v63  }
0x78: {  	_ =	swait.ge [sflag:s21], $0x320  }
0x79: {  	[sflag:s21] =	ssyncset.done $0x0  }
0x7a: {  	[sflag:s21] =	ssyncadd.s32 $0xFFFFFCE0  }
0x7b: {  	[tilespmem:s23], [sflag:$0x1] =	stream.indirect.gather [hbm4b:s6+s22], $0x10, s3, s22, $0xb8;
	[tilespmem:$0x1F780] =	vst v63  }
0x7c: {  	s9 =	sadd.s32 $0x64, s9  }
0x7d: {  	[tilespmem:s24], [sflag:$0x3] =	stream.linear.gather [hbm4b:s9+s3], $0x320, $0x38;
	[tilespmem:$0x1F780] =	vst v63  }
0x7e: {  	_ =	swait.ge [sflag:s21], $0x320  }
0x7f: {  	[sflag:s21] =	ssyncset.done $0x0  }
0x80: {  	s4 =	sadd.s32 $0x64, s4;
	[sflag:s21] =	ssyncadd.s32 $0xFFFFFCE0  }
0x81: {  	[tilespmem:s25], [sflag:$0x3] =	stream.linear.gather [hbm4b:s4+s3], $0x320, $0x38;
	[tilespmem:$0x1F780] =	vst v63  }
0x82: {  	_ =	swait.ge [sflag:s21], $0x320  }
0x83: {  	[sflag:s21] =	ssyncset.done $0x0  }
0x84: {  	[sflag:s21] =	ssyncadd.s32 $0xFFFFFCE0  }
0x85: {  	[tilespmem:s26], [sflag:$0x2] =	stream.indirect.gather [hbm4b:s6+s22], $0x10, s24, s22, $0xb8;
	[tilespmem:$0x1F780] =	vst v63  }
0x86: {  	_ =	swait.ge [sflag:s28], $0x3200  }
0x87: {  	[sflag:s28] =	ssyncset.done $0x0  }
0x88: {  	[sflag:s28] =	ssyncadd.s32 $0xFFFFCE00  }
0x89: {  	[spmem:s2] =	stream.indirect.scatter.add.f32 [tilespmem:s23], [sflag:$0x3], $0x10, s22, s22, $0xb8;
	[tilespmem:$0x1F780] =	vst v63  }
0x8a: {  	_ =	swait.ge [sflag:s21], $0x3200  }
0x8b: {  	[sflag:s21] =	ssyncset.done $0x0  }
0x8c: {  	[sflag:s21] =	ssyncadd.s32 $0xFFFFCE00  }
0x8d: {  	_ =	swait.ge [sflag:s29], $0x3200  }
.Ltmp3:
0x8e: {  	[sflag:s29] =	ssyncset.done $0x0;
	(pc) =	sbr.rel @p1 .LBB2_8-.Ltmp3, $4  }
0x8f: {  	[sflag:s29] =	ssyncadd.s32 $0xFFFFCE00  }
0x90: {  	[spmem:s2] =	stream.indirect.scatter.add.f32 [tilespmem:s26], [sflag:$0x3], $0x10, s25, s22, $0xb8;
	[tilespmem:$0x1F780] =	vst v63  }
0x91: {  	_ =	swait.ge [sflag:s21], $0x3200  }
0x92: {  	s4 =	smov.u32 s0;
	[sflag:s21] =	ssyncset.done $0x0  }
0x93: {  	s0 =	sadd.s32 s31, s19;
	[sflag:s21] =	ssyncadd.s32 $0xFFFFCE00  }
0x94: {  	[tilespmem:s3], [sflag:$0x3] =	stream.linear.gather [hbm4b:s0+s3], $0x320, $0x38;
	[tilespmem:$0x1F780] =	vst v63  }
0x95: {  	_ =	swait.ge [sflag:s21], $0x320  }
0x96: {  	[sflag:s21] =	ssyncset.done $0x0  }
0x97: {  	s4 =	sadd.s32 s31, s18;
	[sflag:s21] =	ssyncadd.s32 $0xFFFFFCE0  }
0x98: {  	[tilespmem:s22], [sflag:$0x3] =	stream.linear.gather [hbm4b:s4+s3], $0x320, $0x38;
	[tilespmem:$0x1F780] =	vst v63  }
0x99: {  	_ =	swait.ge [sflag:s21], $0x320  }
0x9a: {  	[sflag:s21] =	ssyncset.done $0x0  }
0x9b: {  	[sflag:s21] =	ssyncadd.s32 $0xFFFFFCE0  }
0x9c: {  	[tilespmem:s23], [sflag:$0x1] =	stream.indirect.gather [hbm4b:s6+s22], $0x10, s3, s22, $0xb8;
	[tilespmem:$0x1F780] =	vst v63  }
0x9d: {  	s0 =	sadd.s32 $0x64, s0  }
0x9e: {  	[tilespmem:s24], [sflag:$0x3] =	stream.linear.gather [hbm4b:s0+s3], $0x320, $0x38;
	[tilespmem:$0x1F780] =	vst v63  }
0x9f: {  	_ =	swait.ge [sflag:s21], $0x320  }
0xa0: {  	[sflag:s21] =	ssyncset.done $0x0  }
0xa1: {  	s9 =	sadd.s32 $0x64, s4;
	[sflag:s21] =	ssyncadd.s32 $0xFFFFFCE0  }
0xa2: {  	[tilespmem:s25], [sflag:$0x3] =	stream.linear.gather [hbm4b:s9+s3], $0x320, $0x38;
	[tilespmem:$0x1F780] =	vst v63  }
0xa3: {  	_ =	swait.ge [sflag:s21], $0x320  }
0xa4: {  	[sflag:s21] =	ssyncset.done $0x0  }
0xa5: {  	[sflag:s21] =	ssyncadd.s32 $0xFFFFFCE0  }
0xa6: {  	[tilespmem:s26], [sflag:$0x2] =	stream.indirect.gather [hbm4b:s6+s22], $0x10, s24, s22, $0xb8;
	[tilespmem:$0x1F780] =	vst v63  }
0xa7: {  	_ =	swait.ge [sflag:s28], $0x3200  }
0xa8: {  	[sflag:s28] =	ssyncset.done $0x0  }
0xa9: {  	[sflag:s28] =	ssyncadd.s32 $0xFFFFCE00  }
0xaa: {  	[spmem:s2] =	stream.indirect.scatter.add.f32 [tilespmem:s23], [sflag:$0x3], $0x10, s22, s22, $0xb8;
	[tilespmem:$0x1F780] =	vst v63  }
0xab: {  	_ =	swait.ge [sflag:s21], $0x3200  }
0xac: {  	[sflag:s21] =	ssyncset.done $0x0  }
0xad: {  	[sflag:s21] =	ssyncadd.s32 $0xFFFFCE00  }
0xae: {  	_ =	swait.ge [sflag:s29], $0x3200  }
0xaf: {  	[sflag:s29] =	ssyncset.done $0x0  }
0xb0: {  	[sflag:s29] =	ssyncadd.s32 $0xFFFFCE00  }
0xb1: {  	[spmem:s2] =	stream.indirect.scatter.add.f32 [tilespmem:s26], [sflag:$0x3], $0x10, s25, s22, $0xb8;
	[tilespmem:$0x1F780] =	vst v63  }
0xb2: {  	_ =	swait.ge [sflag:s21], $0x3200  }
0xb3: {  	[sflag:s21] =	ssyncset.done $0x0  }
0xb4: {  	s10 =	simm.s32 $0x0;
	[sflag:s21] =	ssyncadd.s32 $0xFFFFCE00  }
0xb5: {  	[tilespmem:s10], [sflag:$0x3] =	stream.linear.gather [hbm4b:s12+s10], $0x320, $0x38;
	[tilespmem:$0x1F780] =	vst v63  }
0xb6: {  	_ =	swait.ge [sflag:s21], $0x320  }
0xb7: {  	[sflag:s21] =	ssyncset.done $0x0  }
0xb8: {  	[sflag:s21] =	ssyncadd.s32 $0xFFFFFCE0  }
0xb9: {  	[tilespmem:s22], [sflag:$0x3] =	stream.linear.gather [hbm4b:s13+s10], $0x320, $0x38;
	[tilespmem:$0x1F780] =	vst v63  }
0xba: {  	_ =	swait.ge [sflag:s21], $0x320  }
0xbb: {  	[sflag:s21] =	ssyncset.done $0x0  }
0xbc: {  	[sflag:s21] =	ssyncadd.s32 $0xFFFFFCE0  }
0xbd: {  	[tilespmem:s23], [sflag:$0x1] =	stream.indirect.gather [hbm4b:s6+s22], $0x10, s10, s22, $0xb8;
	[tilespmem:$0x1F780] =	vst v63  }
0xbe: {  	_ =	swait.ge [sflag:s28], $0x3200  }
0xbf: {  	[sflag:s28] =	ssyncset.done $0x0  }
0xc0: {  	[sflag:s28] =	ssyncadd.s32 $0xFFFFCE00  }
0xc1: {  	[spmem:s2] =	stream.indirect.scatter.add.f32 [tilespmem:s23], [sflag:$0x3], $0x10, s22, s22, $0xb8;
	[tilespmem:$0x1F780] =	vst v63  }
0xc2: {  	_ =	swait.ge [sflag:s21], $0x3200  }
0xc3: {  	[sflag:s21] =	ssyncset.done $0x0  }
0xc4: {  	[sflag:s21] =	ssyncadd.s32 $0xFFFFCE00  }
0xc5: {  	[bflag:$0x0] =	sbarrier.arrive $0xFFFF  }
0xc6: {  	[hbm:s15], [sflag:s17] =	dma.local [spmem:s20], $0x30E0  }
0xc7: {  	_ =	swait.ge [sflag:s21], $0x30E0  }
0xc8: {  	[sflag:s21] =	ssyncset.done $0x0  }
0xc9: {  	[sflag:s21] =	ssyncadd.s32 $0xFFFFCF20  }
0xca: {  	[spmem:s20], [sflag:s17] =	dma.local [hbm:s11], $0x30E0  }
0xcb: {  	_ =	swait.ge [sflag:s21], $0x30E0  }
0xcc: {  	[sflag:s21] =	ssyncset.done $0x0  }
0xcd: {  	[sflag:s21] =	ssyncadd.s32 $0xFFFFCF20  }
0xce: {  	s4 =	sadd.s32 $0x0, s19;
	[bflag:$0x0] =	sbarrier.arrive $0xFFFF  }
0xcf: {  	[tilespmem:s3], [sflag:$0x3] =	stream.linear.gather [hbm4b:s4+s3], $0x320, $0x38;
	[tilespmem:$0x1F780] =	vst v63  }
0xd0: {  	_ =	swait.ge [sflag:s21], $0x320  }
0xd1: {  	[sflag:s21] =	ssyncset.done $0x0  }
0xd2: {  	s9 =	sadd.s32 $0x0, s18;
	[sflag:s21] =	ssyncadd.s32 $0xFFFFFCE0  }
0xd3: {  	[tilespmem:s22], [sflag:$0x3] =	stream.linear.gather [hbm4b:s9+s3], $0x320, $0x38;
	[tilespmem:$0x1F780] =	vst v63  }
0xd4: {  	_ =	swait.ge [sflag:s21], $0x320  }
0xd5: {  	[sflag:s21] =	ssyncset.done $0x0  }
0xd6: {  	[sflag:s21] =	ssyncadd.s32 $0xFFFFFCE0  }
0xd7: {  	[tilespmem:s23], [sflag:$0x1] =	stream.indirect.gather [hbm4b:s7+s22], $0x10, s3, s22, $0xb8;
	[tilespmem:$0x1F780] =	vst v63  }
0xd8: {  	s0 =	sadd.s32 $0x64, s4  }
0xd9: {  	[tilespmem:s24], [sflag:$0x3] =	stream.linear.gather [hbm4b:s0+s3], $0x320, $0x38;
	[tilespmem:$0x1F780] =	vst v63  }
0xda: {  	_ =	swait.ge [sflag:s21], $0x320  }
0xdb: {  	[sflag:s21] =	ssyncset.done $0x0  }
0xdc: {  	s10 =	sadd.s32 $0x64, s9;
	[sflag:s21] =	ssyncadd.s32 $0xFFFFFCE0  }
0xdd: {  	[tilespmem:s25], [sflag:$0x3] =	stream.linear.gather [hbm4b:s10+s3], $0x320, $0x38;
	[tilespmem:$0x1F780] =	vst v63  }
0xde: {  	_ =	swait.ge [sflag:s21], $0x320  }
0xdf: {  	[sflag:s21] =	ssyncset.done $0x0  }
0xe0: {  	[sflag:s21] =	ssyncadd.s32 $0xFFFFFCE0  }
0xe1: {  	[tilespmem:s26], [sflag:$0x2] =	stream.indirect.gather [hbm4b:s7+s22], $0x10, s24, s22, $0xb8;
	[tilespmem:$0x1F780] =	vst v63  }
0xe2: {  	_ =	swait.ge [sflag:s28], $0x3200  }
0xe3: {  	[sflag:s28] =	ssyncset.done $0x0  }
0xe4: {  	[sflag:s28] =	ssyncadd.s32 $0xFFFFCE00  }
0xe5: {  	[spmem:s2] =	stream.indirect.scatter.add.f32 [tilespmem:s23], [sflag:$0x3], $0x10, s22, s22, $0xb8;
	[tilespmem:$0x1F780] =	vst v63  }
0xe6: {  	_ =	swait.ge [sflag:s21], $0x3200  }
0xe7: {  	[sflag:s21] =	ssyncset.done $0x0  }
0xe8: {  	[sflag:s21] =	ssyncadd.s32 $0xFFFFCE00  }
0xe9: {  	_ =	swait.ge [sflag:s29], $0x3200  }
0xea: {  	[sflag:s29] =	ssyncset.done $0x0  }
0xeb: {  	[sflag:s29] =	ssyncadd.s32 $0xFFFFCE00  }
0xec: {  	[spmem:s2] =	stream.indirect.scatter.add.f32 [tilespmem:s26], [sflag:$0x3], $0x10, s25, s22, $0xb8;
	[tilespmem:$0x1F780] =	vst v63  }
0xed: {  	_ =	swait.ge [sflag:s21], $0x3200  }
0xee: {  	s31 =	simm.s32 $0xC8;
	s4 =	simm.s32 $0x190;
	[sflag:s21] =	ssyncset.done $0x0  }
.LBB2_10:
0xef: {  	s9 =	sadd.s32 s31, s19  }
0xf0: {  	[sflag:s21] =	ssyncadd.s32 $0xFFFFCE00;
	s10 =	smov.u32 s4;
	s0 =	sadd.s32 $0xC8, s4  }
0xf1: {  	[tilespmem:s3], [sflag:$0x3] =	stream.linear.gather [hbm4b:s9+s3], $0x320, $0x38;
	[tilespmem:$0x1F780] =	vst v63  }
0xf2: {  	p1 =	sne.s32 s4, $0x2FA8;
	_ =	swait.ge [sflag:s21], $0x320  }
0xf3: {  	[sflag:s21] =	ssyncset.done $0x0  }
0xf4: {  	s4 =	sadd.s32 s31, s18;
	s31 =	smov.u32 s10;
	[sflag:s21] =	ssyncadd.s32 $0xFFFFFCE0  }
0xf5: {  	[tilespmem:s22], [sflag:$0x3] =	stream.linear.gather [hbm4b:s4+s3], $0x320, $0x38;
	[tilespmem:$0x1F780] =	vst v63  }
0xf6: {  	_ =	swait.ge [sflag:s21], $0x320  }
0xf7: {  	[sflag:s21] =	ssyncset.done $0x0  }
0xf8: {  	[sflag:s21] =	ssyncadd.s32 $0xFFFFFCE0  }
0xf9: {  	[tilespmem:s23], [sflag:$0x1] =	stream.indirect.gather [hbm4b:s7+s22], $0x10, s3, s22, $0xb8;
	[tilespmem:$0x1F780] =	vst v63  }
0xfa: {  	s9 =	sadd.s32 $0x64, s9  }
0xfb: {  	[tilespmem:s24], [sflag:$0x3] =	stream.linear.gather [hbm4b:s9+s3], $0x320, $0x38;
	[tilespmem:$0x1F780] =	vst v63  }
0xfc: {  	_ =	swait.ge [sflag:s21], $0x320  }
0xfd: {  	[sflag:s21] =	ssyncset.done $0x0  }
0xfe: {  	s4 =	sadd.s32 $0x64, s4;
	[sflag:s21] =	ssyncadd.s32 $0xFFFFFCE0  }
0xff: {  	[tilespmem:s25], [sflag:$0x3] =	stream.linear.gather [hbm4b:s4+s3], $0x320, $0x38;
	[tilespmem:$0x1F780] =	vst v63  }
0x100: {  	_ =	swait.ge [sflag:s21], $0x320  }
0x101: {  	[sflag:s21] =	ssyncset.done $0x0  }
0x102: {  	[sflag:s21] =	ssyncadd.s32 $0xFFFFFCE0  }
0x103: {  	[tilespmem:s26], [sflag:$0x2] =	stream.indirect.gather [hbm4b:s7+s22], $0x10, s24, s22, $0xb8;
	[tilespmem:$0x1F780] =	vst v63  }
0x104: {  	_ =	swait.ge [sflag:s28], $0x3200  }
0x105: {  	[sflag:s28] =	ssyncset.done $0x0  }
0x106: {  	[sflag:s28] =	ssyncadd.s32 $0xFFFFCE00  }
0x107: {  	[spmem:s2] =	stream.indirect.scatter.add.f32 [tilespmem:s23], [sflag:$0x3], $0x10, s22, s22, $0xb8;
	[tilespmem:$0x1F780] =	vst v63  }
0x108: {  	_ =	swait.ge [sflag:s21], $0x3200  }
0x109: {  	[sflag:s21] =	ssyncset.done $0x0  }
0x10a: {  	[sflag:s21] =	ssyncadd.s32 $0xFFFFCE00  }
0x10b: {  	_ =	swait.ge [sflag:s29], $0x3200  }
.Ltmp4:
0x10c: {  	[sflag:s29] =	ssyncset.done $0x0;
	(pc) =	sbr.rel @p1 .LBB2_10-.Ltmp4, $4  }
0x10d: {  	[sflag:s29] =	ssyncadd.s32 $0xFFFFCE00  }
0x10e: {  	[spmem:s2] =	stream.indirect.scatter.add.f32 [tilespmem:s26], [sflag:$0x3], $0x10, s25, s22, $0xb8;
	[tilespmem:$0x1F780] =	vst v63  }
0x10f: {  	_ =	swait.ge [sflag:s21], $0x3200  }
0x110: {  	s4 =	smov.u32 s0;
	[sflag:s21] =	ssyncset.done $0x0  }
.Ltmp5:
0x111: {  	_ = 	snop;
	(pc) =	sbr.rel .LBB2_11-.Ltmp5, $1  }
0x112: {  	_ =	sdelay $0x3  }
.LBB2_2:
0x113: {  	[tilespmem:s3], [sflag:$0x3] =	stream.linear.gather [hbm4b:s0+s3], $0x320, $0x38;
	[tilespmem:$0x1F780] =	vst v63  }
0x114: {  	_ =	swait.ge [sflag:s21], $0x320  }
0x115: {  	[sflag:s21] =	ssyncset.done $0x0  }
0x116: {  	s4 =	sadd.s32 $0x0, s18;
	[sflag:s21] =	ssyncadd.s32 $0xFFFFFCE0  }
0x117: {  	[tilespmem:s22], [sflag:$0x3] =	stream.linear.gather [hbm4b:s4+s3], $0x320, $0x38;
	[tilespmem:$0x1F780] =	vst v63  }
0x118: {  	_ =	swait.ge [sflag:s21], $0x320  }
0x119: {  	[sflag:s21] =	ssyncset.done $0x0  }
0x11a: {  	[sflag:s21] =	ssyncadd.s32 $0xFFFFFCE0  }
0x11b: {  	[tilespmem:s23], [sflag:$0x1] =	stream.indirect.gather [hbm4b:s1+s22], $0x10, s3, s22, $0xb8;
	[tilespmem:$0x1F780] =	vst v63  }
0x11c: {  	s9 =	sadd.s32 $0x64, s0  }
0x11d: {  	[tilespmem:s24], [sflag:$0x3] =	stream.linear.gather [hbm4b:s9+s3], $0x320, $0x38;
	[tilespmem:$0x1F780] =	vst v63  }
0x11e: {  	_ =	swait.ge [sflag:s21], $0x320  }
0x11f: {  	[sflag:s21] =	ssyncset.done $0x0  }
0x120: {  	s10 =	sadd.s32 $0x64, s4;
	[sflag:s21] =	ssyncadd.s32 $0xFFFFFCE0  }
0x121: {  	[tilespmem:s25], [sflag:$0x3] =	stream.linear.gather [hbm4b:s10+s3], $0x320, $0x38;
	[tilespmem:$0x1F780] =	vst v63  }
0x122: {  	_ =	swait.ge [sflag:s21], $0x320  }
0x123: {  	[sflag:s21] =	ssyncset.done $0x0  }
0x124: {  	[sflag:s21] =	ssyncadd.s32 $0xFFFFFCE0  }
0x125: {  	[tilespmem:s26], [sflag:$0x2] =	stream.indirect.gather [hbm4b:s1+s22], $0x10, s24, s22, $0xb8;
	[tilespmem:$0x1F780] =	vst v63  }
0x126: {  	_ =	swait.ge [sflag:s28], $0x3200  }
0x127: {  	[sflag:s28] =	ssyncset.done $0x0  }
0x128: {  	[sflag:s28] =	ssyncadd.s32 $0xFFFFCE00  }
0x129: {  	[spmem:s2] =	stream.indirect.scatter.add.f32 [tilespmem:s23], [sflag:$0x3], $0x10, s22, s22, $0xb8;
	[tilespmem:$0x1F780] =	vst v63  }
0x12a: {  	_ =	swait.ge [sflag:s21], $0x3200  }
0x12b: {  	[sflag:s21] =	ssyncset.done $0x0  }
0x12c: {  	[sflag:s21] =	ssyncadd.s32 $0xFFFFCE00  }
0x12d: {  	_ =	swait.ge [sflag:s29], $0x3200  }
0x12e: {  	[sflag:s29] =	ssyncset.done $0x0  }
0x12f: {  	[sflag:s29] =	ssyncadd.s32 $0xFFFFCE00  }
0x130: {  	[spmem:s2] =	stream.indirect.scatter.add.f32 [tilespmem:s26], [sflag:$0x3], $0x10, s25, s22, $0xb8;
	[tilespmem:$0x1F780] =	vst v63  }
0x131: {  	_ =	swait.ge [sflag:s21], $0x3200  }
0x132: {  	s31 =	simm.s32 $0xC8;
	s0 =	simm.s32 $0x190;
	[sflag:s21] =	ssyncset.done $0x0  }
.LBB2_3:
0x133: {  	s9 =	sadd.s32 s31, s19  }
0x134: {  	[sflag:s21] =	ssyncadd.s32 $0xFFFFCE00;
	s10 =	smov.u32 s0;
	s4 =	sadd.s32 $0xC8, s0  }
0x135: {  	[tilespmem:s3], [sflag:$0x3] =	stream.linear.gather [hbm4b:s9+s3], $0x320, $0x38;
	[tilespmem:$0x1F780] =	vst v63  }
0x136: {  	p1 =	sne.s32 s0, $0x2FA8;
	_ =	swait.ge [sflag:s21], $0x320  }
0x137: {  	[sflag:s21] =	ssyncset.done $0x0  }
0x138: {  	s0 =	sadd.s32 s31, s18;
	s31 =	smov.u32 s10;
	[sflag:s21] =	ssyncadd.s32 $0xFFFFFCE0  }
0x139: {  	[tilespmem:s22], [sflag:$0x3] =	stream.linear.gather [hbm4b:s0+s3], $0x320, $0x38;
	[tilespmem:$0x1F780] =	vst v63  }
0x13a: {  	_ =	swait.ge [sflag:s21], $0x320  }
0x13b: {  	[sflag:s21] =	ssyncset.done $0x0  }
0x13c: {  	[sflag:s21] =	ssyncadd.s32 $0xFFFFFCE0  }
0x13d: {  	[tilespmem:s23], [sflag:$0x1] =	stream.indirect.gather [hbm4b:s1+s22], $0x10, s3, s22, $0xb8;
	[tilespmem:$0x1F780] =	vst v63  }
0x13e: {  	s9 =	sadd.s32 $0x64, s9  }
0x13f: {  	[tilespmem:s24], [sflag:$0x3] =	stream.linear.gather [hbm4b:s9+s3], $0x320, $0x38;
	[tilespmem:$0x1F780] =	vst v63  }
0x140: {  	_ =	swait.ge [sflag:s21], $0x320  }
0x141: {  	[sflag:s21] =	ssyncset.done $0x0  }
0x142: {  	s0 =	sadd.s32 $0x64, s0;
	[sflag:s21] =	ssyncadd.s32 $0xFFFFFCE0  }
0x143: {  	[tilespmem:s25], [sflag:$0x3] =	stream.linear.gather [hbm4b:s0+s3], $0x320, $0x38;
	[tilespmem:$0x1F780] =	vst v63  }
0x144: {  	_ =	swait.ge [sflag:s21], $0x320  }
0x145: {  	[sflag:s21] =	ssyncset.done $0x0  }
0x146: {  	[sflag:s21] =	ssyncadd.s32 $0xFFFFFCE0  }
0x147: {  	[tilespmem:s26], [sflag:$0x2] =	stream.indirect.gather [hbm4b:s1+s22], $0x10, s24, s22, $0xb8;
	[tilespmem:$0x1F780] =	vst v63  }
0x148: {  	_ =	swait.ge [sflag:s28], $0x3200  }
0x149: {  	[sflag:s28] =	ssyncset.done $0x0  }
0x14a: {  	[sflag:s28] =	ssyncadd.s32 $0xFFFFCE00  }
0x14b: {  	[spmem:s2] =	stream.indirect.scatter.add.f32 [tilespmem:s23], [sflag:$0x3], $0x10, s22, s22, $0xb8;
	[tilespmem:$0x1F780] =	vst v63  }
0x14c: {  	_ =	swait.ge [sflag:s21], $0x3200  }
0x14d: {  	[sflag:s21] =	ssyncset.done $0x0  }
0x14e: {  	[sflag:s21] =	ssyncadd.s32 $0xFFFFCE00  }
0x14f: {  	_ =	swait.ge [sflag:s29], $0x3200  }
.Ltmp6:
0x150: {  	[sflag:s29] =	ssyncset.done $0x0;
	(pc) =	sbr.rel @p1 .LBB2_3-.Ltmp6, $4  }
0x151: {  	[sflag:s29] =	ssyncadd.s32 $0xFFFFCE00  }
0x152: {  	[spmem:s2] =	stream.indirect.scatter.add.f32 [tilespmem:s26], [sflag:$0x3], $0x10, s25, s22, $0xb8;
	[tilespmem:$0x1F780] =	vst v63  }
0x153: {  	_ =	swait.ge [sflag:s21], $0x3200  }
0x154: {  	s0 =	smov.u32 s4;
	[sflag:s21] =	ssyncset.done $0x0  }
0x155: {  	s0 =	sadd.s32 s31, s19;
	[sflag:s21] =	ssyncadd.s32 $0xFFFFCE00  }
0x156: {  	[tilespmem:s3], [sflag:$0x3] =	stream.linear.gather [hbm4b:s0+s3], $0x320, $0x38;
	[tilespmem:$0x1F780] =	vst v63  }
0x157: {  	_ =	swait.ge [sflag:s21], $0x320  }
0x158: {  	[sflag:s21] =	ssyncset.done $0x0  }
0x159: {  	s4 =	sadd.s32 s31, s18;
	[sflag:s21] =	ssyncadd.s32 $0xFFFFFCE0  }
0x15a: {  	[tilespmem:s22], [sflag:$0x3] =	stream.linear.gather [hbm4b:s4+s3], $0x320, $0x38;
	[tilespmem:$0x1F780] =	vst v63  }
0x15b: {  	_ =	swait.ge [sflag:s21], $0x320  }
0x15c: {  	[sflag:s21] =	ssyncset.done $0x0  }
0x15d: {  	[sflag:s21] =	ssyncadd.s32 $0xFFFFFCE0  }
0x15e: {  	[tilespmem:s23], [sflag:$0x1] =	stream.indirect.gather [hbm4b:s1+s22], $0x10, s3, s22, $0xb8;
	[tilespmem:$0x1F780] =	vst v63  }
0x15f: {  	s0 =	sadd.s32 $0x64, s0  }
0x160: {  	[tilespmem:s24], [sflag:$0x3] =	stream.linear.gather [hbm4b:s0+s3], $0x320, $0x38;
	[tilespmem:$0x1F780] =	vst v63  }
0x161: {  	_ =	swait.ge [sflag:s21], $0x320  }
0x162: {  	[sflag:s21] =	ssyncset.done $0x0  }
0x163: {  	s9 =	sadd.s32 $0x64, s4;
	[sflag:s21] =	ssyncadd.s32 $0xFFFFFCE0  }
0x164: {  	[tilespmem:s25], [sflag:$0x3] =	stream.linear.gather [hbm4b:s9+s3], $0x320, $0x38;
	[tilespmem:$0x1F780] =	vst v63  }
0x165: {  	_ =	swait.ge [sflag:s21], $0x320  }
0x166: {  	[sflag:s21] =	ssyncset.done $0x0  }
0x167: {  	[sflag:s21] =	ssyncadd.s32 $0xFFFFFCE0  }
0x168: {  	[tilespmem:s26], [sflag:$0x2] =	stream.indirect.gather [hbm4b:s1+s22], $0x10, s24, s22, $0xb8;
	[tilespmem:$0x1F780] =	vst v63  }
0x169: {  	_ =	swait.ge [sflag:s28], $0x3200  }
0x16a: {  	[sflag:s28] =	ssyncset.done $0x0  }
0x16b: {  	[sflag:s28] =	ssyncadd.s32 $0xFFFFCE00  }
0x16c: {  	[spmem:s2] =	stream.indirect.scatter.add.f32 [tilespmem:s23], [sflag:$0x3], $0x10, s22, s22, $0xb8;
	[tilespmem:$0x1F780] =	vst v63  }
0x16d: {  	_ =	swait.ge [sflag:s21], $0x3200  }
0x16e: {  	[sflag:s21] =	ssyncset.done $0x0  }
0x16f: {  	[sflag:s21] =	ssyncadd.s32 $0xFFFFCE00  }
0x170: {  	_ =	swait.ge [sflag:s29], $0x3200  }
0x171: {  	[sflag:s29] =	ssyncset.done $0x0  }
0x172: {  	[sflag:s29] =	ssyncadd.s32 $0xFFFFCE00  }
0x173: {  	[spmem:s2] =	stream.indirect.scatter.add.f32 [tilespmem:s26], [sflag:$0x3], $0x10, s25, s22, $0xb8;
	[tilespmem:$0x1F780] =	vst v63  }
0x174: {  	_ =	swait.ge [sflag:s21], $0x3200  }
0x175: {  	[sflag:s21] =	ssyncset.done $0x0  }
0x176: {  	s10 =	simm.s32 $0x0;
	[sflag:s21] =	ssyncadd.s32 $0xFFFFCE00  }
0x177: {  	[tilespmem:s10], [sflag:$0x3] =	stream.linear.gather [hbm4b:s12+s10], $0x320, $0x38;
	[tilespmem:$0x1F780] =	vst v63  }
0x178: {  	_ =	swait.ge [sflag:s21], $0x320  }
0x179: {  	[sflag:s21] =	ssyncset.done $0x0  }
0x17a: {  	[sflag:s21] =	ssyncadd.s32 $0xFFFFFCE0  }
0x17b: {  	[tilespmem:s22], [sflag:$0x3] =	stream.linear.gather [hbm4b:s13+s10], $0x320, $0x38;
	[tilespmem:$0x1F780] =	vst v63  }
0x17c: {  	_ =	swait.ge [sflag:s21], $0x320  }
0x17d: {  	[sflag:s21] =	ssyncset.done $0x0  }
0x17e: {  	[sflag:s21] =	ssyncadd.s32 $0xFFFFFCE0  }
0x17f: {  	[tilespmem:s23], [sflag:$0x1] =	stream.indirect.gather [hbm4b:s1+s22], $0x10, s10, s22, $0xb8;
	[tilespmem:$0x1F780] =	vst v63  }
0x180: {  	_ =	swait.ge [sflag:s28], $0x3200  }
0x181: {  	[sflag:s28] =	ssyncset.done $0x0  }
0x182: {  	[sflag:s28] =	ssyncadd.s32 $0xFFFFCE00  }
0x183: {  	[spmem:s2] =	stream.indirect.scatter.add.f32 [tilespmem:s23], [sflag:$0x3], $0x10, s22, s22, $0xb8;
	[tilespmem:$0x1F780] =	vst v63  }
0x184: {  	_ =	swait.ge [sflag:s21], $0x3200  }
0x185: {  	[sflag:s21] =	ssyncset.done $0x0  }
0x186: {  	[sflag:s21] =	ssyncadd.s32 $0xFFFFCE00  }
0x187: {  	[bflag:$0x0] =	sbarrier.arrive $0xFFFF  }
0x188: {  	[hbm:s14], [sflag:s17] =	dma.local [spmem:s20], $0x30E0  }
0x189: {  	_ =	swait.ge [sflag:s21], $0x30E0  }
0x18a: {  	[sflag:s21] =	ssyncset.done $0x0  }
0x18b: {  	[sflag:s21] =	ssyncadd.s32 $0xFFFFCF20  }
0x18c: {  	[spmem:s20], [sflag:s17] =	dma.local [hbm:s11], $0x30E0  }
0x18d: {  	_ =	swait.ge [sflag:s21], $0x30E0  }
0x18e: {  	[sflag:s21] =	ssyncset.done $0x0  }
0x18f: {  	[sflag:s21] =	ssyncadd.s32 $0xFFFFCF20  }
0x190: {  	s4 =	sadd.s32 $0x0, s19;
	[bflag:$0x0] =	sbarrier.arrive $0xFFFF  }
0x191: {  	[tilespmem:s3], [sflag:$0x3] =	stream.linear.gather [hbm4b:s4+s3], $0x320, $0x38;
	[tilespmem:$0x1F780] =	vst v63  }
0x192: {  	_ =	swait.ge [sflag:s21], $0x320  }
0x193: {  	[sflag:s21] =	ssyncset.done $0x0  }
0x194: {  	s9 =	sadd.s32 $0x0, s18;
	[sflag:s21] =	ssyncadd.s32 $0xFFFFFCE0  }
0x195: {  	[tilespmem:s22], [sflag:$0x3] =	stream.linear.gather [hbm4b:s9+s3], $0x320, $0x38;
	[tilespmem:$0x1F780] =	vst v63  }
0x196: {  	_ =	swait.ge [sflag:s21], $0x320  }
0x197: {  	[sflag:s21] =	ssyncset.done $0x0  }
0x198: {  	[sflag:s21] =	ssyncadd.s32 $0xFFFFFCE0  }
0x199: {  	[tilespmem:s23], [sflag:$0x1] =	stream.indirect.gather [hbm4b:s5+s22], $0x10, s3, s22, $0xb8;
	[tilespmem:$0x1F780] =	vst v63  }
0x19a: {  	s0 =	sadd.s32 $0x64, s4  }
0x19b: {  	[tilespmem:s24], [sflag:$0x3] =	stream.linear.gather [hbm4b:s0+s3], $0x320, $0x38;
	[tilespmem:$0x1F780] =	vst v63  }
0x19c: {  	_ =	swait.ge [sflag:s21], $0x320  }
0x19d: {  	[sflag:s21] =	ssyncset.done $0x0  }
0x19e: {  	s10 =	sadd.s32 $0x64, s9;
	[sflag:s21] =	ssyncadd.s32 $0xFFFFFCE0  }
0x19f: {  	[tilespmem:s25], [sflag:$0x3] =	stream.linear.gather [hbm4b:s10+s3], $0x320, $0x38;
	[tilespmem:$0x1F780] =	vst v63  }
0x1a0: {  	_ =	swait.ge [sflag:s21], $0x320  }
0x1a1: {  	[sflag:s21] =	ssyncset.done $0x0  }
0x1a2: {  	[sflag:s21] =	ssyncadd.s32 $0xFFFFFCE0  }
0x1a3: {  	[tilespmem:s26], [sflag:$0x2] =	stream.indirect.gather [hbm4b:s5+s22], $0x10, s24, s22, $0xb8;
	[tilespmem:$0x1F780] =	vst v63  }
0x1a4: {  	_ =	swait.ge [sflag:s28], $0x3200  }
0x1a5: {  	[sflag:s28] =	ssyncset.done $0x0  }
0x1a6: {  	[sflag:s28] =	ssyncadd.s32 $0xFFFFCE00  }
0x1a7: {  	[spmem:s2] =	stream.indirect.scatter.add.f32 [tilespmem:s23], [sflag:$0x3], $0x10, s22, s22, $0xb8;
	[tilespmem:$0x1F780] =	vst v63  }
0x1a8: {  	_ =	swait.ge [sflag:s21], $0x3200  }
0x1a9: {  	[sflag:s21] =	ssyncset.done $0x0  }
0x1aa: {  	[sflag:s21] =	ssyncadd.s32 $0xFFFFCE00  }
0x1ab: {  	_ =	swait.ge [sflag:s29], $0x3200  }
0x1ac: {  	[sflag:s29] =	ssyncset.done $0x0  }
0x1ad: {  	[sflag:s29] =	ssyncadd.s32 $0xFFFFCE00  }
0x1ae: {  	[spmem:s2] =	stream.indirect.scatter.add.f32 [tilespmem:s26], [sflag:$0x3], $0x10, s25, s22, $0xb8;
	[tilespmem:$0x1F780] =	vst v63  }
0x1af: {  	_ =	swait.ge [sflag:s21], $0x3200  }
0x1b0: {  	s31 =	simm.s32 $0xC8;
	s4 =	simm.s32 $0x190;
	[sflag:s21] =	ssyncset.done $0x0  }
.LBB2_5:
0x1b1: {  	s9 =	sadd.s32 s31, s19  }
0x1b2: {  	[sflag:s21] =	ssyncadd.s32 $0xFFFFCE00;
	s10 =	smov.u32 s4;
	s0 =	sadd.s32 $0xC8, s4  }
0x1b3: {  	[tilespmem:s3], [sflag:$0x3] =	stream.linear.gather [hbm4b:s9+s3], $0x320, $0x38;
	[tilespmem:$0x1F780] =	vst v63  }
0x1b4: {  	p1 =	seq.s32 s4, $0x2FA8;
	_ =	swait.ge [sflag:s21], $0x320  }
0x1b5: {  	[sflag:s21] =	ssyncset.done $0x0  }
0x1b6: {  	s4 =	sadd.s32 s31, s18;
	s31 =	smov.u32 s10;
	[sflag:s21] =	ssyncadd.s32 $0xFFFFFCE0  }
0x1b7: {  	[tilespmem:s22], [sflag:$0x3] =	stream.linear.gather [hbm4b:s4+s3], $0x320, $0x38;
	[tilespmem:$0x1F780] =	vst v63  }
0x1b8: {  	_ =	swait.ge [sflag:s21], $0x320  }
0x1b9: {  	[sflag:s21] =	ssyncset.done $0x0  }
0x1ba: {  	[sflag:s21] =	ssyncadd.s32 $0xFFFFFCE0  }
0x1bb: {  	[tilespmem:s23], [sflag:$0x1] =	stream.indirect.gather [hbm4b:s5+s22], $0x10, s3, s22, $0xb8;
	[tilespmem:$0x1F780] =	vst v63  }
0x1bc: {  	s9 =	sadd.s32 $0x64, s9  }
0x1bd: {  	[tilespmem:s24], [sflag:$0x3] =	stream.linear.gather [hbm4b:s9+s3], $0x320, $0x38;
	[tilespmem:$0x1F780] =	vst v63  }
0x1be: {  	_ =	swait.ge [sflag:s21], $0x320  }
0x1bf: {  	[sflag:s21] =	ssyncset.done $0x0  }
0x1c0: {  	s4 =	sadd.s32 $0x64, s4;
	[sflag:s21] =	ssyncadd.s32 $0xFFFFFCE0  }
0x1c1: {  	[tilespmem:s25], [sflag:$0x3] =	stream.linear.gather [hbm4b:s4+s3], $0x320, $0x38;
	[tilespmem:$0x1F780] =	vst v63  }
0x1c2: {  	_ =	swait.ge [sflag:s21], $0x320  }
0x1c3: {  	[sflag:s21] =	ssyncset.done $0x0  }
0x1c4: {  	[sflag:s21] =	ssyncadd.s32 $0xFFFFFCE0  }
0x1c5: {  	[tilespmem:s26], [sflag:$0x2] =	stream.indirect.gather [hbm4b:s5+s22], $0x10, s24, s22, $0xb8;
	[tilespmem:$0x1F780] =	vst v63  }
0x1c6: {  	_ =	swait.ge [sflag:s28], $0x3200  }
0x1c7: {  	[sflag:s28] =	ssyncset.done $0x0  }
0x1c8: {  	[sflag:s28] =	ssyncadd.s32 $0xFFFFCE00  }
0x1c9: {  	[spmem:s2] =	stream.indirect.scatter.add.f32 [tilespmem:s23], [sflag:$0x3], $0x10, s22, s22, $0xb8;
	[tilespmem:$0x1F780] =	vst v63  }
0x1ca: {  	_ =	swait.ge [sflag:s21], $0x3200  }
0x1cb: {  	[sflag:s21] =	ssyncset.done $0x0  }
0x1cc: {  	[sflag:s21] =	ssyncadd.s32 $0xFFFFCE00  }
0x1cd: {  	_ =	swait.ge [sflag:s29], $0x3200  }
.Ltmp7:
0x1ce: {  	[sflag:s29] =	ssyncset.done $0x0;
	(pc) =	sbr.rel @!p1 .LBB2_5-.Ltmp7, $4  }
0x1cf: {  	[sflag:s29] =	ssyncadd.s32 $0xFFFFCE00  }
0x1d0: {  	[spmem:s2] =	stream.indirect.scatter.add.f32 [tilespmem:s26], [sflag:$0x3], $0x10, s25, s22, $0xb8;
	[tilespmem:$0x1F780] =	vst v63  }
0x1d1: {  	_ =	swait.ge [sflag:s21], $0x3200  }
0x1d2: {  	s4 =	smov.u32 s0;
	[sflag:s21] =	ssyncset.done $0x0  }
0x1d3: {  	s0 =	sadd.s32 s31, s19;
	[sflag:s21] =	ssyncadd.s32 $0xFFFFCE00  }
0x1d4: {  	[tilespmem:s3], [sflag:$0x3] =	stream.linear.gather [hbm4b:s0+s3], $0x320, $0x38;
	[tilespmem:$0x1F780] =	vst v63  }
0x1d5: {  	_ =	swait.ge [sflag:s21], $0x320  }
0x1d6: {  	[sflag:s21] =	ssyncset.done $0x0  }
0x1d7: {  	s4 =	sadd.s32 s31, s18;
	[sflag:s21] =	ssyncadd.s32 $0xFFFFFCE0  }
0x1d8: {  	[tilespmem:s22], [sflag:$0x3] =	stream.linear.gather [hbm4b:s4+s3], $0x320, $0x38;
	[tilespmem:$0x1F780] =	vst v63  }
0x1d9: {  	_ =	swait.ge [sflag:s21], $0x320  }
0x1da: {  	[sflag:s21] =	ssyncset.done $0x0  }
0x1db: {  	[sflag:s21] =	ssyncadd.s32 $0xFFFFFCE0  }
0x1dc: {  	[tilespmem:s23], [sflag:$0x1] =	stream.indirect.gather [hbm4b:s5+s22], $0x10, s3, s22, $0xb8;
	[tilespmem:$0x1F780] =	vst v63  }
0x1dd: {  	s0 =	sadd.s32 $0x64, s0  }
0x1de: {  	[tilespmem:s24], [sflag:$0x3] =	stream.linear.gather [hbm4b:s0+s3], $0x320, $0x38;
	[tilespmem:$0x1F780] =	vst v63  }
0x1df: {  	_ =	swait.ge [sflag:s21], $0x320  }
0x1e0: {  	[sflag:s21] =	ssyncset.done $0x0  }
0x1e1: {  	s10 =	sadd.s32 $0x64, s4;
	[sflag:s21] =	ssyncadd.s32 $0xFFFFFCE0  }
0x1e2: {  	[tilespmem:s25], [sflag:$0x3] =	stream.linear.gather [hbm4b:s10+s3], $0x320, $0x38;
	[tilespmem:$0x1F780] =	vst v63  }
0x1e3: {  	_ =	swait.ge [sflag:s21], $0x320  }
0x1e4: {  	[sflag:s21] =	ssyncset.done $0x0  }
0x1e5: {  	[sflag:s21] =	ssyncadd.s32 $0xFFFFFCE0  }
0x1e6: {  	[tilespmem:s26], [sflag:$0x2] =	stream.indirect.gather [hbm4b:s5+s22], $0x10, s24, s22, $0xb8;
	[tilespmem:$0x1F780] =	vst v63  }
0x1e7: {  	_ =	swait.ge [sflag:s28], $0x3200  }
0x1e8: {  	[sflag:s28] =	ssyncset.done $0x0  }
0x1e9: {  	[sflag:s28] =	ssyncadd.s32 $0xFFFFCE00  }
0x1ea: {  	[spmem:s2] =	stream.indirect.scatter.add.f32 [tilespmem:s23], [sflag:$0x3], $0x10, s22, s22, $0xb8;
	[tilespmem:$0x1F780] =	vst v63  }
0x1eb: {  	_ =	swait.ge [sflag:s21], $0x3200  }
0x1ec: {  	[sflag:s21] =	ssyncset.done $0x0  }
0x1ed: {  	[sflag:s21] =	ssyncadd.s32 $0xFFFFCE00  }
0x1ee: {  	_ =	swait.ge [sflag:s29], $0x3200  }
0x1ef: {  	[sflag:s29] =	ssyncset.done $0x0  }
.Ltmp8:
0x1f0: {  	[sflag:s29] =	ssyncadd.s32 $0xFFFFCE00;
	(pc) =	sbr.rel .LBB2_12-.Ltmp8, $4  }
0x1f1: {  	[spmem:s2] =	stream.indirect.scatter.add.f32 [tilespmem:s26], [sflag:$0x3], $0x10, s25, s22, $0xb8;
	[tilespmem:$0x1F780] =	vst v63  }
0x1f2: {  	_ =	swait.ge [sflag:s21], $0x3200  }
0x1f3: {  	[sflag:s21] =	ssyncset.done $0x0  }
0x1f4: {  	s31 =	smov.u32 s5;
	s0 =	rddreg [dreg:$0x4];
	[sflag:s21] =	ssyncadd.s32 $0xFFFFCE00  }
.LBB2_13:
0x1f5: {  	_ =	sfence.sel $0x180000  }
0x1f6: {  	[bflag:$0x0] =	sbarrier.arrive $0xFFFF  }
0x1f7: {  	_ =	strace $0x9000004D  }
0x1f8: {  	s0 =	stileid.u32;
	[bflag:$0x2] =	sbarrier.arrive $0xFFFF  }
0x1f9: {  	p0 =	sne.s32 s0, $0x0;
	s0 =	rddreg [dreg:$0x3]  }
0x1fa: {  	s0 =	sadd.s32 @!p0 $0x100000, s0  }
0x1fb: {  	[sflag:s0] =	ssyncadd.tile.s32 @!p0 $0x1;
	_ =	shalt  }
.Lfunc_end2:
_tile_overlayer_lowered:
.L_overlay_start_2:
0x1fc: {  	(tag) =	ssettag $0x2  }
0x1fd: {  	s0 =	rddreg [dreg:$0x0];
	s2 =	stileid.u32  }
0x1fe: {  	s1 =	rddreg [dreg:$0x1];
	p0 =	sne.s32 s2, $0x0  }
0x1ff: {  	s3 =	rddreg [dreg:$0x2];
	[bflag:$0x3] =	sbarrier.arrive $0xFFFF;
	s2 =	simm.s32 @!p0 $0x1C03  }
0x200: {  	[timem:s3], [sflag:s2] =	dma.local @!p0 [hbm:s0], s1  }
0x201: {  	s0 =	simm.s32 @!p0 $0x3  }
0x202: {  	_ =	swait.ge @!p0 [sflag:s0], s1  }
0x203: {  	s1 =	ssub.s32 @!p0 $0x0, s1;
	[sflag:s0] =	ssyncset.done @!p0 $0x0  }
0x204: {  	[sflag:s0] =	ssyncadd.s32 @!p0 s1  }
0x205: {  	[bflag:$0x3] =	sbarrier.arrive $0xFFFF  }
0x206: {  	_ =	shalt  }

// kernel: kernel.8.cloned.1.call-start
scs
__scs_entry_jumppad:
0x0: {  	(pc) =	sbr.rel $0x88, $3  }
0x1: {  	(tag) =	ssettag $0x0;
	lr =	simm.s32 $0x1  }
0x2: {  	[smem:$0x3F90] =	sst lr;
	_ =	strace $0xD0000000  }
0x3: {  	_ = 	snop  }
0x4: {  	_ = 	snop  }
0x5: {  	_ = 	snop  }
0x6: {  	_ = 	snop  }
0x7: {  	_ = 	snop  }
__scs_overlays_trampoline_lowered:
0x8: {  	[smem:$0x3F9F] =	sst s0  }
0x9: {  	[smem:$0x3FA0] =	sst s1  }
0xa: {  	[smem:$0x3FA1] =	sst s2  }
0xb: {  	[smem:$0x3FA2] =	sst s3  }
0xc: {  	[smem:$0x3FA3] =	sst s4  }
0xd: {  	[smem:$0x3FA4] =	sst s5  }
0xe: {  	[smem:$0x3FA5] =	sst s6  }
0xf: {  	[smem:$0x3FA6] =	sst s7  }
0x10: {  	[smem:$0x3FA7] =	sst s8  }
0x11: {  	[smem:$0x3FA8] =	sst s9;
	s0 =	simm.s32 @!p0 $0x0  }
0x12: {  	s1 =	sld [smem:$0x3F8E];
	s0 =	simm.s32 @p0 $0x1  }
0x13: {  	[smem:$0x3FA9] =	sst s0;
	s0 =	simm.s32 @!p1 $0x0  }
0x14: {  	s2 =	sld [smem:$0x3F8D];
	s0 =	simm.s32 @p1 $0x1  }
0x15: {  	[smem:$0x3FAA] =	sst s0;
	s0 =	simm.s32 @!p2 $0x0  }
0x16: {  	s3 =	sld [smem:$0x3FDB];
	s0 =	simm.s32 @p2 $0x1  }
0x17: {  	s4 =	simm.s32 $0x1BF5;
	[smem:$0x3FAC] =	sst s0  }
0x18: {  	s0 =	sld [smem:$0x3F8F];
	_ =	swait.ge [sflag:s4], $0x0  }
0x19: {  	s7 =	sld [smem:$0x3F90]  }
0x1a: {  	s8 =	sadd.s32 $0xFFFFE003, lr  }
0x1b: {  	s9 =	sadd.s32 $0xFFFFFEF7, lr;
	s5 =	simm.s32 $0xFFFFFFFF;
	p2 =	slt.u32 s8, $0xFFFFF086  }
0x1c: {  	p1 =	slt.u32 s9, $0xF7A;
	s5 =	simm.s32 @!p2 $0x0  }
0x1d: {  	s5 =	simm.s32 @p1 $0x1;
	p0 =	seq.s32 s7, s2  }
0x1e: {  	s7 =	smul.u32 @!p0 $0xF7A, s2;
	p2 =	seq.s32 @!p0 s5, $0x0  }
0x1f: {  	s9 =	smul.u32 $0xF7A, s1;
	s8 =	simm.s32 @!p0 $0x1BF5;
	p2 =	por !p2, p0  }
0x20: {  	[sflag:s8] =	ssyncset.s32 @!p0 $0xFFFFF086;
	s6 =	sadd.s32 @!p0 s3, s7;
	s7 =	simm.s32 @!p0 $0x108  }
0x21: {  	s3 =	sadd.s32 s3, s9;
	s6 =	sadd.s32 @!p0 $0x88, s6;
	s7 =	simm.s32 @p2 $0x1082  }
0x22: {  	[simem:s7], [sflag:s8] =	dma.local @!p0 [hbm:s6], $0xF7A  }
0x23: {  	s9 =	sor.u32 $0xD0000000, s2;
	s6 =	simm.s32 $0x108;
	_ =	swait.ge @!p0 [sflag:s8], $0x0  }
0x24: {  	s3 =	sadd.s32 $0x88, s3;
	s6 =	simm.s32 @!p1 $0x1082;
	[sflag:s4] =	ssyncset.s32 $0xFFFFF086  }
0x25: {  	[simem:s6], [sflag:s4] =	dma.local [hbm:s3], $0xF7A  }
0x26: {  	[smem:$0x3F90] =	sst s1;
	(tag) =	ssettag s2;
	_ =	strace s9  }
0x27: {  	s1 =	sld [smem:$0x3FA0]  }
0x28: {  	s2 =	sld [smem:$0x3FA1]  }
0x29: {  	s4 =	sld [smem:$0x3FA3]  }
0x2a: {  	p0 =	seq.s32 s5, $0x0;
	s5 =	sld [smem:$0x3FA4]  }
0x2b: {  	s6 =	sld [smem:$0x3FA5]  }
0x2c: {  	s7 =	sld [smem:$0x3FA6]  }
0x2d: {  	s3 =	simm.s32 $0x108;
	s8 =	sld [smem:$0x3FA7]  }
0x2e: {  	s3 =	simm.s32 @!p0 $0x1082;
	s9 =	sld [smem:$0x3FA8]  }
0x2f: {  	lr =	sadd.s32 s0, s3;
	s0 =	sld [smem:$0x3F9F]  }
0x30: {  	s3 =	sld [smem:$0x3FA2]  }
0x31: {  	[smem:$0x3FAB] =	sst s10  }
0x32: {  	s10 =	sld [smem:$0x3FA9];
	_ =	sdelay $0x3  }
0x33: {  	p0 =	seq.s32 s10, $0x1;
	s10 =	sld [smem:$0x3FAB];
	_ =	sdelay $0x3  }
0x34: {  	[smem:$0x3FAB] =	sst s10  }
0x35: {  	s10 =	sld [smem:$0x3FAA];
	_ =	sdelay $0x3  }
0x36: {  	p1 =	seq.s32 s10, $0x1;
	s10 =	sld [smem:$0x3FAB];
	_ =	sdelay $0x3  }
0x37: {  	[smem:$0x3FAB] =	sst s10  }
0x38: {  	s10 =	sld [smem:$0x3FAC]  }
0x39: {  	_ = 	snop;
	(pc) =	sbr.ind lr, $3  }
0x3a: {  	_ = 	snop  }
0x3b: {  	_ = 	snop  }
0x3c: {  	p2 =	seq.s32 s10, $0x1;
	s10 =	sld [smem:$0x3FAB]  }
0x3d: {  	_ =	shalt  }
0x3e: {  	_ =	shalt  }
0x3f: {  	_ =	shalt  }
0x40: {  	_ =	shalt  }
0x41: {  	_ =	shalt  }
0x42: {  	_ =	shalt  }
0x43: {  	_ =	shalt  }
0x44: {  	_ =	shalt  }
0x45: {  	_ =	shalt  }
0x46: {  	_ =	shalt  }
0x47: {  	_ =	shalt  }
0x48: {  	_ =	shalt  }
0x49: {  	_ =	shalt  }
0x4a: {  	_ =	shalt  }
0x4b: {  	_ =	shalt  }
0x4c: {  	_ =	shalt  }
0x4d: {  	_ =	shalt  }
0x4e: {  	_ =	shalt  }
0x4f: {  	_ =	shalt  }
0x50: {  	_ =	shalt  }
0x51: {  	_ =	shalt  }
0x52: {  	_ =	shalt  }
0x53: {  	_ =	shalt  }
0x54: {  	_ =	shalt  }
0x55: {  	_ =	shalt  }
0x56: {  	_ =	shalt  }
0x57: {  	_ =	shalt  }
0x58: {  	_ =	shalt  }
0x59: {  	_ =	shalt  }
0x5a: {  	_ =	shalt  }
0x5b: {  	_ =	shalt  }
0x5c: {  	_ =	shalt  }
0x5d: {  	_ =	shalt  }
0x5e: {  	_ =	shalt  }
0x5f: {  	_ =	shalt  }
0x60: {  	_ =	shalt  }
0x61: {  	_ =	shalt  }
0x62: {  	_ =	shalt  }
0x63: {  	_ =	shalt  }
0x64: {  	_ =	shalt  }
0x65: {  	_ =	shalt  }
0x66: {  	_ =	shalt  }
0x67: {  	_ =	shalt  }
0x68: {  	_ =	shalt  }
0x69: {  	_ =	shalt  }
0x6a: {  	_ =	shalt  }
0x6b: {  	_ =	shalt  }
0x6c: {  	_ =	shalt  }
0x6d: {  	_ =	shalt  }
0x6e: {  	_ =	shalt  }
0x6f: {  	_ =	shalt  }
0x70: {  	_ =	shalt  }
0x71: {  	_ =	shalt  }
0x72: {  	_ =	shalt  }
0x73: {  	_ =	shalt  }
0x74: {  	_ =	shalt  }
0x75: {  	_ =	shalt  }
0x76: {  	_ =	shalt  }
0x77: {  	_ =	shalt  }
0x78: {  	_ =	shalt  }
0x79: {  	_ =	shalt  }
0x7a: {  	_ =	shalt  }
0x7b: {  	_ =	shalt  }
0x7c: {  	_ =	shalt  }
0x7d: {  	_ =	shalt  }
0x7e: {  	_ =	shalt  }
0x7f: {  	_ =	shalt  }
0x80: {  	_ =	shalt  }
0x81: {  	_ =	shalt  }
0x82: {  	_ =	shalt  }
0x83: {  	_ =	shalt  }
0x84: {  	_ =	shalt  }
0x85: {  	_ =	shalt  }
0x86: {  	_ =	shalt  }
0x87: {  	_ =	shalt  }
.Lfunc_end0:
.L_simem_size_0:
called_computation_lowered:
.L_overlay_start_0:
0x88: {  	s2 =	sld [smem:$0x3FD9]  }
0x89: {  	s3 =	sld [smem:$0x3FFE];
	_ =	sdelay $0x1  }
0x8a: {  	s1 =	srdreg.scid  }
0x8b: {  	s0 =	sand.u32 $0x1, s1  }
0x8c: {  	s17 =	sshll.u32 s0, $0xA;
	s2 =	sadd.s32 s3, s2  }
0x8d: {  	s2 =	sadd.s32 s2, s17  }
0x8e: {  	[smem:$0x3FB7] =	sst s2  }
0x8f: {  	_ = 	snop  }
0x90: {  	s2 =	sld [smem:$0x3FD0];
	(tm) =	ssettm $0x1  }
0x91: {  	s18 =	sld [smem:$0x3FFB];
	_ =	sdelay $0x3  }
0x92: {  	_ =	strace s18  }
0x93: {  	s3 =	sld [smem:$0x3FFC];
	_ =	sdelay $0x3  }
0x94: {  	_ =	strace s3  }
0x95: {  	s3 =	sld [smem:$0x3FFD];
	_ =	sdelay $0x3  }
0x96: {  	_ =	strace s3  }
0x97: {  	_ =	strace $0x8FFFFFFF  }
0x98: {  	s19 =	sld [smem:$0x3FDB];
	_ =	sdelay $0x1  }
0x99: {  	s4 =	simm.s32 $_scs_section_size  }
0x9a: {  	s5 =	simm.s32 $_size__tile_overlayer_lowered;
	s6 =	simm.s32 $_tile_overlayer_lowered  }
0x9b: {  	s22 =	simm.s32 $0x1BFF;
	s21 =	sshll.u32 s6, $0x1;
	s3 =	sadd.s32 s4, s19  }
0x9c: {  	s7 =	simm.s32 $0x0;
	s20 =	sshll.u32 s5, $0x1;
	s5 =	sadd.s32 s21, s3  }
0x9d: {  	[timem:s7], [sflag:s22] =	dma.local [hbm:s5], s20  }
0x9e: {  	_ =	swait.ge [sflag:s22], s20  }
0x9f: {  	s4 =	ssub.s32 $0x0, s20;
	[sflag:s22] =	ssyncset.done $0x0  }
0xa0: {  	[sflag:s22] =	ssyncadd.s32 s4;
	_ =	sdelay $0x1  }
0xa1: {  	s23 =	simm.s32 $0x1B8B  }
0xa2: {  	_ =	swait.ge [sflag:s23], $0x1  }
0xa3: {  	[sflag:s23] =	ssyncset.done $0x0  }
0xa4: {  	s25 =	simm.s32 $0x1B8E;
	s24 =	sld [smem:$0x3FFE];
	[sflag:s23] =	ssyncadd.s32 $0xFFFFFFFF  }
0xa5: {  	s26 =	simm.s32 $execute0_lowered;
	[smem:$0x3FD2] =	sst s25  }
0xa6: {  	s5 =	sshll.u32 s26, $0x1;
	_ =	strace $0x80000046;
	[dreg:$0x1] =	wrdreg $0xFFFFFFFF  }
0xa7: {  	s28 =	simm.s32 $_size_execute0_lowered;
	s3 =	sadd.s32 s3, s5;
	[dreg:$0x0] =	wrdreg $0x0  }
0xa8: {  	s5 =	sshll.u32 s28, $0x1;
	[dreg:$0x2] =	wrdreg s3  }
0xa9: {  	[dreg:$0x3] =	wrdreg s5  }
0xaa: {  	[dreg:$0x4] =	wrdreg $0xC0  }
0xab: {  	_ =	task [dreg:s7], $0x5FFFF  }
0xac: {  	[dreg:$0x1] =	wrdreg $0xFFFFFFFF  }
0xad: {  	[dreg:$0x0] =	wrdreg $0x60  }
0xae: {  	[dreg:$0x2] =	wrdreg s2  }
0xaf: {  	[dreg:$0x3] =	wrdreg s24  }
0xb0: {  	[dreg:$0x4] =	wrdreg $0x70800  }
0xb1: {  	[dreg:$0x5] =	wrdreg $0x9  }
0xb2: {  	_ =	task.clear_ibuf [dreg:s7], $0x6FFFF;
	_ =	strace $0x90000046  }
0xb3: {  	s29 =	simm.s32 $0x9;
	_ =	strace $0x80000048  }
0xb4: {  	_ =	swait.ge [sflag:s29], $0x1  }
0xb5: {  	[sflag:s29] =	ssyncadd.s32 $0xFFFFFFFF  }
0xb6: {  	_ =	strace $0x90000048  }
0xb7: {  	_ =	sfence  }
0xb8: {  	s30 =	sld [smem:$0x0];
	_ =	sdelay $0x2  }
0xb9: {  	s31 =	sshll.u32 s1, $0xD;
	s1 =	sshrl.u32 s1, $0x2  }
0xba: {  	s3 =	sand.u32 $0x4000, s31;
	s1 =	sadd.s32 s1, s30  }
0xbb: {  	s0 =	sor.u32 s3, s0;
	s1 =	sshll.u32 s1, $0x11  }
0xbc: {  	s0 =	sor.u32 s1, s0  }
0xbd: {  	s0 =	sadd.s32 $0x8F2B, s0  }
0xbe: {  	[sflag:s0] =	ssyncadd.remote.s32 $0x1  }
0xbf: {  	_ =	sfence.sel $0xFFFF  }
0xc0: {  	[dreg:$0x0] =	wrdreg $0xFFFFFFFF;
	(pc) =	sbr.abs _section_cstart, $3  }
0xc1: {  	[dreg:$0x1] =	wrdreg $0xFFFFFFFF  }
0xc2: {  	_ =	task.clear_ibuf [dreg:s7], $0x2FFFF;
	_ =	strace $0x9FFFFFFF  }
0xc3: {  	(tm) =	ssettm $0x7FFFFFFF  }
tec
execute0_lowered:
.L_overlay_start_1:
0x0: {  	(tag) =	ssettag $0x1  }
0x1: {  	s1 =	rddreg [dreg:$0x0]  }
0x2: {  	s0 =	rddreg [dreg:$0x1]  }
0x3: {  	s2 =	rddreg [dreg:$0x2]  }
0x4: {  	s3 =	simm.s32 $0x0;
	s9 =	stileid.u32;
	s8 =	srdreg.scid  }
0x5: {  	s21 =	simm.s32 $0x3;
	s22 =	simm.s32 $0x320;
	s23 =	simm.s32 $0xC80  }
0x6: {  	s24 =	simm.s32 $0x640;
	s25 =	simm.s32 $0x960;
	s28 =	simm.s32 $0x1  }
0x7: {  	s29 =	simm.s32 $0x2;
	s30 =	simm.s32 $0x0;
	[smem:$0x7FF] =	sst s3  }
0x8: {  	s5 =	sadd.s32 $0x67400, s0;
	s6 =	sadd.s32 $0x36600, s0;
	s7 =	sadd.s32 $0x5800, s0  }
0x9: {  	s4 =	smul.u32 $0x18700, s9;
	s19 =	sadd.s32 $0xC9000, s0;
	s18 =	sadd.s32 $0x98200, s0  }
0xa: {  	s11 =	sand.u32 $0x1, s8;
	s13 =	smul.u32 $0x186A0, s9;
	s10 =	sadd.s32 $0x18C800, s0  }
0xb: {  	s17 =	sshll.u32 s9, $0x6;
	s20 =	smul.u32 $0x30D4, s9;
	_ =	strace $0x80000047  }
0xc: {  	s12 =	ssub.s32 $0x2, s11;
	[dreg:$0x4] =	wrdreg s10;
	p0 =	seq.s32 s11, $0x1  }
0xd: {  	s17 =	sor.u32 $0x1C03, s17;
	s8 =	sshrl.u32 s4, $0x3;
	s14 =	sshrl.u32 s12, $0x1  }
0xe: {  	s31 =	sshrl.u32 s13, $0x3;
	s4 =	sadd.s32 s4, s2;
	s15 =	sadd.s32 s8, s0  }
.Ltmp0:
0xf: {  	s0 =	sadd.s32 $0x12AC00, s0;
	s26 =	ssub.s32 s12, s14;
	(pc) =	sbr.rel .LBB2_1-.Ltmp0, $4  }
0x10: {  	s13 =	sadd.s32 $0x3070, s31;
	[dreg:$0x5] =	wrdreg s0;
	s11 =	sadd.s32 $0xF9E00, s15  }
0x11: {  	s12 =	sadd.s32 s19, s13;
	s13 =	sadd.s32 s18, s13;
	s14 =	sadd.s32 $0x1BD600, s15  }
0x12: {  	s15 =	sadd.s32 $0x15BA00, s15;
	s16 =	smax.u32 s26, $0x1;
	s18 =	sadd.s32 s20, s18  }
0x13: {  	s19 =	sadd.s32 s20, s19;
	s20 =	sshrl.u32 s4, $0x3;
	s26 =	simm.s32 $0x3E80  }
.LBB2_11:
0x14: {  	s0 =	sadd.s32 s31, s19;
	[sflag:s21] =	ssyncadd.s32 $0xFFFFCE00  }
0x15: {  	[tilespmem:s3], [sflag:$0x3] =	stream.linear.gather [hbm4b:s0+s3], $0x320, $0x38;
	[tilespmem:$0x1F780] =	vst v63  }
0x16: {  	_ =	swait.ge [sflag:s21], $0x320  }
0x17: {  	[sflag:s21] =	ssyncset.done $0x0  }
0x18: {  	s4 =	sadd.s32 s31, s18;
	[sflag:s21] =	ssyncadd.s32 $0xFFFFFCE0  }
0x19: {  	[tilespmem:s22], [sflag:$0x3] =	stream.linear.gather [hbm4b:s4+s3], $0x320, $0x38;
	[tilespmem:$0x1F780] =	vst v63  }
0x1a: {  	_ =	swait.ge [sflag:s21], $0x320  }
0x1b: {  	[sflag:s21] =	ssyncset.done $0x0  }
0x1c: {  	[sflag:s21] =	ssyncadd.s32 $0xFFFFFCE0  }
0x1d: {  	[tilespmem:s23], [sflag:$0x1] =	stream.indirect.gather [hbm4b:s7+s22], $0x10, s3, s22, $0xb8;
	[tilespmem:$0x1F780] =	vst v63  }
0x1e: {  	s0 =	sadd.s32 $0x64, s0  }
0x1f: {  	[tilespmem:s24], [sflag:$0x3] =	stream.linear.gather [hbm4b:s0+s3], $0x320, $0x38;
	[tilespmem:$0x1F780] =	vst v63  }
0x20: {  	_ =	swait.ge [sflag:s21], $0x320  }
0x21: {  	[sflag:s21] =	ssyncset.done $0x0  }
0x22: {  	s10 =	sadd.s32 $0x64, s4;
	[sflag:s21] =	ssyncadd.s32 $0xFFFFFCE0  }
0x23: {  	[tilespmem:s25], [sflag:$0x3] =	stream.linear.gather [hbm4b:s10+s3], $0x320, $0x38;
	[tilespmem:$0x1F780] =	vst v63  }
0x24: {  	_ =	swait.ge [sflag:s21], $0x320  }
0x25: {  	[sflag:s21] =	ssyncset.done $0x0  }
0x26: {  	[sflag:s21] =	ssyncadd.s32 $0xFFFFFCE0  }
0x27: {  	[tilespmem:s26], [sflag:$0x2] =	stream.indirect.gather [hbm4b:s7+s22], $0x10, s24, s22, $0xb8;
	[tilespmem:$0x1F780] =	vst v63  }
0x28: {  	_ =	swait.ge [sflag:s28], $0x3200  }
0x29: {  	[sflag:s28] =	ssyncset.done $0x0  }
0x2a: {  	[sflag:s28] =	ssyncadd.s32 $0xFFFFCE00  }
0x2b: {  	[spmem:s2] =	stream.indirect.scatter.add.f32 [tilespmem:s23], [sflag:$0x3], $0x10, s22, s22, $0xb8;
	[tilespmem:$0x1F780] =	vst v63  }
0x2c: {  	_ =	swait.ge [sflag:s21], $0x3200  }
0x2d: {  	[sflag:s21] =	ssyncset.done $0x0  }
0x2e: {  	[sflag:s21] =	ssyncadd.s32 $0xFFFFCE00  }
0x2f: {  	_ =	swait.ge [sflag:s29], $0x3200  }
0x30: {  	[sflag:s29] =	ssyncset.done $0x0  }
0x31: {  	[sflag:s29] =	ssyncadd.s32 $0xFFFFCE00  }
0x32: {  	[spmem:s2] =	stream.indirect.scatter.add.f32 [tilespmem:s26], [sflag:$0x3], $0x10, s25, s22, $0xb8;
	[tilespmem:$0x1F780] =	vst v63  }
0x33: {  	_ =	swait.ge [sflag:s21], $0x3200  }
0x34: {  	[sflag:s21] =	ssyncset.done $0x0  }
0x35: {  	s31 =	smov.u32 s7;
	s0 =	rddreg [dreg:$0x5];
	[sflag:s21] =	ssyncadd.s32 $0xFFFFCE00  }
.LBB2_12:
0x36: {  	[tilespmem:s3], [sflag:$0x3] =	stream.linear.gather [hbm4b:s12+s3], $0x320, $0x38;
	[tilespmem:$0x1F780] =	vst v63  }
0x37: {  	_ =	swait.ge [sflag:s21], $0x320  }
0x38: {  	[sflag:s21] =	ssyncset.done $0x0  }
0x39: {  	[sflag:s21] =	ssyncadd.s32 $0xFFFFFCE0  }
0x3a: {  	[tilespmem:s22], [sflag:$0x3] =	stream.linear.gather [hbm4b:s13+s3], $0x320, $0x38;
	[tilespmem:$0x1F780] =	vst v63  }
0x3b: {  	_ =	swait.ge [sflag:s21], $0x320  }
0x3c: {  	[sflag:s21] =	ssyncset.done $0x0  }
0x3d: {  	[sflag:s21] =	ssyncadd.s32 $0xFFFFFCE0  }
0x3e: {  	[tilespmem:s23], [sflag:$0x1] =	stream.indirect.gather [hbm4b:s31+s22], $0x10, s3, s22, $0xb8;
	[tilespmem:$0x1F780] =	vst v63  }
0x3f: {  	_ =	swait.ge [sflag:s28], $0x3200  }
0x40: {  	[sflag:s28] =	ssyncset.done $0x0  }
0x41: {  	[sflag:s28] =	ssyncadd.s32 $0xFFFFCE00  }
0x42: {  	[spmem:s2] =	stream.indirect.scatter.add.f32 [tilespmem:s23], [sflag:$0x3], $0x10, s22, s22, $0xb8;
	[tilespmem:$0x1F780] =	vst v63  }
0x43: {  	_ =	swait.ge [sflag:s21], $0x3200  }
0x44: {  	s30 =	sadd.s32 $0x1, s30;
	[sflag:s21] =	ssyncset.done $0x0  }
0x45: {  	p1 =	sne.s32 s30, s16;
	[sflag:s21] =	ssyncadd.s32 $0xFFFFCE00  }
.Ltmp1:
0x46: {  	s0 =	sadd.s32 s0, s8;
	[bflag:$0x0] =	sbarrier.arrive $0xFFFF;
	(pc) =	sbr.rel @!p1 .LBB2_13-.Ltmp1, $4  }
0x47: {  	[hbm:s0], [sflag:s17] =	dma.local [spmem:s20], $0x30E0  }
0x48: {  	_ =	swait.ge [sflag:s21], $0x30E0  }
0x49: {  	[sflag:s21] =	ssyncset.done $0x0  }
0x4a: {  	[sflag:s21] =	ssyncadd.s32 $0xFFFFCF20  }
.LBB2_1:
0x4b: {  	[spmem:s20], [sflag:s17] =	dma.local [hbm:s11], $0x30E0  }
.Ltmp2:
0x4c: {  	_ =	swait.ge [sflag:s21], $0x30E0;
	(pc) =	sbr.rel @!p0 .LBB2_2-.Ltmp2, $4  }
0x4d: {  	[sflag:s21] =	ssyncset.done $0x0  }
0x4e: {  	[sflag:s21] =	ssyncadd.s32 $0xFFFFCF20  }
0x4f: {  	[bflag:$0x0] =	sbarrier.arrive $0xFFFF  }
0x50: {  	s0 =	sadd.s32 $0x0, s19  }
0x51: {  	[tilespmem:s3], [sflag:$0x3] =	stream.linear.gather [hbm4b:s0+s3], $0x320, $0x38;
	[tilespmem:$0x1F780] =	vst v63  }
0x52: {  	_ =	swait.ge [sflag:s21], $0x320  }
0x53: {  	[sflag:s21] =	ssyncset.done $0x0  }
0x54: {  	s4 =	sadd.s32 $0x0, s18;
	[sflag:s21] =	ssyncadd.s32 $0xFFFFFCE0  }
0x55: {  	[tilespmem:s22], [sflag:$0x3] =	stream.linear.gather [hbm4b:s4+s3], $0x320, $0x38;
	[tilespmem:$0x1F780] =	vst v63  }
0x56: {  	_ =	swait.ge [sflag:s21], $0x320  }
0x57: {  	[sflag:s21] =	ssyncset.done $0x0  }
0x58: {  	[sflag:s21] =	ssyncadd.s32 $0xFFFFFCE0  }
0x59: {  	[tilespmem:s23], [sflag:$0x1] =	stream.indirect.gather [hbm4b:s6+s22], $0x10, s3, s22, $0xb8;
	[tilespmem:$0x1F780] =	vst v63  }
0x5a: {  	s9 =	sadd.s32 $0x64, s0  }
0x5b: {  	[tilespmem:s24], [sflag:$0x3] =	stream.linear.gather [hbm4b:s9+s3], $0x320, $0x38;
	[tilespmem:$0x1F780] =	vst v63  }
0x5c: {  	_ =	swait.ge [sflag:s21], $0x320  }
0x5d: {  	[sflag:s21] =	ssyncset.done $0x0  }
0x5e: {  	s10 =	sadd.s32 $0x64, s4;
	[sflag:s21] =	ssyncadd.s32 $0xFFFFFCE0  }
0x5f: {  	[tilespmem:s25], [sflag:$0x3] =	stream.linear.gather [hbm4b:s10+s3], $0x320, $0x38;
	[tilespmem:$0x1F780] =	vst v63  }
0x60: {  	_ =	swait.ge [sflag:s21], $0x320  }
0x61: {  	[sflag:s21] =	ssyncset.done $0x0  }
0x62: {  	[sflag:s21] =	ssyncadd.s32 $0xFFFFFCE0  }
0x63: {  	[tilespmem:s26], [sflag:$0x2] =	stream.indirect.gather [hbm4b:s6+s22], $0x10, s24, s22, $0xb8;
	[tilespmem:$0x1F780] =	vst v63  }
0x64: {  	_ =	swait.ge [sflag:s28], $0x3200  }
0x65: {  	[sflag:s28] =	ssyncset.done $0x0  }
0x66: {  	[sflag:s28] =	ssyncadd.s32 $0xFFFFCE00  }
0x67: {  	[spmem:s2] =	stream.indirect.scatter.add.f32 [tilespmem:s23], [sflag:$0x3], $0x10, s22, s22, $0xb8;
	[tilespmem:$0x1F780] =	vst v63  }
0x68: {  	_ =	swait.ge [sflag:s21], $0x3200  }
0x69: {  	[sflag:s21] =	ssyncset.done $0x0  }
0x6a: {  	[sflag:s21] =	ssyncadd.s32 $0xFFFFCE00  }
0x6b: {  	_ =	swait.ge [sflag:s29], $0x3200  }
0x6c: {  	[sflag:s29] =	ssyncset.done $0x0  }
0x6d: {  	[sflag:s29] =	ssyncadd.s32 $0xFFFFCE00  }
0x6e: {  	[spmem:s2] =	stream.indirect.scatter.add.f32 [tilespmem:s26], [sflag:$0x3], $0x10, s25, s22, $0xb8;
	[tilespmem:$0x1F780] =	vst v63  }
0x6f: {  	_ =	swait.ge [sflag:s21], $0x3200  }
0x70: {  	s31 =	simm.s32 $0xC8;
	s4 =	simm.s32 $0x190;
	[sflag:s21] =	ssyncset.done $0x0  }
.LBB2_8:
0x71: {  	s9 =	sadd.s32 s31, s19  }
0x72: {  	[sflag:s21] =	ssyncadd.s32 $0xFFFFCE00;
	s10 =	smov.u32 s4;
	s0 =	sadd.s32 $0xC8, s4  }
0x73: {  	[tilespmem:s3], [sflag:$0x3] =	stream.linear.gather [hbm4b:s9+s3], $0x320, $0x38;
	[tilespmem:$0x1F780] =	vst v63  }
0x74: {  	p1 =	sne.s32 s4, $0x2FA8;
	_ =	swait.ge [sflag:s21], $0x320  }
0x75: {  	[sflag:s21] =	ssyncset.done $0x0  }
0x76: {  	s4 =	sadd.s32 s31, s18;
	s31 =	smov.u32 s10;
	[sflag:s21] =	ssyncadd.s32 $0xFFFFFCE0  }
0x77: {  	[tilespmem:s22], [sflag:$0x3] =	stream.linear.gather [hbm4b:s4+s3], $0x320, $0x38;
	[tilespmem:$0x1F780] =	vst v63  }
0x78: {  	_ =	swait.ge [sflag:s21], $0x320  }
0x79: {  	[sflag:s21] =	ssyncset.done $0x0  }
0x7a: {  	[sflag:s21] =	ssyncadd.s32 $0xFFFFFCE0  }
0x7b: {  	[tilespmem:s23], [sflag:$0x1] =	stream.indirect.gather [hbm4b:s6+s22], $0x10, s3, s22, $0xb8;
	[tilespmem:$0x1F780] =	vst v63  }
0x7c: {  	s9 =	sadd.s32 $0x64, s9  }
0x7d: {  	[tilespmem:s24], [sflag:$0x3] =	stream.linear.gather [hbm4b:s9+s3], $0x320, $0x38;
	[tilespmem:$0x1F780] =	vst v63  }
0x7e: {  	_ =	swait.ge [sflag:s21], $0x320  }
0x7f: {  	[sflag:s21] =	ssyncset.done $0x0  }
0x80: {  	s4 =	sadd.s32 $0x64, s4;
	[sflag:s21] =	ssyncadd.s32 $0xFFFFFCE0  }
0x81: {  	[tilespmem:s25], [sflag:$0x3] =	stream.linear.gather [hbm4b:s4+s3], $0x320, $0x38;
	[tilespmem:$0x1F780] =	vst v63  }
0x82: {  	_ =	swait.ge [sflag:s21], $0x320  }
0x83: {  	[sflag:s21] =	ssyncset.done $0x0  }
0x84: {  	[sflag:s21] =	ssyncadd.s32 $0xFFFFFCE0  }
0x85: {  	[tilespmem:s26], [sflag:$0x2] =	stream.indirect.gather [hbm4b:s6+s22], $0x10, s24, s22, $0xb8;
	[tilespmem:$0x1F780] =	vst v63  }
0x86: {  	_ =	swait.ge [sflag:s28], $0x3200  }
0x87: {  	[sflag:s28] =	ssyncset.done $0x0  }
0x88: {  	[sflag:s28] =	ssyncadd.s32 $0xFFFFCE00  }
0x89: {  	[spmem:s2] =	stream.indirect.scatter.add.f32 [tilespmem:s23], [sflag:$0x3], $0x10, s22, s22, $0xb8;
	[tilespmem:$0x1F780] =	vst v63  }
0x8a: {  	_ =	swait.ge [sflag:s21], $0x3200  }
0x8b: {  	[sflag:s21] =	ssyncset.done $0x0  }
0x8c: {  	[sflag:s21] =	ssyncadd.s32 $0xFFFFCE00  }
0x8d: {  	_ =	swait.ge [sflag:s29], $0x3200  }
.Ltmp3:
0x8e: {  	[sflag:s29] =	ssyncset.done $0x0;
	(pc) =	sbr.rel @p1 .LBB2_8-.Ltmp3, $4  }
0x8f: {  	[sflag:s29] =	ssyncadd.s32 $0xFFFFCE00  }
0x90: {  	[spmem:s2] =	stream.indirect.scatter.add.f32 [tilespmem:s26], [sflag:$0x3], $0x10, s25, s22, $0xb8;
	[tilespmem:$0x1F780] =	vst v63  }
0x91: {  	_ =	swait.ge [sflag:s21], $0x3200  }
0x92: {  	s4 =	smov.u32 s0;
	[sflag:s21] =	ssyncset.done $0x0  }
0x93: {  	s0 =	sadd.s32 s31, s19;
	[sflag:s21] =	ssyncadd.s32 $0xFFFFCE00  }
0x94: {  	[tilespmem:s3], [sflag:$0x3] =	stream.linear.gather [hbm4b:s0+s3], $0x320, $0x38;
	[tilespmem:$0x1F780] =	vst v63  }
0x95: {  	_ =	swait.ge [sflag:s21], $0x320  }
0x96: {  	[sflag:s21] =	ssyncset.done $0x0  }
0x97: {  	s4 =	sadd.s32 s31, s18;
	[sflag:s21] =	ssyncadd.s32 $0xFFFFFCE0  }
0x98: {  	[tilespmem:s22], [sflag:$0x3] =	stream.linear.gather [hbm4b:s4+s3], $0x320, $0x38;
	[tilespmem:$0x1F780] =	vst v63  }
0x99: {  	_ =	swait.ge [sflag:s21], $0x320  }
0x9a: {  	[sflag:s21] =	ssyncset.done $0x0  }
0x9b: {  	[sflag:s21] =	ssyncadd.s32 $0xFFFFFCE0  }
0x9c: {  	[tilespmem:s23], [sflag:$0x1] =	stream.indirect.gather [hbm4b:s6+s22], $0x10, s3, s22, $0xb8;
	[tilespmem:$0x1F780] =	vst v63  }
0x9d: {  	s0 =	sadd.s32 $0x64, s0  }
0x9e: {  	[tilespmem:s24], [sflag:$0x3] =	stream.linear.gather [hbm4b:s0+s3], $0x320, $0x38;
	[tilespmem:$0x1F780] =	vst v63  }
0x9f: {  	_ =	swait.ge [sflag:s21], $0x320  }
0xa0: {  	[sflag:s21] =	ssyncset.done $0x0  }
0xa1: {  	s9 =	sadd.s32 $0x64, s4;
	[sflag:s21] =	ssyncadd.s32 $0xFFFFFCE0  }
0xa2: {  	[tilespmem:s25], [sflag:$0x3] =	stream.linear.gather [hbm4b:s9+s3], $0x320, $0x38;
	[tilespmem:$0x1F780] =	vst v63  }
0xa3: {  	_ =	swait.ge [sflag:s21], $0x320  }
0xa4: {  	[sflag:s21] =	ssyncset.done $0x0  }
0xa5: {  	[sflag:s21] =	ssyncadd.s32 $0xFFFFFCE0  }
0xa6: {  	[tilespmem:s26], [sflag:$0x2] =	stream.indirect.gather [hbm4b:s6+s22], $0x10, s24, s22, $0xb8;
	[tilespmem:$0x1F780] =	vst v63  }
0xa7: {  	_ =	swait.ge [sflag:s28], $0x3200  }
0xa8: {  	[sflag:s28] =	ssyncset.done $0x0  }
0xa9: {  	[sflag:s28] =	ssyncadd.s32 $0xFFFFCE00  }
0xaa: {  	[spmem:s2] =	stream.indirect.scatter.add.f32 [tilespmem:s23], [sflag:$0x3], $0x10, s22, s22, $0xb8;
	[tilespmem:$0x1F780] =	vst v63  }
0xab: {  	_ =	swait.ge [sflag:s21], $0x3200  }
0xac: {  	[sflag:s21] =	ssyncset.done $0x0  }
0xad: {  	[sflag:s21] =	ssyncadd.s32 $0xFFFFCE00  }
0xae: {  	_ =	swait.ge [sflag:s29], $0x3200  }
0xaf: {  	[sflag:s29] =	ssyncset.done $0x0  }
0xb0: {  	[sflag:s29] =	ssyncadd.s32 $0xFFFFCE00  }
0xb1: {  	[spmem:s2] =	stream.indirect.scatter.add.f32 [tilespmem:s26], [sflag:$0x3], $0x10, s25, s22, $0xb8;
	[tilespmem:$0x1F780] =	vst v63  }
0xb2: {  	_ =	swait.ge [sflag:s21], $0x3200  }
0xb3: {  	[sflag:s21] =	ssyncset.done $0x0  }
0xb4: {  	s10 =	simm.s32 $0x0;
	[sflag:s21] =	ssyncadd.s32 $0xFFFFCE00  }
0xb5: {  	[tilespmem:s10], [sflag:$0x3] =	stream.linear.gather [hbm4b:s12+s10], $0x320, $0x38;
	[tilespmem:$0x1F780] =	vst v63  }
0xb6: {  	_ =	swait.ge [sflag:s21], $0x320  }
0xb7: {  	[sflag:s21] =	ssyncset.done $0x0  }
0xb8: {  	[sflag:s21] =	ssyncadd.s32 $0xFFFFFCE0  }
0xb9: {  	[tilespmem:s22], [sflag:$0x3] =	stream.linear.gather [hbm4b:s13+s10], $0x320, $0x38;
	[tilespmem:$0x1F780] =	vst v63  }
0xba: {  	_ =	swait.ge [sflag:s21], $0x320  }
0xbb: {  	[sflag:s21] =	ssyncset.done $0x0  }
0xbc: {  	[sflag:s21] =	ssyncadd.s32 $0xFFFFFCE0  }
0xbd: {  	[tilespmem:s23], [sflag:$0x1] =	stream.indirect.gather [hbm4b:s6+s22], $0x10, s10, s22, $0xb8;
	[tilespmem:$0x1F780] =	vst v63  }
0xbe: {  	_ =	swait.ge [sflag:s28], $0x3200  }
0xbf: {  	[sflag:s28] =	ssyncset.done $0x0  }
0xc0: {  	[sflag:s28] =	ssyncadd.s32 $0xFFFFCE00  }
0xc1: {  	[spmem:s2] =	stream.indirect.scatter.add.f32 [tilespmem:s23], [sflag:$0x3], $0x10, s22, s22, $0xb8;
	[tilespmem:$0x1F780] =	vst v63  }
0xc2: {  	_ =	swait.ge [sflag:s21], $0x3200  }
0xc3: {  	[sflag:s21] =	ssyncset.done $0x0  }
0xc4: {  	[sflag:s21] =	ssyncadd.s32 $0xFFFFCE00  }
0xc5: {  	[bflag:$0x0] =	sbarrier.arrive $0xFFFF  }
0xc6: {  	[hbm:s15], [sflag:s17] =	dma.local [spmem:s20], $0x30E0  }
0xc7: {  	_ =	swait.ge [sflag:s21], $0x30E0  }
0xc8: {  	[sflag:s21] =	ssyncset.done $0x0  }
0xc9: {  	[sflag:s21] =	ssyncadd.s32 $0xFFFFCF20  }
0xca: {  	[spmem:s20], [sflag:s17] =	dma.local [hbm:s11], $0x30E0  }
0xcb: {  	_ =	swait.ge [sflag:s21], $0x30E0  }
0xcc: {  	[sflag:s21] =	ssyncset.done $0x0  }
0xcd: {  	[sflag:s21] =	ssyncadd.s32 $0xFFFFCF20  }
0xce: {  	s4 =	sadd.s32 $0x0, s19;
	[bflag:$0x0] =	sbarrier.arrive $0xFFFF  }
0xcf: {  	[tilespmem:s3], [sflag:$0x3] =	stream.linear.gather [hbm4b:s4+s3], $0x320, $0x38;
	[tilespmem:$0x1F780] =	vst v63  }
0xd0: {  	_ =	swait.ge [sflag:s21], $0x320  }
0xd1: {  	[sflag:s21] =	ssyncset.done $0x0  }
0xd2: {  	s9 =	sadd.s32 $0x0, s18;
	[sflag:s21] =	ssyncadd.s32 $0xFFFFFCE0  }
0xd3: {  	[tilespmem:s22], [sflag:$0x3] =	stream.linear.gather [hbm4b:s9+s3], $0x320, $0x38;
	[tilespmem:$0x1F780] =	vst v63  }
0xd4: {  	_ =	swait.ge [sflag:s21], $0x320  }
0xd5: {  	[sflag:s21] =	ssyncset.done $0x0  }
0xd6: {  	[sflag:s21] =	ssyncadd.s32 $0xFFFFFCE0  }
0xd7: {  	[tilespmem:s23], [sflag:$0x1] =	stream.indirect.gather [hbm4b:s7+s22], $0x10, s3, s22, $0xb8;
	[tilespmem:$0x1F780] =	vst v63  }
0xd8: {  	s0 =	sadd.s32 $0x64, s4  }
0xd9: {  	[tilespmem:s24], [sflag:$0x3] =	stream.linear.gather [hbm4b:s0+s3], $0x320, $0x38;
	[tilespmem:$0x1F780] =	vst v63  }
0xda: {  	_ =	swait.ge [sflag:s21], $0x320  }
0xdb: {  	[sflag:s21] =	ssyncset.done $0x0  }
0xdc: {  	s10 =	sadd.s32 $0x64, s9;
	[sflag:s21] =	ssyncadd.s32 $0xFFFFFCE0  }
0xdd: {  	[tilespmem:s25], [sflag:$0x3] =	stream.linear.gather [hbm4b:s10+s3], $0x320, $0x38;
	[tilespmem:$0x1F780] =	vst v63  }
0xde: {  	_ =	swait.ge [sflag:s21], $0x320  }
0xdf: {  	[sflag:s21] =	ssyncset.done $0x0  }
0xe0: {  	[sflag:s21] =	ssyncadd.s32 $0xFFFFFCE0  }
0xe1: {  	[tilespmem:s26], [sflag:$0x2] =	stream.indirect.gather [hbm4b:s7+s22], $0x10, s24, s22, $0xb8;
	[tilespmem:$0x1F780] =	vst v63  }
0xe2: {  	_ =	swait.ge [sflag:s28], $0x3200  }
0xe3: {  	[sflag:s28] =	ssyncset.done $0x0  }
0xe4: {  	[sflag:s28] =	ssyncadd.s32 $0xFFFFCE00  }
0xe5: {  	[spmem:s2] =	stream.indirect.scatter.add.f32 [tilespmem:s23], [sflag:$0x3], $0x10, s22, s22, $0xb8;
	[tilespmem:$0x1F780] =	vst v63  }
0xe6: {  	_ =	swait.ge [sflag:s21], $0x3200  }
0xe7: {  	[sflag:s21] =	ssyncset.done $0x0  }
0xe8: {  	[sflag:s21] =	ssyncadd.s32 $0xFFFFCE00  }
0xe9: {  	_ =	swait.ge [sflag:s29], $0x3200  }
0xea: {  	[sflag:s29] =	ssyncset.done $0x0  }
0xeb: {  	[sflag:s29] =	ssyncadd.s32 $0xFFFFCE00  }
0xec: {  	[spmem:s2] =	stream.indirect.scatter.add.f32 [tilespmem:s26], [sflag:$0x3], $0x10, s25, s22, $0xb8;
	[tilespmem:$0x1F780] =	vst v63  }
0xed: {  	_ =	swait.ge [sflag:s21], $0x3200  }
0xee: {  	s31 =	simm.s32 $0xC8;
	s4 =	simm.s32 $0x190;
	[sflag:s21] =	ssyncset.done $0x0  }
.LBB2_10:
0xef: {  	s9 =	sadd.s32 s31, s19  }
0xf0: {  	[sflag:s21] =	ssyncadd.s32 $0xFFFFCE00;
	s10 =	smov.u32 s4;
	s0 =	sadd.s32 $0xC8, s4  }
0xf1: {  	[tilespmem:s3], [sflag:$0x3] =	stream.linear.gather [hbm4b:s9+s3], $0x320, $0x38;
	[tilespmem:$0x1F780] =	vst v63  }
0xf2: {  	p1 =	sne.s32 s4, $0x2FA8;
	_ =	swait.ge [sflag:s21], $0x320  }
0xf3: {  	[sflag:s21] =	ssyncset.done $0x0  }
0xf4: {  	s4 =	sadd.s32 s31, s18;
	s31 =	smov.u32 s10;
	[sflag:s21] =	ssyncadd.s32 $0xFFFFFCE0  }
0xf5: {  	[tilespmem:s22], [sflag:$0x3] =	stream.linear.gather [hbm4b:s4+s3], $0x320, $0x38;
	[tilespmem:$0x1F780] =	vst v63  }
0xf6: {  	_ =	swait.ge [sflag:s21], $0x320  }
0xf7: {  	[sflag:s21] =	ssyncset.done $0x0  }
0xf8: {  	[sflag:s21] =	ssyncadd.s32 $0xFFFFFCE0  }
0xf9: {  	[tilespmem:s23], [sflag:$0x1] =	stream.indirect.gather [hbm4b:s7+s22], $0x10, s3, s22, $0xb8;
	[tilespmem:$0x1F780] =	vst v63  }
0xfa: {  	s9 =	sadd.s32 $0x64, s9  }
0xfb: {  	[tilespmem:s24], [sflag:$0x3] =	stream.linear.gather [hbm4b:s9+s3], $0x320, $0x38;
	[tilespmem:$0x1F780] =	vst v63  }
0xfc: {  	_ =	swait.ge [sflag:s21], $0x320  }
0xfd: {  	[sflag:s21] =	ssyncset.done $0x0  }
0xfe: {  	s4 =	sadd.s32 $0x64, s4;
	[sflag:s21] =	ssyncadd.s32 $0xFFFFFCE0  }
0xff: {  	[tilespmem:s25], [sflag:$0x3] =	stream.linear.gather [hbm4b:s4+s3], $0x320, $0x38;
	[tilespmem:$0x1F780] =	vst v63  }
0x100: {  	_ =	swait.ge [sflag:s21], $0x320  }
0x101: {  	[sflag:s21] =	ssyncset.done $0x0  }
0x102: {  	[sflag:s21] =	ssyncadd.s32 $0xFFFFFCE0  }
0x103: {  	[tilespmem:s26], [sflag:$0x2] =	stream.indirect.gather [hbm4b:s7+s22], $0x10, s24, s22, $0xb8;
	[tilespmem:$0x1F780] =	vst v63  }
0x104: {  	_ =	swait.ge [sflag:s28], $0x3200  }
0x105: {  	[sflag:s28] =	ssyncset.done $0x0  }
0x106: {  	[sflag:s28] =	ssyncadd.s32 $0xFFFFCE00  }
0x107: {  	[spmem:s2] =	stream.indirect.scatter.add.f32 [tilespmem:s23], [sflag:$0x3], $0x10, s22, s22, $0xb8;
	[tilespmem:$0x1F780] =	vst v63  }
0x108: {  	_ =	swait.ge [sflag:s21], $0x3200  }
0x109: {  	[sflag:s21] =	ssyncset.done $0x0  }
0x10a: {  	[sflag:s21] =	ssyncadd.s32 $0xFFFFCE00  }
0x10b: {  	_ =	swait.ge [sflag:s29], $0x3200  }
.Ltmp4:
0x10c: {  	[sflag:s29] =	ssyncset.done $0x0;
	(pc) =	sbr.rel @p1 .LBB2_10-.Ltmp4, $4  }
0x10d: {  	[sflag:s29] =	ssyncadd.s32 $0xFFFFCE00  }
0x10e: {  	[spmem:s2] =	stream.indirect.scatter.add.f32 [tilespmem:s26], [sflag:$0x3], $0x10, s25, s22, $0xb8;
	[tilespmem:$0x1F780] =	vst v63  }
0x10f: {  	_ =	swait.ge [sflag:s21], $0x3200  }
0x110: {  	s4 =	smov.u32 s0;
	[sflag:s21] =	ssyncset.done $0x0  }
.Ltmp5:
0x111: {  	_ = 	snop;
	(pc) =	sbr.rel .LBB2_11-.Ltmp5, $1  }
0x112: {  	_ =	sdelay $0x3  }
.LBB2_2:
0x113: {  	[tilespmem:s3], [sflag:$0x3] =	stream.linear.gather [hbm4b:s0+s3], $0x320, $0x38;
	[tilespmem:$0x1F780] =	vst v63  }
0x114: {  	_ =	swait.ge [sflag:s21], $0x320  }
0x115: {  	[sflag:s21] =	ssyncset.done $0x0  }
0x116: {  	s4 =	sadd.s32 $0x0, s18;
	[sflag:s21] =	ssyncadd.s32 $0xFFFFFCE0  }
0x117: {  	[tilespmem:s22], [sflag:$0x3] =	stream.linear.gather [hbm4b:s4+s3], $0x320, $0x38;
	[tilespmem:$0x1F780] =	vst v63  }
0x118: {  	_ =	swait.ge [sflag:s21], $0x320  }
0x119: {  	[sflag:s21] =	ssyncset.done $0x0  }
0x11a: {  	[sflag:s21] =	ssyncadd.s32 $0xFFFFFCE0  }
0x11b: {  	[tilespmem:s23], [sflag:$0x1] =	stream.indirect.gather [hbm4b:s1+s22], $0x10, s3, s22, $0xb8;
	[tilespmem:$0x1F780] =	vst v63  }
0x11c: {  	s9 =	sadd.s32 $0x64, s0  }
0x11d: {  	[tilespmem:s24], [sflag:$0x3] =	stream.linear.gather [hbm4b:s9+s3], $0x320, $0x38;
	[tilespmem:$0x1F780] =	vst v63  }
0x11e: {  	_ =	swait.ge [sflag:s21], $0x320  }
0x11f: {  	[sflag:s21] =	ssyncset.done $0x0  }
0x120: {  	s10 =	sadd.s32 $0x64, s4;
	[sflag:s21] =	ssyncadd.s32 $0xFFFFFCE0  }
0x121: {  	[tilespmem:s25], [sflag:$0x3] =	stream.linear.gather [hbm4b:s10+s3], $0x320, $0x38;
	[tilespmem:$0x1F780] =	vst v63  }
0x122: {  	_ =	swait.ge [sflag:s21], $0x320  }
0x123: {  	[sflag:s21] =	ssyncset.done $0x0  }
0x124: {  	[sflag:s21] =	ssyncadd.s32 $0xFFFFFCE0  }
0x125: {  	[tilespmem:s26], [sflag:$0x2] =	stream.indirect.gather [hbm4b:s1+s22], $0x10, s24, s22, $0xb8;
	[tilespmem:$0x1F780] =	vst v63  }
0x126: {  	_ =	swait.ge [sflag:s28], $0x3200  }
0x127: {  	[sflag:s28] =	ssyncset.done $0x0  }
0x128: {  	[sflag:s28] =	ssyncadd.s32 $0xFFFFCE00  }
0x129: {  	[spmem:s2] =	stream.indirect.scatter.add.f32 [tilespmem:s23], [sflag:$0x3], $0x10, s22, s22, $0xb8;
	[tilespmem:$0x1F780] =	vst v63  }
0x12a: {  	_ =	swait.ge [sflag:s21], $0x3200  }
0x12b: {  	[sflag:s21] =	ssyncset.done $0x0  }
0x12c: {  	[sflag:s21] =	ssyncadd.s32 $0xFFFFCE00  }
0x12d: {  	_ =	swait.ge [sflag:s29], $0x3200  }
0x12e: {  	[sflag:s29] =	ssyncset.done $0x0  }
0x12f: {  	[sflag:s29] =	ssyncadd.s32 $0xFFFFCE00  }
0x130: {  	[spmem:s2] =	stream.indirect.scatter.add.f32 [tilespmem:s26], [sflag:$0x3], $0x10, s25, s22, $0xb8;
	[tilespmem:$0x1F780] =	vst v63  }
0x131: {  	_ =	swait.ge [sflag:s21], $0x3200  }
0x132: {  	s31 =	simm.s32 $0xC8;
	s0 =	simm.s32 $0x190;
	[sflag:s21] =	ssyncset.done $0x0  }
.LBB2_3:
0x133: {  	s9 =	sadd.s32 s31, s19  }
0x134: {  	[sflag:s21] =	ssyncadd.s32 $0xFFFFCE00;
	s10 =	smov.u32 s0;
	s4 =	sadd.s32 $0xC8, s0  }
0x135: {  	[tilespmem:s3], [sflag:$0x3] =	stream.linear.gather [hbm4b:s9+s3], $0x320, $0x38;
	[tilespmem:$0x1F780] =	vst v63  }
0x136: {  	p1 =	sne.s32 s0, $0x2FA8;
	_ =	swait.ge [sflag:s21], $0x320  }
0x137: {  	[sflag:s21] =	ssyncset.done $0x0  }
0x138: {  	s0 =	sadd.s32 s31, s18;
	s31 =	smov.u32 s10;
	[sflag:s21] =	ssyncadd.s32 $0xFFFFFCE0  }
0x139: {  	[tilespmem:s22], [sflag:$0x3] =	stream.linear.gather [hbm4b:s0+s3], $0x320, $0x38;
	[tilespmem:$0x1F780] =	vst v63  }
0x13a: {  	_ =	swait.ge [sflag:s21], $0x320  }
0x13b: {  	[sflag:s21] =	ssyncset.done $0x0  }
0x13c: {  	[sflag:s21] =	ssyncadd.s32 $0xFFFFFCE0  }
0x13d: {  	[tilespmem:s23], [sflag:$0x1] =	stream.indirect.gather [hbm4b:s1+s22], $0x10, s3, s22, $0xb8;
	[tilespmem:$0x1F780] =	vst v63  }
0x13e: {  	s9 =	sadd.s32 $0x64, s9  }
0x13f: {  	[tilespmem:s24], [sflag:$0x3] =	stream.linear.gather [hbm4b:s9+s3], $0x320, $0x38;
	[tilespmem:$0x1F780] =	vst v63  }
0x140: {  	_ =	swait.ge [sflag:s21], $0x320  }
0x141: {  	[sflag:s21] =	ssyncset.done $0x0  }
0x142: {  	s0 =	sadd.s32 $0x64, s0;
	[sflag:s21] =	ssyncadd.s32 $0xFFFFFCE0  }
0x143: {  	[tilespmem:s25], [sflag:$0x3] =	stream.linear.gather [hbm4b:s0+s3], $0x320, $0x38;
	[tilespmem:$0x1F780] =	vst v63  }
0x144: {  	_ =	swait.ge [sflag:s21], $0x320  }
0x145: {  	[sflag:s21] =	ssyncset.done $0x0  }
0x146: {  	[sflag:s21] =	ssyncadd.s32 $0xFFFFFCE0  }
0x147: {  	[tilespmem:s26], [sflag:$0x2] =	stream.indirect.gather [hbm4b:s1+s22], $0x10, s24, s22, $0xb8;
	[tilespmem:$0x1F780] =	vst v63  }
0x148: {  	_ =	swait.ge [sflag:s28], $0x3200  }
0x149: {  	[sflag:s28] =	ssyncset.done $0x0  }
0x14a: {  	[sflag:s28] =	ssyncadd.s32 $0xFFFFCE00  }
0x14b: {  	[spmem:s2] =	stream.indirect.scatter.add.f32 [tilespmem:s23], [sflag:$0x3], $0x10, s22, s22, $0xb8;
	[tilespmem:$0x1F780] =	vst v63  }
0x14c: {  	_ =	swait.ge [sflag:s21], $0x3200  }
0x14d: {  	[sflag:s21] =	ssyncset.done $0x0  }
0x14e: {  	[sflag:s21] =	ssyncadd.s32 $0xFFFFCE00  }
0x14f: {  	_ =	swait.ge [sflag:s29], $0x3200  }
.Ltmp6:
0x150: {  	[sflag:s29] =	ssyncset.done $0x0;
	(pc) =	sbr.rel @p1 .LBB2_3-.Ltmp6, $4  }
0x151: {  	[sflag:s29] =	ssyncadd.s32 $0xFFFFCE00  }
0x152: {  	[spmem:s2] =	stream.indirect.scatter.add.f32 [tilespmem:s26], [sflag:$0x3], $0x10, s25, s22, $0xb8;
	[tilespmem:$0x1F780] =	vst v63  }
0x153: {  	_ =	swait.ge [sflag:s21], $0x3200  }
0x154: {  	s0 =	smov.u32 s4;
	[sflag:s21] =	ssyncset.done $0x0  }
0x155: {  	s0 =	sadd.s32 s31, s19;
	[sflag:s21] =	ssyncadd.s32 $0xFFFFCE00  }
0x156: {  	[tilespmem:s3], [sflag:$0x3] =	stream.linear.gather [hbm4b:s0+s3], $0x320, $0x38;
	[tilespmem:$0x1F780] =	vst v63  }
0x157: {  	_ =	swait.ge [sflag:s21], $0x320  }
0x158: {  	[sflag:s21] =	ssyncset.done $0x0  }
0x159: {  	s4 =	sadd.s32 s31, s18;
	[sflag:s21] =	ssyncadd.s32 $0xFFFFFCE0  }
0x15a: {  	[tilespmem:s22], [sflag:$0x3] =	stream.linear.gather [hbm4b:s4+s3], $0x320, $0x38;
	[tilespmem:$0x1F780] =	vst v63  }
0x15b: {  	_ =	swait.ge [sflag:s21], $0x320  }
0x15c: {  	[sflag:s21] =	ssyncset.done $0x0  }
0x15d: {  	[sflag:s21] =	ssyncadd.s32 $0xFFFFFCE0  }
0x15e: {  	[tilespmem:s23], [sflag:$0x1] =	stream.indirect.gather [hbm4b:s1+s22], $0x10, s3, s22, $0xb8;
	[tilespmem:$0x1F780] =	vst v63  }
0x15f: {  	s0 =	sadd.s32 $0x64, s0  }
0x160: {  	[tilespmem:s24], [sflag:$0x3] =	stream.linear.gather [hbm4b:s0+s3], $0x320, $0x38;
	[tilespmem:$0x1F780] =	vst v63  }
0x161: {  	_ =	swait.ge [sflag:s21], $0x320  }
0x162: {  	[sflag:s21] =	ssyncset.done $0x0  }
0x163: {  	s9 =	sadd.s32 $0x64, s4;
	[sflag:s21] =	ssyncadd.s32 $0xFFFFFCE0  }
0x164: {  	[tilespmem:s25], [sflag:$0x3] =	stream.linear.gather [hbm4b:s9+s3], $0x320, $0x38;
	[tilespmem:$0x1F780] =	vst v63  }
0x165: {  	_ =	swait.ge [sflag:s21], $0x320  }
0x166: {  	[sflag:s21] =	ssyncset.done $0x0  }
0x167: {  	[sflag:s21] =	ssyncadd.s32 $0xFFFFFCE0  }
0x168: {  	[tilespmem:s26], [sflag:$0x2] =	stream.indirect.gather [hbm4b:s1+s22], $0x10, s24, s22, $0xb8;
	[tilespmem:$0x1F780] =	vst v63  }
0x169: {  	_ =	swait.ge [sflag:s28], $0x3200  }
0x16a: {  	[sflag:s28] =	ssyncset.done $0x0  }
0x16b: {  	[sflag:s28] =	ssyncadd.s32 $0xFFFFCE00  }
0x16c: {  	[spmem:s2] =	stream.indirect.scatter.add.f32 [tilespmem:s23], [sflag:$0x3], $0x10, s22, s22, $0xb8;
	[tilespmem:$0x1F780] =	vst v63  }
0x16d: {  	_ =	swait.ge [sflag:s21], $0x3200  }
0x16e: {  	[sflag:s21] =	ssyncset.done $0x0  }
0x16f: {  	[sflag:s21] =	ssyncadd.s32 $0xFFFFCE00  }
0x170: {  	_ =	swait.ge [sflag:s29], $0x3200  }
0x171: {  	[sflag:s29] =	ssyncset.done $0x0  }
0x172: {  	[sflag:s29] =	ssyncadd.s32 $0xFFFFCE00  }
0x173: {  	[spmem:s2] =	stream.indirect.scatter.add.f32 [tilespmem:s26], [sflag:$0x3], $0x10, s25, s22, $0xb8;
	[tilespmem:$0x1F780] =	vst v63  }
0x174: {  	_ =	swait.ge [sflag:s21], $0x3200  }
0x175: {  	[sflag:s21] =	ssyncset.done $0x0  }
0x176: {  	s10 =	simm.s32 $0x0;
	[sflag:s21] =	ssyncadd.s32 $0xFFFFCE00  }
0x177: {  	[tilespmem:s10], [sflag:$0x3] =	stream.linear.gather [hbm4b:s12+s10], $0x320, $0x38;
	[tilespmem:$0x1F780] =	vst v63  }
0x178: {  	_ =	swait.ge [sflag:s21], $0x320  }
0x179: {  	[sflag:s21] =	ssyncset.done $0x0  }
0x17a: {  	[sflag:s21] =	ssyncadd.s32 $0xFFFFFCE0  }
0x17b: {  	[tilespmem:s22], [sflag:$0x3] =	stream.linear.gather [hbm4b:s13+s10], $0x320, $0x38;
	[tilespmem:$0x1F780] =	vst v63  }
0x17c: {  	_ =	swait.ge [sflag:s21], $0x320  }
0x17d: {  	[sflag:s21] =	ssyncset.done $0x0  }
0x17e: {  	[sflag:s21] =	ssyncadd.s32 $0xFFFFFCE0  }
0x17f: {  	[tilespmem:s23], [sflag:$0x1] =	stream.indirect.gather [hbm4b:s1+s22], $0x10, s10, s22, $0xb8;
	[tilespmem:$0x1F780] =	vst v63  }
0x180: {  	_ =	swait.ge [sflag:s28], $0x3200  }
0x181: {  	[sflag:s28] =	ssyncset.done $0x0  }
0x182: {  	[sflag:s28] =	ssyncadd.s32 $0xFFFFCE00  }
0x183: {  	[spmem:s2] =	stream.indirect.scatter.add.f32 [tilespmem:s23], [sflag:$0x3], $0x10, s22, s22, $0xb8;
	[tilespmem:$0x1F780] =	vst v63  }
0x184: {  	_ =	swait.ge [sflag:s21], $0x3200  }
0x185: {  	[sflag:s21] =	ssyncset.done $0x0  }
0x186: {  	[sflag:s21] =	ssyncadd.s32 $0xFFFFCE00  }
0x187: {  	[bflag:$0x0] =	sbarrier.arrive $0xFFFF  }
0x188: {  	[hbm:s14], [sflag:s17] =	dma.local [spmem:s20], $0x30E0  }
0x189: {  	_ =	swait.ge [sflag:s21], $0x30E0  }
0x18a: {  	[sflag:s21] =	ssyncset.done $0x0  }
0x18b: {  	[sflag:s21] =	ssyncadd.s32 $0xFFFFCF20  }
0x18c: {  	[spmem:s20], [sflag:s17] =	dma.local [hbm:s11], $0x30E0  }
0x18d: {  	_ =	swait.ge [sflag:s21], $0x30E0  }
0x18e: {  	[sflag:s21] =	ssyncset.done $0x0  }
0x18f: {  	[sflag:s21] =	ssyncadd.s32 $0xFFFFCF20  }
0x190: {  	s4 =	sadd.s32 $0x0, s19;
	[bflag:$0x0] =	sbarrier.arrive $0xFFFF  }
0x191: {  	[tilespmem:s3], [sflag:$0x3] =	stream.linear.gather [hbm4b:s4+s3], $0x320, $0x38;
	[tilespmem:$0x1F780] =	vst v63  }
0x192: {  	_ =	swait.ge [sflag:s21], $0x320  }
0x193: {  	[sflag:s21] =	ssyncset.done $0x0  }
0x194: {  	s9 =	sadd.s32 $0x0, s18;
	[sflag:s21] =	ssyncadd.s32 $0xFFFFFCE0  }
0x195: {  	[tilespmem:s22], [sflag:$0x3] =	stream.linear.gather [hbm4b:s9+s3], $0x320, $0x38;
	[tilespmem:$0x1F780] =	vst v63  }
0x196: {  	_ =	swait.ge [sflag:s21], $0x320  }
0x197: {  	[sflag:s21] =	ssyncset.done $0x0  }
0x198: {  	[sflag:s21] =	ssyncadd.s32 $0xFFFFFCE0  }
0x199: {  	[tilespmem:s23], [sflag:$0x1] =	stream.indirect.gather [hbm4b:s5+s22], $0x10, s3, s22, $0xb8;
	[tilespmem:$0x1F780] =	vst v63  }
0x19a: {  	s0 =	sadd.s32 $0x64, s4  }
0x19b: {  	[tilespmem:s24], [sflag:$0x3] =	stream.linear.gather [hbm4b:s0+s3], $0x320, $0x38;
	[tilespmem:$0x1F780] =	vst v63  }
0x19c: {  	_ =	swait.ge [sflag:s21], $0x320  }
0x19d: {  	[sflag:s21] =	ssyncset.done $0x0  }
0x19e: {  	s10 =	sadd.s32 $0x64, s9;
	[sflag:s21] =	ssyncadd.s32 $0xFFFFFCE0  }
0x19f: {  	[tilespmem:s25], [sflag:$0x3] =	stream.linear.gather [hbm4b:s10+s3], $0x320, $0x38;
	[tilespmem:$0x1F780] =	vst v63  }
0x1a0: {  	_ =	swait.ge [sflag:s21], $0x320  }
0x1a1: {  	[sflag:s21] =	ssyncset.done $0x0  }
0x1a2: {  	[sflag:s21] =	ssyncadd.s32 $0xFFFFFCE0  }
0x1a3: {  	[tilespmem:s26], [sflag:$0x2] =	stream.indirect.gather [hbm4b:s5+s22], $0x10, s24, s22, $0xb8;
	[tilespmem:$0x1F780] =	vst v63  }
0x1a4: {  	_ =	swait.ge [sflag:s28], $0x3200  }
0x1a5: {  	[sflag:s28] =	ssyncset.done $0x0  }
0x1a6: {  	[sflag:s28] =	ssyncadd.s32 $0xFFFFCE00  }
0x1a7: {  	[spmem:s2] =	stream.indirect.scatter.add.f32 [tilespmem:s23], [sflag:$0x3], $0x10, s22, s22, $0xb8;
	[tilespmem:$0x1F780] =	vst v63  }
0x1a8: {  	_ =	swait.ge [sflag:s21], $0x3200  }
0x1a9: {  	[sflag:s21] =	ssyncset.done $0x0  }
0x1aa: {  	[sflag:s21] =	ssyncadd.s32 $0xFFFFCE00  }
0x1ab: {  	_ =	swait.ge [sflag:s29], $0x3200  }
0x1ac: {  	[sflag:s29] =	ssyncset.done $0x0  }
0x1ad: {  	[sflag:s29] =	ssyncadd.s32 $0xFFFFCE00  }
0x1ae: {  	[spmem:s2] =	stream.indirect.scatter.add.f32 [tilespmem:s26], [sflag:$0x3], $0x10, s25, s22, $0xb8;
	[tilespmem:$0x1F780] =	vst v63  }
0x1af: {  	_ =	swait.ge [sflag:s21], $0x3200  }
0x1b0: {  	s31 =	simm.s32 $0xC8;
	s4 =	simm.s32 $0x190;
	[sflag:s21] =	ssyncset.done $0x0  }
.LBB2_5:
0x1b1: {  	s9 =	sadd.s32 s31, s19  }
0x1b2: {  	[sflag:s21] =	ssyncadd.s32 $0xFFFFCE00;
	s10 =	smov.u32 s4;
	s0 =	sadd.s32 $0xC8, s4  }
0x1b3: {  	[tilespmem:s3], [sflag:$0x3] =	stream.linear.gather [hbm4b:s9+s3], $0x320, $0x38;
	[tilespmem:$0x1F780] =	vst v63  }
0x1b4: {  	p1 =	seq.s32 s4, $0x2FA8;
	_ =	swait.ge [sflag:s21], $0x320  }
0x1b5: {  	[sflag:s21] =	ssyncset.done $0x0  }
0x1b6: {  	s4 =	sadd.s32 s31, s18;
	s31 =	smov.u32 s10;
	[sflag:s21] =	ssyncadd.s32 $0xFFFFFCE0  }
0x1b7: {  	[tilespmem:s22], [sflag:$0x3] =	stream.linear.gather [hbm4b:s4+s3], $0x320, $0x38;
	[tilespmem:$0x1F780] =	vst v63  }
0x1b8: {  	_ =	swait.ge [sflag:s21], $0x320  }
0x1b9: {  	[sflag:s21] =	ssyncset.done $0x0  }
0x1ba: {  	[sflag:s21] =	ssyncadd.s32 $0xFFFFFCE0  }
0x1bb: {  	[tilespmem:s23], [sflag:$0x1] =	stream.indirect.gather [hbm4b:s5+s22], $0x10, s3, s22, $0xb8;
	[tilespmem:$0x1F780] =	vst v63  }
0x1bc: {  	s9 =	sadd.s32 $0x64, s9  }
0x1bd: {  	[tilespmem:s24], [sflag:$0x3] =	stream.linear.gather [hbm4b:s9+s3], $0x320, $0x38;
	[tilespmem:$0x1F780] =	vst v63  }
0x1be: {  	_ =	swait.ge [sflag:s21], $0x320  }
0x1bf: {  	[sflag:s21] =	ssyncset.done $0x0  }
0x1c0: {  	s4 =	sadd.s32 $0x64, s4;
	[sflag:s21] =	ssyncadd.s32 $0xFFFFFCE0  }
0x1c1: {  	[tilespmem:s25], [sflag:$0x3] =	stream.linear.gather [hbm4b:s4+s3], $0x320, $0x38;
	[tilespmem:$0x1F780] =	vst v63  }
0x1c2: {  	_ =	swait.ge [sflag:s21], $0x320  }
0x1c3: {  	[sflag:s21] =	ssyncset.done $0x0  }
0x1c4: {  	[sflag:s21] =	ssyncadd.s32 $0xFFFFFCE0  }
0x1c5: {  	[tilespmem:s26], [sflag:$0x2] =	stream.indirect.gather [hbm4b:s5+s22], $0x10, s24, s22, $0xb8;
	[tilespmem:$0x1F780] =	vst v63  }
0x1c6: {  	_ =	swait.ge [sflag:s28], $0x3200  }
0x1c7: {  	[sflag:s28] =	ssyncset.done $0x0  }
0x1c8: {  	[sflag:s28] =	ssyncadd.s32 $0xFFFFCE00  }
0x1c9: {  	[spmem:s2] =	stream.indirect.scatter.add.f32 [tilespmem:s23], [sflag:$0x3], $0x10, s22, s22, $0xb8;
	[tilespmem:$0x1F780] =	vst v63  }
0x1ca: {  	_ =	swait.ge [sflag:s21], $0x3200  }
0x1cb: {  	[sflag:s21] =	ssyncset.done $0x0  }
0x1cc: {  	[sflag:s21] =	ssyncadd.s32 $0xFFFFCE00  }
0x1cd: {  	_ =	swait.ge [sflag:s29], $0x3200  }
.Ltmp7:
0x1ce: {  	[sflag:s29] =	ssyncset.done $0x0;
	(pc) =	sbr.rel @!p1 .LBB2_5-.Ltmp7, $4  }
0x1cf: {  	[sflag:s29] =	ssyncadd.s32 $0xFFFFCE00  }
0x1d0: {  	[spmem:s2] =	stream.indirect.scatter.add.f32 [tilespmem:s26], [sflag:$0x3], $0x10, s25, s22, $0xb8;
	[tilespmem:$0x1F780] =	vst v63  }
0x1d1: {  	_ =	swait.ge [sflag:s21], $0x3200  }
0x1d2: {  	s4 =	smov.u32 s0;
	[sflag:s21] =	ssyncset.done $0x0  }
0x1d3: {  	s0 =	sadd.s32 s31, s19;
	[sflag:s21] =	ssyncadd.s32 $0xFFFFCE00  }
0x1d4: {  	[tilespmem:s3], [sflag:$0x3] =	stream.linear.gather [hbm4b:s0+s3], $0x320, $0x38;
	[tilespmem:$0x1F780] =	vst v63  }
0x1d5: {  	_ =	swait.ge [sflag:s21], $0x320  }
0x1d6: {  	[sflag:s21] =	ssyncset.done $0x0  }
0x1d7: {  	s4 =	sadd.s32 s31, s18;
	[sflag:s21] =	ssyncadd.s32 $0xFFFFFCE0  }
0x1d8: {  	[tilespmem:s22], [sflag:$0x3] =	stream.linear.gather [hbm4b:s4+s3], $0x320, $0x38;
	[tilespmem:$0x1F780] =	vst v63  }
0x1d9: {  	_ =	swait.ge [sflag:s21], $0x320  }
0x1da: {  	[sflag:s21] =	ssyncset.done $0x0  }
0x1db: {  	[sflag:s21] =	ssyncadd.s32 $0xFFFFFCE0  }
0x1dc: {  	[tilespmem:s23], [sflag:$0x1] =	stream.indirect.gather [hbm4b:s5+s22], $0x10, s3, s22, $0xb8;
	[tilespmem:$0x1F780] =	vst v63  }
0x1dd: {  	s0 =	sadd.s32 $0x64, s0  }
0x1de: {  	[tilespmem:s24], [sflag:$0x3] =	stream.linear.gather [hbm4b:s0+s3], $0x320, $0x38;
	[tilespmem:$0x1F780] =	vst v63  }
0x1df: {  	_ =	swait.ge [sflag:s21], $0x320  }
0x1e0: {  	[sflag:s21] =	ssyncset.done $0x0  }
0x1e1: {  	s10 =	sadd.s32 $0x64, s4;
	[sflag:s21] =	ssyncadd.s32 $0xFFFFFCE0  }
0x1e2: {  	[tilespmem:s25], [sflag:$0x3] =	stream.linear.gather [hbm4b:s10+s3], $0x320, $0x38;
	[tilespmem:$0x1F780] =	vst v63  }
0x1e3: {  	_ =	swait.ge [sflag:s21], $0x320  }
0x1e4: {  	[sflag:s21] =	ssyncset.done $0x0  }
0x1e5: {  	[sflag:s21] =	ssyncadd.s32 $0xFFFFFCE0  }
0x1e6: {  	[tilespmem:s26], [sflag:$0x2] =	stream.indirect.gather [hbm4b:s5+s22], $0x10, s24, s22, $0xb8;
	[tilespmem:$0x1F780] =	vst v63  }
0x1e7: {  	_ =	swait.ge [sflag:s28], $0x3200  }
0x1e8: {  	[sflag:s28] =	ssyncset.done $0x0  }
0x1e9: {  	[sflag:s28] =	ssyncadd.s32 $0xFFFFCE00  }
0x1ea: {  	[spmem:s2] =	stream.indirect.scatter.add.f32 [tilespmem:s23], [sflag:$0x3], $0x10, s22, s22, $0xb8;
	[tilespmem:$0x1F780] =	vst v63  }
0x1eb: {  	_ =	swait.ge [sflag:s21], $0x3200  }
0x1ec: {  	[sflag:s21] =	ssyncset.done $0x0  }
0x1ed: {  	[sflag:s21] =	ssyncadd.s32 $0xFFFFCE00  }
0x1ee: {  	_ =	swait.ge [sflag:s29], $0x3200  }
0x1ef: {  	[sflag:s29] =	ssyncset.done $0x0  }
.Ltmp8:
0x1f0: {  	[sflag:s29] =	ssyncadd.s32 $0xFFFFCE00;
	(pc) =	sbr.rel .LBB2_12-.Ltmp8, $4  }
0x1f1: {  	[spmem:s2] =	stream.indirect.scatter.add.f32 [tilespmem:s26], [sflag:$0x3], $0x10, s25, s22, $0xb8;
	[tilespmem:$0x1F780] =	vst v63  }
0x1f2: {  	_ =	swait.ge [sflag:s21], $0x3200  }
0x1f3: {  	[sflag:s21] =	ssyncset.done $0x0  }
0x1f4: {  	s31 =	smov.u32 s5;
	s0 =	rddreg [dreg:$0x4];
	[sflag:s21] =	ssyncadd.s32 $0xFFFFCE00  }
.LBB2_13:
0x1f5: {  	_ =	sfence.sel $0x180000  }
0x1f6: {  	[bflag:$0x0] =	sbarrier.arrive $0xFFFF  }
0x1f7: {  	_ =	strace $0x90000047  }
0x1f8: {  	s0 =	stileid.u32;
	[bflag:$0x2] =	sbarrier.arrive $0xFFFF  }
0x1f9: {  	p0 =	sne.s32 s0, $0x0;
	s0 =	rddreg [dreg:$0x3]  }
0x1fa: {  	s0 =	sadd.s32 @!p0 $0x100000, s0  }
0x1fb: {  	[sflag:s0] =	ssyncadd.tile.s32 @!p0 $0x1;
	_ =	shalt  }
.Lfunc_end2:
_tile_overlayer_lowered:
.L_overlay_start_2:
0x1fc: {  	(tag) =	ssettag $0x2  }
0x1fd: {  	s0 =	rddreg [dreg:$0x0];
	s2 =	stileid.u32  }
0x1fe: {  	s1 =	rddreg [dreg:$0x1];
	p0 =	sne.s32 s2, $0x0  }
0x1ff: {  	s3 =	rddreg [dreg:$0x2];
	[bflag:$0x3] =	sbarrier.arrive $0xFFFF;
	s2 =	simm.s32 @!p0 $0x1C03  }
0x200: {  	[timem:s3], [sflag:s2] =	dma.local @!p0 [hbm:s0], s1  }
0x201: {  	s0 =	simm.s32 @!p0 $0x3  }
0x202: {  	_ =	swait.ge @!p0 [sflag:s0], s1  }
0x203: {  	s1 =	ssub.s32 @!p0 $0x0, s1;
	[sflag:s0] =	ssyncset.done @!p0 $0x0  }
0x204: {  	[sflag:s0] =	ssyncadd.s32 @!p0 s1  }
0x205: {  	[bflag:$0x3] =	sbarrier.arrive $0xFFFF  }
0x206: {  	_ =	shalt  }

</sc_bundles>
